<compile_context>
chip_gen: v7x
topology: tpu7x:2x2x1
jax: 0.10.2.dev20260603
libtpu: 0.0.44.dev20260713+nightly
codegen_flags: <defaults>
</compile_context>

<pallas_src>
import functools

import jax
import jax.numpy as jnp
from jax import lax
from jax.experimental import pallas as pl
from jax.experimental.pallas import tpu as pltpu
from jax.experimental.pallas import tpu_sc as plsc

_NEG = float(jnp.finfo(jnp.float32).min)
_NEGT = -1e38
_H = 128
_W = 128
_HW = _H * _W
_B = 8
_K = 1000

_CH = 4096
_S = 1024
_SP = _S + 16
_L = 16



_HWC = 8192


def _obj_pool_body(b_ref, w_ref, f_ref, out_ref, acc_ref):
    hi = pl.program_id(1)
    nhs = pl.num_programs(1)
    fb = f_ref[0]
    w = w_ref[...]
    part = jnp.dot(w, fb, preferred_element_type=jnp.float32) + b_ref[0]
    acc_ref[0, pl.ds(hi * _HWC, _HWC)] = part[0]

    @pl.when(hi == nhs - 1)
    def _fin():
        _pool_mask(acc_ref, out_ref)


def _pool_mask(acc_ref, out_ref):
    x = acc_ref[...].reshape(_H, _W)
    ninf_row = jnp.full((1, _W), _NEG, jnp.float32)
    up = jnp.concatenate([x[1:], ninf_row], axis=0)
    dn = jnp.concatenate([ninf_row, x[:-1]], axis=0)
    v = jnp.maximum(jnp.maximum(x, up), dn)
    ninf_col = jnp.full((_H, 1), _NEG, jnp.float32)
    lf = jnp.concatenate([v[:, 1:], ninf_col], axis=1)
    rt = jnp.concatenate([ninf_col, v[:, :-1]], axis=1)
    p = jnp.maximum(jnp.maximum(v, lf), rt)
    out_ref[0] = jnp.where(p == x, x, _NEG)


def _masked_obj(feat, W, b):
    B, C, H, Wd = feat.shape
    fr = feat.reshape(B, C, H * Wd)
    return pl.pallas_call(
        _obj_pool_body,
        grid=(B, _HW // _HWC),
        in_specs=[
            pl.BlockSpec(memory_space=pltpu.SMEM),
            pl.BlockSpec((1, C), lambda bi, hi: (0, 0)),
            pl.BlockSpec((1, C, _HWC), lambda bi, hi: (bi, 0, hi)),
        ],
        out_specs=pl.BlockSpec((1, _H, _W), lambda bi, hi: (bi, 0, 0)),
        out_shape=jax.ShapeDtypeStruct((B, _H, _W), jnp.float32),
        scratch_shapes=[pltpu.VMEM((1, _HW), jnp.float32)],
        compiler_params=pltpu.CompilerParams(
            dimension_semantics=("parallel", "arbitrary"),
        ),
    )(b, W, fr)



def _fill_neg(ref, start=0):
    def body(i, c):
        ref[pl.ds(i * _L, _L)] = jnp.full((_L,), _NEG, jnp.float32)
        return c
    lax.fori_loop(start, _SP // _L, body, 0)


def _bitonic32(a, ai, b, bi):
    br = lax.rev(b, (0,))
    bir = lax.rev(bi, (0,))
    wa = a >= br
    hi = jnp.where(wa, a, br)
    hii = jnp.where(wa, ai, bir)
    lo = jnp.where(wa, br, a)
    loi = jnp.where(wa, bir, ai)
    hi, hii = plsc.sort_key_val(hi, hii, descending=True)
    lo, loi = plsc.sort_key_val(lo, loi, descending=True)
    return hi, hii, lo, loi


def _merge_desc(srcA_v, srcA_i, offA, nA, srcB_v, srcB_i, offB, nB,
                dst_v, dst_i, offD, T):
    a0 = srcA_v[pl.ds(offA, _L)]
    ai0 = srcA_i[pl.ds(offA, _L)]
    b0 = srcB_v[pl.ds(offB, _L)]
    bi0 = srcB_i[pl.ds(offB, _L)]

    def body(t, carry):
        a, ai, b, bi, pa, pb = carry
        hi, hii, lo, loi = _bitonic32(a, ai, b, bi)
        dst_v[pl.ds(offD + t * _L, _L)] = hi
        dst_i[pl.ds(offD + t * _L, _L)] = hii
        nxA = srcA_v[pl.ds(offA + pa * _L, _L)]
        nxAi = srcA_i[pl.ds(offA + pa * _L, _L)]
        nxB = srcB_v[pl.ds(offB + pb * _L, _L)]
        nxBi = srcB_i[pl.ds(offB + pb * _L, _L)]
        headA = nxA[0]
        headB = nxB[0]
        a_ok = jnp.where(pa < nA, 1, 0)
        b_ok = jnp.where(pb < nB, 1, 0)
        ta32 = a_ok * jnp.maximum(1 - b_ok,
                                  jnp.where(headA >= headB, 1, 0))
        ex32 = (1 - a_ok) * (1 - b_ok)
        tA = jnp.broadcast_to(ta32, (_L,)) != 0
        ex = jnp.broadcast_to(ex32, (_L,)) != 0
        b_new = jnp.where(ex, jnp.full((_L,), _NEG, jnp.float32),
                          jnp.where(tA, nxA, nxB))
        bi_new = jnp.where(tA, nxAi, nxBi)
        return lo, loi, b_new, bi_new, pa + ta32, pb + (1 - ta32)

    a, ai, b, bi, _, _ = lax.fori_loop(
        0, T - 1, body,
        (a0, ai0, b0, bi0, jnp.int32(1), jnp.int32(1)))
    hi, hii, _, _ = _bitonic32(a, ai, b, bi)
    dst_v[pl.ds(offD + (T - 1) * _L, _L)] = hi
    dst_i[pl.ds(offD + (T - 1) * _L, _L)] = hii


def _tie_fixup(vals, inds):
    for p in range(4):
        parity = p % 2

        def fix_body(s, c):
            pos = (lax.iota(jnp.int32, _L) + s * _L) * 2 + parity
            v0 = plsc.load_gather(vals, [pos])
            v1 = plsc.load_gather(vals, [pos + 1])
            i0 = plsc.load_gather(inds, [pos])
            i1 = plsc.load_gather(inds, [pos + 1])
            sw = jnp.logical_and(v0 == v1, i0 > i1)
            n0 = jnp.where(sw, i1, i0)
            n1 = jnp.where(sw, i0, i1)
            plsc.store_scatter(inds, [pos], n0)
            plsc.store_scatter(inds, [pos + 1], n1)
            return c

        lax.fori_loop(0, _S // 2 // _L, fix_body, 0)


def _topk_body(masked_hbm, out_v_hbm, out_i_hbm,
               inbuf, va, ia, vb, ib,
               pv1, pi1, pv2, pi2, pv3, pi3,
               m01v, m01i, m23v, m23i,
               sh_v, sh_i):
    cid = lax.axis_index("c")
    sid = lax.axis_index("s")
    bat = cid * 4 + sid // 4
    q = sid % 4
    base = q * _CH

    for ref in (va, vb):
        _fill_neg(ref)
    for ref in (pv1, pv2, pv3, m01v, m23v):
        _fill_neg(ref, start=_S // _L)

    pltpu.sync_copy(masked_hbm.at[bat, pl.ds(base, _CH)], inbuf)

    def comp_body(i, cnt):
        v = inbuf[pl.ds(i * _L, _L)]
        m = v > _NEGT
        idxv = lax.iota(jnp.int32, _L) + (base + i * _L)
        off = jnp.minimum(cnt, _S - _L)
        plsc.store_compressed(va.at[pl.ds(off, _L)], v, mask=m)
        plsc.store_compressed(ia.at[pl.ds(off, _L)], idxv, mask=m)
        pc = plsc.all_reduce_population_count(m)
        return cnt + pc[0]

    cnt = lax.fori_loop(0, _CH // _L, comp_body, jnp.int32(0), unroll=4)
    cnt = jnp.minimum(cnt, _S)

    def base_body(i, c):
        k = va[pl.ds(i * _L, _L)]
        v = ia[pl.ds(i * _L, _L)]
        k2, v2 = plsc.sort_key_val(k, v, descending=True)
        va[pl.ds(i * _L, _L)] = k2
        ia[pl.ds(i * _L, _L)] = v2
        return c
    nb = (cnt + _L - 1) // _L
    lax.fori_loop(0, nb, base_body, 0)

    src = (va, ia)
    dst = (vb, ib)
    m_v = 1
    while m_v < _S // _L:
        sv, si = src
        dv, di = dst

        def lvl_body(p, c, sv=sv, si=si, dv=dv, di=di, m_v=m_v):
            offA = p * (2 * m_v * _L)
            offB = offA + m_v * _L
            _merge_desc(sv, si, offA, m_v, sv, si, offB, m_v,
                        dv, di, offA, 2 * m_v)
            return c
        npairs = jnp.minimum((cnt + 2 * m_v * _L - 1) // (2 * m_v * _L),
                             _S // _L // (2 * m_v))
        lax.fori_loop(0, npairs, lvl_body, 0)
        src, dst = dst, src
        m_v *= 2
    sv, si = src

    pltpu.sync_copy(sv.at[pl.ds(0, _S)], sh_v.at[sid])
    pltpu.sync_copy(si.at[pl.ds(0, _S)], sh_i.at[sid])
    plsc.subcore_barrier()

    @pl.when(q == 0)
    def _leader():
        pltpu.sync_copy(sh_v.at[sid + 1], pv1.at[pl.ds(0, _S)])
        pltpu.sync_copy(sh_i.at[sid + 1], pi1.at[pl.ds(0, _S)])
        pltpu.sync_copy(sh_v.at[sid + 2], pv2.at[pl.ds(0, _S)])
        pltpu.sync_copy(sh_i.at[sid + 2], pi2.at[pl.ds(0, _S)])
        pltpu.sync_copy(sh_v.at[sid + 3], pv3.at[pl.ds(0, _S)])
        pltpu.sync_copy(sh_i.at[sid + 3], pi3.at[pl.ds(0, _S)])
        nv = _S // _L
        _merge_desc(sv, si, 0, nv, pv1, pi1, 0, nv, m01v, m01i, 0, nv)
        _merge_desc(pv2, pi2, 0, nv, pv3, pi3, 0, nv, m23v, m23i, 0, nv)
        _merge_desc(m01v, m01i, 0, nv, m23v, m23i, 0, nv, vb, ib, 0, nv)
        _tie_fixup(vb, ib)
        pltpu.sync_copy(vb.at[pl.ds(0, _S)], out_v_hbm.at[bat])
        pltpu.sync_copy(ib.at[pl.ds(0, _S)], out_i_hbm.at[bat])


def _sc_topk(masked_flat):
    mesh = plsc.VectorSubcoreMesh(core_axis_name="c", subcore_axis_name="s",
                                  num_cores=2, num_subcores=16)
    f32 = jnp.float32
    i32 = jnp.int32
    run = pl.kernel(
        _topk_body,
        out_type=[jax.ShapeDtypeStruct((_B, _S), f32),
                  jax.ShapeDtypeStruct((_B, _S), i32)],
        mesh=mesh,
        compiler_params=pltpu.CompilerParams(needs_layout_passes=False),
        scratch_types=[
            pltpu.VMEM((_CH,), f32),
            pltpu.VMEM((_SP,), f32), pltpu.VMEM((_SP,), i32),
            pltpu.VMEM((_SP,), f32), pltpu.VMEM((_SP,), i32),
            pltpu.VMEM((_SP,), f32), pltpu.VMEM((_SP,), i32),
            pltpu.VMEM((_SP,), f32), pltpu.VMEM((_SP,), i32),
            pltpu.VMEM((_SP,), f32), pltpu.VMEM((_SP,), i32),
            pltpu.VMEM((_SP,), f32), pltpu.VMEM((_SP,), i32),
            pltpu.VMEM((_SP,), f32), pltpu.VMEM((_SP,), i32),
            pltpu.VMEM_SHARED((16, _S), f32),
            pltpu.VMEM_SHARED((16, _S), i32),
        ],
    )
    return run(masked_flat)


def kernel(feat, W, b):
    masked = _masked_obj(feat, W, b).reshape(_B, _HW)
    vals, inds = _sc_topk(masked)
    return vals[:, :_K], inds[:, :_K]

# --- scband reference (transcript-rebuilt; emitter-appended) ---
"""Pipeline reference for scband-relation-yolox-6296422056665 (READ-ONLY COPY).

The authoritative reference and input builder live on the scoring server;
editing this copy changes nothing except your own understanding.
"""

import jax, jax.numpy as jnp
import numpy as np

NUM_TO_REFINE = 1000


def setup_inputs(seed: int = 0) -> dict:
    key = jax.random.key(seed)
    k1, k2 = jax.random.split(key, 2)
    feat = jax.random.normal(k1, (8, 256, 128, 128), dtype=jnp.float32)
    W = jax.random.normal(k2, (1, 256), dtype=jnp.float32) * 0.01
    prior_prob = 0.01
    b = jnp.full((1,), -float(np.log((1.0 - prior_prob) / prior_prob)), dtype=jnp.float32)
    return {"feat": feat, "W": W, "b": b}


def _maxpool3(x):
    # x: [B, H, W]; 3x3 stride-1 same-padding max pool (F.max_pool2d(obj, 3, 1, 1, 1))
    return jax.lax.reduce_window(x, -jnp.inf, jax.lax.max, (1, 3, 3), (1, 1, 1), 'SAME')


def reference(feat, W, b):
    # obj_preds: 1x1 conv producing objectness logits [B, 1, H, W]
    B, C, H, Wd = feat.shape
    obj = jnp.einsum('bchw,oc->bohw', feat, W) + b[None, :, None, None]
    obj = obj[:, 0]  # [B, H, W]
    # get_selected_indices inference path (fg_mask is None, stride < 16):
    # 3x3 max-pool NMS -> keep local maxima, then per-image top-k by objectness
    pooled = _maxpool3(obj)
    mask = pooled == obj
    neg = jnp.finfo(obj.dtype).min
    masked = jnp.where(mask, obj, neg).reshape(B, -1)
    num = min(NUM_TO_REFINE, H * Wd)
    _, top_inds = jax.lax.top_k(masked, num)
    flat_obj = obj.reshape(B, -1)
    sel_scores = jnp.take_along_axis(flat_obj, top_inds, axis=1)
    return sel_scores, top_inds

if __name__ == "__main__":
    import jax
    _d = setup_inputs()
    print(jax.jit(kernel)(*tuple(_d.values())))

</pallas_src>

<mosaic_0001>
#map = affine_map<(d0, d1) -> (0, 0)>
module attributes {stable_mosaic.version = 14 : i64} {
  func.func @_topk_body(%arg0: i32, %arg1: i32, %arg2: memref<8x16384xf32, #tpu.memory_space<hbm>>, %arg3: memref<8x1024xf32, #tpu.memory_space<hbm>>, %arg4: memref<8x1024xi32, #tpu.memory_space<hbm>>, %arg5: memref<4096xf32, #tpu.memory_space<vmem>>, %arg6: memref<1040xf32, #tpu.memory_space<vmem>>, %arg7: memref<1040xi32, #tpu.memory_space<vmem>>, %arg8: memref<1040xf32, #tpu.memory_space<vmem>>, %arg9: memref<1040xi32, #tpu.memory_space<vmem>>, %arg10: memref<1040xf32, #tpu.memory_space<vmem>>, %arg11: memref<1040xi32, #tpu.memory_space<vmem>>, %arg12: memref<1040xf32, #tpu.memory_space<vmem>>, %arg13: memref<1040xi32, #tpu.memory_space<vmem>>, %arg14: memref<1040xf32, #tpu.memory_space<vmem>>, %arg15: memref<1040xi32, #tpu.memory_space<vmem>>, %arg16: memref<1040xf32, #tpu.memory_space<vmem>>, %arg17: memref<1040xi32, #tpu.memory_space<vmem>>, %arg18: memref<1040xf32, #tpu.memory_space<vmem>>, %arg19: memref<1040xi32, #tpu.memory_space<vmem>>, %arg20: memref<16x1024xf32, #tpu.memory_space<vmem_shared>>, %arg21: memref<16x1024xi32, #tpu.memory_space<vmem_shared>>) attributes {dimension_semantics = [#tpu.dimension_semantics<core_parallel>, #tpu.dimension_semantics<subcore_parallel>], iteration_bounds = array<i64: 2, 16>, scalar_prefetch = 0 : i64, scratch_operands = 17 : i64, tpu.core_type = #tpu.core_type<sc_vector_subcore>, window_params = [{transform_indices = #map}, {transform_indices = #map}, {transform_indices = #map}]} {
    %mul3A = arith.constant 4 : i32
    %mul3A_0 = arith.muli %arg0, %mul3A : i32
    %jit3A = arith.constant 4 : i32
    %div3A = arith.divsi %arg1, %jit3A : i32
    %sign3A = arith.constant 0 : i32
    %sign3A_1 = arith.cmpi sgt, %arg1, %sign3A : i32
    %sign3A_2 = arith.extui %sign3A_1 : i1 to i32
    %sign3A_3 = arith.constant 0 : i32
    %sign3A_4 = arith.cmpi slt, %arg1, %sign3A_3 : i32
    %sign3A_5 = arith.extui %sign3A_4 : i1 to i32
    %sign3A_6 = arith.subi %sign3A_2, %sign3A_5 : i32
    %sign3A_7 = arith.constant 0 : i32
    %sign3A_8 = arith.cmpi sgt, %jit3A, %sign3A_7 : i32
    %sign3A_9 = arith.extui %sign3A_8 : i1 to i32
    %sign3A_10 = arith.constant 0 : i32
    %sign3A_11 = arith.cmpi slt, %jit3A, %sign3A_10 : i32
    %sign3A_12 = arith.extui %sign3A_11 : i1 to i32
    %sign3A_13 = arith.subi %sign3A_9, %sign3A_12 : i32
    %ne3A = arith.cmpi ne, %sign3A_6, %sign3A_13 : i32
    %rem3A = arith.remsi %arg1, %jit3A : i32
    %ne3A_14 = arith.constant 0 : i32
    %ne3A_15 = arith.cmpi ne, %rem3A, %ne3A_14 : i32
    %and3A = arith.andi %ne3A, %ne3A_15 : i1
    %sub3A = arith.constant 1 : i32
    %sub3A_16 = arith.subi %div3A, %sub3A : i32
    %select_n3A = arith.select %and3A, %sub3A_16, %div3A : i32
    %add3A = arith.addi %mul3A_0, %select_n3A : i32
    %jit3A_17 = arith.constant 4 : i32
    %eq3A = arith.constant 0 : i32
    %eq3A_18 = arith.cmpi eq, %jit3A_17, %eq3A : i32
    %jit3A_19 = arith.constant 1 : i32
    %select_n3A_20 = arith.select %eq3A_18, %jit3A_19, %jit3A_17 : i32
    %rem3A_21 = arith.remsi %arg1, %select_n3A_20 : i32
    %ne3A_22 = arith.constant 0 : i32
    %ne3A_23 = arith.cmpi ne, %rem3A_21, %ne3A_22 : i32
    %lt3A = arith.constant 0 : i32
    %lt3A_24 = arith.cmpi slt, %rem3A_21, %lt3A : i32
    %lt3A_25 = arith.constant 0 : i32
    %lt3A_26 = arith.cmpi slt, %select_n3A_20, %lt3A_25 : i32
    %ne3A_27 = arith.xori %lt3A_24, %lt3A_26 : i1
    %and3A_28 = arith.andi %ne3A_27, %ne3A_23 : i1
    %add3A_29 = arith.addi %rem3A_21, %select_n3A_20 : i32
    %select_n3A_30 = arith.select %and3A_28, %add3A_29, %rem3A_21 : i32
    %mul3A_31 = arith.constant 4096 : i32
    %mul3A_32 = arith.muli %select_n3A_30, %mul3A_31 : i32
    %scan3A = arith.constant 0 : i32
    %scan3A_33 = arith.constant 0 : i32
    %scan3A_34 = arith.constant 65 : i32
    %scan3A_35 = arith.addi %scan3A_33, %scan3A_34 : i32
    %scan3A_36 = arith.constant 1 : i32
    scf.for %scan3A_375 = %scan3A_33 to %scan3A_35 step %scan3A_36  : i32 {
      %broadcast_in_dim3A_376 = arith.constant -3.40282347E+38 : f32
      %broadcast_in_dim3A_377 = vector.broadcast %broadcast_in_dim3A_376 : f32 to vector<16xf32>
      %mul3A_378 = arith.constant 16 : i32
      %mul3A_379 = arith.muli %scan3A_375, %mul3A_378 : i32
      %swap3A_380 = arith.index_cast %mul3A_379 : i32 to index
      %swap3A_381 = tpu.vector_load %arg6[%swap3A_380] {strides = array<i32>} : memref<1040xf32, #tpu.memory_space<vmem>>, vector<16xf32>,
      tpu.vector_store %arg6[%swap3A_380], %broadcast_in_dim3A_377 {strides = array<i32>} : memref<1040xf32, #tpu.memory_space<vmem>>, vector<16xf32>,
    }
    %scan3A_37 = arith.constant 65 : i32
    %scan3A_38 = arith.constant 0 : i32
    %scan3A_39 = arith.constant 0 : i32
    %scan3A_40 = arith.constant 65 : i32
    %scan3A_41 = arith.addi %scan3A_39, %scan3A_40 : i32
    %scan3A_42 = arith.constant 1 : i32
    scf.for %scan3A_375 = %scan3A_39 to %scan3A_41 step %scan3A_42  : i32 {
      %broadcast_in_dim3A_376 = arith.constant -3.40282347E+38 : f32
      %broadcast_in_dim3A_377 = vector.broadcast %broadcast_in_dim3A_376 : f32 to vector<16xf32>
      %mul3A_378 = arith.constant 16 : i32
      %mul3A_379 = arith.muli %scan3A_375, %mul3A_378 : i32
      %swap3A_380 = arith.index_cast %mul3A_379 : i32 to index
      %swap3A_381 = tpu.vector_load %arg8[%swap3A_380] {strides = array<i32>} : memref<1040xf32, #tpu.memory_space<vmem>>, vector<16xf32>,
      tpu.vector_store %arg8[%swap3A_380], %broadcast_in_dim3A_377 {strides = array<i32>} : memref<1040xf32, #tpu.memory_space<vmem>>, vector<16xf32>,
    }
    %scan3A_43 = arith.constant 65 : i32
    %scan3A_44 = arith.constant 0 : i32
    %scan3A_45 = arith.constant 64 : i32
    %broadcast_in_dim3A = arith.constant -3.40282347E+38 : f32
    %broadcast_in_dim3A_46 = vector.broadcast %broadcast_in_dim3A : f32 to vector<16xf32>
    %mul3A_47 = arith.constant 16 : i32
    %mul3A_48 = arith.muli %scan3A_45, %mul3A_47 : i32
    %swap3A = arith.index_cast %mul3A_48 : i32 to index
    %swap3A_49 = tpu.vector_load %arg10[%swap3A] {strides = array<i32>} : memref<1040xf32, #tpu.memory_space<vmem>>, vector<16xf32>,
    tpu.vector_store %arg10[%swap3A], %broadcast_in_dim3A_46 {strides = array<i32>} : memref<1040xf32, #tpu.memory_space<vmem>>, vector<16xf32>,
    %scan3A_50 = arith.constant 1 : i32
    %scan3A_51 = arith.constant 0 : i32
    %scan3A_52 = arith.constant 64 : i32
    %broadcast_in_dim3A_53 = arith.constant -3.40282347E+38 : f32
    %broadcast_in_dim3A_54 = vector.broadcast %broadcast_in_dim3A_53 : f32 to vector<16xf32>
    %mul3A_55 = arith.constant 16 : i32
    %mul3A_56 = arith.muli %scan3A_52, %mul3A_55 : i32
    %swap3A_57 = arith.index_cast %mul3A_56 : i32 to index
    %swap3A_58 = tpu.vector_load %arg12[%swap3A_57] {strides = array<i32>} : memref<1040xf32, #tpu.memory_space<vmem>>, vector<16xf32>,
    tpu.vector_store %arg12[%swap3A_57], %broadcast_in_dim3A_54 {strides = array<i32>} : memref<1040xf32, #tpu.memory_space<vmem>>, vector<16xf32>,
    %scan3A_59 = arith.constant 1 : i32
    %scan3A_60 = arith.constant 0 : i32
    %scan3A_61 = arith.constant 64 : i32
    %broadcast_in_dim3A_62 = arith.constant -3.40282347E+38 : f32
    %broadcast_in_dim3A_63 = vector.broadcast %broadcast_in_dim3A_62 : f32 to vector<16xf32>
    %mul3A_64 = arith.constant 16 : i32
    %mul3A_65 = arith.muli %scan3A_61, %mul3A_64 : i32
    %swap3A_66 = arith.index_cast %mul3A_65 : i32 to index
    %swap3A_67 = tpu.vector_load %arg14[%swap3A_66] {strides = array<i32>} : memref<1040xf32, #tpu.memory_space<vmem>>, vector<16xf32>,
    tpu.vector_store %arg14[%swap3A_66], %broadcast_in_dim3A_63 {strides = array<i32>} : memref<1040xf32, #tpu.memory_space<vmem>>, vector<16xf32>,
    %scan3A_68 = arith.constant 1 : i32
    %scan3A_69 = arith.constant 0 : i32
    %scan3A_70 = arith.constant 64 : i32
    %broadcast_in_dim3A_71 = arith.constant -3.40282347E+38 : f32
    %broadcast_in_dim3A_72 = vector.broadcast %broadcast_in_dim3A_71 : f32 to vector<16xf32>
    %mul3A_73 = arith.constant 16 : i32
    %mul3A_74 = arith.muli %scan3A_70, %mul3A_73 : i32
    %swap3A_75 = arith.index_cast %mul3A_74 : i32 to index
    %swap3A_76 = tpu.vector_load %arg16[%swap3A_75] {strides = array<i32>} : memref<1040xf32, #tpu.memory_space<vmem>>, vector<16xf32>,
    tpu.vector_store %arg16[%swap3A_75], %broadcast_in_dim3A_72 {strides = array<i32>} : memref<1040xf32, #tpu.memory_space<vmem>>, vector<16xf32>,
    %scan3A_77 = arith.constant 1 : i32
    %scan3A_78 = arith.constant 0 : i32
    %scan3A_79 = arith.constant 64 : i32
    %broadcast_in_dim3A_80 = arith.constant -3.40282347E+38 : f32
    %broadcast_in_dim3A_81 = vector.broadcast %broadcast_in_dim3A_80 : f32 to vector<16xf32>
    %mul3A_82 = arith.constant 16 : i32
    %mul3A_83 = arith.muli %scan3A_79, %mul3A_82 : i32
    %swap3A_84 = arith.index_cast %mul3A_83 : i32 to index
    %swap3A_85 = tpu.vector_load %arg18[%swap3A_84] {strides = array<i32>} : memref<1040xf32, #tpu.memory_space<vmem>>, vector<16xf32>,
    tpu.vector_store %arg18[%swap3A_84], %broadcast_in_dim3A_81 {strides = array<i32>} : memref<1040xf32, #tpu.memory_space<vmem>>, vector<16xf32>,
    %scan3A_86 = arith.constant 1 : i32
    "tpu.region"() ({
      %run_scoped3A = tpu.sem_alloc : memref<!tpu.dma_semaphore, #tpu.memory_space<semaphore_mem>>
      %dma_start3A = tpu.memref_slice %arg2[%add3A, %mul3A_32] : memref<8x16384xf32, #tpu.memory_space<hbm>> -> memref<1x4096xf32, #tpu.memory_space<hbm>>
      %dma_start3A_375 = tpu.memref_squeeze %dma_start3A : memref<1x4096xf32, #tpu.memory_space<hbm>> -> memref<4096xf32, #tpu.memory_space<hbm>>
      %dma_start3A_376 = tpu.memref_slice %arg2[%add3A, %mul3A_32] : memref<8x16384xf32, #tpu.memory_space<hbm>> -> memref<1x4096xf32, #tpu.memory_space<hbm>>
      %dma_start3A_377 = tpu.memref_squeeze %dma_start3A_376 : memref<1x4096xf32, #tpu.memory_space<hbm>> -> memref<4096xf32, #tpu.memory_space<hbm>>
      tpu.enqueue_dma source(%dma_start3A_377 : memref<4096xf32, #tpu.memory_space<hbm>>) target(%arg5 : memref<4096xf32, #tpu.memory_space<vmem>>) target_semaphore(%run_scoped3A : memref<!tpu.dma_semaphore, #tpu.memory_space<semaphore_mem>>)
      %dma_wait3A = tpu.memref_slice %arg2[%add3A, %mul3A_32] : memref<8x16384xf32, #tpu.memory_space<hbm>> -> memref<1x4096xf32, #tpu.memory_space<hbm>>
      %dma_wait3A_378 = tpu.memref_squeeze %dma_wait3A : memref<1x4096xf32, #tpu.memory_space<hbm>> -> memref<4096xf32, #tpu.memory_space<hbm>>
      %dma_wait3A_379 = tpu.memref_slice %arg2[%add3A, %mul3A_32] : memref<8x16384xf32, #tpu.memory_space<hbm>> -> memref<1x4096xf32, #tpu.memory_space<hbm>>
      %dma_wait3A_380 = tpu.memref_squeeze %dma_wait3A_379 : memref<1x4096xf32, #tpu.memory_space<hbm>> -> memref<4096xf32, #tpu.memory_space<hbm>>
      tpu.wait_dma2 semaphore(%run_scoped3A : memref<!tpu.dma_semaphore, #tpu.memory_space<semaphore_mem>>) src(%dma_wait3A_380 : memref<4096xf32, #tpu.memory_space<hbm>>) dst(%arg5 : memref<4096xf32, #tpu.memory_space<vmem>>)
      tpu.yield
    }) : () -> ()
    %scan3A_87 = arith.constant 0 : i32
    %scan3A_88 = arith.constant 0 : i32
    %scan3A_89 = arith.constant 256 : i32
    %scan3A_90 = arith.addi %scan3A_88, %scan3A_89 : i32
    %scan3A_91 = arith.constant 4 : i32
    %scan3A_92 = scf.for %scan3A_375 = %scan3A_88 to %scan3A_90 step %scan3A_91 iter_args(%scan3A_376 = %scan3A_87) -> (i32)  : i32 {
      %mul3A_377 = arith.constant 16 : i32
      %mul3A_378 = arith.muli %scan3A_375, %mul3A_377 : i32
      %get3A = arith.index_cast %mul3A_378 : i32 to index
      %get3A_379 = tpu.vector_load %arg5[%get3A] {strides = array<i32>} : memref<4096xf32, #tpu.memory_space<vmem>>, vector<16xf32>,
      %gt3A = arith.constant -9.99999968E+37 : f32
      %gt3A_380 = vector.broadcast %gt3A : f32 to vector<16xf32>
      %gt3A_381 = arith.cmpf ogt, %get3A_379, %gt3A_380 : vector<16xf32>
      %iota3A = tpu.iota {dimensions = array<i32: 0>} : vector<16xi32>
      %mul3A_382 = arith.constant 16 : i32
      %mul3A_383 = arith.muli %scan3A_375, %mul3A_382 : i32
      %add3A_384 = arith.addi %mul3A_32, %mul3A_383 : i32
      %add3A_385 = vector.broadcast %add3A_384 : i32 to vector<16xi32>
      %add3A_386 = arith.addi %iota3A, %add3A_385 : vector<16xi32>
      %min3A_387 = arith.constant 1008 : i32
      %min3A_388 = arith.minsi %scan3A_376, %min3A_387 : i32
      %swap3A_389 = arith.index_cast %min3A_388 : i32 to index
      %swap3A_390 = tpu.vector_load %arg6[%swap3A_389] masked %gt3A_381 {strides = array<i32>} : memref<1040xf32, #tpu.memory_space<vmem>>, vector<16xf32>, vector<16xi1>
      tpu.vector_store %arg6[%swap3A_389], %get3A_379 masked %gt3A_381 {strides = array<i32>} : memref<1040xf32, #tpu.memory_space<vmem>>, vector<16xf32>, vector<16xi1>
      %swap3A_391 = arith.index_cast %min3A_388 : i32 to index
      %swap3A_392 = tpu.vector_load %arg7[%swap3A_391] masked %gt3A_381 {strides = array<i32>} : memref<1040xi32, #tpu.memory_space<vmem>>, vector<16xi32>, vector<16xi1>
      tpu.vector_store %arg7[%swap3A_391], %add3A_386 masked %gt3A_381 {strides = array<i32>} : memref<1040xi32, #tpu.memory_space<vmem>>, vector<16xi32>, vector<16xi1>
      %all_reduce_population_count3A = tpu.all_reduce %gt3A_381 {dim = 0 : i64, kind = #tpu.reduction_kind<sum>} : vector<16xi1> -> vector<16xi32>
      %slice3A = vector.extract_strided_slice %all_reduce_population_count3A {offsets = [0], sizes = [1], strides = [1]} : vector<16xi32> to vector<1xi32>
      %squeeze3A = vector.extract %slice3A[0] : i32 from vector<1xi32>
      %add3A_393 = arith.addi %scan3A_376, %squeeze3A : i32
      %scan3A_394 = arith.constant 1 : i32
      %scan3A_395 = arith.addi %scan3A_375, %scan3A_394 : i32
      %mul3A_396 = arith.constant 16 : i32
      %mul3A_397 = arith.muli %scan3A_395, %mul3A_396 : i32
      %get3A_398 = arith.index_cast %mul3A_397 : i32 to index
      %get3A_399 = tpu.vector_load %arg5[%get3A_398] {strides = array<i32>} : memref<4096xf32, #tpu.memory_space<vmem>>, vector<16xf32>,
      %gt3A_400 = arith.constant -9.99999968E+37 : f32
      %gt3A_401 = vector.broadcast %gt3A_400 : f32 to vector<16xf32>
      %gt3A_402 = arith.cmpf ogt, %get3A_399, %gt3A_401 : vector<16xf32>
      %iota3A_403 = tpu.iota {dimensions = array<i32: 0>} : vector<16xi32>
      %mul3A_404 = arith.constant 16 : i32
      %mul3A_405 = arith.muli %scan3A_395, %mul3A_404 : i32
      %add3A_406 = arith.addi %mul3A_32, %mul3A_405 : i32
      %add3A_407 = vector.broadcast %add3A_406 : i32 to vector<16xi32>
      %add3A_408 = arith.addi %iota3A_403, %add3A_407 : vector<16xi32>
      %min3A_409 = arith.constant 1008 : i32
      %min3A_410 = arith.minsi %add3A_393, %min3A_409 : i32
      %swap3A_411 = arith.index_cast %min3A_410 : i32 to index
      %swap3A_412 = tpu.vector_load %arg6[%swap3A_411] masked %gt3A_402 {strides = array<i32>} : memref<1040xf32, #tpu.memory_space<vmem>>, vector<16xf32>, vector<16xi1>
      tpu.vector_store %arg6[%swap3A_411], %get3A_399 masked %gt3A_402 {strides = array<i32>} : memref<1040xf32, #tpu.memory_space<vmem>>, vector<16xf32>, vector<16xi1>
      %swap3A_413 = arith.index_cast %min3A_410 : i32 to index
      %swap3A_414 = tpu.vector_load %arg7[%swap3A_413] masked %gt3A_402 {strides = array<i32>} : memref<1040xi32, #tpu.memory_space<vmem>>, vector<16xi32>, vector<16xi1>
      tpu.vector_store %arg7[%swap3A_413], %add3A_408 masked %gt3A_402 {strides = array<i32>} : memref<1040xi32, #tpu.memory_space<vmem>>, vector<16xi32>, vector<16xi1>
      %all_reduce_population_count3A_415 = tpu.all_reduce %gt3A_402 {dim = 0 : i64, kind = #tpu.reduction_kind<sum>} : vector<16xi1> -> vector<16xi32>
      %slice3A_416 = vector.extract_strided_slice %all_reduce_population_count3A_415 {offsets = [0], sizes = [1], strides = [1]} : vector<16xi32> to vector<1xi32>
      %squeeze3A_417 = vector.extract %slice3A_416[0] : i32 from vector<1xi32>
      %add3A_418 = arith.addi %add3A_393, %squeeze3A_417 : i32
      %scan3A_419 = arith.constant 2 : i32
      %scan3A_420 = arith.addi %scan3A_375, %scan3A_419 : i32
      %mul3A_421 = arith.constant 16 : i32
      %mul3A_422 = arith.muli %scan3A_420, %mul3A_421 : i32
      %get3A_423 = arith.index_cast %mul3A_422 : i32 to index
      %get3A_424 = tpu.vector_load %arg5[%get3A_423] {strides = array<i32>} : memref<4096xf32, #tpu.memory_space<vmem>>, vector<16xf32>,
      %gt3A_425 = arith.constant -9.99999968E+37 : f32
      %gt3A_426 = vector.broadcast %gt3A_425 : f32 to vector<16xf32>
      %gt3A_427 = arith.cmpf ogt, %get3A_424, %gt3A_426 : vector<16xf32>
      %iota3A_428 = tpu.iota {dimensions = array<i32: 0>} : vector<16xi32>
      %mul3A_429 = arith.constant 16 : i32
      %mul3A_430 = arith.muli %scan3A_420, %mul3A_429 : i32
      %add3A_431 = arith.addi %mul3A_32, %mul3A_430 : i32
      %add3A_432 = vector.broadcast %add3A_431 : i32 to vector<16xi32>
      %add3A_433 = arith.addi %iota3A_428, %add3A_432 : vector<16xi32>
      %min3A_434 = arith.constant 1008 : i32
      %min3A_435 = arith.minsi %add3A_418, %min3A_434 : i32
      %swap3A_436 = arith.index_cast %min3A_435 : i32 to index
      %swap3A_437 = tpu.vector_load %arg6[%swap3A_436] masked %gt3A_427 {strides = array<i32>} : memref<1040xf32, #tpu.memory_space<vmem>>, vector<16xf32>, vector<16xi1>
      tpu.vector_store %arg6[%swap3A_436], %get3A_424 masked %gt3A_427 {strides = array<i32>} : memref<1040xf32, #tpu.memory_space<vmem>>, vector<16xf32>, vector<16xi1>
      %swap3A_438 = arith.index_cast %min3A_435 : i32 to index
      %swap3A_439 = tpu.vector_load %arg7[%swap3A_438] masked %gt3A_427 {strides = array<i32>} : memref<1040xi32, #tpu.memory_space<vmem>>, vector<16xi32>, vector<16xi1>
      tpu.vector_store %arg7[%swap3A_438], %add3A_433 masked %gt3A_427 {strides = array<i32>} : memref<1040xi32, #tpu.memory_space<vmem>>, vector<16xi32>, vector<16xi1>
      %all_reduce_population_count3A_440 = tpu.all_reduce %gt3A_427 {dim = 0 : i64, kind = #tpu.reduction_kind<sum>} : vector<16xi1> -> vector<16xi32>
      %slice3A_441 = vector.extract_strided_slice %all_reduce_population_count3A_440 {offsets = [0], sizes = [1], strides = [1]} : vector<16xi32> to vector<1xi32>
      %squeeze3A_442 = vector.extract %slice3A_441[0] : i32 from vector<1xi32>
      %add3A_443 = arith.addi %add3A_418, %squeeze3A_442 : i32
      %scan3A_444 = arith.constant 3 : i32
      %scan3A_445 = arith.addi %scan3A_375, %scan3A_444 : i32
      %mul3A_446 = arith.constant 16 : i32
      %mul3A_447 = arith.muli %scan3A_445, %mul3A_446 : i32
      %get3A_448 = arith.index_cast %mul3A_447 : i32 to index
      %get3A_449 = tpu.vector_load %arg5[%get3A_448] {strides = array<i32>} : memref<4096xf32, #tpu.memory_space<vmem>>, vector<16xf32>,
      %gt3A_450 = arith.constant -9.99999968E+37 : f32
      %gt3A_451 = vector.broadcast %gt3A_450 : f32 to vector<16xf32>
      %gt3A_452 = arith.cmpf ogt, %get3A_449, %gt3A_451 : vector<16xf32>
      %iota3A_453 = tpu.iota {dimensions = array<i32: 0>} : vector<16xi32>
      %mul3A_454 = arith.constant 16 : i32
      %mul3A_455 = arith.muli %scan3A_445, %mul3A_454 : i32
      %add3A_456 = arith.addi %mul3A_32, %mul3A_455 : i32
      %add3A_457 = vector.broadcast %add3A_456 : i32 to vector<16xi32>
      %add3A_458 = arith.addi %iota3A_453, %add3A_457 : vector<16xi32>
      %min3A_459 = arith.constant 1008 : i32
      %min3A_460 = arith.minsi %add3A_443, %min3A_459 : i32
      %swap3A_461 = arith.index_cast %min3A_460 : i32 to index
      %swap3A_462 = tpu.vector_load %arg6[%swap3A_461] masked %gt3A_452 {strides = array<i32>} : memref<1040xf32, #tpu.memory_space<vmem>>, vector<16xf32>, vector<16xi1>
      tpu.vector_store %arg6[%swap3A_461], %get3A_449 masked %gt3A_452 {strides = array<i32>} : memref<1040xf32, #tpu.memory_space<vmem>>, vector<16xf32>, vector<16xi1>
      %swap3A_463 = arith.index_cast %min3A_460 : i32 to index
      %swap3A_464 = tpu.vector_load %arg7[%swap3A_463] masked %gt3A_452 {strides = array<i32>} : memref<1040xi32, #tpu.memory_space<vmem>>, vector<16xi32>, vector<16xi1>
      tpu.vector_store %arg7[%swap3A_463], %add3A_458 masked %gt3A_452 {strides = array<i32>} : memref<1040xi32, #tpu.memory_space<vmem>>, vector<16xi32>, vector<16xi1>
      %all_reduce_population_count3A_465 = tpu.all_reduce %gt3A_452 {dim = 0 : i64, kind = #tpu.reduction_kind<sum>} : vector<16xi1> -> vector<16xi32>
      %slice3A_466 = vector.extract_strided_slice %all_reduce_population_count3A_465 {offsets = [0], sizes = [1], strides = [1]} : vector<16xi32> to vector<1xi32>
      %squeeze3A_467 = vector.extract %slice3A_466[0] : i32 from vector<1xi32>
      %add3A_468 = arith.addi %add3A_443, %squeeze3A_467 : i32
      scf.yield %add3A_468 : i32
    }
    %scan3A_93 = arith.constant 256 : i32
    %min3A = arith.constant 1024 : i32
    %min3A_94 = arith.minsi %scan3A_92, %min3A : i32
    %add3A_95 = arith.constant 16 : i32
    %add3A_96 = arith.addi %min3A_94, %add3A_95 : i32
    %sub3A_97 = arith.constant 1 : i32
    %sub3A_98 = arith.subi %add3A_96, %sub3A_97 : i32
    %jit3A_99 = arith.constant 16 : i32
    %div3A_100 = arith.divsi %sub3A_98, %jit3A_99 : i32
    %sign3A_101 = arith.constant 0 : i32
    %sign3A_102 = arith.cmpi sgt, %sub3A_98, %sign3A_101 : i32
    %sign3A_103 = arith.extui %sign3A_102 : i1 to i32
    %sign3A_104 = arith.constant 0 : i32
    %sign3A_105 = arith.cmpi slt, %sub3A_98, %sign3A_104 : i32
    %sign3A_106 = arith.extui %sign3A_105 : i1 to i32
    %sign3A_107 = arith.subi %sign3A_103, %sign3A_106 : i32
    %sign3A_108 = arith.constant 0 : i32
    %sign3A_109 = arith.cmpi sgt, %jit3A_99, %sign3A_108 : i32
    %sign3A_110 = arith.extui %sign3A_109 : i1 to i32
    %sign3A_111 = arith.constant 0 : i32
    %sign3A_112 = arith.cmpi slt, %jit3A_99, %sign3A_111 : i32
    %sign3A_113 = arith.extui %sign3A_112 : i1 to i32
    %sign3A_114 = arith.subi %sign3A_110, %sign3A_113 : i32
    %ne3A_115 = arith.cmpi ne, %sign3A_107, %sign3A_114 : i32
    %rem3A_116 = arith.remsi %sub3A_98, %jit3A_99 : i32
    %ne3A_117 = arith.constant 0 : i32
    %ne3A_118 = arith.cmpi ne, %rem3A_116, %ne3A_117 : i32
    %and3A_119 = arith.andi %ne3A_115, %ne3A_118 : i1
    %sub3A_120 = arith.constant 1 : i32
    %sub3A_121 = arith.subi %div3A_100, %sub3A_120 : i32
    %select_n3A_122 = arith.select %and3A_119, %sub3A_121, %div3A_100 : i32
    %while3A = arith.constant 0 : i32
    %while3A_123 = arith.constant 0 : i32
    %while3A_124 = arith.subi %select_n3A_122, %while3A_123 : i32
    %while3A_125 = arith.addi %while3A_123, %while3A_124 : i32
    %while3A_126 = arith.constant 1 : i32
    %while3A_127 = arith.divsi %while3A_124, %while3A_126 : i32
    %while3A_128 = arith.muli %while3A_127, %while3A_126 : i32
    %while3A_129 = arith.addi %while3A_123, %while3A_128 : i32
    %while3A_130 = arith.constant 1 : i32
    scf.for %while3A_375 = %while3A_123 to %while3A_129 step %while3A_130  : i32 {
      %mul3A_376 = arith.constant 16 : i32
      %mul3A_377 = arith.muli %while3A_375, %mul3A_376 : i32
      %get3A = arith.index_cast %mul3A_377 : i32 to index
      %get3A_378 = tpu.vector_load %arg6[%get3A] {strides = array<i32>} : memref<1040xf32, #tpu.memory_space<vmem>>, vector<16xf32>,
      %mul3A_379 = arith.constant 16 : i32
      %mul3A_380 = arith.muli %while3A_375, %mul3A_379 : i32
      %get3A_381 = arith.index_cast %mul3A_380 : i32 to index
      %get3A_382 = tpu.vector_load %arg7[%get3A_381] {strides = array<i32>} : memref<1040xi32, #tpu.memory_space<vmem>>, vector<16xi32>,
      %masked_sort3A = arith.constant dense<true> : vector<16xi1>
      %masked_sort3A_383, %masked_sort3A_384, %masked_sort3A_385 = tpu.sort %get3A_378, %get3A_382 masked %masked_sort3A {descending = true} : (vector<16xf32>, vector<16xi32>, vector<16xi1>) -> (vector<16xi1>, vector<16xf32>, vector<16xi32>)
      %mul3A_386 = arith.constant 16 : i32
      %mul3A_387 = arith.muli %while3A_375, %mul3A_386 : i32
      %swap3A_388 = arith.index_cast %mul3A_387 : i32 to index
      %swap3A_389 = tpu.vector_load %arg6[%swap3A_388] {strides = array<i32>} : memref<1040xf32, #tpu.memory_space<vmem>>, vector<16xf32>,
      tpu.vector_store %arg6[%swap3A_388], %masked_sort3A_384 {strides = array<i32>} : memref<1040xf32, #tpu.memory_space<vmem>>, vector<16xf32>,
      %mul3A_390 = arith.constant 16 : i32
      %mul3A_391 = arith.muli %while3A_375, %mul3A_390 : i32
      %swap3A_392 = arith.index_cast %mul3A_391 : i32 to index
      %swap3A_393 = tpu.vector_load %arg7[%swap3A_392] {strides = array<i32>} : memref<1040xi32, #tpu.memory_space<vmem>>, vector<16xi32>,
      tpu.vector_store %arg7[%swap3A_392], %masked_sort3A_385 {strides = array<i32>} : memref<1040xi32, #tpu.memory_space<vmem>>, vector<16xi32>,
    }
    %while3A_131 = arith.constant 1 : i32
    scf.for %while3A_375 = %while3A_129 to %while3A_125 step %while3A_131  : i32 {
      %mul3A_376 = arith.constant 16 : i32
      %mul3A_377 = arith.muli %while3A_375, %mul3A_376 : i32
      %get3A = arith.index_cast %mul3A_377 : i32 to index
      %get3A_378 = tpu.vector_load %arg6[%get3A] {strides = array<i32>} : memref<1040xf32, #tpu.memory_space<vmem>>, vector<16xf32>,
      %mul3A_379 = arith.constant 16 : i32
      %mul3A_380 = arith.muli %while3A_375, %mul3A_379 : i32
      %get3A_381 = arith.index_cast %mul3A_380 : i32 to index
      %get3A_382 = tpu.vector_load %arg7[%get3A_381] {strides = array<i32>} : memref<1040xi32, #tpu.memory_space<vmem>>, vector<16xi32>,
      %masked_sort3A = arith.constant dense<true> : vector<16xi1>
      %masked_sort3A_383, %masked_sort3A_384, %masked_sort3A_385 = tpu.sort %get3A_378, %get3A_382 masked %masked_sort3A {descending = true} : (vector<16xf32>, vector<16xi32>, vector<16xi1>) -> (vector<16xi1>, vector<16xf32>, vector<16xi32>)
      %mul3A_386 = arith.constant 16 : i32
      %mul3A_387 = arith.muli %while3A_375, %mul3A_386 : i32
      %swap3A_388 = arith.index_cast %mul3A_387 : i32 to index
      %swap3A_389 = tpu.vector_load %arg6[%swap3A_388] {strides = array<i32>} : memref<1040xf32, #tpu.memory_space<vmem>>, vector<16xf32>,
      tpu.vector_store %arg6[%swap3A_388], %masked_sort3A_384 {strides = array<i32>} : memref<1040xf32, #tpu.memory_space<vmem>>, vector<16xf32>,
      %mul3A_390 = arith.constant 16 : i32
      %mul3A_391 = arith.muli %while3A_375, %mul3A_390 : i32
      %swap3A_392 = arith.index_cast %mul3A_391 : i32 to index
      %swap3A_393 = tpu.vector_load %arg7[%swap3A_392] {strides = array<i32>} : memref<1040xi32, #tpu.memory_space<vmem>>, vector<16xi32>,
      tpu.vector_store %arg7[%swap3A_392], %masked_sort3A_385 {strides = array<i32>} : memref<1040xi32, #tpu.memory_space<vmem>>, vector<16xi32>,
    }
    %add3A_132 = arith.constant 32 : i32
    %add3A_133 = arith.addi %min3A_94, %add3A_132 : i32
    %sub3A_134 = arith.constant 1 : i32
    %sub3A_135 = arith.subi %add3A_133, %sub3A_134 : i32
    %jit3A_136 = arith.constant 32 : i32
    %div3A_137 = arith.divsi %sub3A_135, %jit3A_136 : i32
    %sign3A_138 = arith.constant 0 : i32
    %sign3A_139 = arith.cmpi sgt, %sub3A_135, %sign3A_138 : i32
    %sign3A_140 = arith.extui %sign3A_139 : i1 to i32
    %sign3A_141 = arith.constant 0 : i32
    %sign3A_142 = arith.cmpi slt, %sub3A_135, %sign3A_141 : i32
    %sign3A_143 = arith.extui %sign3A_142 : i1 to i32
    %sign3A_144 = arith.subi %sign3A_140, %sign3A_143 : i32
    %sign3A_145 = arith.constant 0 : i32
    %sign3A_146 = arith.cmpi sgt, %jit3A_136, %sign3A_145 : i32
    %sign3A_147 = arith.extui %sign3A_146 : i1 to i32
    %sign3A_148 = arith.constant 0 : i32
    %sign3A_149 = arith.cmpi slt, %jit3A_136, %sign3A_148 : i32
    %sign3A_150 = arith.extui %sign3A_149 : i1 to i32
    %sign3A_151 = arith.subi %sign3A_147, %sign3A_150 : i32
    %ne3A_152 = arith.cmpi ne, %sign3A_144, %sign3A_151 : i32
    %rem3A_153 = arith.remsi %sub3A_135, %jit3A_136 : i32
    %ne3A_154 = arith.constant 0 : i32
    %ne3A_155 = arith.cmpi ne, %rem3A_153, %ne3A_154 : i32
    %and3A_156 = arith.andi %ne3A_152, %ne3A_155 : i1
    %sub3A_157 = arith.constant 1 : i32
    %sub3A_158 = arith.subi %div3A_137, %sub3A_157 : i32
    %select_n3A_159 = arith.select %and3A_156, %sub3A_158, %div3A_137 : i32
    %min3A_160 = arith.constant 32 : i32
    %min3A_161 = arith.minsi %select_n3A_159, %min3A_160 : i32
    %while3A_162 = arith.constant 0 : i32
    %while3A_163 = arith.constant 0 : i32
    %while3A_164 = arith.subi %min3A_161, %while3A_163 : i32
    %while3A_165 = arith.addi %while3A_163, %while3A_164 : i32
    %while3A_166 = arith.constant 1 : i32
    %while3A_167 = arith.divsi %while3A_164, %while3A_166 : i32
    %while3A_168 = arith.muli %while3A_167, %while3A_166 : i32
    %while3A_169 = arith.addi %while3A_163, %while3A_168 : i32
    %while3A_170 = arith.constant 1 : i32
    scf.for %while3A_375 = %while3A_163 to %while3A_169 step %while3A_170  : i32 {
      %mul3A_376 = arith.constant 32 : i32
      %mul3A_377 = arith.muli %while3A_375, %mul3A_376 : i32
      %add3A_378 = arith.constant 16 : i32
      %add3A_379 = arith.addi %mul3A_377, %add3A_378 : i32
      %get3A = arith.index_cast %mul3A_377 : i32 to index
      %get3A_380 = tpu.vector_load %arg6[%get3A] {strides = array<i32>} : memref<1040xf32, #tpu.memory_space<vmem>>, vector<16xf32>,
      %get3A_381 = arith.index_cast %mul3A_377 : i32 to index
      %get3A_382 = tpu.vector_load %arg7[%get3A_381] {strides = array<i32>} : memref<1040xi32, #tpu.memory_space<vmem>>, vector<16xi32>,
      %get3A_383 = arith.index_cast %add3A_379 : i32 to index
      %get3A_384 = tpu.vector_load %arg6[%get3A_383] {strides = array<i32>} : memref<1040xf32, #tpu.memory_space<vmem>>, vector<16xf32>,
      %get3A_385 = arith.index_cast %add3A_379 : i32 to index
      %get3A_386 = tpu.vector_load %arg7[%get3A_385] {strides = array<i32>} : memref<1040xi32, #tpu.memory_space<vmem>>, vector<16xi32>,
      %scan3A_387 = arith.constant 1 : i32
      %scan3A_388 = arith.constant 1 : i32
      %scan3A_389 = arith.constant 0 : i32
      %rev3A = arith.constant 15 : i32
      %rev3A_390 = vector.broadcast %rev3A : i32 to vector<16xi32>
      %rev3A_391 = tpu.iota {dimensions = array<i32: 0>} : vector<16xi32>
      %rev3A_392 = arith.subi %rev3A_390, %rev3A_391 : vector<16xi32>
      %rev3A_393 = tpu.dynamic_gather %get3A_384[%rev3A_392] in [0] : vector<16xf32>, vector<16xi32> -> vector<16xf32>
      %rev3A_394 = arith.constant 15 : i32
      %rev3A_395 = vector.broadcast %rev3A_394 : i32 to vector<16xi32>
      %rev3A_396 = tpu.iota {dimensions = array<i32: 0>} : vector<16xi32>
      %rev3A_397 = arith.subi %rev3A_395, %rev3A_396 : vector<16xi32>
      %rev3A_398 = tpu.dynamic_gather %get3A_386[%rev3A_397] in [0] : vector<16xi32>, vector<16xi32> -> vector<16xi32>
      %ge3A = arith.cmpf oge, %get3A_380, %rev3A_393 : vector<16xf32>
      %select_n3A_399 = arith.select %ge3A, %get3A_380, %rev3A_393 : vector<16xi1>, vector<16xf32>
      %select_n3A_400 = arith.select %ge3A, %get3A_382, %rev3A_398 : vector<16xi1>, vector<16xi32>
      %select_n3A_401 = arith.select %ge3A, %rev3A_393, %get3A_380 : vector<16xi1>, vector<16xf32>
      %select_n3A_402 = arith.select %ge3A, %rev3A_398, %get3A_382 : vector<16xi1>, vector<16xi32>
      %masked_sort3A = arith.constant dense<true> : vector<16xi1>
      %masked_sort3A_403, %masked_sort3A_404, %masked_sort3A_405 = tpu.sort %select_n3A_399, %select_n3A_400 masked %masked_sort3A {descending = true} : (vector<16xf32>, vector<16xi32>, vector<16xi1>) -> (vector<16xi1>, vector<16xf32>, vector<16xi32>)
      %masked_sort3A_406 = arith.constant dense<true> : vector<16xi1>
      %masked_sort3A_407, %masked_sort3A_408, %masked_sort3A_409 = tpu.sort %select_n3A_401, %select_n3A_402 masked %masked_sort3A_406 {descending = true} : (vector<16xf32>, vector<16xi32>, vector<16xi1>) -> (vector<16xi1>, vector<16xf32>, vector<16xi32>)
      %mul3A_410 = arith.constant 16 : i32
      %mul3A_411 = arith.muli %scan3A_389, %mul3A_410 : i32
      %add3A_412 = arith.addi %mul3A_377, %mul3A_411 : i32
      %swap3A_413 = arith.index_cast %add3A_412 : i32 to index
      %swap3A_414 = tpu.vector_load %arg8[%swap3A_413] {strides = array<i32>} : memref<1040xf32, #tpu.memory_space<vmem>>, vector<16xf32>,
      tpu.vector_store %arg8[%swap3A_413], %masked_sort3A_404 {strides = array<i32>} : memref<1040xf32, #tpu.memory_space<vmem>>, vector<16xf32>,
      %mul3A_415 = arith.constant 16 : i32
      %mul3A_416 = arith.muli %scan3A_389, %mul3A_415 : i32
      %add3A_417 = arith.addi %mul3A_377, %mul3A_416 : i32
      %swap3A_418 = arith.index_cast %add3A_417 : i32 to index
      %swap3A_419 = tpu.vector_load %arg9[%swap3A_418] {strides = array<i32>} : memref<1040xi32, #tpu.memory_space<vmem>>, vector<16xi32>,
      tpu.vector_store %arg9[%swap3A_418], %masked_sort3A_405 {strides = array<i32>} : memref<1040xi32, #tpu.memory_space<vmem>>, vector<16xi32>,
      %mul3A_420 = arith.constant 16 : i32
      %mul3A_421 = arith.muli %scan3A_387, %mul3A_420 : i32
      %add3A_422 = arith.addi %mul3A_377, %mul3A_421 : i32
      %get3A_423 = arith.index_cast %add3A_422 : i32 to index
      %get3A_424 = tpu.vector_load %arg6[%get3A_423] {strides = array<i32>} : memref<1040xf32, #tpu.memory_space<vmem>>, vector<16xf32>,
      %mul3A_425 = arith.constant 16 : i32
      %mul3A_426 = arith.muli %scan3A_387, %mul3A_425 : i32
      %add3A_427 = arith.addi %mul3A_377, %mul3A_426 : i32
      %get3A_428 = arith.index_cast %add3A_427 : i32 to index
      %get3A_429 = tpu.vector_load %arg7[%get3A_428] {strides = array<i32>} : memref<1040xi32, #tpu.memory_space<vmem>>, vector<16xi32>,
      %mul3A_430 = arith.constant 16 : i32
      %mul3A_431 = arith.muli %scan3A_388, %mul3A_430 : i32
      %add3A_432 = arith.addi %add3A_379, %mul3A_431 : i32
      %get3A_433 = arith.index_cast %add3A_432 : i32 to index
      %get3A_434 = tpu.vector_load %arg6[%get3A_433] {strides = array<i32>} : memref<1040xf32, #tpu.memory_space<vmem>>, vector<16xf32>,
      %mul3A_435 = arith.constant 16 : i32
      %mul3A_436 = arith.muli %scan3A_388, %mul3A_435 : i32
      %add3A_437 = arith.addi %add3A_379, %mul3A_436 : i32
      %get3A_438 = arith.index_cast %add3A_437 : i32 to index
      %get3A_439 = tpu.vector_load %arg7[%get3A_438] {strides = array<i32>} : memref<1040xi32, #tpu.memory_space<vmem>>, vector<16xi32>,
      %slice3A = vector.extract_strided_slice %get3A_424 {offsets = [0], sizes = [1], strides = [1]} : vector<16xf32> to vector<1xf32>
      %squeeze3A = vector.extract %slice3A[0] : f32 from vector<1xf32>
      %slice3A_440 = vector.extract_strided_slice %get3A_434 {offsets = [0], sizes = [1], strides = [1]} : vector<16xf32> to vector<1xf32>
      %squeeze3A_441 = vector.extract %slice3A_440[0] : f32 from vector<1xf32>
      %lt3A_442 = arith.constant 1 : i32
      %lt3A_443 = arith.cmpi slt, %scan3A_387, %lt3A_442 : i32
      %jit3A_444 = arith.constant 1 : i32
      %jit3A_445 = arith.constant 0 : i32
      %select_n3A_446 = arith.select %lt3A_443, %jit3A_444, %jit3A_445 : i32
      %lt3A_447 = arith.constant 1 : i32
      %lt3A_448 = arith.cmpi slt, %scan3A_388, %lt3A_447 : i32
      %jit3A_449 = arith.constant 1 : i32
      %jit3A_450 = arith.constant 0 : i32
      %select_n3A_451 = arith.select %lt3A_448, %jit3A_449, %jit3A_450 : i32
      %sub3A_452 = arith.constant 1 : i32
      %sub3A_453 = arith.subi %sub3A_452, %select_n3A_451 : i32
      %ge3A_454 = arith.cmpf oge, %squeeze3A, %squeeze3A_441 : f32
      %jit3A_455 = arith.constant 1 : i32
      %jit3A_456 = arith.constant 0 : i32
      %select_n3A_457 = arith.select %ge3A_454, %jit3A_455, %jit3A_456 : i32
      %max3A = arith.maxsi %sub3A_453, %select_n3A_457 : i32
      %mul3A_458 = arith.muli %select_n3A_446, %max3A : i32
      %sub3A_459 = arith.constant 1 : i32
      %sub3A_460 = arith.subi %sub3A_459, %select_n3A_446 : i32
      %sub3A_461 = arith.constant 1 : i32
      %sub3A_462 = arith.subi %sub3A_461, %select_n3A_451 : i32
      %mul3A_463 = arith.muli %sub3A_460, %sub3A_462 : i32
      %broadcast_in_dim3A_464 = vector.broadcast %mul3A_458 : i32 to vector<16xi32>
      %ne3A_465 = arith.constant 0 : i32
      %ne3A_466 = vector.broadcast %ne3A_465 : i32 to vector<16xi32>
      %ne3A_467 = arith.cmpi ne, %broadcast_in_dim3A_464, %ne3A_466 : vector<16xi32>
      %broadcast_in_dim3A_468 = vector.broadcast %mul3A_463 : i32 to vector<16xi32>
      %ne3A_469 = arith.constant 0 : i32
      %ne3A_470 = vector.broadcast %ne3A_469 : i32 to vector<16xi32>
      %ne3A_471 = arith.cmpi ne, %broadcast_in_dim3A_468, %ne3A_470 : vector<16xi32>
      %broadcast_in_dim3A_472 = arith.constant -3.40282347E+38 : f32
      %broadcast_in_dim3A_473 = vector.broadcast %broadcast_in_dim3A_472 : f32 to vector<16xf32>
      %select_n3A_474 = arith.select %ne3A_467, %get3A_424, %get3A_434 : vector<16xi1>, vector<16xf32>
      %select_n3A_475 = arith.select %ne3A_471, %broadcast_in_dim3A_473, %select_n3A_474 : vector<16xi1>, vector<16xf32>
      %select_n3A_476 = arith.select %ne3A_467, %get3A_429, %get3A_439 : vector<16xi1>, vector<16xi32>
      %add3A_477 = arith.addi %scan3A_387, %mul3A_458 : i32
      %sub3A_478 = arith.constant 1 : i32
      %sub3A_479 = arith.subi %sub3A_478, %mul3A_458 : i32
      %add3A_480 = arith.addi %scan3A_388, %sub3A_479 : i32
      %scan3A_481 = arith.constant 1 : i32
      %rev3A_482 = arith.constant 15 : i32
      %rev3A_483 = vector.broadcast %rev3A_482 : i32 to vector<16xi32>
      %rev3A_484 = tpu.iota {dimensions = array<i32: 0>} : vector<16xi32>
      %rev3A_485 = arith.subi %rev3A_483, %rev3A_484 : vector<16xi32>
      %rev3A_486 = tpu.dynamic_gather %select_n3A_475[%rev3A_485] in [0] : vector<16xf32>, vector<16xi32> -> vector<16xf32>
      %rev3A_487 = arith.constant 15 : i32
      %rev3A_488 = vector.broadcast %rev3A_487 : i32 to vector<16xi32>
      %rev3A_489 = tpu.iota {dimensions = array<i32: 0>} : vector<16xi32>
      %rev3A_490 = arith.subi %rev3A_488, %rev3A_489 : vector<16xi32>
      %rev3A_491 = tpu.dynamic_gather %select_n3A_476[%rev3A_490] in [0] : vector<16xi32>, vector<16xi32> -> vector<16xi32>
      %ge3A_492 = arith.cmpf oge, %masked_sort3A_408, %rev3A_486 : vector<16xf32>
      %select_n3A_493 = arith.select %ge3A_492, %masked_sort3A_408, %rev3A_486 : vector<16xi1>, vector<16xf32>
      %select_n3A_494 = arith.select %ge3A_492, %masked_sort3A_409, %rev3A_491 : vector<16xi1>, vector<16xi32>
      %select_n3A_495 = arith.select %ge3A_492, %rev3A_486, %masked_sort3A_408 : vector<16xi1>, vector<16xf32>
      %select_n3A_496 = arith.select %ge3A_492, %rev3A_491, %masked_sort3A_409 : vector<16xi1>, vector<16xi32>
      %masked_sort3A_497 = arith.constant dense<true> : vector<16xi1>
      %masked_sort3A_498, %masked_sort3A_499, %masked_sort3A_500 = tpu.sort %select_n3A_493, %select_n3A_494 masked %masked_sort3A_497 {descending = true} : (vector<16xf32>, vector<16xi32>, vector<16xi1>) -> (vector<16xi1>, vector<16xf32>, vector<16xi32>)
      %masked_sort3A_501 = arith.constant dense<true> : vector<16xi1>
      %masked_sort3A_502, %masked_sort3A_503, %masked_sort3A_504 = tpu.sort %select_n3A_495, %select_n3A_496 masked %masked_sort3A_501 {descending = true} : (vector<16xf32>, vector<16xi32>, vector<16xi1>) -> (vector<16xi1>, vector<16xf32>, vector<16xi32>)
      %add3A_505 = arith.constant 16 : i32
      %add3A_506 = arith.addi %mul3A_377, %add3A_505 : i32
      %swap3A_507 = arith.index_cast %add3A_506 : i32 to index
      %swap3A_508 = tpu.vector_load %arg8[%swap3A_507] {strides = array<i32>} : memref<1040xf32, #tpu.memory_space<vmem>>, vector<16xf32>,
      tpu.vector_store %arg8[%swap3A_507], %masked_sort3A_499 {strides = array<i32>} : memref<1040xf32, #tpu.memory_space<vmem>>, vector<16xf32>,
      %add3A_509 = arith.constant 16 : i32
      %add3A_510 = arith.addi %mul3A_377, %add3A_509 : i32
      %swap3A_511 = arith.index_cast %add3A_510 : i32 to index
      %swap3A_512 = tpu.vector_load %arg9[%swap3A_511] {strides = array<i32>} : memref<1040xi32, #tpu.memory_space<vmem>>, vector<16xi32>,
      tpu.vector_store %arg9[%swap3A_511], %masked_sort3A_500 {strides = array<i32>} : memref<1040xi32, #tpu.memory_space<vmem>>, vector<16xi32>,
    }
    %while3A_171 = arith.constant 1 : i32
    scf.for %while3A_375 = %while3A_169 to %while3A_165 step %while3A_171  : i32 {
      %mul3A_376 = arith.constant 32 : i32
      %mul3A_377 = arith.muli %while3A_375, %mul3A_376 : i32
      %add3A_378 = arith.constant 16 : i32
      %add3A_379 = arith.addi %mul3A_377, %add3A_378 : i32
      %get3A = arith.index_cast %mul3A_377 : i32 to index
      %get3A_380 = tpu.vector_load %arg6[%get3A] {strides = array<i32>} : memref<1040xf32, #tpu.memory_space<vmem>>, vector<16xf32>,
      %get3A_381 = arith.index_cast %mul3A_377 : i32 to index
      %get3A_382 = tpu.vector_load %arg7[%get3A_381] {strides = array<i32>} : memref<1040xi32, #tpu.memory_space<vmem>>, vector<16xi32>,
      %get3A_383 = arith.index_cast %add3A_379 : i32 to index
      %get3A_384 = tpu.vector_load %arg6[%get3A_383] {strides = array<i32>} : memref<1040xf32, #tpu.memory_space<vmem>>, vector<16xf32>,
      %get3A_385 = arith.index_cast %add3A_379 : i32 to index
      %get3A_386 = tpu.vector_load %arg7[%get3A_385] {strides = array<i32>} : memref<1040xi32, #tpu.memory_space<vmem>>, vector<16xi32>,
      %scan3A_387 = arith.constant 1 : i32
      %scan3A_388 = arith.constant 1 : i32
      %scan3A_389 = arith.constant 0 : i32
      %rev3A = arith.constant 15 : i32
      %rev3A_390 = vector.broadcast %rev3A : i32 to vector<16xi32>
      %rev3A_391 = tpu.iota {dimensions = array<i32: 0>} : vector<16xi32>
      %rev3A_392 = arith.subi %rev3A_390, %rev3A_391 : vector<16xi32>
      %rev3A_393 = tpu.dynamic_gather %get3A_384[%rev3A_392] in [0] : vector<16xf32>, vector<16xi32> -> vector<16xf32>
      %rev3A_394 = arith.constant 15 : i32
      %rev3A_395 = vector.broadcast %rev3A_394 : i32 to vector<16xi32>
      %rev3A_396 = tpu.iota {dimensions = array<i32: 0>} : vector<16xi32>
      %rev3A_397 = arith.subi %rev3A_395, %rev3A_396 : vector<16xi32>
      %rev3A_398 = tpu.dynamic_gather %get3A_386[%rev3A_397] in [0] : vector<16xi32>, vector<16xi32> -> vector<16xi32>
      %ge3A = arith.cmpf oge, %get3A_380, %rev3A_393 : vector<16xf32>
      %select_n3A_399 = arith.select %ge3A, %get3A_380, %rev3A_393 : vector<16xi1>, vector<16xf32>
      %select_n3A_400 = arith.select %ge3A, %get3A_382, %rev3A_398 : vector<16xi1>, vector<16xi32>
      %select_n3A_401 = arith.select %ge3A, %rev3A_393, %get3A_380 : vector<16xi1>, vector<16xf32>
      %select_n3A_402 = arith.select %ge3A, %rev3A_398, %get3A_382 : vector<16xi1>, vector<16xi32>
      %masked_sort3A = arith.constant dense<true> : vector<16xi1>
      %masked_sort3A_403, %masked_sort3A_404, %masked_sort3A_405 = tpu.sort %select_n3A_399, %select_n3A_400 masked %masked_sort3A {descending = true} : (vector<16xf32>, vector<16xi32>, vector<16xi1>) -> (vector<16xi1>, vector<16xf32>, vector<16xi32>)
      %masked_sort3A_406 = arith.constant dense<true> : vector<16xi1>
      %masked_sort3A_407, %masked_sort3A_408, %masked_sort3A_409 = tpu.sort %select_n3A_401, %select_n3A_402 masked %masked_sort3A_406 {descending = true} : (vector<16xf32>, vector<16xi32>, vector<16xi1>) -> (vector<16xi1>, vector<16xf32>, vector<16xi32>)
      %mul3A_410 = arith.constant 16 : i32
      %mul3A_411 = arith.muli %scan3A_389, %mul3A_410 : i32
      %add3A_412 = arith.addi %mul3A_377, %mul3A_411 : i32
      %swap3A_413 = arith.index_cast %add3A_412 : i32 to index
      %swap3A_414 = tpu.vector_load %arg8[%swap3A_413] {strides = array<i32>} : memref<1040xf32, #tpu.memory_space<vmem>>, vector<16xf32>,
      tpu.vector_store %arg8[%swap3A_413], %masked_sort3A_404 {strides = array<i32>} : memref<1040xf32, #tpu.memory_space<vmem>>, vector<16xf32>,
      %mul3A_415 = arith.constant 16 : i32
      %mul3A_416 = arith.muli %scan3A_389, %mul3A_415 : i32
      %add3A_417 = arith.addi %mul3A_377, %mul3A_416 : i32
      %swap3A_418 = arith.index_cast %add3A_417 : i32 to index
      %swap3A_419 = tpu.vector_load %arg9[%swap3A_418] {strides = array<i32>} : memref<1040xi32, #tpu.memory_space<vmem>>, vector<16xi32>,
      tpu.vector_store %arg9[%swap3A_418], %masked_sort3A_405 {strides = array<i32>} : memref<1040xi32, #tpu.memory_space<vmem>>, vector<16xi32>,
      %mul3A_420 = arith.constant 16 : i32
      %mul3A_421 = arith.muli %scan3A_387, %mul3A_420 : i32
      %add3A_422 = arith.addi %mul3A_377, %mul3A_421 : i32
      %get3A_423 = arith.index_cast %add3A_422 : i32 to index
      %get3A_424 = tpu.vector_load %arg6[%get3A_423] {strides = array<i32>} : memref<1040xf32, #tpu.memory_space<vmem>>, vector<16xf32>,
      %mul3A_425 = arith.constant 16 : i32
      %mul3A_426 = arith.muli %scan3A_387, %mul3A_425 : i32
      %add3A_427 = arith.addi %mul3A_377, %mul3A_426 : i32
      %get3A_428 = arith.index_cast %add3A_427 : i32 to index
      %get3A_429 = tpu.vector_load %arg7[%get3A_428] {strides = array<i32>} : memref<1040xi32, #tpu.memory_space<vmem>>, vector<16xi32>,
      %mul3A_430 = arith.constant 16 : i32
      %mul3A_431 = arith.muli %scan3A_388, %mul3A_430 : i32
      %add3A_432 = arith.addi %add3A_379, %mul3A_431 : i32
      %get3A_433 = arith.index_cast %add3A_432 : i32 to index
      %get3A_434 = tpu.vector_load %arg6[%get3A_433] {strides = array<i32>} : memref<1040xf32, #tpu.memory_space<vmem>>, vector<16xf32>,
      %mul3A_435 = arith.constant 16 : i32
      %mul3A_436 = arith.muli %scan3A_388, %mul3A_435 : i32
      %add3A_437 = arith.addi %add3A_379, %mul3A_436 : i32
      %get3A_438 = arith.index_cast %add3A_437 : i32 to index
      %get3A_439 = tpu.vector_load %arg7[%get3A_438] {strides = array<i32>} : memref<1040xi32, #tpu.memory_space<vmem>>, vector<16xi32>,
      %slice3A = vector.extract_strided_slice %get3A_424 {offsets = [0], sizes = [1], strides = [1]} : vector<16xf32> to vector<1xf32>
      %squeeze3A = vector.extract %slice3A[0] : f32 from vector<1xf32>
      %slice3A_440 = vector.extract_strided_slice %get3A_434 {offsets = [0], sizes = [1], strides = [1]} : vector<16xf32> to vector<1xf32>
      %squeeze3A_441 = vector.extract %slice3A_440[0] : f32 from vector<1xf32>
      %lt3A_442 = arith.constant 1 : i32
      %lt3A_443 = arith.cmpi slt, %scan3A_387, %lt3A_442 : i32
      %jit3A_444 = arith.constant 1 : i32
      %jit3A_445 = arith.constant 0 : i32
      %select_n3A_446 = arith.select %lt3A_443, %jit3A_444, %jit3A_445 : i32
      %lt3A_447 = arith.constant 1 : i32
      %lt3A_448 = arith.cmpi slt, %scan3A_388, %lt3A_447 : i32
      %jit3A_449 = arith.constant 1 : i32
      %jit3A_450 = arith.constant 0 : i32
      %select_n3A_451 = arith.select %lt3A_448, %jit3A_449, %jit3A_450 : i32
      %sub3A_452 = arith.constant 1 : i32
      %sub3A_453 = arith.subi %sub3A_452, %select_n3A_451 : i32
      %ge3A_454 = arith.cmpf oge, %squeeze3A, %squeeze3A_441 : f32
      %jit3A_455 = arith.constant 1 : i32
      %jit3A_456 = arith.constant 0 : i32
      %select_n3A_457 = arith.select %ge3A_454, %jit3A_455, %jit3A_456 : i32
      %max3A = arith.maxsi %sub3A_453, %select_n3A_457 : i32
      %mul3A_458 = arith.muli %select_n3A_446, %max3A : i32
      %sub3A_459 = arith.constant 1 : i32
      %sub3A_460 = arith.subi %sub3A_459, %select_n3A_446 : i32
      %sub3A_461 = arith.constant 1 : i32
      %sub3A_462 = arith.subi %sub3A_461, %select_n3A_451 : i32
      %mul3A_463 = arith.muli %sub3A_460, %sub3A_462 : i32
      %broadcast_in_dim3A_464 = vector.broadcast %mul3A_458 : i32 to vector<16xi32>
      %ne3A_465 = arith.constant 0 : i32
      %ne3A_466 = vector.broadcast %ne3A_465 : i32 to vector<16xi32>
      %ne3A_467 = arith.cmpi ne, %broadcast_in_dim3A_464, %ne3A_466 : vector<16xi32>
      %broadcast_in_dim3A_468 = vector.broadcast %mul3A_463 : i32 to vector<16xi32>
      %ne3A_469 = arith.constant 0 : i32
      %ne3A_470 = vector.broadcast %ne3A_469 : i32 to vector<16xi32>
      %ne3A_471 = arith.cmpi ne, %broadcast_in_dim3A_468, %ne3A_470 : vector<16xi32>
      %broadcast_in_dim3A_472 = arith.constant -3.40282347E+38 : f32
      %broadcast_in_dim3A_473 = vector.broadcast %broadcast_in_dim3A_472 : f32 to vector<16xf32>
      %select_n3A_474 = arith.select %ne3A_467, %get3A_424, %get3A_434 : vector<16xi1>, vector<16xf32>
      %select_n3A_475 = arith.select %ne3A_471, %broadcast_in_dim3A_473, %select_n3A_474 : vector<16xi1>, vector<16xf32>
      %select_n3A_476 = arith.select %ne3A_467, %get3A_429, %get3A_439 : vector<16xi1>, vector<16xi32>
      %add3A_477 = arith.addi %scan3A_387, %mul3A_458 : i32
      %sub3A_478 = arith.constant 1 : i32
      %sub3A_479 = arith.subi %sub3A_478, %mul3A_458 : i32
      %add3A_480 = arith.addi %scan3A_388, %sub3A_479 : i32
      %scan3A_481 = arith.constant 1 : i32
      %rev3A_482 = arith.constant 15 : i32
      %rev3A_483 = vector.broadcast %rev3A_482 : i32 to vector<16xi32>
      %rev3A_484 = tpu.iota {dimensions = array<i32: 0>} : vector<16xi32>
      %rev3A_485 = arith.subi %rev3A_483, %rev3A_484 : vector<16xi32>
      %rev3A_486 = tpu.dynamic_gather %select_n3A_475[%rev3A_485] in [0] : vector<16xf32>, vector<16xi32> -> vector<16xf32>
      %rev3A_487 = arith.constant 15 : i32
      %rev3A_488 = vector.broadcast %rev3A_487 : i32 to vector<16xi32>
      %rev3A_489 = tpu.iota {dimensions = array<i32: 0>} : vector<16xi32>
      %rev3A_490 = arith.subi %rev3A_488, %rev3A_489 : vector<16xi32>
      %rev3A_491 = tpu.dynamic_gather %select_n3A_476[%rev3A_490] in [0] : vector<16xi32>, vector<16xi32> -> vector<16xi32>
      %ge3A_492 = arith.cmpf oge, %masked_sort3A_408, %rev3A_486 : vector<16xf32>
      %select_n3A_493 = arith.select %ge3A_492, %masked_sort3A_408, %rev3A_486 : vector<16xi1>, vector<16xf32>
      %select_n3A_494 = arith.select %ge3A_492, %masked_sort3A_409, %rev3A_491 : vector<16xi1>, vector<16xi32>
      %select_n3A_495 = arith.select %ge3A_492, %rev3A_486, %masked_sort3A_408 : vector<16xi1>, vector<16xf32>
      %select_n3A_496 = arith.select %ge3A_492, %rev3A_491, %masked_sort3A_409 : vector<16xi1>, vector<16xi32>
      %masked_sort3A_497 = arith.constant dense<true> : vector<16xi1>
      %masked_sort3A_498, %masked_sort3A_499, %masked_sort3A_500 = tpu.sort %select_n3A_493, %select_n3A_494 masked %masked_sort3A_497 {descending = true} : (vector<16xf32>, vector<16xi32>, vector<16xi1>) -> (vector<16xi1>, vector<16xf32>, vector<16xi32>)
      %masked_sort3A_501 = arith.constant dense<true> : vector<16xi1>
      %masked_sort3A_502, %masked_sort3A_503, %masked_sort3A_504 = tpu.sort %select_n3A_495, %select_n3A_496 masked %masked_sort3A_501 {descending = true} : (vector<16xf32>, vector<16xi32>, vector<16xi1>) -> (vector<16xi1>, vector<16xf32>, vector<16xi32>)
      %add3A_505 = arith.constant 16 : i32
      %add3A_506 = arith.addi %mul3A_377, %add3A_505 : i32
      %swap3A_507 = arith.index_cast %add3A_506 : i32 to index
      %swap3A_508 = tpu.vector_load %arg8[%swap3A_507] {strides = array<i32>} : memref<1040xf32, #tpu.memory_space<vmem>>, vector<16xf32>,
      tpu.vector_store %arg8[%swap3A_507], %masked_sort3A_499 {strides = array<i32>} : memref<1040xf32, #tpu.memory_space<vmem>>, vector<16xf32>,
      %add3A_509 = arith.constant 16 : i32
      %add3A_510 = arith.addi %mul3A_377, %add3A_509 : i32
      %swap3A_511 = arith.index_cast %add3A_510 : i32 to index
      %swap3A_512 = tpu.vector_load %arg9[%swap3A_511] {strides = array<i32>} : memref<1040xi32, #tpu.memory_space<vmem>>, vector<16xi32>,
      tpu.vector_store %arg9[%swap3A_511], %masked_sort3A_500 {strides = array<i32>} : memref<1040xi32, #tpu.memory_space<vmem>>, vector<16xi32>,
    }
    %add3A_172 = arith.constant 64 : i32
    %add3A_173 = arith.addi %min3A_94, %add3A_172 : i32
    %sub3A_174 = arith.constant 1 : i32
    %sub3A_175 = arith.subi %add3A_173, %sub3A_174 : i32
    %jit3A_176 = arith.constant 64 : i32
    %div3A_177 = arith.divsi %sub3A_175, %jit3A_176 : i32
    %sign3A_178 = arith.constant 0 : i32
    %sign3A_179 = arith.cmpi sgt, %sub3A_175, %sign3A_178 : i32
    %sign3A_180 = arith.extui %sign3A_179 : i1 to i32
    %sign3A_181 = arith.constant 0 : i32
    %sign3A_182 = arith.cmpi slt, %sub3A_175, %sign3A_181 : i32
    %sign3A_183 = arith.extui %sign3A_182 : i1 to i32
    %sign3A_184 = arith.subi %sign3A_180, %sign3A_183 : i32
    %sign3A_185 = arith.constant 0 : i32
    %sign3A_186 = arith.cmpi sgt, %jit3A_176, %sign3A_185 : i32
    %sign3A_187 = arith.extui %sign3A_186 : i1 to i32
    %sign3A_188 = arith.constant 0 : i32
    %sign3A_189 = arith.cmpi slt, %jit3A_176, %sign3A_188 : i32
    %sign3A_190 = arith.extui %sign3A_189 : i1 to i32
    %sign3A_191 = arith.subi %sign3A_187, %sign3A_190 : i32
    %ne3A_192 = arith.cmpi ne, %sign3A_184, %sign3A_191 : i32
    %rem3A_193 = arith.remsi %sub3A_175, %jit3A_176 : i32
    %ne3A_194 = arith.constant 0 : i32
    %ne3A_195 = arith.cmpi ne, %rem3A_193, %ne3A_194 : i32
    %and3A_196 = arith.andi %ne3A_192, %ne3A_195 : i1
    %sub3A_197 = arith.constant 1 : i32
    %sub3A_198 = arith.subi %div3A_177, %sub3A_197 : i32
    %select_n3A_199 = arith.select %and3A_196, %sub3A_198, %div3A_177 : i32
    %min3A_200 = arith.constant 16 : i32
    %min3A_201 = arith.minsi %select_n3A_199, %min3A_200 : i32
    %while3A_202 = arith.constant 0 : i32
    %while3A_203 = arith.constant 0 : i32
    %while3A_204 = arith.subi %min3A_201, %while3A_203 : i32
    %while3A_205 = arith.addi %while3A_203, %while3A_204 : i32
    %while3A_206 = arith.constant 1 : i32
    %while3A_207 = arith.divsi %while3A_204, %while3A_206 : i32
    %while3A_208 = arith.muli %while3A_207, %while3A_206 : i32
    %while3A_209 = arith.addi %while3A_203, %while3A_208 : i32
    %while3A_210 = arith.constant 1 : i32
    scf.for %while3A_375 = %while3A_203 to %while3A_209 step %while3A_210  : i32 {
      %mul3A_376 = arith.constant 64 : i32
      %mul3A_377 = arith.muli %while3A_375, %mul3A_376 : i32
      %add3A_378 = arith.constant 32 : i32
      %add3A_379 = arith.addi %mul3A_377, %add3A_378 : i32
      %get3A = arith.index_cast %mul3A_377 : i32 to index
      %get3A_380 = tpu.vector_load %arg8[%get3A] {strides = array<i32>} : memref<1040xf32, #tpu.memory_space<vmem>>, vector<16xf32>,
      %get3A_381 = arith.index_cast %mul3A_377 : i32 to index
      %get3A_382 = tpu.vector_load %arg9[%get3A_381] {strides = array<i32>} : memref<1040xi32, #tpu.memory_space<vmem>>, vector<16xi32>,
      %get3A_383 = arith.index_cast %add3A_379 : i32 to index
      %get3A_384 = tpu.vector_load %arg8[%get3A_383] {strides = array<i32>} : memref<1040xf32, #tpu.memory_space<vmem>>, vector<16xf32>,
      %get3A_385 = arith.index_cast %add3A_379 : i32 to index
      %get3A_386 = tpu.vector_load %arg9[%get3A_385] {strides = array<i32>} : memref<1040xi32, #tpu.memory_space<vmem>>, vector<16xi32>,
      %scan3A_387 = arith.constant 1 : i32
      %scan3A_388 = arith.constant 1 : i32
      %scan3A_389 = arith.constant 0 : i32
      %scan3A_390 = arith.constant 3 : i32
      %scan3A_391 = arith.addi %scan3A_389, %scan3A_390 : i32
      %scan3A_392 = arith.constant 1 : i32
      %scan3A_393:6 = scf.for %scan3A_423 = %scan3A_389 to %scan3A_391 step %scan3A_392 iter_args(%scan3A_424 = %get3A_380, %scan3A_425 = %get3A_382, %scan3A_426 = %get3A_384, %scan3A_427 = %get3A_386, %scan3A_428 = %scan3A_387, %scan3A_429 = %scan3A_388) -> (vector<16xf32>, vector<16xi32>, vector<16xf32>, vector<16xi32>, i32, i32)  : i32 {
        %rev3A_430 = arith.constant 15 : i32
        %rev3A_431 = vector.broadcast %rev3A_430 : i32 to vector<16xi32>
        %rev3A_432 = tpu.iota {dimensions = array<i32: 0>} : vector<16xi32>
        %rev3A_433 = arith.subi %rev3A_431, %rev3A_432 : vector<16xi32>
        %rev3A_434 = tpu.dynamic_gather %scan3A_426[%rev3A_433] in [0] : vector<16xf32>, vector<16xi32> -> vector<16xf32>
        %rev3A_435 = arith.constant 15 : i32
        %rev3A_436 = vector.broadcast %rev3A_435 : i32 to vector<16xi32>
        %rev3A_437 = tpu.iota {dimensions = array<i32: 0>} : vector<16xi32>
        %rev3A_438 = arith.subi %rev3A_436, %rev3A_437 : vector<16xi32>
        %rev3A_439 = tpu.dynamic_gather %scan3A_427[%rev3A_438] in [0] : vector<16xi32>, vector<16xi32> -> vector<16xi32>
        %ge3A_440 = arith.cmpf oge, %scan3A_424, %rev3A_434 : vector<16xf32>
        %select_n3A_441 = arith.select %ge3A_440, %scan3A_424, %rev3A_434 : vector<16xi1>, vector<16xf32>
        %select_n3A_442 = arith.select %ge3A_440, %scan3A_425, %rev3A_439 : vector<16xi1>, vector<16xi32>
        %select_n3A_443 = arith.select %ge3A_440, %rev3A_434, %scan3A_424 : vector<16xi1>, vector<16xf32>
        %select_n3A_444 = arith.select %ge3A_440, %rev3A_439, %scan3A_425 : vector<16xi1>, vector<16xi32>
        %masked_sort3A_445 = arith.constant dense<true> : vector<16xi1>
        %masked_sort3A_446, %masked_sort3A_447, %masked_sort3A_448 = tpu.sort %select_n3A_441, %select_n3A_442 masked %masked_sort3A_445 {descending = true} : (vector<16xf32>, vector<16xi32>, vector<16xi1>) -> (vector<16xi1>, vector<16xf32>, vector<16xi32>)
        %masked_sort3A_449 = arith.constant dense<true> : vector<16xi1>
        %masked_sort3A_450, %masked_sort3A_451, %masked_sort3A_452 = tpu.sort %select_n3A_443, %select_n3A_444 masked %masked_sort3A_449 {descending = true} : (vector<16xf32>, vector<16xi32>, vector<16xi1>) -> (vector<16xi1>, vector<16xf32>, vector<16xi32>)
        %mul3A_453 = arith.constant 16 : i32
        %mul3A_454 = arith.muli %scan3A_423, %mul3A_453 : i32
        %add3A_455 = arith.addi %mul3A_377, %mul3A_454 : i32
        %swap3A_456 = arith.index_cast %add3A_455 : i32 to index
        %swap3A_457 = tpu.vector_load %arg6[%swap3A_456] {strides = array<i32>} : memref<1040xf32, #tpu.memory_space<vmem>>, vector<16xf32>,
        tpu.vector_store %arg6[%swap3A_456], %masked_sort3A_447 {strides = array<i32>} : memref<1040xf32, #tpu.memory_space<vmem>>, vector<16xf32>,
        %mul3A_458 = arith.constant 16 : i32
        %mul3A_459 = arith.muli %scan3A_423, %mul3A_458 : i32
        %add3A_460 = arith.addi %mul3A_377, %mul3A_459 : i32
        %swap3A_461 = arith.index_cast %add3A_460 : i32 to index
        %swap3A_462 = tpu.vector_load %arg7[%swap3A_461] {strides = array<i32>} : memref<1040xi32, #tpu.memory_space<vmem>>, vector<16xi32>,
        tpu.vector_store %arg7[%swap3A_461], %masked_sort3A_448 {strides = array<i32>} : memref<1040xi32, #tpu.memory_space<vmem>>, vector<16xi32>,
        %mul3A_463 = arith.constant 16 : i32
        %mul3A_464 = arith.muli %scan3A_428, %mul3A_463 : i32
        %add3A_465 = arith.addi %mul3A_377, %mul3A_464 : i32
        %get3A_466 = arith.index_cast %add3A_465 : i32 to index
        %get3A_467 = tpu.vector_load %arg8[%get3A_466] {strides = array<i32>} : memref<1040xf32, #tpu.memory_space<vmem>>, vector<16xf32>,
        %mul3A_468 = arith.constant 16 : i32
        %mul3A_469 = arith.muli %scan3A_428, %mul3A_468 : i32
        %add3A_470 = arith.addi %mul3A_377, %mul3A_469 : i32
        %get3A_471 = arith.index_cast %add3A_470 : i32 to index
        %get3A_472 = tpu.vector_load %arg9[%get3A_471] {strides = array<i32>} : memref<1040xi32, #tpu.memory_space<vmem>>, vector<16xi32>,
        %mul3A_473 = arith.constant 16 : i32
        %mul3A_474 = arith.muli %scan3A_429, %mul3A_473 : i32
        %add3A_475 = arith.addi %add3A_379, %mul3A_474 : i32
        %get3A_476 = arith.index_cast %add3A_475 : i32 to index
        %get3A_477 = tpu.vector_load %arg8[%get3A_476] {strides = array<i32>} : memref<1040xf32, #tpu.memory_space<vmem>>, vector<16xf32>,
        %mul3A_478 = arith.constant 16 : i32
        %mul3A_479 = arith.muli %scan3A_429, %mul3A_478 : i32
        %add3A_480 = arith.addi %add3A_379, %mul3A_479 : i32
        %get3A_481 = arith.index_cast %add3A_480 : i32 to index
        %get3A_482 = tpu.vector_load %arg9[%get3A_481] {strides = array<i32>} : memref<1040xi32, #tpu.memory_space<vmem>>, vector<16xi32>,
        %slice3A = vector.extract_strided_slice %get3A_467 {offsets = [0], sizes = [1], strides = [1]} : vector<16xf32> to vector<1xf32>
        %squeeze3A = vector.extract %slice3A[0] : f32 from vector<1xf32>
        %slice3A_483 = vector.extract_strided_slice %get3A_477 {offsets = [0], sizes = [1], strides = [1]} : vector<16xf32> to vector<1xf32>
        %squeeze3A_484 = vector.extract %slice3A_483[0] : f32 from vector<1xf32>
        %lt3A_485 = arith.constant 2 : i32
        %lt3A_486 = arith.cmpi slt, %scan3A_428, %lt3A_485 : i32
        %jit3A_487 = arith.constant 1 : i32
        %jit3A_488 = arith.constant 0 : i32
        %select_n3A_489 = arith.select %lt3A_486, %jit3A_487, %jit3A_488 : i32
        %lt3A_490 = arith.constant 2 : i32
        %lt3A_491 = arith.cmpi slt, %scan3A_429, %lt3A_490 : i32
        %jit3A_492 = arith.constant 1 : i32
        %jit3A_493 = arith.constant 0 : i32
        %select_n3A_494 = arith.select %lt3A_491, %jit3A_492, %jit3A_493 : i32
        %sub3A_495 = arith.constant 1 : i32
        %sub3A_496 = arith.subi %sub3A_495, %select_n3A_494 : i32
        %ge3A_497 = arith.cmpf oge, %squeeze3A, %squeeze3A_484 : f32
        %jit3A_498 = arith.constant 1 : i32
        %jit3A_499 = arith.constant 0 : i32
        %select_n3A_500 = arith.select %ge3A_497, %jit3A_498, %jit3A_499 : i32
        %max3A = arith.maxsi %sub3A_496, %select_n3A_500 : i32
        %mul3A_501 = arith.muli %select_n3A_489, %max3A : i32
        %sub3A_502 = arith.constant 1 : i32
        %sub3A_503 = arith.subi %sub3A_502, %select_n3A_489 : i32
        %sub3A_504 = arith.constant 1 : i32
        %sub3A_505 = arith.subi %sub3A_504, %select_n3A_494 : i32
        %mul3A_506 = arith.muli %sub3A_503, %sub3A_505 : i32
        %broadcast_in_dim3A_507 = vector.broadcast %mul3A_501 : i32 to vector<16xi32>
        %ne3A_508 = arith.constant 0 : i32
        %ne3A_509 = vector.broadcast %ne3A_508 : i32 to vector<16xi32>
        %ne3A_510 = arith.cmpi ne, %broadcast_in_dim3A_507, %ne3A_509 : vector<16xi32>
        %broadcast_in_dim3A_511 = vector.broadcast %mul3A_506 : i32 to vector<16xi32>
        %ne3A_512 = arith.constant 0 : i32
        %ne3A_513 = vector.broadcast %ne3A_512 : i32 to vector<16xi32>
        %ne3A_514 = arith.cmpi ne, %broadcast_in_dim3A_511, %ne3A_513 : vector<16xi32>
        %broadcast_in_dim3A_515 = arith.constant -3.40282347E+38 : f32
        %broadcast_in_dim3A_516 = vector.broadcast %broadcast_in_dim3A_515 : f32 to vector<16xf32>
        %select_n3A_517 = arith.select %ne3A_510, %get3A_467, %get3A_477 : vector<16xi1>, vector<16xf32>
        %select_n3A_518 = arith.select %ne3A_514, %broadcast_in_dim3A_516, %select_n3A_517 : vector<16xi1>, vector<16xf32>
        %select_n3A_519 = arith.select %ne3A_510, %get3A_472, %get3A_482 : vector<16xi1>, vector<16xi32>
        %add3A_520 = arith.addi %scan3A_428, %mul3A_501 : i32
        %sub3A_521 = arith.constant 1 : i32
        %sub3A_522 = arith.subi %sub3A_521, %mul3A_501 : i32
        %add3A_523 = arith.addi %scan3A_429, %sub3A_522 : i32
        scf.yield %masked_sort3A_451, %masked_sort3A_452, %select_n3A_518, %select_n3A_519, %add3A_520, %add3A_523 : vector<16xf32>, vector<16xi32>, vector<16xf32>, vector<16xi32>, i32, i32
      }
      %scan3A_394 = arith.constant 3 : i32
      %rev3A = arith.constant 15 : i32
      %rev3A_395 = vector.broadcast %rev3A : i32 to vector<16xi32>
      %rev3A_396 = tpu.iota {dimensions = array<i32: 0>} : vector<16xi32>
      %rev3A_397 = arith.subi %rev3A_395, %rev3A_396 : vector<16xi32>
      %rev3A_398 = tpu.dynamic_gather %scan3A_393#2[%rev3A_397] in [0] : vector<16xf32>, vector<16xi32> -> vector<16xf32>
      %rev3A_399 = arith.constant 15 : i32
      %rev3A_400 = vector.broadcast %rev3A_399 : i32 to vector<16xi32>
      %rev3A_401 = tpu.iota {dimensions = array<i32: 0>} : vector<16xi32>
      %rev3A_402 = arith.subi %rev3A_400, %rev3A_401 : vector<16xi32>
      %rev3A_403 = tpu.dynamic_gather %scan3A_393#3[%rev3A_402] in [0] : vector<16xi32>, vector<16xi32> -> vector<16xi32>
      %ge3A = arith.cmpf oge, %scan3A_393#0, %rev3A_398 : vector<16xf32>
      %select_n3A_404 = arith.select %ge3A, %scan3A_393#0, %rev3A_398 : vector<16xi1>, vector<16xf32>
      %select_n3A_405 = arith.select %ge3A, %scan3A_393#1, %rev3A_403 : vector<16xi1>, vector<16xi32>
      %select_n3A_406 = arith.select %ge3A, %rev3A_398, %scan3A_393#0 : vector<16xi1>, vector<16xf32>
      %select_n3A_407 = arith.select %ge3A, %rev3A_403, %scan3A_393#1 : vector<16xi1>, vector<16xi32>
      %masked_sort3A = arith.constant dense<true> : vector<16xi1>
      %masked_sort3A_408, %masked_sort3A_409, %masked_sort3A_410 = tpu.sort %select_n3A_404, %select_n3A_405 masked %masked_sort3A {descending = true} : (vector<16xf32>, vector<16xi32>, vector<16xi1>) -> (vector<16xi1>, vector<16xf32>, vector<16xi32>)
      %masked_sort3A_411 = arith.constant dense<true> : vector<16xi1>
      %masked_sort3A_412, %masked_sort3A_413, %masked_sort3A_414 = tpu.sort %select_n3A_406, %select_n3A_407 masked %masked_sort3A_411 {descending = true} : (vector<16xf32>, vector<16xi32>, vector<16xi1>) -> (vector<16xi1>, vector<16xf32>, vector<16xi32>)
      %add3A_415 = arith.constant 48 : i32
      %add3A_416 = arith.addi %mul3A_377, %add3A_415 : i32
      %swap3A_417 = arith.index_cast %add3A_416 : i32 to index
      %swap3A_418 = tpu.vector_load %arg6[%swap3A_417] {strides = array<i32>} : memref<1040xf32, #tpu.memory_space<vmem>>, vector<16xf32>,
      tpu.vector_store %arg6[%swap3A_417], %masked_sort3A_409 {strides = array<i32>} : memref<1040xf32, #tpu.memory_space<vmem>>, vector<16xf32>,
      %add3A_419 = arith.constant 48 : i32
      %add3A_420 = arith.addi %mul3A_377, %add3A_419 : i32
      %swap3A_421 = arith.index_cast %add3A_420 : i32 to index
      %swap3A_422 = tpu.vector_load %arg7[%swap3A_421] {strides = array<i32>} : memref<1040xi32, #tpu.memory_space<vmem>>, vector<16xi32>,
      tpu.vector_store %arg7[%swap3A_421], %masked_sort3A_410 {strides = array<i32>} : memref<1040xi32, #tpu.memory_space<vmem>>, vector<16xi32>,
    }
    %while3A_211 = arith.constant 1 : i32
    scf.for %while3A_375 = %while3A_209 to %while3A_205 step %while3A_211  : i32 {
      %mul3A_376 = arith.constant 64 : i32
      %mul3A_377 = arith.muli %while3A_375, %mul3A_376 : i32
      %add3A_378 = arith.constant 32 : i32
      %add3A_379 = arith.addi %mul3A_377, %add3A_378 : i32
      %get3A = arith.index_cast %mul3A_377 : i32 to index
      %get3A_380 = tpu.vector_load %arg8[%get3A] {strides = array<i32>} : memref<1040xf32, #tpu.memory_space<vmem>>, vector<16xf32>,
      %get3A_381 = arith.index_cast %mul3A_377 : i32 to index
      %get3A_382 = tpu.vector_load %arg9[%get3A_381] {strides = array<i32>} : memref<1040xi32, #tpu.memory_space<vmem>>, vector<16xi32>,
      %get3A_383 = arith.index_cast %add3A_379 : i32 to index
      %get3A_384 = tpu.vector_load %arg8[%get3A_383] {strides = array<i32>} : memref<1040xf32, #tpu.memory_space<vmem>>, vector<16xf32>,
      %get3A_385 = arith.index_cast %add3A_379 : i32 to index
      %get3A_386 = tpu.vector_load %arg9[%get3A_385] {strides = array<i32>} : memref<1040xi32, #tpu.memory_space<vmem>>, vector<16xi32>,
      %scan3A_387 = arith.constant 1 : i32
      %scan3A_388 = arith.constant 1 : i32
      %scan3A_389 = arith.constant 0 : i32
      %scan3A_390 = arith.constant 3 : i32
      %scan3A_391 = arith.addi %scan3A_389, %scan3A_390 : i32
      %scan3A_392 = arith.constant 1 : i32
      %scan3A_393:6 = scf.for %scan3A_423 = %scan3A_389 to %scan3A_391 step %scan3A_392 iter_args(%scan3A_424 = %get3A_380, %scan3A_425 = %get3A_382, %scan3A_426 = %get3A_384, %scan3A_427 = %get3A_386, %scan3A_428 = %scan3A_387, %scan3A_429 = %scan3A_388) -> (vector<16xf32>, vector<16xi32>, vector<16xf32>, vector<16xi32>, i32, i32)  : i32 {
        %rev3A_430 = arith.constant 15 : i32
        %rev3A_431 = vector.broadcast %rev3A_430 : i32 to vector<16xi32>
        %rev3A_432 = tpu.iota {dimensions = array<i32: 0>} : vector<16xi32>
        %rev3A_433 = arith.subi %rev3A_431, %rev3A_432 : vector<16xi32>
        %rev3A_434 = tpu.dynamic_gather %scan3A_426[%rev3A_433] in [0] : vector<16xf32>, vector<16xi32> -> vector<16xf32>
        %rev3A_435 = arith.constant 15 : i32
        %rev3A_436 = vector.broadcast %rev3A_435 : i32 to vector<16xi32>
        %rev3A_437 = tpu.iota {dimensions = array<i32: 0>} : vector<16xi32>
        %rev3A_438 = arith.subi %rev3A_436, %rev3A_437 : vector<16xi32>
        %rev3A_439 = tpu.dynamic_gather %scan3A_427[%rev3A_438] in [0] : vector<16xi32>, vector<16xi32> -> vector<16xi32>
        %ge3A_440 = arith.cmpf oge, %scan3A_424, %rev3A_434 : vector<16xf32>
        %select_n3A_441 = arith.select %ge3A_440, %scan3A_424, %rev3A_434 : vector<16xi1>, vector<16xf32>
        %select_n3A_442 = arith.select %ge3A_440, %scan3A_425, %rev3A_439 : vector<16xi1>, vector<16xi32>
        %select_n3A_443 = arith.select %ge3A_440, %rev3A_434, %scan3A_424 : vector<16xi1>, vector<16xf32>
        %select_n3A_444 = arith.select %ge3A_440, %rev3A_439, %scan3A_425 : vector<16xi1>, vector<16xi32>
        %masked_sort3A_445 = arith.constant dense<true> : vector<16xi1>
        %masked_sort3A_446, %masked_sort3A_447, %masked_sort3A_448 = tpu.sort %select_n3A_441, %select_n3A_442 masked %masked_sort3A_445 {descending = true} : (vector<16xf32>, vector<16xi32>, vector<16xi1>) -> (vector<16xi1>, vector<16xf32>, vector<16xi32>)
        %masked_sort3A_449 = arith.constant dense<true> : vector<16xi1>
        %masked_sort3A_450, %masked_sort3A_451, %masked_sort3A_452 = tpu.sort %select_n3A_443, %select_n3A_444 masked %masked_sort3A_449 {descending = true} : (vector<16xf32>, vector<16xi32>, vector<16xi1>) -> (vector<16xi1>, vector<16xf32>, vector<16xi32>)
        %mul3A_453 = arith.constant 16 : i32
        %mul3A_454 = arith.muli %scan3A_423, %mul3A_453 : i32
        %add3A_455 = arith.addi %mul3A_377, %mul3A_454 : i32
        %swap3A_456 = arith.index_cast %add3A_455 : i32 to index
        %swap3A_457 = tpu.vector_load %arg6[%swap3A_456] {strides = array<i32>} : memref<1040xf32, #tpu.memory_space<vmem>>, vector<16xf32>,
        tpu.vector_store %arg6[%swap3A_456], %masked_sort3A_447 {strides = array<i32>} : memref<1040xf32, #tpu.memory_space<vmem>>, vector<16xf32>,
        %mul3A_458 = arith.constant 16 : i32
        %mul3A_459 = arith.muli %scan3A_423, %mul3A_458 : i32
        %add3A_460 = arith.addi %mul3A_377, %mul3A_459 : i32
        %swap3A_461 = arith.index_cast %add3A_460 : i32 to index
        %swap3A_462 = tpu.vector_load %arg7[%swap3A_461] {strides = array<i32>} : memref<1040xi32, #tpu.memory_space<vmem>>, vector<16xi32>,
        tpu.vector_store %arg7[%swap3A_461], %masked_sort3A_448 {strides = array<i32>} : memref<1040xi32, #tpu.memory_space<vmem>>, vector<16xi32>,
        %mul3A_463 = arith.constant 16 : i32
        %mul3A_464 = arith.muli %scan3A_428, %mul3A_463 : i32
        %add3A_465 = arith.addi %mul3A_377, %mul3A_464 : i32
        %get3A_466 = arith.index_cast %add3A_465 : i32 to index
        %get3A_467 = tpu.vector_load %arg8[%get3A_466] {strides = array<i32>} : memref<1040xf32, #tpu.memory_space<vmem>>, vector<16xf32>,
        %mul3A_468 = arith.constant 16 : i32
        %mul3A_469 = arith.muli %scan3A_428, %mul3A_468 : i32
        %add3A_470 = arith.addi %mul3A_377, %mul3A_469 : i32
        %get3A_471 = arith.index_cast %add3A_470 : i32 to index
        %get3A_472 = tpu.vector_load %arg9[%get3A_471] {strides = array<i32>} : memref<1040xi32, #tpu.memory_space<vmem>>, vector<16xi32>,
        %mul3A_473 = arith.constant 16 : i32
        %mul3A_474 = arith.muli %scan3A_429, %mul3A_473 : i32
        %add3A_475 = arith.addi %add3A_379, %mul3A_474 : i32
        %get3A_476 = arith.index_cast %add3A_475 : i32 to index
        %get3A_477 = tpu.vector_load %arg8[%get3A_476] {strides = array<i32>} : memref<1040xf32, #tpu.memory_space<vmem>>, vector<16xf32>,
        %mul3A_478 = arith.constant 16 : i32
        %mul3A_479 = arith.muli %scan3A_429, %mul3A_478 : i32
        %add3A_480 = arith.addi %add3A_379, %mul3A_479 : i32
        %get3A_481 = arith.index_cast %add3A_480 : i32 to index
        %get3A_482 = tpu.vector_load %arg9[%get3A_481] {strides = array<i32>} : memref<1040xi32, #tpu.memory_space<vmem>>, vector<16xi32>,
        %slice3A = vector.extract_strided_slice %get3A_467 {offsets = [0], sizes = [1], strides = [1]} : vector<16xf32> to vector<1xf32>
        %squeeze3A = vector.extract %slice3A[0] : f32 from vector<1xf32>
        %slice3A_483 = vector.extract_strided_slice %get3A_477 {offsets = [0], sizes = [1], strides = [1]} : vector<16xf32> to vector<1xf32>
        %squeeze3A_484 = vector.extract %slice3A_483[0] : f32 from vector<1xf32>
        %lt3A_485 = arith.constant 2 : i32
        %lt3A_486 = arith.cmpi slt, %scan3A_428, %lt3A_485 : i32
        %jit3A_487 = arith.constant 1 : i32
        %jit3A_488 = arith.constant 0 : i32
        %select_n3A_489 = arith.select %lt3A_486, %jit3A_487, %jit3A_488 : i32
        %lt3A_490 = arith.constant 2 : i32
        %lt3A_491 = arith.cmpi slt, %scan3A_429, %lt3A_490 : i32
        %jit3A_492 = arith.constant 1 : i32
        %jit3A_493 = arith.constant 0 : i32
        %select_n3A_494 = arith.select %lt3A_491, %jit3A_492, %jit3A_493 : i32
        %sub3A_495 = arith.constant 1 : i32
        %sub3A_496 = arith.subi %sub3A_495, %select_n3A_494 : i32
        %ge3A_497 = arith.cmpf oge, %squeeze3A, %squeeze3A_484 : f32
        %jit3A_498 = arith.constant 1 : i32
        %jit3A_499 = arith.constant 0 : i32
        %select_n3A_500 = arith.select %ge3A_497, %jit3A_498, %jit3A_499 : i32
        %max3A = arith.maxsi %sub3A_496, %select_n3A_500 : i32
        %mul3A_501 = arith.muli %select_n3A_489, %max3A : i32
        %sub3A_502 = arith.constant 1 : i32
        %sub3A_503 = arith.subi %sub3A_502, %select_n3A_489 : i32
        %sub3A_504 = arith.constant 1 : i32
        %sub3A_505 = arith.subi %sub3A_504, %select_n3A_494 : i32
        %mul3A_506 = arith.muli %sub3A_503, %sub3A_505 : i32
        %broadcast_in_dim3A_507 = vector.broadcast %mul3A_501 : i32 to vector<16xi32>
        %ne3A_508 = arith.constant 0 : i32
        %ne3A_509 = vector.broadcast %ne3A_508 : i32 to vector<16xi32>
        %ne3A_510 = arith.cmpi ne, %broadcast_in_dim3A_507, %ne3A_509 : vector<16xi32>
        %broadcast_in_dim3A_511 = vector.broadcast %mul3A_506 : i32 to vector<16xi32>
        %ne3A_512 = arith.constant 0 : i32
        %ne3A_513 = vector.broadcast %ne3A_512 : i32 to vector<16xi32>
        %ne3A_514 = arith.cmpi ne, %broadcast_in_dim3A_511, %ne3A_513 : vector<16xi32>
        %broadcast_in_dim3A_515 = arith.constant -3.40282347E+38 : f32
        %broadcast_in_dim3A_516 = vector.broadcast %broadcast_in_dim3A_515 : f32 to vector<16xf32>
        %select_n3A_517 = arith.select %ne3A_510, %get3A_467, %get3A_477 : vector<16xi1>, vector<16xf32>
        %select_n3A_518 = arith.select %ne3A_514, %broadcast_in_dim3A_516, %select_n3A_517 : vector<16xi1>, vector<16xf32>
        %select_n3A_519 = arith.select %ne3A_510, %get3A_472, %get3A_482 : vector<16xi1>, vector<16xi32>
        %add3A_520 = arith.addi %scan3A_428, %mul3A_501 : i32
        %sub3A_521 = arith.constant 1 : i32
        %sub3A_522 = arith.subi %sub3A_521, %mul3A_501 : i32
        %add3A_523 = arith.addi %scan3A_429, %sub3A_522 : i32
        scf.yield %masked_sort3A_451, %masked_sort3A_452, %select_n3A_518, %select_n3A_519, %add3A_520, %add3A_523 : vector<16xf32>, vector<16xi32>, vector<16xf32>, vector<16xi32>, i32, i32
      }
      %scan3A_394 = arith.constant 3 : i32
      %rev3A = arith.constant 15 : i32
      %rev3A_395 = vector.broadcast %rev3A : i32 to vector<16xi32>
      %rev3A_396 = tpu.iota {dimensions = array<i32: 0>} : vector<16xi32>
      %rev3A_397 = arith.subi %rev3A_395, %rev3A_396 : vector<16xi32>
      %rev3A_398 = tpu.dynamic_gather %scan3A_393#2[%rev3A_397] in [0] : vector<16xf32>, vector<16xi32> -> vector<16xf32>
      %rev3A_399 = arith.constant 15 : i32
      %rev3A_400 = vector.broadcast %rev3A_399 : i32 to vector<16xi32>
      %rev3A_401 = tpu.iota {dimensions = array<i32: 0>} : vector<16xi32>
      %rev3A_402 = arith.subi %rev3A_400, %rev3A_401 : vector<16xi32>
      %rev3A_403 = tpu.dynamic_gather %scan3A_393#3[%rev3A_402] in [0] : vector<16xi32>, vector<16xi32> -> vector<16xi32>
      %ge3A = arith.cmpf oge, %scan3A_393#0, %rev3A_398 : vector<16xf32>
      %select_n3A_404 = arith.select %ge3A, %scan3A_393#0, %rev3A_398 : vector<16xi1>, vector<16xf32>
      %select_n3A_405 = arith.select %ge3A, %scan3A_393#1, %rev3A_403 : vector<16xi1>, vector<16xi32>
      %select_n3A_406 = arith.select %ge3A, %rev3A_398, %scan3A_393#0 : vector<16xi1>, vector<16xf32>
      %select_n3A_407 = arith.select %ge3A, %rev3A_403, %scan3A_393#1 : vector<16xi1>, vector<16xi32>
      %masked_sort3A = arith.constant dense<true> : vector<16xi1>
      %masked_sort3A_408, %masked_sort3A_409, %masked_sort3A_410 = tpu.sort %select_n3A_404, %select_n3A_405 masked %masked_sort3A {descending = true} : (vector<16xf32>, vector<16xi32>, vector<16xi1>) -> (vector<16xi1>, vector<16xf32>, vector<16xi32>)
      %masked_sort3A_411 = arith.constant dense<true> : vector<16xi1>
      %masked_sort3A_412, %masked_sort3A_413, %masked_sort3A_414 = tpu.sort %select_n3A_406, %select_n3A_407 masked %masked_sort3A_411 {descending = true} : (vector<16xf32>, vector<16xi32>, vector<16xi1>) -> (vector<16xi1>, vector<16xf32>, vector<16xi32>)
      %add3A_415 = arith.constant 48 : i32
      %add3A_416 = arith.addi %mul3A_377, %add3A_415 : i32
      %swap3A_417 = arith.index_cast %add3A_416 : i32 to index
      %swap3A_418 = tpu.vector_load %arg6[%swap3A_417] {strides = array<i32>} : memref<1040xf32, #tpu.memory_space<vmem>>, vector<16xf32>,
      tpu.vector_store %arg6[%swap3A_417], %masked_sort3A_409 {strides = array<i32>} : memref<1040xf32, #tpu.memory_space<vmem>>, vector<16xf32>,
      %add3A_419 = arith.constant 48 : i32
      %add3A_420 = arith.addi %mul3A_377, %add3A_419 : i32
      %swap3A_421 = arith.index_cast %add3A_420 : i32 to index
      %swap3A_422 = tpu.vector_load %arg7[%swap3A_421] {strides = array<i32>} : memref<1040xi32, #tpu.memory_space<vmem>>, vector<16xi32>,
      tpu.vector_store %arg7[%swap3A_421], %masked_sort3A_410 {strides = array<i32>} : memref<1040xi32, #tpu.memory_space<vmem>>, vector<16xi32>,
    }
    %add3A_212 = arith.constant 128 : i32
    %add3A_213 = arith.addi %min3A_94, %add3A_212 : i32
    %sub3A_214 = arith.constant 1 : i32
    %sub3A_215 = arith.subi %add3A_213, %sub3A_214 : i32
    %jit3A_216 = arith.constant 128 : i32
    %div3A_217 = arith.divsi %sub3A_215, %jit3A_216 : i32
    %sign3A_218 = arith.constant 0 : i32
    %sign3A_219 = arith.cmpi sgt, %sub3A_215, %sign3A_218 : i32
    %sign3A_220 = arith.extui %sign3A_219 : i1 to i32
    %sign3A_221 = arith.constant 0 : i32
    %sign3A_222 = arith.cmpi slt, %sub3A_215, %sign3A_221 : i32
    %sign3A_223 = arith.extui %sign3A_222 : i1 to i32
    %sign3A_224 = arith.subi %sign3A_220, %sign3A_223 : i32
    %sign3A_225 = arith.constant 0 : i32
    %sign3A_226 = arith.cmpi sgt, %jit3A_216, %sign3A_225 : i32
    %sign3A_227 = arith.extui %sign3A_226 : i1 to i32
    %sign3A_228 = arith.constant 0 : i32
    %sign3A_229 = arith.cmpi slt, %jit3A_216, %sign3A_228 : i32
    %sign3A_230 = arith.extui %sign3A_229 : i1 to i32
    %sign3A_231 = arith.subi %sign3A_227, %sign3A_230 : i32
    %ne3A_232 = arith.cmpi ne, %sign3A_224, %sign3A_231 : i32
    %rem3A_233 = arith.remsi %sub3A_215, %jit3A_216 : i32
    %ne3A_234 = arith.constant 0 : i32
    %ne3A_235 = arith.cmpi ne, %rem3A_233, %ne3A_234 : i32
    %and3A_236 = arith.andi %ne3A_232, %ne3A_235 : i1
    %sub3A_237 = arith.constant 1 : i32
    %sub3A_238 = arith.subi %div3A_217, %sub3A_237 : i32
    %select_n3A_239 = arith.select %and3A_236, %sub3A_238, %div3A_217 : i32
    %min3A_240 = arith.constant 8 : i32
    %min3A_241 = arith.minsi %select_n3A_239, %min3A_240 : i32
    %while3A_242 = arith.constant 0 : i32
    %while3A_243 = arith.constant 0 : i32
    %while3A_244 = arith.subi %min3A_241, %while3A_243 : i32
    %while3A_245 = arith.addi %while3A_243, %while3A_244 : i32
    %while3A_246 = arith.constant 1 : i32
    %while3A_247 = arith.divsi %while3A_244, %while3A_246 : i32
    %while3A_248 = arith.muli %while3A_247, %while3A_246 : i32
    %while3A_249 = arith.addi %while3A_243, %while3A_248 : i32
    %while3A_250 = arith.constant 1 : i32
    scf.for %while3A_375 = %while3A_243 to %while3A_249 step %while3A_250  : i32 {
      %mul3A_376 = arith.constant 128 : i32
      %mul3A_377 = arith.muli %while3A_375, %mul3A_376 : i32
      %add3A_378 = arith.constant 64 : i32
      %add3A_379 = arith.addi %mul3A_377, %add3A_378 : i32
      %get3A = arith.index_cast %mul3A_377 : i32 to index
      %get3A_380 = tpu.vector_load %arg6[%get3A] {strides = array<i32>} : memref<1040xf32, #tpu.memory_space<vmem>>, vector<16xf32>,
      %get3A_381 = arith.index_cast %mul3A_377 : i32 to index
      %get3A_382 = tpu.vector_load %arg7[%get3A_381] {strides = array<i32>} : memref<1040xi32, #tpu.memory_space<vmem>>, vector<16xi32>,
      %get3A_383 = arith.index_cast %add3A_379 : i32 to index
      %get3A_384 = tpu.vector_load %arg6[%get3A_383] {strides = array<i32>} : memref<1040xf32, #tpu.memory_space<vmem>>, vector<16xf32>,
      %get3A_385 = arith.index_cast %add3A_379 : i32 to index
      %get3A_386 = tpu.vector_load %arg7[%get3A_385] {strides = array<i32>} : memref<1040xi32, #tpu.memory_space<vmem>>, vector<16xi32>,
      %scan3A_387 = arith.constant 1 : i32
      %scan3A_388 = arith.constant 1 : i32
      %scan3A_389 = arith.constant 0 : i32
      %scan3A_390 = arith.constant 7 : i32
      %scan3A_391 = arith.addi %scan3A_389, %scan3A_390 : i32
      %scan3A_392 = arith.constant 1 : i32
      %scan3A_393:6 = scf.for %scan3A_423 = %scan3A_389 to %scan3A_391 step %scan3A_392 iter_args(%scan3A_424 = %get3A_380, %scan3A_425 = %get3A_382, %scan3A_426 = %get3A_384, %scan3A_427 = %get3A_386, %scan3A_428 = %scan3A_387, %scan3A_429 = %scan3A_388) -> (vector<16xf32>, vector<16xi32>, vector<16xf32>, vector<16xi32>, i32, i32)  : i32 {
        %rev3A_430 = arith.constant 15 : i32
        %rev3A_431 = vector.broadcast %rev3A_430 : i32 to vector<16xi32>
        %rev3A_432 = tpu.iota {dimensions = array<i32: 0>} : vector<16xi32>
        %rev3A_433 = arith.subi %rev3A_431, %rev3A_432 : vector<16xi32>
        %rev3A_434 = tpu.dynamic_gather %scan3A_426[%rev3A_433] in [0] : vector<16xf32>, vector<16xi32> -> vector<16xf32>
        %rev3A_435 = arith.constant 15 : i32
        %rev3A_436 = vector.broadcast %rev3A_435 : i32 to vector<16xi32>
        %rev3A_437 = tpu.iota {dimensions = array<i32: 0>} : vector<16xi32>
        %rev3A_438 = arith.subi %rev3A_436, %rev3A_437 : vector<16xi32>
        %rev3A_439 = tpu.dynamic_gather %scan3A_427[%rev3A_438] in [0] : vector<16xi32>, vector<16xi32> -> vector<16xi32>
        %ge3A_440 = arith.cmpf oge, %scan3A_424, %rev3A_434 : vector<16xf32>
        %select_n3A_441 = arith.select %ge3A_440, %scan3A_424, %rev3A_434 : vector<16xi1>, vector<16xf32>
        %select_n3A_442 = arith.select %ge3A_440, %scan3A_425, %rev3A_439 : vector<16xi1>, vector<16xi32>
        %select_n3A_443 = arith.select %ge3A_440, %rev3A_434, %scan3A_424 : vector<16xi1>, vector<16xf32>
        %select_n3A_444 = arith.select %ge3A_440, %rev3A_439, %scan3A_425 : vector<16xi1>, vector<16xi32>
        %masked_sort3A_445 = arith.constant dense<true> : vector<16xi1>
        %masked_sort3A_446, %masked_sort3A_447, %masked_sort3A_448 = tpu.sort %select_n3A_441, %select_n3A_442 masked %masked_sort3A_445 {descending = true} : (vector<16xf32>, vector<16xi32>, vector<16xi1>) -> (vector<16xi1>, vector<16xf32>, vector<16xi32>)
        %masked_sort3A_449 = arith.constant dense<true> : vector<16xi1>
        %masked_sort3A_450, %masked_sort3A_451, %masked_sort3A_452 = tpu.sort %select_n3A_443, %select_n3A_444 masked %masked_sort3A_449 {descending = true} : (vector<16xf32>, vector<16xi32>, vector<16xi1>) -> (vector<16xi1>, vector<16xf32>, vector<16xi32>)
        %mul3A_453 = arith.constant 16 : i32
        %mul3A_454 = arith.muli %scan3A_423, %mul3A_453 : i32
        %add3A_455 = arith.addi %mul3A_377, %mul3A_454 : i32
        %swap3A_456 = arith.index_cast %add3A_455 : i32 to index
        %swap3A_457 = tpu.vector_load %arg8[%swap3A_456] {strides = array<i32>} : memref<1040xf32, #tpu.memory_space<vmem>>, vector<16xf32>,
        tpu.vector_store %arg8[%swap3A_456], %masked_sort3A_447 {strides = array<i32>} : memref<1040xf32, #tpu.memory_space<vmem>>, vector<16xf32>,
        %mul3A_458 = arith.constant 16 : i32
        %mul3A_459 = arith.muli %scan3A_423, %mul3A_458 : i32
        %add3A_460 = arith.addi %mul3A_377, %mul3A_459 : i32
        %swap3A_461 = arith.index_cast %add3A_460 : i32 to index
        %swap3A_462 = tpu.vector_load %arg9[%swap3A_461] {strides = array<i32>} : memref<1040xi32, #tpu.memory_space<vmem>>, vector<16xi32>,
        tpu.vector_store %arg9[%swap3A_461], %masked_sort3A_448 {strides = array<i32>} : memref<1040xi32, #tpu.memory_space<vmem>>, vector<16xi32>,
        %mul3A_463 = arith.constant 16 : i32
        %mul3A_464 = arith.muli %scan3A_428, %mul3A_463 : i32
        %add3A_465 = arith.addi %mul3A_377, %mul3A_464 : i32
        %get3A_466 = arith.index_cast %add3A_465 : i32 to index
        %get3A_467 = tpu.vector_load %arg6[%get3A_466] {strides = array<i32>} : memref<1040xf32, #tpu.memory_space<vmem>>, vector<16xf32>,
        %mul3A_468 = arith.constant 16 : i32
        %mul3A_469 = arith.muli %scan3A_428, %mul3A_468 : i32
        %add3A_470 = arith.addi %mul3A_377, %mul3A_469 : i32
        %get3A_471 = arith.index_cast %add3A_470 : i32 to index
        %get3A_472 = tpu.vector_load %arg7[%get3A_471] {strides = array<i32>} : memref<1040xi32, #tpu.memory_space<vmem>>, vector<16xi32>,
        %mul3A_473 = arith.constant 16 : i32
        %mul3A_474 = arith.muli %scan3A_429, %mul3A_473 : i32
        %add3A_475 = arith.addi %add3A_379, %mul3A_474 : i32
        %get3A_476 = arith.index_cast %add3A_475 : i32 to index
        %get3A_477 = tpu.vector_load %arg6[%get3A_476] {strides = array<i32>} : memref<1040xf32, #tpu.memory_space<vmem>>, vector<16xf32>,
        %mul3A_478 = arith.constant 16 : i32
        %mul3A_479 = arith.muli %scan3A_429, %mul3A_478 : i32
        %add3A_480 = arith.addi %add3A_379, %mul3A_479 : i32
        %get3A_481 = arith.index_cast %add3A_480 : i32 to index
        %get3A_482 = tpu.vector_load %arg7[%get3A_481] {strides = array<i32>} : memref<1040xi32, #tpu.memory_space<vmem>>, vector<16xi32>,
        %slice3A = vector.extract_strided_slice %get3A_467 {offsets = [0], sizes = [1], strides = [1]} : vector<16xf32> to vector<1xf32>
        %squeeze3A = vector.extract %slice3A[0] : f32 from vector<1xf32>
        %slice3A_483 = vector.extract_strided_slice %get3A_477 {offsets = [0], sizes = [1], strides = [1]} : vector<16xf32> to vector<1xf32>
        %squeeze3A_484 = vector.extract %slice3A_483[0] : f32 from vector<1xf32>
        %lt3A_485 = arith.constant 4 : i32
        %lt3A_486 = arith.cmpi slt, %scan3A_428, %lt3A_485 : i32
        %jit3A_487 = arith.constant 1 : i32
        %jit3A_488 = arith.constant 0 : i32
        %select_n3A_489 = arith.select %lt3A_486, %jit3A_487, %jit3A_488 : i32
        %lt3A_490 = arith.constant 4 : i32
        %lt3A_491 = arith.cmpi slt, %scan3A_429, %lt3A_490 : i32
        %jit3A_492 = arith.constant 1 : i32
        %jit3A_493 = arith.constant 0 : i32
        %select_n3A_494 = arith.select %lt3A_491, %jit3A_492, %jit3A_493 : i32
        %sub3A_495 = arith.constant 1 : i32
        %sub3A_496 = arith.subi %sub3A_495, %select_n3A_494 : i32
        %ge3A_497 = arith.cmpf oge, %squeeze3A, %squeeze3A_484 : f32
        %jit3A_498 = arith.constant 1 : i32
        %jit3A_499 = arith.constant 0 : i32
        %select_n3A_500 = arith.select %ge3A_497, %jit3A_498, %jit3A_499 : i32
        %max3A = arith.maxsi %sub3A_496, %select_n3A_500 : i32
        %mul3A_501 = arith.muli %select_n3A_489, %max3A : i32
        %sub3A_502 = arith.constant 1 : i32
        %sub3A_503 = arith.subi %sub3A_502, %select_n3A_489 : i32
        %sub3A_504 = arith.constant 1 : i32
        %sub3A_505 = arith.subi %sub3A_504, %select_n3A_494 : i32
        %mul3A_506 = arith.muli %sub3A_503, %sub3A_505 : i32
        %broadcast_in_dim3A_507 = vector.broadcast %mul3A_501 : i32 to vector<16xi32>
        %ne3A_508 = arith.constant 0 : i32
        %ne3A_509 = vector.broadcast %ne3A_508 : i32 to vector<16xi32>
        %ne3A_510 = arith.cmpi ne, %broadcast_in_dim3A_507, %ne3A_509 : vector<16xi32>
        %broadcast_in_dim3A_511 = vector.broadcast %mul3A_506 : i32 to vector<16xi32>
        %ne3A_512 = arith.constant 0 : i32
        %ne3A_513 = vector.broadcast %ne3A_512 : i32 to vector<16xi32>
        %ne3A_514 = arith.cmpi ne, %broadcast_in_dim3A_511, %ne3A_513 : vector<16xi32>
        %broadcast_in_dim3A_515 = arith.constant -3.40282347E+38 : f32
        %broadcast_in_dim3A_516 = vector.broadcast %broadcast_in_dim3A_515 : f32 to vector<16xf32>
        %select_n3A_517 = arith.select %ne3A_510, %get3A_467, %get3A_477 : vector<16xi1>, vector<16xf32>
        %select_n3A_518 = arith.select %ne3A_514, %broadcast_in_dim3A_516, %select_n3A_517 : vector<16xi1>, vector<16xf32>
        %select_n3A_519 = arith.select %ne3A_510, %get3A_472, %get3A_482 : vector<16xi1>, vector<16xi32>
        %add3A_520 = arith.addi %scan3A_428, %mul3A_501 : i32
        %sub3A_521 = arith.constant 1 : i32
        %sub3A_522 = arith.subi %sub3A_521, %mul3A_501 : i32
        %add3A_523 = arith.addi %scan3A_429, %sub3A_522 : i32
        scf.yield %masked_sort3A_451, %masked_sort3A_452, %select_n3A_518, %select_n3A_519, %add3A_520, %add3A_523 : vector<16xf32>, vector<16xi32>, vector<16xf32>, vector<16xi32>, i32, i32
      }
      %scan3A_394 = arith.constant 7 : i32
      %rev3A = arith.constant 15 : i32
      %rev3A_395 = vector.broadcast %rev3A : i32 to vector<16xi32>
      %rev3A_396 = tpu.iota {dimensions = array<i32: 0>} : vector<16xi32>
      %rev3A_397 = arith.subi %rev3A_395, %rev3A_396 : vector<16xi32>
      %rev3A_398 = tpu.dynamic_gather %scan3A_393#2[%rev3A_397] in [0] : vector<16xf32>, vector<16xi32> -> vector<16xf32>
      %rev3A_399 = arith.constant 15 : i32
      %rev3A_400 = vector.broadcast %rev3A_399 : i32 to vector<16xi32>
      %rev3A_401 = tpu.iota {dimensions = array<i32: 0>} : vector<16xi32>
      %rev3A_402 = arith.subi %rev3A_400, %rev3A_401 : vector<16xi32>
      %rev3A_403 = tpu.dynamic_gather %scan3A_393#3[%rev3A_402] in [0] : vector<16xi32>, vector<16xi32> -> vector<16xi32>
      %ge3A = arith.cmpf oge, %scan3A_393#0, %rev3A_398 : vector<16xf32>
      %select_n3A_404 = arith.select %ge3A, %scan3A_393#0, %rev3A_398 : vector<16xi1>, vector<16xf32>
      %select_n3A_405 = arith.select %ge3A, %scan3A_393#1, %rev3A_403 : vector<16xi1>, vector<16xi32>
      %select_n3A_406 = arith.select %ge3A, %rev3A_398, %scan3A_393#0 : vector<16xi1>, vector<16xf32>
      %select_n3A_407 = arith.select %ge3A, %rev3A_403, %scan3A_393#1 : vector<16xi1>, vector<16xi32>
      %masked_sort3A = arith.constant dense<true> : vector<16xi1>
      %masked_sort3A_408, %masked_sort3A_409, %masked_sort3A_410 = tpu.sort %select_n3A_404, %select_n3A_405 masked %masked_sort3A {descending = true} : (vector<16xf32>, vector<16xi32>, vector<16xi1>) -> (vector<16xi1>, vector<16xf32>, vector<16xi32>)
      %masked_sort3A_411 = arith.constant dense<true> : vector<16xi1>
      %masked_sort3A_412, %masked_sort3A_413, %masked_sort3A_414 = tpu.sort %select_n3A_406, %select_n3A_407 masked %masked_sort3A_411 {descending = true} : (vector<16xf32>, vector<16xi32>, vector<16xi1>) -> (vector<16xi1>, vector<16xf32>, vector<16xi32>)
      %add3A_415 = arith.constant 112 : i32
      %add3A_416 = arith.addi %mul3A_377, %add3A_415 : i32
      %swap3A_417 = arith.index_cast %add3A_416 : i32 to index
      %swap3A_418 = tpu.vector_load %arg8[%swap3A_417] {strides = array<i32>} : memref<1040xf32, #tpu.memory_space<vmem>>, vector<16xf32>,
      tpu.vector_store %arg8[%swap3A_417], %masked_sort3A_409 {strides = array<i32>} : memref<1040xf32, #tpu.memory_space<vmem>>, vector<16xf32>,
      %add3A_419 = arith.constant 112 : i32
      %add3A_420 = arith.addi %mul3A_377, %add3A_419 : i32
      %swap3A_421 = arith.index_cast %add3A_420 : i32 to index
      %swap3A_422 = tpu.vector_load %arg9[%swap3A_421] {strides = array<i32>} : memref<1040xi32, #tpu.memory_space<vmem>>, vector<16xi32>,
      tpu.vector_store %arg9[%swap3A_421], %masked_sort3A_410 {strides = array<i32>} : memref<1040xi32, #tpu.memory_space<vmem>>, vector<16xi32>,
    }
    %while3A_251 = arith.constant 1 : i32
    scf.for %while3A_375 = %while3A_249 to %while3A_245 step %while3A_251  : i32 {
      %mul3A_376 = arith.constant 128 : i32
      %mul3A_377 = arith.muli %while3A_375, %mul3A_376 : i32
      %add3A_378 = arith.constant 64 : i32
      %add3A_379 = arith.addi %mul3A_377, %add3A_378 : i32
      %get3A = arith.index_cast %mul3A_377 : i32 to index
      %get3A_380 = tpu.vector_load %arg6[%get3A] {strides = array<i32>} : memref<1040xf32, #tpu.memory_space<vmem>>, vector<16xf32>,
      %get3A_381 = arith.index_cast %mul3A_377 : i32 to index
      %get3A_382 = tpu.vector_load %arg7[%get3A_381] {strides = array<i32>} : memref<1040xi32, #tpu.memory_space<vmem>>, vector<16xi32>,
      %get3A_383 = arith.index_cast %add3A_379 : i32 to index
      %get3A_384 = tpu.vector_load %arg6[%get3A_383] {strides = array<i32>} : memref<1040xf32, #tpu.memory_space<vmem>>, vector<16xf32>,
      %get3A_385 = arith.index_cast %add3A_379 : i32 to index
      %get3A_386 = tpu.vector_load %arg7[%get3A_385] {strides = array<i32>} : memref<1040xi32, #tpu.memory_space<vmem>>, vector<16xi32>,
      %scan3A_387 = arith.constant 1 : i32
      %scan3A_388 = arith.constant 1 : i32
      %scan3A_389 = arith.constant 0 : i32
      %scan3A_390 = arith.constant 7 : i32
      %scan3A_391 = arith.addi %scan3A_389, %scan3A_390 : i32
      %scan3A_392 = arith.constant 1 : i32
      %scan3A_393:6 = scf.for %scan3A_423 = %scan3A_389 to %scan3A_391 step %scan3A_392 iter_args(%scan3A_424 = %get3A_380, %scan3A_425 = %get3A_382, %scan3A_426 = %get3A_384, %scan3A_427 = %get3A_386, %scan3A_428 = %scan3A_387, %scan3A_429 = %scan3A_388) -> (vector<16xf32>, vector<16xi32>, vector<16xf32>, vector<16xi32>, i32, i32)  : i32 {
        %rev3A_430 = arith.constant 15 : i32
        %rev3A_431 = vector.broadcast %rev3A_430 : i32 to vector<16xi32>
        %rev3A_432 = tpu.iota {dimensions = array<i32: 0>} : vector<16xi32>
        %rev3A_433 = arith.subi %rev3A_431, %rev3A_432 : vector<16xi32>
        %rev3A_434 = tpu.dynamic_gather %scan3A_426[%rev3A_433] in [0] : vector<16xf32>, vector<16xi32> -> vector<16xf32>
        %rev3A_435 = arith.constant 15 : i32
        %rev3A_436 = vector.broadcast %rev3A_435 : i32 to vector<16xi32>
        %rev3A_437 = tpu.iota {dimensions = array<i32: 0>} : vector<16xi32>
        %rev3A_438 = arith.subi %rev3A_436, %rev3A_437 : vector<16xi32>
        %rev3A_439 = tpu.dynamic_gather %scan3A_427[%rev3A_438] in [0] : vector<16xi32>, vector<16xi32> -> vector<16xi32>
        %ge3A_440 = arith.cmpf oge, %scan3A_424, %rev3A_434 : vector<16xf32>
        %select_n3A_441 = arith.select %ge3A_440, %scan3A_424, %rev3A_434 : vector<16xi1>, vector<16xf32>
        %select_n3A_442 = arith.select %ge3A_440, %scan3A_425, %rev3A_439 : vector<16xi1>, vector<16xi32>
        %select_n3A_443 = arith.select %ge3A_440, %rev3A_434, %scan3A_424 : vector<16xi1>, vector<16xf32>
        %select_n3A_444 = arith.select %ge3A_440, %rev3A_439, %scan3A_425 : vector<16xi1>, vector<16xi32>
        %masked_sort3A_445 = arith.constant dense<true> : vector<16xi1>
        %masked_sort3A_446, %masked_sort3A_447, %masked_sort3A_448 = tpu.sort %select_n3A_441, %select_n3A_442 masked %masked_sort3A_445 {descending = true} : (vector<16xf32>, vector<16xi32>, vector<16xi1>) -> (vector<16xi1>, vector<16xf32>, vector<16xi32>)
        %masked_sort3A_449 = arith.constant dense<true> : vector<16xi1>
        %masked_sort3A_450, %masked_sort3A_451, %masked_sort3A_452 = tpu.sort %select_n3A_443, %select_n3A_444 masked %masked_sort3A_449 {descending = true} : (vector<16xf32>, vector<16xi32>, vector<16xi1>) -> (vector<16xi1>, vector<16xf32>, vector<16xi32>)
        %mul3A_453 = arith.constant 16 : i32
        %mul3A_454 = arith.muli %scan3A_423, %mul3A_453 : i32
        %add3A_455 = arith.addi %mul3A_377, %mul3A_454 : i32
        %swap3A_456 = arith.index_cast %add3A_455 : i32 to index
        %swap3A_457 = tpu.vector_load %arg8[%swap3A_456] {strides = array<i32>} : memref<1040xf32, #tpu.memory_space<vmem>>, vector<16xf32>,
        tpu.vector_store %arg8[%swap3A_456], %masked_sort3A_447 {strides = array<i32>} : memref<1040xf32, #tpu.memory_space<vmem>>, vector<16xf32>,
        %mul3A_458 = arith.constant 16 : i32
        %mul3A_459 = arith.muli %scan3A_423, %mul3A_458 : i32
        %add3A_460 = arith.addi %mul3A_377, %mul3A_459 : i32
        %swap3A_461 = arith.index_cast %add3A_460 : i32 to index
        %swap3A_462 = tpu.vector_load %arg9[%swap3A_461] {strides = array<i32>} : memref<1040xi32, #tpu.memory_space<vmem>>, vector<16xi32>,
        tpu.vector_store %arg9[%swap3A_461], %masked_sort3A_448 {strides = array<i32>} : memref<1040xi32, #tpu.memory_space<vmem>>, vector<16xi32>,
        %mul3A_463 = arith.constant 16 : i32
        %mul3A_464 = arith.muli %scan3A_428, %mul3A_463 : i32
        %add3A_465 = arith.addi %mul3A_377, %mul3A_464 : i32
        %get3A_466 = arith.index_cast %add3A_465 : i32 to index
        %get3A_467 = tpu.vector_load %arg6[%get3A_466] {strides = array<i32>} : memref<1040xf32, #tpu.memory_space<vmem>>, vector<16xf32>,
        %mul3A_468 = arith.constant 16 : i32
        %mul3A_469 = arith.muli %scan3A_428, %mul3A_468 : i32
        %add3A_470 = arith.addi %mul3A_377, %mul3A_469 : i32
        %get3A_471 = arith.index_cast %add3A_470 : i32 to index
        %get3A_472 = tpu.vector_load %arg7[%get3A_471] {strides = array<i32>} : memref<1040xi32, #tpu.memory_space<vmem>>, vector<16xi32>,
        %mul3A_473 = arith.constant 16 : i32
        %mul3A_474 = arith.muli %scan3A_429, %mul3A_473 : i32
        %add3A_475 = arith.addi %add3A_379, %mul3A_474 : i32
        %get3A_476 = arith.index_cast %add3A_475 : i32 to index
        %get3A_477 = tpu.vector_load %arg6[%get3A_476] {strides = array<i32>} : memref<1040xf32, #tpu.memory_space<vmem>>, vector<16xf32>,
        %mul3A_478 = arith.constant 16 : i32
        %mul3A_479 = arith.muli %scan3A_429, %mul3A_478 : i32
        %add3A_480 = arith.addi %add3A_379, %mul3A_479 : i32
        %get3A_481 = arith.index_cast %add3A_480 : i32 to index
        %get3A_482 = tpu.vector_load %arg7[%get3A_481] {strides = array<i32>} : memref<1040xi32, #tpu.memory_space<vmem>>, vector<16xi32>,
        %slice3A = vector.extract_strided_slice %get3A_467 {offsets = [0], sizes = [1], strides = [1]} : vector<16xf32> to vector<1xf32>
        %squeeze3A = vector.extract %slice3A[0] : f32 from vector<1xf32>
        %slice3A_483 = vector.extract_strided_slice %get3A_477 {offsets = [0], sizes = [1], strides = [1]} : vector<16xf32> to vector<1xf32>
        %squeeze3A_484 = vector.extract %slice3A_483[0] : f32 from vector<1xf32>
        %lt3A_485 = arith.constant 4 : i32
        %lt3A_486 = arith.cmpi slt, %scan3A_428, %lt3A_485 : i32
        %jit3A_487 = arith.constant 1 : i32
        %jit3A_488 = arith.constant 0 : i32
        %select_n3A_489 = arith.select %lt3A_486, %jit3A_487, %jit3A_488 : i32
        %lt3A_490 = arith.constant 4 : i32
        %lt3A_491 = arith.cmpi slt, %scan3A_429, %lt3A_490 : i32
        %jit3A_492 = arith.constant 1 : i32
        %jit3A_493 = arith.constant 0 : i32
        %select_n3A_494 = arith.select %lt3A_491, %jit3A_492, %jit3A_493 : i32
        %sub3A_495 = arith.constant 1 : i32
        %sub3A_496 = arith.subi %sub3A_495, %select_n3A_494 : i32
        %ge3A_497 = arith.cmpf oge, %squeeze3A, %squeeze3A_484 : f32
        %jit3A_498 = arith.constant 1 : i32
        %jit3A_499 = arith.constant 0 : i32
        %select_n3A_500 = arith.select %ge3A_497, %jit3A_498, %jit3A_499 : i32
        %max3A = arith.maxsi %sub3A_496, %select_n3A_500 : i32
        %mul3A_501 = arith.muli %select_n3A_489, %max3A : i32
        %sub3A_502 = arith.constant 1 : i32
        %sub3A_503 = arith.subi %sub3A_502, %select_n3A_489 : i32
        %sub3A_504 = arith.constant 1 : i32
        %sub3A_505 = arith.subi %sub3A_504, %select_n3A_494 : i32
        %mul3A_506 = arith.muli %sub3A_503, %sub3A_505 : i32
        %broadcast_in_dim3A_507 = vector.broadcast %mul3A_501 : i32 to vector<16xi32>
        %ne3A_508 = arith.constant 0 : i32
        %ne3A_509 = vector.broadcast %ne3A_508 : i32 to vector<16xi32>
        %ne3A_510 = arith.cmpi ne, %broadcast_in_dim3A_507, %ne3A_509 : vector<16xi32>
        %broadcast_in_dim3A_511 = vector.broadcast %mul3A_506 : i32 to vector<16xi32>
        %ne3A_512 = arith.constant 0 : i32
        %ne3A_513 = vector.broadcast %ne3A_512 : i32 to vector<16xi32>
        %ne3A_514 = arith.cmpi ne, %broadcast_in_dim3A_511, %ne3A_513 : vector<16xi32>
        %broadcast_in_dim3A_515 = arith.constant -3.40282347E+38 : f32
        %broadcast_in_dim3A_516 = vector.broadcast %broadcast_in_dim3A_515 : f32 to vector<16xf32>
        %select_n3A_517 = arith.select %ne3A_510, %get3A_467, %get3A_477 : vector<16xi1>, vector<16xf32>
        %select_n3A_518 = arith.select %ne3A_514, %broadcast_in_dim3A_516, %select_n3A_517 : vector<16xi1>, vector<16xf32>
        %select_n3A_519 = arith.select %ne3A_510, %get3A_472, %get3A_482 : vector<16xi1>, vector<16xi32>
        %add3A_520 = arith.addi %scan3A_428, %mul3A_501 : i32
        %sub3A_521 = arith.constant 1 : i32
        %sub3A_522 = arith.subi %sub3A_521, %mul3A_501 : i32
        %add3A_523 = arith.addi %scan3A_429, %sub3A_522 : i32
        scf.yield %masked_sort3A_451, %masked_sort3A_452, %select_n3A_518, %select_n3A_519, %add3A_520, %add3A_523 : vector<16xf32>, vector<16xi32>, vector<16xf32>, vector<16xi32>, i32, i32
      }
      %scan3A_394 = arith.constant 7 : i32
      %rev3A = arith.constant 15 : i32
      %rev3A_395 = vector.broadcast %rev3A : i32 to vector<16xi32>
      %rev3A_396 = tpu.iota {dimensions = array<i32: 0>} : vector<16xi32>
      %rev3A_397 = arith.subi %rev3A_395, %rev3A_396 : vector<16xi32>
      %rev3A_398 = tpu.dynamic_gather %scan3A_393#2[%rev3A_397] in [0] : vector<16xf32>, vector<16xi32> -> vector<16xf32>
      %rev3A_399 = arith.constant 15 : i32
      %rev3A_400 = vector.broadcast %rev3A_399 : i32 to vector<16xi32>
      %rev3A_401 = tpu.iota {dimensions = array<i32: 0>} : vector<16xi32>
      %rev3A_402 = arith.subi %rev3A_400, %rev3A_401 : vector<16xi32>
      %rev3A_403 = tpu.dynamic_gather %scan3A_393#3[%rev3A_402] in [0] : vector<16xi32>, vector<16xi32> -> vector<16xi32>
      %ge3A = arith.cmpf oge, %scan3A_393#0, %rev3A_398 : vector<16xf32>
      %select_n3A_404 = arith.select %ge3A, %scan3A_393#0, %rev3A_398 : vector<16xi1>, vector<16xf32>
      %select_n3A_405 = arith.select %ge3A, %scan3A_393#1, %rev3A_403 : vector<16xi1>, vector<16xi32>
      %select_n3A_406 = arith.select %ge3A, %rev3A_398, %scan3A_393#0 : vector<16xi1>, vector<16xf32>
      %select_n3A_407 = arith.select %ge3A, %rev3A_403, %scan3A_393#1 : vector<16xi1>, vector<16xi32>
      %masked_sort3A = arith.constant dense<true> : vector<16xi1>
      %masked_sort3A_408, %masked_sort3A_409, %masked_sort3A_410 = tpu.sort %select_n3A_404, %select_n3A_405 masked %masked_sort3A {descending = true} : (vector<16xf32>, vector<16xi32>, vector<16xi1>) -> (vector<16xi1>, vector<16xf32>, vector<16xi32>)
      %masked_sort3A_411 = arith.constant dense<true> : vector<16xi1>
      %masked_sort3A_412, %masked_sort3A_413, %masked_sort3A_414 = tpu.sort %select_n3A_406, %select_n3A_407 masked %masked_sort3A_411 {descending = true} : (vector<16xf32>, vector<16xi32>, vector<16xi1>) -> (vector<16xi1>, vector<16xf32>, vector<16xi32>)
      %add3A_415 = arith.constant 112 : i32
      %add3A_416 = arith.addi %mul3A_377, %add3A_415 : i32
      %swap3A_417 = arith.index_cast %add3A_416 : i32 to index
      %swap3A_418 = tpu.vector_load %arg8[%swap3A_417] {strides = array<i32>} : memref<1040xf32, #tpu.memory_space<vmem>>, vector<16xf32>,
      tpu.vector_store %arg8[%swap3A_417], %masked_sort3A_409 {strides = array<i32>} : memref<1040xf32, #tpu.memory_space<vmem>>, vector<16xf32>,
      %add3A_419 = arith.constant 112 : i32
      %add3A_420 = arith.addi %mul3A_377, %add3A_419 : i32
      %swap3A_421 = arith.index_cast %add3A_420 : i32 to index
      %swap3A_422 = tpu.vector_load %arg9[%swap3A_421] {strides = array<i32>} : memref<1040xi32, #tpu.memory_space<vmem>>, vector<16xi32>,
      tpu.vector_store %arg9[%swap3A_421], %masked_sort3A_410 {strides = array<i32>} : memref<1040xi32, #tpu.memory_space<vmem>>, vector<16xi32>,
    }
    %add3A_252 = arith.constant 256 : i32
    %add3A_253 = arith.addi %min3A_94, %add3A_252 : i32
    %sub3A_254 = arith.constant 1 : i32
    %sub3A_255 = arith.subi %add3A_253, %sub3A_254 : i32
    %jit3A_256 = arith.constant 256 : i32
    %div3A_257 = arith.divsi %sub3A_255, %jit3A_256 : i32
    %sign3A_258 = arith.constant 0 : i32
    %sign3A_259 = arith.cmpi sgt, %sub3A_255, %sign3A_258 : i32
    %sign3A_260 = arith.extui %sign3A_259 : i1 to i32
    %sign3A_261 = arith.constant 0 : i32
    %sign3A_262 = arith.cmpi slt, %sub3A_255, %sign3A_261 : i32
    %sign3A_263 = arith.extui %sign3A_262 : i1 to i32
    %sign3A_264 = arith.subi %sign3A_260, %sign3A_263 : i32
    %sign3A_265 = arith.constant 0 : i32
    %sign3A_266 = arith.cmpi sgt, %jit3A_256, %sign3A_265 : i32
    %sign3A_267 = arith.extui %sign3A_266 : i1 to i32
    %sign3A_268 = arith.constant 0 : i32
    %sign3A_269 = arith.cmpi slt, %jit3A_256, %sign3A_268 : i32
    %sign3A_270 = arith.extui %sign3A_269 : i1 to i32
    %sign3A_271 = arith.subi %sign3A_267, %sign3A_270 : i32
    %ne3A_272 = arith.cmpi ne, %sign3A_264, %sign3A_271 : i32
    %rem3A_273 = arith.remsi %sub3A_255, %jit3A_256 : i32
    %ne3A_274 = arith.constant 0 : i32
    %ne3A_275 = arith.cmpi ne, %rem3A_273, %ne3A_274 : i32
    %and3A_276 = arith.andi %ne3A_272, %ne3A_275 : i1
    %sub3A_277 = arith.constant 1 : i32
    %sub3A_278 = arith.subi %div3A_257, %sub3A_277 : i32
    %select_n3A_279 = arith.select %and3A_276, %sub3A_278, %div3A_257 : i32
    %min3A_280 = arith.constant 4 : i32
    %min3A_281 = arith.minsi %select_n3A_279, %min3A_280 : i32
    %while3A_282 = arith.constant 0 : i32
    %while3A_283 = arith.constant 0 : i32
    %while3A_284 = arith.subi %min3A_281, %while3A_283 : i32
    %while3A_285 = arith.addi %while3A_283, %while3A_284 : i32
    %while3A_286 = arith.constant 1 : i32
    %while3A_287 = arith.divsi %while3A_284, %while3A_286 : i32
    %while3A_288 = arith.muli %while3A_287, %while3A_286 : i32
    %while3A_289 = arith.addi %while3A_283, %while3A_288 : i32
    %while3A_290 = arith.constant 1 : i32
    scf.for %while3A_375 = %while3A_283 to %while3A_289 step %while3A_290  : i32 {
      %mul3A_376 = arith.constant 256 : i32
      %mul3A_377 = arith.muli %while3A_375, %mul3A_376 : i32
      %add3A_378 = arith.constant 128 : i32
      %add3A_379 = arith.addi %mul3A_377, %add3A_378 : i32
      %get3A = arith.index_cast %mul3A_377 : i32 to index
      %get3A_380 = tpu.vector_load %arg8[%get3A] {strides = array<i32>} : memref<1040xf32, #tpu.memory_space<vmem>>, vector<16xf32>,
      %get3A_381 = arith.index_cast %mul3A_377 : i32 to index
      %get3A_382 = tpu.vector_load %arg9[%get3A_381] {strides = array<i32>} : memref<1040xi32, #tpu.memory_space<vmem>>, vector<16xi32>,
      %get3A_383 = arith.index_cast %add3A_379 : i32 to index
      %get3A_384 = tpu.vector_load %arg8[%get3A_383] {strides = array<i32>} : memref<1040xf32, #tpu.memory_space<vmem>>, vector<16xf32>,
      %get3A_385 = arith.index_cast %add3A_379 : i32 to index
      %get3A_386 = tpu.vector_load %arg9[%get3A_385] {strides = array<i32>} : memref<1040xi32, #tpu.memory_space<vmem>>, vector<16xi32>,
      %scan3A_387 = arith.constant 1 : i32
      %scan3A_388 = arith.constant 1 : i32
      %scan3A_389 = arith.constant 0 : i32
      %scan3A_390 = arith.constant 15 : i32
      %scan3A_391 = arith.addi %scan3A_389, %scan3A_390 : i32
      %scan3A_392 = arith.constant 1 : i32
      %scan3A_393:6 = scf.for %scan3A_423 = %scan3A_389 to %scan3A_391 step %scan3A_392 iter_args(%scan3A_424 = %get3A_380, %scan3A_425 = %get3A_382, %scan3A_426 = %get3A_384, %scan3A_427 = %get3A_386, %scan3A_428 = %scan3A_387, %scan3A_429 = %scan3A_388) -> (vector<16xf32>, vector<16xi32>, vector<16xf32>, vector<16xi32>, i32, i32)  : i32 {
        %rev3A_430 = arith.constant 15 : i32
        %rev3A_431 = vector.broadcast %rev3A_430 : i32 to vector<16xi32>
        %rev3A_432 = tpu.iota {dimensions = array<i32: 0>} : vector<16xi32>
        %rev3A_433 = arith.subi %rev3A_431, %rev3A_432 : vector<16xi32>
        %rev3A_434 = tpu.dynamic_gather %scan3A_426[%rev3A_433] in [0] : vector<16xf32>, vector<16xi32> -> vector<16xf32>
        %rev3A_435 = arith.constant 15 : i32
        %rev3A_436 = vector.broadcast %rev3A_435 : i32 to vector<16xi32>
        %rev3A_437 = tpu.iota {dimensions = array<i32: 0>} : vector<16xi32>
        %rev3A_438 = arith.subi %rev3A_436, %rev3A_437 : vector<16xi32>
        %rev3A_439 = tpu.dynamic_gather %scan3A_427[%rev3A_438] in [0] : vector<16xi32>, vector<16xi32> -> vector<16xi32>
        %ge3A_440 = arith.cmpf oge, %scan3A_424, %rev3A_434 : vector<16xf32>
        %select_n3A_441 = arith.select %ge3A_440, %scan3A_424, %rev3A_434 : vector<16xi1>, vector<16xf32>
        %select_n3A_442 = arith.select %ge3A_440, %scan3A_425, %rev3A_439 : vector<16xi1>, vector<16xi32>
        %select_n3A_443 = arith.select %ge3A_440, %rev3A_434, %scan3A_424 : vector<16xi1>, vector<16xf32>
        %select_n3A_444 = arith.select %ge3A_440, %rev3A_439, %scan3A_425 : vector<16xi1>, vector<16xi32>
        %masked_sort3A_445 = arith.constant dense<true> : vector<16xi1>
        %masked_sort3A_446, %masked_sort3A_447, %masked_sort3A_448 = tpu.sort %select_n3A_441, %select_n3A_442 masked %masked_sort3A_445 {descending = true} : (vector<16xf32>, vector<16xi32>, vector<16xi1>) -> (vector<16xi1>, vector<16xf32>, vector<16xi32>)
        %masked_sort3A_449 = arith.constant dense<true> : vector<16xi1>
        %masked_sort3A_450, %masked_sort3A_451, %masked_sort3A_452 = tpu.sort %select_n3A_443, %select_n3A_444 masked %masked_sort3A_449 {descending = true} : (vector<16xf32>, vector<16xi32>, vector<16xi1>) -> (vector<16xi1>, vector<16xf32>, vector<16xi32>)
        %mul3A_453 = arith.constant 16 : i32
        %mul3A_454 = arith.muli %scan3A_423, %mul3A_453 : i32
        %add3A_455 = arith.addi %mul3A_377, %mul3A_454 : i32
        %swap3A_456 = arith.index_cast %add3A_455 : i32 to index
        %swap3A_457 = tpu.vector_load %arg6[%swap3A_456] {strides = array<i32>} : memref<1040xf32, #tpu.memory_space<vmem>>, vector<16xf32>,
        tpu.vector_store %arg6[%swap3A_456], %masked_sort3A_447 {strides = array<i32>} : memref<1040xf32, #tpu.memory_space<vmem>>, vector<16xf32>,
        %mul3A_458 = arith.constant 16 : i32
        %mul3A_459 = arith.muli %scan3A_423, %mul3A_458 : i32
        %add3A_460 = arith.addi %mul3A_377, %mul3A_459 : i32
        %swap3A_461 = arith.index_cast %add3A_460 : i32 to index
        %swap3A_462 = tpu.vector_load %arg7[%swap3A_461] {strides = array<i32>} : memref<1040xi32, #tpu.memory_space<vmem>>, vector<16xi32>,
        tpu.vector_store %arg7[%swap3A_461], %masked_sort3A_448 {strides = array<i32>} : memref<1040xi32, #tpu.memory_space<vmem>>, vector<16xi32>,
        %mul3A_463 = arith.constant 16 : i32
        %mul3A_464 = arith.muli %scan3A_428, %mul3A_463 : i32
        %add3A_465 = arith.addi %mul3A_377, %mul3A_464 : i32
        %get3A_466 = arith.index_cast %add3A_465 : i32 to index
        %get3A_467 = tpu.vector_load %arg8[%get3A_466] {strides = array<i32>} : memref<1040xf32, #tpu.memory_space<vmem>>, vector<16xf32>,
        %mul3A_468 = arith.constant 16 : i32
        %mul3A_469 = arith.muli %scan3A_428, %mul3A_468 : i32
        %add3A_470 = arith.addi %mul3A_377, %mul3A_469 : i32
        %get3A_471 = arith.index_cast %add3A_470 : i32 to index
        %get3A_472 = tpu.vector_load %arg9[%get3A_471] {strides = array<i32>} : memref<1040xi32, #tpu.memory_space<vmem>>, vector<16xi32>,
        %mul3A_473 = arith.constant 16 : i32
        %mul3A_474 = arith.muli %scan3A_429, %mul3A_473 : i32
        %add3A_475 = arith.addi %add3A_379, %mul3A_474 : i32
        %get3A_476 = arith.index_cast %add3A_475 : i32 to index
        %get3A_477 = tpu.vector_load %arg8[%get3A_476] {strides = array<i32>} : memref<1040xf32, #tpu.memory_space<vmem>>, vector<16xf32>,
        %mul3A_478 = arith.constant 16 : i32
        %mul3A_479 = arith.muli %scan3A_429, %mul3A_478 : i32
        %add3A_480 = arith.addi %add3A_379, %mul3A_479 : i32
        %get3A_481 = arith.index_cast %add3A_480 : i32 to index
        %get3A_482 = tpu.vector_load %arg9[%get3A_481] {strides = array<i32>} : memref<1040xi32, #tpu.memory_space<vmem>>, vector<16xi32>,
        %slice3A = vector.extract_strided_slice %get3A_467 {offsets = [0], sizes = [1], strides = [1]} : vector<16xf32> to vector<1xf32>
        %squeeze3A = vector.extract %slice3A[0] : f32 from vector<1xf32>
        %slice3A_483 = vector.extract_strided_slice %get3A_477 {offsets = [0], sizes = [1], strides = [1]} : vector<16xf32> to vector<1xf32>
        %squeeze3A_484 = vector.extract %slice3A_483[0] : f32 from vector<1xf32>
        %lt3A_485 = arith.constant 8 : i32
        %lt3A_486 = arith.cmpi slt, %scan3A_428, %lt3A_485 : i32
        %jit3A_487 = arith.constant 1 : i32
        %jit3A_488 = arith.constant 0 : i32
        %select_n3A_489 = arith.select %lt3A_486, %jit3A_487, %jit3A_488 : i32
        %lt3A_490 = arith.constant 8 : i32
        %lt3A_491 = arith.cmpi slt, %scan3A_429, %lt3A_490 : i32
        %jit3A_492 = arith.constant 1 : i32
        %jit3A_493 = arith.constant 0 : i32
        %select_n3A_494 = arith.select %lt3A_491, %jit3A_492, %jit3A_493 : i32
        %sub3A_495 = arith.constant 1 : i32
        %sub3A_496 = arith.subi %sub3A_495, %select_n3A_494 : i32
        %ge3A_497 = arith.cmpf oge, %squeeze3A, %squeeze3A_484 : f32
        %jit3A_498 = arith.constant 1 : i32
        %jit3A_499 = arith.constant 0 : i32
        %select_n3A_500 = arith.select %ge3A_497, %jit3A_498, %jit3A_499 : i32
        %max3A = arith.maxsi %sub3A_496, %select_n3A_500 : i32
        %mul3A_501 = arith.muli %select_n3A_489, %max3A : i32
        %sub3A_502 = arith.constant 1 : i32
        %sub3A_503 = arith.subi %sub3A_502, %select_n3A_489 : i32
        %sub3A_504 = arith.constant 1 : i32
        %sub3A_505 = arith.subi %sub3A_504, %select_n3A_494 : i32
        %mul3A_506 = arith.muli %sub3A_503, %sub3A_505 : i32
        %broadcast_in_dim3A_507 = vector.broadcast %mul3A_501 : i32 to vector<16xi32>
        %ne3A_508 = arith.constant 0 : i32
        %ne3A_509 = vector.broadcast %ne3A_508 : i32 to vector<16xi32>
        %ne3A_510 = arith.cmpi ne, %broadcast_in_dim3A_507, %ne3A_509 : vector<16xi32>
        %broadcast_in_dim3A_511 = vector.broadcast %mul3A_506 : i32 to vector<16xi32>
        %ne3A_512 = arith.constant 0 : i32
        %ne3A_513 = vector.broadcast %ne3A_512 : i32 to vector<16xi32>
        %ne3A_514 = arith.cmpi ne, %broadcast_in_dim3A_511, %ne3A_513 : vector<16xi32>
        %broadcast_in_dim3A_515 = arith.constant -3.40282347E+38 : f32
        %broadcast_in_dim3A_516 = vector.broadcast %broadcast_in_dim3A_515 : f32 to vector<16xf32>
        %select_n3A_517 = arith.select %ne3A_510, %get3A_467, %get3A_477 : vector<16xi1>, vector<16xf32>
        %select_n3A_518 = arith.select %ne3A_514, %broadcast_in_dim3A_516, %select_n3A_517 : vector<16xi1>, vector<16xf32>
        %select_n3A_519 = arith.select %ne3A_510, %get3A_472, %get3A_482 : vector<16xi1>, vector<16xi32>
        %add3A_520 = arith.addi %scan3A_428, %mul3A_501 : i32
        %sub3A_521 = arith.constant 1 : i32
        %sub3A_522 = arith.subi %sub3A_521, %mul3A_501 : i32
        %add3A_523 = arith.addi %scan3A_429, %sub3A_522 : i32
        scf.yield %masked_sort3A_451, %masked_sort3A_452, %select_n3A_518, %select_n3A_519, %add3A_520, %add3A_523 : vector<16xf32>, vector<16xi32>, vector<16xf32>, vector<16xi32>, i32, i32
      }
      %scan3A_394 = arith.constant 15 : i32
      %rev3A = arith.constant 15 : i32
      %rev3A_395 = vector.broadcast %rev3A : i32 to vector<16xi32>
      %rev3A_396 = tpu.iota {dimensions = array<i32: 0>} : vector<16xi32>
      %rev3A_397 = arith.subi %rev3A_395, %rev3A_396 : vector<16xi32>
      %rev3A_398 = tpu.dynamic_gather %scan3A_393#2[%rev3A_397] in [0] : vector<16xf32>, vector<16xi32> -> vector<16xf32>
      %rev3A_399 = arith.constant 15 : i32
      %rev3A_400 = vector.broadcast %rev3A_399 : i32 to vector<16xi32>
      %rev3A_401 = tpu.iota {dimensions = array<i32: 0>} : vector<16xi32>
      %rev3A_402 = arith.subi %rev3A_400, %rev3A_401 : vector<16xi32>
      %rev3A_403 = tpu.dynamic_gather %scan3A_393#3[%rev3A_402] in [0] : vector<16xi32>, vector<16xi32> -> vector<16xi32>
      %ge3A = arith.cmpf oge, %scan3A_393#0, %rev3A_398 : vector<16xf32>
      %select_n3A_404 = arith.select %ge3A, %scan3A_393#0, %rev3A_398 : vector<16xi1>, vector<16xf32>
      %select_n3A_405 = arith.select %ge3A, %scan3A_393#1, %rev3A_403 : vector<16xi1>, vector<16xi32>
      %select_n3A_406 = arith.select %ge3A, %rev3A_398, %scan3A_393#0 : vector<16xi1>, vector<16xf32>
      %select_n3A_407 = arith.select %ge3A, %rev3A_403, %scan3A_393#1 : vector<16xi1>, vector<16xi32>
      %masked_sort3A = arith.constant dense<true> : vector<16xi1>
      %masked_sort3A_408, %masked_sort3A_409, %masked_sort3A_410 = tpu.sort %select_n3A_404, %select_n3A_405 masked %masked_sort3A {descending = true} : (vector<16xf32>, vector<16xi32>, vector<16xi1>) -> (vector<16xi1>, vector<16xf32>, vector<16xi32>)
      %masked_sort3A_411 = arith.constant dense<true> : vector<16xi1>
      %masked_sort3A_412, %masked_sort3A_413, %masked_sort3A_414 = tpu.sort %select_n3A_406, %select_n3A_407 masked %masked_sort3A_411 {descending = true} : (vector<16xf32>, vector<16xi32>, vector<16xi1>) -> (vector<16xi1>, vector<16xf32>, vector<16xi32>)
      %add3A_415 = arith.constant 240 : i32
      %add3A_416 = arith.addi %mul3A_377, %add3A_415 : i32
      %swap3A_417 = arith.index_cast %add3A_416 : i32 to index
      %swap3A_418 = tpu.vector_load %arg6[%swap3A_417] {strides = array<i32>} : memref<1040xf32, #tpu.memory_space<vmem>>, vector<16xf32>,
      tpu.vector_store %arg6[%swap3A_417], %masked_sort3A_409 {strides = array<i32>} : memref<1040xf32, #tpu.memory_space<vmem>>, vector<16xf32>,
      %add3A_419 = arith.constant 240 : i32
      %add3A_420 = arith.addi %mul3A_377, %add3A_419 : i32
      %swap3A_421 = arith.index_cast %add3A_420 : i32 to index
      %swap3A_422 = tpu.vector_load %arg7[%swap3A_421] {strides = array<i32>} : memref<1040xi32, #tpu.memory_space<vmem>>, vector<16xi32>,
      tpu.vector_store %arg7[%swap3A_421], %masked_sort3A_410 {strides = array<i32>} : memref<1040xi32, #tpu.memory_space<vmem>>, vector<16xi32>,
    }
    %while3A_291 = arith.constant 1 : i32
    scf.for %while3A_375 = %while3A_289 to %while3A_285 step %while3A_291  : i32 {
      %mul3A_376 = arith.constant 256 : i32
      %mul3A_377 = arith.muli %while3A_375, %mul3A_376 : i32
      %add3A_378 = arith.constant 128 : i32
      %add3A_379 = arith.addi %mul3A_377, %add3A_378 : i32
      %get3A = arith.index_cast %mul3A_377 : i32 to index
      %get3A_380 = tpu.vector_load %arg8[%get3A] {strides = array<i32>} : memref<1040xf32, #tpu.memory_space<vmem>>, vector<16xf32>,
      %get3A_381 = arith.index_cast %mul3A_377 : i32 to index
      %get3A_382 = tpu.vector_load %arg9[%get3A_381] {strides = array<i32>} : memref<1040xi32, #tpu.memory_space<vmem>>, vector<16xi32>,
      %get3A_383 = arith.index_cast %add3A_379 : i32 to index
      %get3A_384 = tpu.vector_load %arg8[%get3A_383] {strides = array<i32>} : memref<1040xf32, #tpu.memory_space<vmem>>, vector<16xf32>,
      %get3A_385 = arith.index_cast %add3A_379 : i32 to index
      %get3A_386 = tpu.vector_load %arg9[%get3A_385] {strides = array<i32>} : memref<1040xi32, #tpu.memory_space<vmem>>, vector<16xi32>,
      %scan3A_387 = arith.constant 1 : i32
      %scan3A_388 = arith.constant 1 : i32
      %scan3A_389 = arith.constant 0 : i32
      %scan3A_390 = arith.constant 15 : i32
      %scan3A_391 = arith.addi %scan3A_389, %scan3A_390 : i32
      %scan3A_392 = arith.constant 1 : i32
      %scan3A_393:6 = scf.for %scan3A_423 = %scan3A_389 to %scan3A_391 step %scan3A_392 iter_args(%scan3A_424 = %get3A_380, %scan3A_425 = %get3A_382, %scan3A_426 = %get3A_384, %scan3A_427 = %get3A_386, %scan3A_428 = %scan3A_387, %scan3A_429 = %scan3A_388) -> (vector<16xf32>, vector<16xi32>, vector<16xf32>, vector<16xi32>, i32, i32)  : i32 {
        %rev3A_430 = arith.constant 15 : i32
        %rev3A_431 = vector.broadcast %rev3A_430 : i32 to vector<16xi32>
        %rev3A_432 = tpu.iota {dimensions = array<i32: 0>} : vector<16xi32>
        %rev3A_433 = arith.subi %rev3A_431, %rev3A_432 : vector<16xi32>
        %rev3A_434 = tpu.dynamic_gather %scan3A_426[%rev3A_433] in [0] : vector<16xf32>, vector<16xi32> -> vector<16xf32>
        %rev3A_435 = arith.constant 15 : i32
        %rev3A_436 = vector.broadcast %rev3A_435 : i32 to vector<16xi32>
        %rev3A_437 = tpu.iota {dimensions = array<i32: 0>} : vector<16xi32>
        %rev3A_438 = arith.subi %rev3A_436, %rev3A_437 : vector<16xi32>
        %rev3A_439 = tpu.dynamic_gather %scan3A_427[%rev3A_438] in [0] : vector<16xi32>, vector<16xi32> -> vector<16xi32>
        %ge3A_440 = arith.cmpf oge, %scan3A_424, %rev3A_434 : vector<16xf32>
        %select_n3A_441 = arith.select %ge3A_440, %scan3A_424, %rev3A_434 : vector<16xi1>, vector<16xf32>
        %select_n3A_442 = arith.select %ge3A_440, %scan3A_425, %rev3A_439 : vector<16xi1>, vector<16xi32>
        %select_n3A_443 = arith.select %ge3A_440, %rev3A_434, %scan3A_424 : vector<16xi1>, vector<16xf32>
        %select_n3A_444 = arith.select %ge3A_440, %rev3A_439, %scan3A_425 : vector<16xi1>, vector<16xi32>
        %masked_sort3A_445 = arith.constant dense<true> : vector<16xi1>
        %masked_sort3A_446, %masked_sort3A_447, %masked_sort3A_448 = tpu.sort %select_n3A_441, %select_n3A_442 masked %masked_sort3A_445 {descending = true} : (vector<16xf32>, vector<16xi32>, vector<16xi1>) -> (vector<16xi1>, vector<16xf32>, vector<16xi32>)
        %masked_sort3A_449 = arith.constant dense<true> : vector<16xi1>
        %masked_sort3A_450, %masked_sort3A_451, %masked_sort3A_452 = tpu.sort %select_n3A_443, %select_n3A_444 masked %masked_sort3A_449 {descending = true} : (vector<16xf32>, vector<16xi32>, vector<16xi1>) -> (vector<16xi1>, vector<16xf32>, vector<16xi32>)
        %mul3A_453 = arith.constant 16 : i32
        %mul3A_454 = arith.muli %scan3A_423, %mul3A_453 : i32
        %add3A_455 = arith.addi %mul3A_377, %mul3A_454 : i32
        %swap3A_456 = arith.index_cast %add3A_455 : i32 to index
        %swap3A_457 = tpu.vector_load %arg6[%swap3A_456] {strides = array<i32>} : memref<1040xf32, #tpu.memory_space<vmem>>, vector<16xf32>,
        tpu.vector_store %arg6[%swap3A_456], %masked_sort3A_447 {strides = array<i32>} : memref<1040xf32, #tpu.memory_space<vmem>>, vector<16xf32>,
        %mul3A_458 = arith.constant 16 : i32
        %mul3A_459 = arith.muli %scan3A_423, %mul3A_458 : i32
        %add3A_460 = arith.addi %mul3A_377, %mul3A_459 : i32
        %swap3A_461 = arith.index_cast %add3A_460 : i32 to index
        %swap3A_462 = tpu.vector_load %arg7[%swap3A_461] {strides = array<i32>} : memref<1040xi32, #tpu.memory_space<vmem>>, vector<16xi32>,
        tpu.vector_store %arg7[%swap3A_461], %masked_sort3A_448 {strides = array<i32>} : memref<1040xi32, #tpu.memory_space<vmem>>, vector<16xi32>,
        %mul3A_463 = arith.constant 16 : i32
        %mul3A_464 = arith.muli %scan3A_428, %mul3A_463 : i32
        %add3A_465 = arith.addi %mul3A_377, %mul3A_464 : i32
        %get3A_466 = arith.index_cast %add3A_465 : i32 to index
        %get3A_467 = tpu.vector_load %arg8[%get3A_466] {strides = array<i32>} : memref<1040xf32, #tpu.memory_space<vmem>>, vector<16xf32>,
        %mul3A_468 = arith.constant 16 : i32
        %mul3A_469 = arith.muli %scan3A_428, %mul3A_468 : i32
        %add3A_470 = arith.addi %mul3A_377, %mul3A_469 : i32
        %get3A_471 = arith.index_cast %add3A_470 : i32 to index
        %get3A_472 = tpu.vector_load %arg9[%get3A_471] {strides = array<i32>} : memref<1040xi32, #tpu.memory_space<vmem>>, vector<16xi32>,
        %mul3A_473 = arith.constant 16 : i32
        %mul3A_474 = arith.muli %scan3A_429, %mul3A_473 : i32
        %add3A_475 = arith.addi %add3A_379, %mul3A_474 : i32
        %get3A_476 = arith.index_cast %add3A_475 : i32 to index
        %get3A_477 = tpu.vector_load %arg8[%get3A_476] {strides = array<i32>} : memref<1040xf32, #tpu.memory_space<vmem>>, vector<16xf32>,
        %mul3A_478 = arith.constant 16 : i32
        %mul3A_479 = arith.muli %scan3A_429, %mul3A_478 : i32
        %add3A_480 = arith.addi %add3A_379, %mul3A_479 : i32
        %get3A_481 = arith.index_cast %add3A_480 : i32 to index
        %get3A_482 = tpu.vector_load %arg9[%get3A_481] {strides = array<i32>} : memref<1040xi32, #tpu.memory_space<vmem>>, vector<16xi32>,
        %slice3A = vector.extract_strided_slice %get3A_467 {offsets = [0], sizes = [1], strides = [1]} : vector<16xf32> to vector<1xf32>
        %squeeze3A = vector.extract %slice3A[0] : f32 from vector<1xf32>
        %slice3A_483 = vector.extract_strided_slice %get3A_477 {offsets = [0], sizes = [1], strides = [1]} : vector<16xf32> to vector<1xf32>
        %squeeze3A_484 = vector.extract %slice3A_483[0] : f32 from vector<1xf32>
        %lt3A_485 = arith.constant 8 : i32
        %lt3A_486 = arith.cmpi slt, %scan3A_428, %lt3A_485 : i32
        %jit3A_487 = arith.constant 1 : i32
        %jit3A_488 = arith.constant 0 : i32
        %select_n3A_489 = arith.select %lt3A_486, %jit3A_487, %jit3A_488 : i32
        %lt3A_490 = arith.constant 8 : i32
        %lt3A_491 = arith.cmpi slt, %scan3A_429, %lt3A_490 : i32
        %jit3A_492 = arith.constant 1 : i32
        %jit3A_493 = arith.constant 0 : i32
        %select_n3A_494 = arith.select %lt3A_491, %jit3A_492, %jit3A_493 : i32
        %sub3A_495 = arith.constant 1 : i32
        %sub3A_496 = arith.subi %sub3A_495, %select_n3A_494 : i32
        %ge3A_497 = arith.cmpf oge, %squeeze3A, %squeeze3A_484 : f32
        %jit3A_498 = arith.constant 1 : i32
        %jit3A_499 = arith.constant 0 : i32
        %select_n3A_500 = arith.select %ge3A_497, %jit3A_498, %jit3A_499 : i32
        %max3A = arith.maxsi %sub3A_496, %select_n3A_500 : i32
        %mul3A_501 = arith.muli %select_n3A_489, %max3A : i32
        %sub3A_502 = arith.constant 1 : i32
        %sub3A_503 = arith.subi %sub3A_502, %select_n3A_489 : i32
        %sub3A_504 = arith.constant 1 : i32
        %sub3A_505 = arith.subi %sub3A_504, %select_n3A_494 : i32
        %mul3A_506 = arith.muli %sub3A_503, %sub3A_505 : i32
        %broadcast_in_dim3A_507 = vector.broadcast %mul3A_501 : i32 to vector<16xi32>
        %ne3A_508 = arith.constant 0 : i32
        %ne3A_509 = vector.broadcast %ne3A_508 : i32 to vector<16xi32>
        %ne3A_510 = arith.cmpi ne, %broadcast_in_dim3A_507, %ne3A_509 : vector<16xi32>
        %broadcast_in_dim3A_511 = vector.broadcast %mul3A_506 : i32 to vector<16xi32>
        %ne3A_512 = arith.constant 0 : i32
        %ne3A_513 = vector.broadcast %ne3A_512 : i32 to vector<16xi32>
        %ne3A_514 = arith.cmpi ne, %broadcast_in_dim3A_511, %ne3A_513 : vector<16xi32>
        %broadcast_in_dim3A_515 = arith.constant -3.40282347E+38 : f32
        %broadcast_in_dim3A_516 = vector.broadcast %broadcast_in_dim3A_515 : f32 to vector<16xf32>
        %select_n3A_517 = arith.select %ne3A_510, %get3A_467, %get3A_477 : vector<16xi1>, vector<16xf32>
        %select_n3A_518 = arith.select %ne3A_514, %broadcast_in_dim3A_516, %select_n3A_517 : vector<16xi1>, vector<16xf32>
        %select_n3A_519 = arith.select %ne3A_510, %get3A_472, %get3A_482 : vector<16xi1>, vector<16xi32>
        %add3A_520 = arith.addi %scan3A_428, %mul3A_501 : i32
        %sub3A_521 = arith.constant 1 : i32
        %sub3A_522 = arith.subi %sub3A_521, %mul3A_501 : i32
        %add3A_523 = arith.addi %scan3A_429, %sub3A_522 : i32
        scf.yield %masked_sort3A_451, %masked_sort3A_452, %select_n3A_518, %select_n3A_519, %add3A_520, %add3A_523 : vector<16xf32>, vector<16xi32>, vector<16xf32>, vector<16xi32>, i32, i32
      }
      %scan3A_394 = arith.constant 15 : i32
      %rev3A = arith.constant 15 : i32
      %rev3A_395 = vector.broadcast %rev3A : i32 to vector<16xi32>
      %rev3A_396 = tpu.iota {dimensions = array<i32: 0>} : vector<16xi32>
      %rev3A_397 = arith.subi %rev3A_395, %rev3A_396 : vector<16xi32>
      %rev3A_398 = tpu.dynamic_gather %scan3A_393#2[%rev3A_397] in [0] : vector<16xf32>, vector<16xi32> -> vector<16xf32>
      %rev3A_399 = arith.constant 15 : i32
      %rev3A_400 = vector.broadcast %rev3A_399 : i32 to vector<16xi32>
      %rev3A_401 = tpu.iota {dimensions = array<i32: 0>} : vector<16xi32>
      %rev3A_402 = arith.subi %rev3A_400, %rev3A_401 : vector<16xi32>
      %rev3A_403 = tpu.dynamic_gather %scan3A_393#3[%rev3A_402] in [0] : vector<16xi32>, vector<16xi32> -> vector<16xi32>
      %ge3A = arith.cmpf oge, %scan3A_393#0, %rev3A_398 : vector<16xf32>
      %select_n3A_404 = arith.select %ge3A, %scan3A_393#0, %rev3A_398 : vector<16xi1>, vector<16xf32>
      %select_n3A_405 = arith.select %ge3A, %scan3A_393#1, %rev3A_403 : vector<16xi1>, vector<16xi32>
      %select_n3A_406 = arith.select %ge3A, %rev3A_398, %scan3A_393#0 : vector<16xi1>, vector<16xf32>
      %select_n3A_407 = arith.select %ge3A, %rev3A_403, %scan3A_393#1 : vector<16xi1>, vector<16xi32>
      %masked_sort3A = arith.constant dense<true> : vector<16xi1>
      %masked_sort3A_408, %masked_sort3A_409, %masked_sort3A_410 = tpu.sort %select_n3A_404, %select_n3A_405 masked %masked_sort3A {descending = true} : (vector<16xf32>, vector<16xi32>, vector<16xi1>) -> (vector<16xi1>, vector<16xf32>, vector<16xi32>)
      %masked_sort3A_411 = arith.constant dense<true> : vector<16xi1>
      %masked_sort3A_412, %masked_sort3A_413, %masked_sort3A_414 = tpu.sort %select_n3A_406, %select_n3A_407 masked %masked_sort3A_411 {descending = true} : (vector<16xf32>, vector<16xi32>, vector<16xi1>) -> (vector<16xi1>, vector<16xf32>, vector<16xi32>)
      %add3A_415 = arith.constant 240 : i32
      %add3A_416 = arith.addi %mul3A_377, %add3A_415 : i32
      %swap3A_417 = arith.index_cast %add3A_416 : i32 to index
      %swap3A_418 = tpu.vector_load %arg6[%swap3A_417] {strides = array<i32>} : memref<1040xf32, #tpu.memory_space<vmem>>, vector<16xf32>,
      tpu.vector_store %arg6[%swap3A_417], %masked_sort3A_409 {strides = array<i32>} : memref<1040xf32, #tpu.memory_space<vmem>>, vector<16xf32>,
      %add3A_419 = arith.constant 240 : i32
      %add3A_420 = arith.addi %mul3A_377, %add3A_419 : i32
      %swap3A_421 = arith.index_cast %add3A_420 : i32 to index
      %swap3A_422 = tpu.vector_load %arg7[%swap3A_421] {strides = array<i32>} : memref<1040xi32, #tpu.memory_space<vmem>>, vector<16xi32>,
      tpu.vector_store %arg7[%swap3A_421], %masked_sort3A_410 {strides = array<i32>} : memref<1040xi32, #tpu.memory_space<vmem>>, vector<16xi32>,
    }
    %add3A_292 = arith.constant 512 : i32
    %add3A_293 = arith.addi %min3A_94, %add3A_292 : i32
    %sub3A_294 = arith.constant 1 : i32
    %sub3A_295 = arith.subi %add3A_293, %sub3A_294 : i32
    %jit3A_296 = arith.constant 512 : i32
    %div3A_297 = arith.divsi %sub3A_295, %jit3A_296 : i32
    %sign3A_298 = arith.constant 0 : i32
    %sign3A_299 = arith.cmpi sgt, %sub3A_295, %sign3A_298 : i32
    %sign3A_300 = arith.extui %sign3A_299 : i1 to i32
    %sign3A_301 = arith.constant 0 : i32
    %sign3A_302 = arith.cmpi slt, %sub3A_295, %sign3A_301 : i32
    %sign3A_303 = arith.extui %sign3A_302 : i1 to i32
    %sign3A_304 = arith.subi %sign3A_300, %sign3A_303 : i32
    %sign3A_305 = arith.constant 0 : i32
    %sign3A_306 = arith.cmpi sgt, %jit3A_296, %sign3A_305 : i32
    %sign3A_307 = arith.extui %sign3A_306 : i1 to i32
    %sign3A_308 = arith.constant 0 : i32
    %sign3A_309 = arith.cmpi slt, %jit3A_296, %sign3A_308 : i32
    %sign3A_310 = arith.extui %sign3A_309 : i1 to i32
    %sign3A_311 = arith.subi %sign3A_307, %sign3A_310 : i32
    %ne3A_312 = arith.cmpi ne, %sign3A_304, %sign3A_311 : i32
    %rem3A_313 = arith.remsi %sub3A_295, %jit3A_296 : i32
    %ne3A_314 = arith.constant 0 : i32
    %ne3A_315 = arith.cmpi ne, %rem3A_313, %ne3A_314 : i32
    %and3A_316 = arith.andi %ne3A_312, %ne3A_315 : i1
    %sub3A_317 = arith.constant 1 : i32
    %sub3A_318 = arith.subi %div3A_297, %sub3A_317 : i32
    %select_n3A_319 = arith.select %and3A_316, %sub3A_318, %div3A_297 : i32
    %min3A_320 = arith.constant 2 : i32
    %min3A_321 = arith.minsi %select_n3A_319, %min3A_320 : i32
    %while3A_322 = arith.constant 0 : i32
    %while3A_323 = arith.constant 0 : i32
    %while3A_324 = arith.subi %min3A_321, %while3A_323 : i32
    %while3A_325 = arith.addi %while3A_323, %while3A_324 : i32
    %while3A_326 = arith.constant 1 : i32
    %while3A_327 = arith.divsi %while3A_324, %while3A_326 : i32
    %while3A_328 = arith.muli %while3A_327, %while3A_326 : i32
    %while3A_329 = arith.addi %while3A_323, %while3A_328 : i32
    %while3A_330 = arith.constant 1 : i32
    scf.for %while3A_375 = %while3A_323 to %while3A_329 step %while3A_330  : i32 {
      %mul3A_376 = arith.constant 512 : i32
      %mul3A_377 = arith.muli %while3A_375, %mul3A_376 : i32
      %add3A_378 = arith.constant 256 : i32
      %add3A_379 = arith.addi %mul3A_377, %add3A_378 : i32
      %get3A = arith.index_cast %mul3A_377 : i32 to index
      %get3A_380 = tpu.vector_load %arg6[%get3A] {strides = array<i32>} : memref<1040xf32, #tpu.memory_space<vmem>>, vector<16xf32>,
      %get3A_381 = arith.index_cast %mul3A_377 : i32 to index
      %get3A_382 = tpu.vector_load %arg7[%get3A_381] {strides = array<i32>} : memref<1040xi32, #tpu.memory_space<vmem>>, vector<16xi32>,
      %get3A_383 = arith.index_cast %add3A_379 : i32 to index
      %get3A_384 = tpu.vector_load %arg6[%get3A_383] {strides = array<i32>} : memref<1040xf32, #tpu.memory_space<vmem>>, vector<16xf32>,
      %get3A_385 = arith.index_cast %add3A_379 : i32 to index
      %get3A_386 = tpu.vector_load %arg7[%get3A_385] {strides = array<i32>} : memref<1040xi32, #tpu.memory_space<vmem>>, vector<16xi32>,
      %scan3A_387 = arith.constant 1 : i32
      %scan3A_388 = arith.constant 1 : i32
      %scan3A_389 = arith.constant 0 : i32
      %scan3A_390 = arith.constant 31 : i32
      %scan3A_391 = arith.addi %scan3A_389, %scan3A_390 : i32
      %scan3A_392 = arith.constant 1 : i32
      %scan3A_393:6 = scf.for %scan3A_423 = %scan3A_389 to %scan3A_391 step %scan3A_392 iter_args(%scan3A_424 = %get3A_380, %scan3A_425 = %get3A_382, %scan3A_426 = %get3A_384, %scan3A_427 = %get3A_386, %scan3A_428 = %scan3A_387, %scan3A_429 = %scan3A_388) -> (vector<16xf32>, vector<16xi32>, vector<16xf32>, vector<16xi32>, i32, i32)  : i32 {
        %rev3A_430 = arith.constant 15 : i32
        %rev3A_431 = vector.broadcast %rev3A_430 : i32 to vector<16xi32>
        %rev3A_432 = tpu.iota {dimensions = array<i32: 0>} : vector<16xi32>
        %rev3A_433 = arith.subi %rev3A_431, %rev3A_432 : vector<16xi32>
        %rev3A_434 = tpu.dynamic_gather %scan3A_426[%rev3A_433] in [0] : vector<16xf32>, vector<16xi32> -> vector<16xf32>
        %rev3A_435 = arith.constant 15 : i32
        %rev3A_436 = vector.broadcast %rev3A_435 : i32 to vector<16xi32>
        %rev3A_437 = tpu.iota {dimensions = array<i32: 0>} : vector<16xi32>
        %rev3A_438 = arith.subi %rev3A_436, %rev3A_437 : vector<16xi32>
        %rev3A_439 = tpu.dynamic_gather %scan3A_427[%rev3A_438] in [0] : vector<16xi32>, vector<16xi32> -> vector<16xi32>
        %ge3A_440 = arith.cmpf oge, %scan3A_424, %rev3A_434 : vector<16xf32>
        %select_n3A_441 = arith.select %ge3A_440, %scan3A_424, %rev3A_434 : vector<16xi1>, vector<16xf32>
        %select_n3A_442 = arith.select %ge3A_440, %scan3A_425, %rev3A_439 : vector<16xi1>, vector<16xi32>
        %select_n3A_443 = arith.select %ge3A_440, %rev3A_434, %scan3A_424 : vector<16xi1>, vector<16xf32>
        %select_n3A_444 = arith.select %ge3A_440, %rev3A_439, %scan3A_425 : vector<16xi1>, vector<16xi32>
        %masked_sort3A_445 = arith.constant dense<true> : vector<16xi1>
        %masked_sort3A_446, %masked_sort3A_447, %masked_sort3A_448 = tpu.sort %select_n3A_441, %select_n3A_442 masked %masked_sort3A_445 {descending = true} : (vector<16xf32>, vector<16xi32>, vector<16xi1>) -> (vector<16xi1>, vector<16xf32>, vector<16xi32>)
        %masked_sort3A_449 = arith.constant dense<true> : vector<16xi1>
        %masked_sort3A_450, %masked_sort3A_451, %masked_sort3A_452 = tpu.sort %select_n3A_443, %select_n3A_444 masked %masked_sort3A_449 {descending = true} : (vector<16xf32>, vector<16xi32>, vector<16xi1>) -> (vector<16xi1>, vector<16xf32>, vector<16xi32>)
        %mul3A_453 = arith.constant 16 : i32
        %mul3A_454 = arith.muli %scan3A_423, %mul3A_453 : i32
        %add3A_455 = arith.addi %mul3A_377, %mul3A_454 : i32
        %swap3A_456 = arith.index_cast %add3A_455 : i32 to index
        %swap3A_457 = tpu.vector_load %arg8[%swap3A_456] {strides = array<i32>} : memref<1040xf32, #tpu.memory_space<vmem>>, vector<16xf32>,
        tpu.vector_store %arg8[%swap3A_456], %masked_sort3A_447 {strides = array<i32>} : memref<1040xf32, #tpu.memory_space<vmem>>, vector<16xf32>,
        %mul3A_458 = arith.constant 16 : i32
        %mul3A_459 = arith.muli %scan3A_423, %mul3A_458 : i32
        %add3A_460 = arith.addi %mul3A_377, %mul3A_459 : i32
        %swap3A_461 = arith.index_cast %add3A_460 : i32 to index
        %swap3A_462 = tpu.vector_load %arg9[%swap3A_461] {strides = array<i32>} : memref<1040xi32, #tpu.memory_space<vmem>>, vector<16xi32>,
        tpu.vector_store %arg9[%swap3A_461], %masked_sort3A_448 {strides = array<i32>} : memref<1040xi32, #tpu.memory_space<vmem>>, vector<16xi32>,
        %mul3A_463 = arith.constant 16 : i32
        %mul3A_464 = arith.muli %scan3A_428, %mul3A_463 : i32
        %add3A_465 = arith.addi %mul3A_377, %mul3A_464 : i32
        %get3A_466 = arith.index_cast %add3A_465 : i32 to index
        %get3A_467 = tpu.vector_load %arg6[%get3A_466] {strides = array<i32>} : memref<1040xf32, #tpu.memory_space<vmem>>, vector<16xf32>,
        %mul3A_468 = arith.constant 16 : i32
        %mul3A_469 = arith.muli %scan3A_428, %mul3A_468 : i32
        %add3A_470 = arith.addi %mul3A_377, %mul3A_469 : i32
        %get3A_471 = arith.index_cast %add3A_470 : i32 to index
        %get3A_472 = tpu.vector_load %arg7[%get3A_471] {strides = array<i32>} : memref<1040xi32, #tpu.memory_space<vmem>>, vector<16xi32>,
        %mul3A_473 = arith.constant 16 : i32
        %mul3A_474 = arith.muli %scan3A_429, %mul3A_473 : i32
        %add3A_475 = arith.addi %add3A_379, %mul3A_474 : i32
        %get3A_476 = arith.index_cast %add3A_475 : i32 to index
        %get3A_477 = tpu.vector_load %arg6[%get3A_476] {strides = array<i32>} : memref<1040xf32, #tpu.memory_space<vmem>>, vector<16xf32>,
        %mul3A_478 = arith.constant 16 : i32
        %mul3A_479 = arith.muli %scan3A_429, %mul3A_478 : i32
        %add3A_480 = arith.addi %add3A_379, %mul3A_479 : i32
        %get3A_481 = arith.index_cast %add3A_480 : i32 to index
        %get3A_482 = tpu.vector_load %arg7[%get3A_481] {strides = array<i32>} : memref<1040xi32, #tpu.memory_space<vmem>>, vector<16xi32>,
        %slice3A = vector.extract_strided_slice %get3A_467 {offsets = [0], sizes = [1], strides = [1]} : vector<16xf32> to vector<1xf32>
        %squeeze3A = vector.extract %slice3A[0] : f32 from vector<1xf32>
        %slice3A_483 = vector.extract_strided_slice %get3A_477 {offsets = [0], sizes = [1], strides = [1]} : vector<16xf32> to vector<1xf32>
        %squeeze3A_484 = vector.extract %slice3A_483[0] : f32 from vector<1xf32>
        %lt3A_485 = arith.constant 16 : i32
        %lt3A_486 = arith.cmpi slt, %scan3A_428, %lt3A_485 : i32
        %jit3A_487 = arith.constant 1 : i32
        %jit3A_488 = arith.constant 0 : i32
        %select_n3A_489 = arith.select %lt3A_486, %jit3A_487, %jit3A_488 : i32
        %lt3A_490 = arith.constant 16 : i32
        %lt3A_491 = arith.cmpi slt, %scan3A_429, %lt3A_490 : i32
        %jit3A_492 = arith.constant 1 : i32
        %jit3A_493 = arith.constant 0 : i32
        %select_n3A_494 = arith.select %lt3A_491, %jit3A_492, %jit3A_493 : i32
        %sub3A_495 = arith.constant 1 : i32
        %sub3A_496 = arith.subi %sub3A_495, %select_n3A_494 : i32
        %ge3A_497 = arith.cmpf oge, %squeeze3A, %squeeze3A_484 : f32
        %jit3A_498 = arith.constant 1 : i32
        %jit3A_499 = arith.constant 0 : i32
        %select_n3A_500 = arith.select %ge3A_497, %jit3A_498, %jit3A_499 : i32
        %max3A = arith.maxsi %sub3A_496, %select_n3A_500 : i32
        %mul3A_501 = arith.muli %select_n3A_489, %max3A : i32
        %sub3A_502 = arith.constant 1 : i32
        %sub3A_503 = arith.subi %sub3A_502, %select_n3A_489 : i32
        %sub3A_504 = arith.constant 1 : i32
        %sub3A_505 = arith.subi %sub3A_504, %select_n3A_494 : i32
        %mul3A_506 = arith.muli %sub3A_503, %sub3A_505 : i32
        %broadcast_in_dim3A_507 = vector.broadcast %mul3A_501 : i32 to vector<16xi32>
        %ne3A_508 = arith.constant 0 : i32
        %ne3A_509 = vector.broadcast %ne3A_508 : i32 to vector<16xi32>
        %ne3A_510 = arith.cmpi ne, %broadcast_in_dim3A_507, %ne3A_509 : vector<16xi32>
        %broadcast_in_dim3A_511 = vector.broadcast %mul3A_506 : i32 to vector<16xi32>
        %ne3A_512 = arith.constant 0 : i32
        %ne3A_513 = vector.broadcast %ne3A_512 : i32 to vector<16xi32>
        %ne3A_514 = arith.cmpi ne, %broadcast_in_dim3A_511, %ne3A_513 : vector<16xi32>
        %broadcast_in_dim3A_515 = arith.constant -3.40282347E+38 : f32
        %broadcast_in_dim3A_516 = vector.broadcast %broadcast_in_dim3A_515 : f32 to vector<16xf32>
        %select_n3A_517 = arith.select %ne3A_510, %get3A_467, %get3A_477 : vector<16xi1>, vector<16xf32>
        %select_n3A_518 = arith.select %ne3A_514, %broadcast_in_dim3A_516, %select_n3A_517 : vector<16xi1>, vector<16xf32>
        %select_n3A_519 = arith.select %ne3A_510, %get3A_472, %get3A_482 : vector<16xi1>, vector<16xi32>
        %add3A_520 = arith.addi %scan3A_428, %mul3A_501 : i32
        %sub3A_521 = arith.constant 1 : i32
        %sub3A_522 = arith.subi %sub3A_521, %mul3A_501 : i32
        %add3A_523 = arith.addi %scan3A_429, %sub3A_522 : i32
        scf.yield %masked_sort3A_451, %masked_sort3A_452, %select_n3A_518, %select_n3A_519, %add3A_520, %add3A_523 : vector<16xf32>, vector<16xi32>, vector<16xf32>, vector<16xi32>, i32, i32
      }
      %scan3A_394 = arith.constant 31 : i32
      %rev3A = arith.constant 15 : i32
      %rev3A_395 = vector.broadcast %rev3A : i32 to vector<16xi32>
      %rev3A_396 = tpu.iota {dimensions = array<i32: 0>} : vector<16xi32>
      %rev3A_397 = arith.subi %rev3A_395, %rev3A_396 : vector<16xi32>
      %rev3A_398 = tpu.dynamic_gather %scan3A_393#2[%rev3A_397] in [0] : vector<16xf32>, vector<16xi32> -> vector<16xf32>
      %rev3A_399 = arith.constant 15 : i32
      %rev3A_400 = vector.broadcast %rev3A_399 : i32 to vector<16xi32>
      %rev3A_401 = tpu.iota {dimensions = array<i32: 0>} : vector<16xi32>
      %rev3A_402 = arith.subi %rev3A_400, %rev3A_401 : vector<16xi32>
      %rev3A_403 = tpu.dynamic_gather %scan3A_393#3[%rev3A_402] in [0] : vector<16xi32>, vector<16xi32> -> vector<16xi32>
      %ge3A = arith.cmpf oge, %scan3A_393#0, %rev3A_398 : vector<16xf32>
      %select_n3A_404 = arith.select %ge3A, %scan3A_393#0, %rev3A_398 : vector<16xi1>, vector<16xf32>
      %select_n3A_405 = arith.select %ge3A, %scan3A_393#1, %rev3A_403 : vector<16xi1>, vector<16xi32>
      %select_n3A_406 = arith.select %ge3A, %rev3A_398, %scan3A_393#0 : vector<16xi1>, vector<16xf32>
      %select_n3A_407 = arith.select %ge3A, %rev3A_403, %scan3A_393#1 : vector<16xi1>, vector<16xi32>
      %masked_sort3A = arith.constant dense<true> : vector<16xi1>
      %masked_sort3A_408, %masked_sort3A_409, %masked_sort3A_410 = tpu.sort %select_n3A_404, %select_n3A_405 masked %masked_sort3A {descending = true} : (vector<16xf32>, vector<16xi32>, vector<16xi1>) -> (vector<16xi1>, vector<16xf32>, vector<16xi32>)
      %masked_sort3A_411 = arith.constant dense<true> : vector<16xi1>
      %masked_sort3A_412, %masked_sort3A_413, %masked_sort3A_414 = tpu.sort %select_n3A_406, %select_n3A_407 masked %masked_sort3A_411 {descending = true} : (vector<16xf32>, vector<16xi32>, vector<16xi1>) -> (vector<16xi1>, vector<16xf32>, vector<16xi32>)
      %add3A_415 = arith.constant 496 : i32
      %add3A_416 = arith.addi %mul3A_377, %add3A_415 : i32
      %swap3A_417 = arith.index_cast %add3A_416 : i32 to index
      %swap3A_418 = tpu.vector_load %arg8[%swap3A_417] {strides = array<i32>} : memref<1040xf32, #tpu.memory_space<vmem>>, vector<16xf32>,
      tpu.vector_store %arg8[%swap3A_417], %masked_sort3A_409 {strides = array<i32>} : memref<1040xf32, #tpu.memory_space<vmem>>, vector<16xf32>,
      %add3A_419 = arith.constant 496 : i32
      %add3A_420 = arith.addi %mul3A_377, %add3A_419 : i32
      %swap3A_421 = arith.index_cast %add3A_420 : i32 to index
      %swap3A_422 = tpu.vector_load %arg9[%swap3A_421] {strides = array<i32>} : memref<1040xi32, #tpu.memory_space<vmem>>, vector<16xi32>,
      tpu.vector_store %arg9[%swap3A_421], %masked_sort3A_410 {strides = array<i32>} : memref<1040xi32, #tpu.memory_space<vmem>>, vector<16xi32>,
    }
    %while3A_331 = arith.constant 1 : i32
    scf.for %while3A_375 = %while3A_329 to %while3A_325 step %while3A_331  : i32 {
      %mul3A_376 = arith.constant 512 : i32
      %mul3A_377 = arith.muli %while3A_375, %mul3A_376 : i32
      %add3A_378 = arith.constant 256 : i32
      %add3A_379 = arith.addi %mul3A_377, %add3A_378 : i32
      %get3A = arith.index_cast %mul3A_377 : i32 to index
      %get3A_380 = tpu.vector_load %arg6[%get3A] {strides = array<i32>} : memref<1040xf32, #tpu.memory_space<vmem>>, vector<16xf32>,
      %get3A_381 = arith.index_cast %mul3A_377 : i32 to index
      %get3A_382 = tpu.vector_load %arg7[%get3A_381] {strides = array<i32>} : memref<1040xi32, #tpu.memory_space<vmem>>, vector<16xi32>,
      %get3A_383 = arith.index_cast %add3A_379 : i32 to index
      %get3A_384 = tpu.vector_load %arg6[%get3A_383] {strides = array<i32>} : memref<1040xf32, #tpu.memory_space<vmem>>, vector<16xf32>,
      %get3A_385 = arith.index_cast %add3A_379 : i32 to index
      %get3A_386 = tpu.vector_load %arg7[%get3A_385] {strides = array<i32>} : memref<1040xi32, #tpu.memory_space<vmem>>, vector<16xi32>,
      %scan3A_387 = arith.constant 1 : i32
      %scan3A_388 = arith.constant 1 : i32
      %scan3A_389 = arith.constant 0 : i32
      %scan3A_390 = arith.constant 31 : i32
      %scan3A_391 = arith.addi %scan3A_389, %scan3A_390 : i32
      %scan3A_392 = arith.constant 1 : i32
      %scan3A_393:6 = scf.for %scan3A_423 = %scan3A_389 to %scan3A_391 step %scan3A_392 iter_args(%scan3A_424 = %get3A_380, %scan3A_425 = %get3A_382, %scan3A_426 = %get3A_384, %scan3A_427 = %get3A_386, %scan3A_428 = %scan3A_387, %scan3A_429 = %scan3A_388) -> (vector<16xf32>, vector<16xi32>, vector<16xf32>, vector<16xi32>, i32, i32)  : i32 {
        %rev3A_430 = arith.constant 15 : i32
        %rev3A_431 = vector.broadcast %rev3A_430 : i32 to vector<16xi32>
        %rev3A_432 = tpu.iota {dimensions = array<i32: 0>} : vector<16xi32>
        %rev3A_433 = arith.subi %rev3A_431, %rev3A_432 : vector<16xi32>
        %rev3A_434 = tpu.dynamic_gather %scan3A_426[%rev3A_433] in [0] : vector<16xf32>, vector<16xi32> -> vector<16xf32>
        %rev3A_435 = arith.constant 15 : i32
        %rev3A_436 = vector.broadcast %rev3A_435 : i32 to vector<16xi32>
        %rev3A_437 = tpu.iota {dimensions = array<i32: 0>} : vector<16xi32>
        %rev3A_438 = arith.subi %rev3A_436, %rev3A_437 : vector<16xi32>
        %rev3A_439 = tpu.dynamic_gather %scan3A_427[%rev3A_438] in [0] : vector<16xi32>, vector<16xi32> -> vector<16xi32>
        %ge3A_440 = arith.cmpf oge, %scan3A_424, %rev3A_434 : vector<16xf32>
        %select_n3A_441 = arith.select %ge3A_440, %scan3A_424, %rev3A_434 : vector<16xi1>, vector<16xf32>
        %select_n3A_442 = arith.select %ge3A_440, %scan3A_425, %rev3A_439 : vector<16xi1>, vector<16xi32>
        %select_n3A_443 = arith.select %ge3A_440, %rev3A_434, %scan3A_424 : vector<16xi1>, vector<16xf32>
        %select_n3A_444 = arith.select %ge3A_440, %rev3A_439, %scan3A_425 : vector<16xi1>, vector<16xi32>
        %masked_sort3A_445 = arith.constant dense<true> : vector<16xi1>
        %masked_sort3A_446, %masked_sort3A_447, %masked_sort3A_448 = tpu.sort %select_n3A_441, %select_n3A_442 masked %masked_sort3A_445 {descending = true} : (vector<16xf32>, vector<16xi32>, vector<16xi1>) -> (vector<16xi1>, vector<16xf32>, vector<16xi32>)
        %masked_sort3A_449 = arith.constant dense<true> : vector<16xi1>
        %masked_sort3A_450, %masked_sort3A_451, %masked_sort3A_452 = tpu.sort %select_n3A_443, %select_n3A_444 masked %masked_sort3A_449 {descending = true} : (vector<16xf32>, vector<16xi32>, vector<16xi1>) -> (vector<16xi1>, vector<16xf32>, vector<16xi32>)
        %mul3A_453 = arith.constant 16 : i32
        %mul3A_454 = arith.muli %scan3A_423, %mul3A_453 : i32
        %add3A_455 = arith.addi %mul3A_377, %mul3A_454 : i32
        %swap3A_456 = arith.index_cast %add3A_455 : i32 to index
        %swap3A_457 = tpu.vector_load %arg8[%swap3A_456] {strides = array<i32>} : memref<1040xf32, #tpu.memory_space<vmem>>, vector<16xf32>,
        tpu.vector_store %arg8[%swap3A_456], %masked_sort3A_447 {strides = array<i32>} : memref<1040xf32, #tpu.memory_space<vmem>>, vector<16xf32>,
        %mul3A_458 = arith.constant 16 : i32
        %mul3A_459 = arith.muli %scan3A_423, %mul3A_458 : i32
        %add3A_460 = arith.addi %mul3A_377, %mul3A_459 : i32
        %swap3A_461 = arith.index_cast %add3A_460 : i32 to index
        %swap3A_462 = tpu.vector_load %arg9[%swap3A_461] {strides = array<i32>} : memref<1040xi32, #tpu.memory_space<vmem>>, vector<16xi32>,
        tpu.vector_store %arg9[%swap3A_461], %masked_sort3A_448 {strides = array<i32>} : memref<1040xi32, #tpu.memory_space<vmem>>, vector<16xi32>,
        %mul3A_463 = arith.constant 16 : i32
        %mul3A_464 = arith.muli %scan3A_428, %mul3A_463 : i32
        %add3A_465 = arith.addi %mul3A_377, %mul3A_464 : i32
        %get3A_466 = arith.index_cast %add3A_465 : i32 to index
        %get3A_467 = tpu.vector_load %arg6[%get3A_466] {strides = array<i32>} : memref<1040xf32, #tpu.memory_space<vmem>>, vector<16xf32>,
        %mul3A_468 = arith.constant 16 : i32
        %mul3A_469 = arith.muli %scan3A_428, %mul3A_468 : i32
        %add3A_470 = arith.addi %mul3A_377, %mul3A_469 : i32
        %get3A_471 = arith.index_cast %add3A_470 : i32 to index
        %get3A_472 = tpu.vector_load %arg7[%get3A_471] {strides = array<i32>} : memref<1040xi32, #tpu.memory_space<vmem>>, vector<16xi32>,
        %mul3A_473 = arith.constant 16 : i32
        %mul3A_474 = arith.muli %scan3A_429, %mul3A_473 : i32
        %add3A_475 = arith.addi %add3A_379, %mul3A_474 : i32
        %get3A_476 = arith.index_cast %add3A_475 : i32 to index
        %get3A_477 = tpu.vector_load %arg6[%get3A_476] {strides = array<i32>} : memref<1040xf32, #tpu.memory_space<vmem>>, vector<16xf32>,
        %mul3A_478 = arith.constant 16 : i32
        %mul3A_479 = arith.muli %scan3A_429, %mul3A_478 : i32
        %add3A_480 = arith.addi %add3A_379, %mul3A_479 : i32
        %get3A_481 = arith.index_cast %add3A_480 : i32 to index
        %get3A_482 = tpu.vector_load %arg7[%get3A_481] {strides = array<i32>} : memref<1040xi32, #tpu.memory_space<vmem>>, vector<16xi32>,
        %slice3A = vector.extract_strided_slice %get3A_467 {offsets = [0], sizes = [1], strides = [1]} : vector<16xf32> to vector<1xf32>
        %squeeze3A = vector.extract %slice3A[0] : f32 from vector<1xf32>
        %slice3A_483 = vector.extract_strided_slice %get3A_477 {offsets = [0], sizes = [1], strides = [1]} : vector<16xf32> to vector<1xf32>
        %squeeze3A_484 = vector.extract %slice3A_483[0] : f32 from vector<1xf32>
        %lt3A_485 = arith.constant 16 : i32
        %lt3A_486 = arith.cmpi slt, %scan3A_428, %lt3A_485 : i32
        %jit3A_487 = arith.constant 1 : i32
        %jit3A_488 = arith.constant 0 : i32
        %select_n3A_489 = arith.select %lt3A_486, %jit3A_487, %jit3A_488 : i32
        %lt3A_490 = arith.constant 16 : i32
        %lt3A_491 = arith.cmpi slt, %scan3A_429, %lt3A_490 : i32
        %jit3A_492 = arith.constant 1 : i32
        %jit3A_493 = arith.constant 0 : i32
        %select_n3A_494 = arith.select %lt3A_491, %jit3A_492, %jit3A_493 : i32
        %sub3A_495 = arith.constant 1 : i32
        %sub3A_496 = arith.subi %sub3A_495, %select_n3A_494 : i32
        %ge3A_497 = arith.cmpf oge, %squeeze3A, %squeeze3A_484 : f32
        %jit3A_498 = arith.constant 1 : i32
        %jit3A_499 = arith.constant 0 : i32
        %select_n3A_500 = arith.select %ge3A_497, %jit3A_498, %jit3A_499 : i32
        %max3A = arith.maxsi %sub3A_496, %select_n3A_500 : i32
        %mul3A_501 = arith.muli %select_n3A_489, %max3A : i32
        %sub3A_502 = arith.constant 1 : i32
        %sub3A_503 = arith.subi %sub3A_502, %select_n3A_489 : i32
        %sub3A_504 = arith.constant 1 : i32
        %sub3A_505 = arith.subi %sub3A_504, %select_n3A_494 : i32
        %mul3A_506 = arith.muli %sub3A_503, %sub3A_505 : i32
        %broadcast_in_dim3A_507 = vector.broadcast %mul3A_501 : i32 to vector<16xi32>
        %ne3A_508 = arith.constant 0 : i32
        %ne3A_509 = vector.broadcast %ne3A_508 : i32 to vector<16xi32>
        %ne3A_510 = arith.cmpi ne, %broadcast_in_dim3A_507, %ne3A_509 : vector<16xi32>
        %broadcast_in_dim3A_511 = vector.broadcast %mul3A_506 : i32 to vector<16xi32>
        %ne3A_512 = arith.constant 0 : i32
        %ne3A_513 = vector.broadcast %ne3A_512 : i32 to vector<16xi32>
        %ne3A_514 = arith.cmpi ne, %broadcast_in_dim3A_511, %ne3A_513 : vector<16xi32>
        %broadcast_in_dim3A_515 = arith.constant -3.40282347E+38 : f32
        %broadcast_in_dim3A_516 = vector.broadcast %broadcast_in_dim3A_515 : f32 to vector<16xf32>
        %select_n3A_517 = arith.select %ne3A_510, %get3A_467, %get3A_477 : vector<16xi1>, vector<16xf32>
        %select_n3A_518 = arith.select %ne3A_514, %broadcast_in_dim3A_516, %select_n3A_517 : vector<16xi1>, vector<16xf32>
        %select_n3A_519 = arith.select %ne3A_510, %get3A_472, %get3A_482 : vector<16xi1>, vector<16xi32>
        %add3A_520 = arith.addi %scan3A_428, %mul3A_501 : i32
        %sub3A_521 = arith.constant 1 : i32
        %sub3A_522 = arith.subi %sub3A_521, %mul3A_501 : i32
        %add3A_523 = arith.addi %scan3A_429, %sub3A_522 : i32
        scf.yield %masked_sort3A_451, %masked_sort3A_452, %select_n3A_518, %select_n3A_519, %add3A_520, %add3A_523 : vector<16xf32>, vector<16xi32>, vector<16xf32>, vector<16xi32>, i32, i32
      }
      %scan3A_394 = arith.constant 31 : i32
      %rev3A = arith.constant 15 : i32
      %rev3A_395 = vector.broadcast %rev3A : i32 to vector<16xi32>
      %rev3A_396 = tpu.iota {dimensions = array<i32: 0>} : vector<16xi32>
      %rev3A_397 = arith.subi %rev3A_395, %rev3A_396 : vector<16xi32>
      %rev3A_398 = tpu.dynamic_gather %scan3A_393#2[%rev3A_397] in [0] : vector<16xf32>, vector<16xi32> -> vector<16xf32>
      %rev3A_399 = arith.constant 15 : i32
      %rev3A_400 = vector.broadcast %rev3A_399 : i32 to vector<16xi32>
      %rev3A_401 = tpu.iota {dimensions = array<i32: 0>} : vector<16xi32>
      %rev3A_402 = arith.subi %rev3A_400, %rev3A_401 : vector<16xi32>
      %rev3A_403 = tpu.dynamic_gather %scan3A_393#3[%rev3A_402] in [0] : vector<16xi32>, vector<16xi32> -> vector<16xi32>
      %ge3A = arith.cmpf oge, %scan3A_393#0, %rev3A_398 : vector<16xf32>
      %select_n3A_404 = arith.select %ge3A, %scan3A_393#0, %rev3A_398 : vector<16xi1>, vector<16xf32>
      %select_n3A_405 = arith.select %ge3A, %scan3A_393#1, %rev3A_403 : vector<16xi1>, vector<16xi32>
      %select_n3A_406 = arith.select %ge3A, %rev3A_398, %scan3A_393#0 : vector<16xi1>, vector<16xf32>
      %select_n3A_407 = arith.select %ge3A, %rev3A_403, %scan3A_393#1 : vector<16xi1>, vector<16xi32>
      %masked_sort3A = arith.constant dense<true> : vector<16xi1>
      %masked_sort3A_408, %masked_sort3A_409, %masked_sort3A_410 = tpu.sort %select_n3A_404, %select_n3A_405 masked %masked_sort3A {descending = true} : (vector<16xf32>, vector<16xi32>, vector<16xi1>) -> (vector<16xi1>, vector<16xf32>, vector<16xi32>)
      %masked_sort3A_411 = arith.constant dense<true> : vector<16xi1>
      %masked_sort3A_412, %masked_sort3A_413, %masked_sort3A_414 = tpu.sort %select_n3A_406, %select_n3A_407 masked %masked_sort3A_411 {descending = true} : (vector<16xf32>, vector<16xi32>, vector<16xi1>) -> (vector<16xi1>, vector<16xf32>, vector<16xi32>)
      %add3A_415 = arith.constant 496 : i32
      %add3A_416 = arith.addi %mul3A_377, %add3A_415 : i32
      %swap3A_417 = arith.index_cast %add3A_416 : i32 to index
      %swap3A_418 = tpu.vector_load %arg8[%swap3A_417] {strides = array<i32>} : memref<1040xf32, #tpu.memory_space<vmem>>, vector<16xf32>,
      tpu.vector_store %arg8[%swap3A_417], %masked_sort3A_409 {strides = array<i32>} : memref<1040xf32, #tpu.memory_space<vmem>>, vector<16xf32>,
      %add3A_419 = arith.constant 496 : i32
      %add3A_420 = arith.addi %mul3A_377, %add3A_419 : i32
      %swap3A_421 = arith.index_cast %add3A_420 : i32 to index
      %swap3A_422 = tpu.vector_load %arg9[%swap3A_421] {strides = array<i32>} : memref<1040xi32, #tpu.memory_space<vmem>>, vector<16xi32>,
      tpu.vector_store %arg9[%swap3A_421], %masked_sort3A_410 {strides = array<i32>} : memref<1040xi32, #tpu.memory_space<vmem>>, vector<16xi32>,
    }
    %add3A_332 = arith.constant 1024 : i32
    %add3A_333 = arith.addi %min3A_94, %add3A_332 : i32
    %sub3A_334 = arith.constant 1 : i32
    %sub3A_335 = arith.subi %add3A_333, %sub3A_334 : i32
    %jit3A_336 = arith.constant 1024 : i32
    %div3A_337 = arith.divsi %sub3A_335, %jit3A_336 : i32
    %sign3A_338 = arith.constant 0 : i32
    %sign3A_339 = arith.cmpi sgt, %sub3A_335, %sign3A_338 : i32
    %sign3A_340 = arith.extui %sign3A_339 : i1 to i32
    %sign3A_341 = arith.constant 0 : i32
    %sign3A_342 = arith.cmpi slt, %sub3A_335, %sign3A_341 : i32
    %sign3A_343 = arith.extui %sign3A_342 : i1 to i32
    %sign3A_344 = arith.subi %sign3A_340, %sign3A_343 : i32
    %sign3A_345 = arith.constant 0 : i32
    %sign3A_346 = arith.cmpi sgt, %jit3A_336, %sign3A_345 : i32
    %sign3A_347 = arith.extui %sign3A_346 : i1 to i32
    %sign3A_348 = arith.constant 0 : i32
    %sign3A_349 = arith.cmpi slt, %jit3A_336, %sign3A_348 : i32
    %sign3A_350 = arith.extui %sign3A_349 : i1 to i32
    %sign3A_351 = arith.subi %sign3A_347, %sign3A_350 : i32
    %ne3A_352 = arith.cmpi ne, %sign3A_344, %sign3A_351 : i32
    %rem3A_353 = arith.remsi %sub3A_335, %jit3A_336 : i32
    %ne3A_354 = arith.constant 0 : i32
    %ne3A_355 = arith.cmpi ne, %rem3A_353, %ne3A_354 : i32
    %and3A_356 = arith.andi %ne3A_352, %ne3A_355 : i1
    %sub3A_357 = arith.constant 1 : i32
    %sub3A_358 = arith.subi %div3A_337, %sub3A_357 : i32
    %select_n3A_359 = arith.select %and3A_356, %sub3A_358, %div3A_337 : i32
    %min3A_360 = arith.constant 1 : i32
    %min3A_361 = arith.minsi %select_n3A_359, %min3A_360 : i32
    %while3A_362 = arith.constant 0 : i32
    %while3A_363 = arith.constant 0 : i32
    %while3A_364 = arith.subi %min3A_361, %while3A_363 : i32
    %while3A_365 = arith.addi %while3A_363, %while3A_364 : i32
    %while3A_366 = arith.constant 1 : i32
    %while3A_367 = arith.divsi %while3A_364, %while3A_366 : i32
    %while3A_368 = arith.muli %while3A_367, %while3A_366 : i32
    %while3A_369 = arith.addi %while3A_363, %while3A_368 : i32
    %while3A_370 = arith.constant 1 : i32
    scf.for %while3A_375 = %while3A_363 to %while3A_369 step %while3A_370  : i32 {
      %mul3A_376 = arith.constant 1024 : i32
      %mul3A_377 = arith.muli %while3A_375, %mul3A_376 : i32
      %add3A_378 = arith.constant 512 : i32
      %add3A_379 = arith.addi %mul3A_377, %add3A_378 : i32
      %get3A = arith.index_cast %mul3A_377 : i32 to index
      %get3A_380 = tpu.vector_load %arg8[%get3A] {strides = array<i32>} : memref<1040xf32, #tpu.memory_space<vmem>>, vector<16xf32>,
      %get3A_381 = arith.index_cast %mul3A_377 : i32 to index
      %get3A_382 = tpu.vector_load %arg9[%get3A_381] {strides = array<i32>} : memref<1040xi32, #tpu.memory_space<vmem>>, vector<16xi32>,
      %get3A_383 = arith.index_cast %add3A_379 : i32 to index
      %get3A_384 = tpu.vector_load %arg8[%get3A_383] {strides = array<i32>} : memref<1040xf32, #tpu.memory_space<vmem>>, vector<16xf32>,
      %get3A_385 = arith.index_cast %add3A_379 : i32 to index
      %get3A_386 = tpu.vector_load %arg9[%get3A_385] {strides = array<i32>} : memref<1040xi32, #tpu.memory_space<vmem>>, vector<16xi32>,
      %scan3A_387 = arith.constant 1 : i32
      %scan3A_388 = arith.constant 1 : i32
      %scan3A_389 = arith.constant 0 : i32
      %scan3A_390 = arith.constant 63 : i32
      %scan3A_391 = arith.addi %scan3A_389, %scan3A_390 : i32
      %scan3A_392 = arith.constant 1 : i32
      %scan3A_393:6 = scf.for %scan3A_423 = %scan3A_389 to %scan3A_391 step %scan3A_392 iter_args(%scan3A_424 = %get3A_380, %scan3A_425 = %get3A_382, %scan3A_426 = %get3A_384, %scan3A_427 = %get3A_386, %scan3A_428 = %scan3A_387, %scan3A_429 = %scan3A_388) -> (vector<16xf32>, vector<16xi32>, vector<16xf32>, vector<16xi32>, i32, i32)  : i32 {
        %rev3A_430 = arith.constant 15 : i32
        %rev3A_431 = vector.broadcast %rev3A_430 : i32 to vector<16xi32>
        %rev3A_432 = tpu.iota {dimensions = array<i32: 0>} : vector<16xi32>
        %rev3A_433 = arith.subi %rev3A_431, %rev3A_432 : vector<16xi32>
        %rev3A_434 = tpu.dynamic_gather %scan3A_426[%rev3A_433] in [0] : vector<16xf32>, vector<16xi32> -> vector<16xf32>
        %rev3A_435 = arith.constant 15 : i32
        %rev3A_436 = vector.broadcast %rev3A_435 : i32 to vector<16xi32>
        %rev3A_437 = tpu.iota {dimensions = array<i32: 0>} : vector<16xi32>
        %rev3A_438 = arith.subi %rev3A_436, %rev3A_437 : vector<16xi32>
        %rev3A_439 = tpu.dynamic_gather %scan3A_427[%rev3A_438] in [0] : vector<16xi32>, vector<16xi32> -> vector<16xi32>
        %ge3A_440 = arith.cmpf oge, %scan3A_424, %rev3A_434 : vector<16xf32>
        %select_n3A_441 = arith.select %ge3A_440, %scan3A_424, %rev3A_434 : vector<16xi1>, vector<16xf32>
        %select_n3A_442 = arith.select %ge3A_440, %scan3A_425, %rev3A_439 : vector<16xi1>, vector<16xi32>
        %select_n3A_443 = arith.select %ge3A_440, %rev3A_434, %scan3A_424 : vector<16xi1>, vector<16xf32>
        %select_n3A_444 = arith.select %ge3A_440, %rev3A_439, %scan3A_425 : vector<16xi1>, vector<16xi32>
        %masked_sort3A_445 = arith.constant dense<true> : vector<16xi1>
        %masked_sort3A_446, %masked_sort3A_447, %masked_sort3A_448 = tpu.sort %select_n3A_441, %select_n3A_442 masked %masked_sort3A_445 {descending = true} : (vector<16xf32>, vector<16xi32>, vector<16xi1>) -> (vector<16xi1>, vector<16xf32>, vector<16xi32>)
        %masked_sort3A_449 = arith.constant dense<true> : vector<16xi1>
        %masked_sort3A_450, %masked_sort3A_451, %masked_sort3A_452 = tpu.sort %select_n3A_443, %select_n3A_444 masked %masked_sort3A_449 {descending = true} : (vector<16xf32>, vector<16xi32>, vector<16xi1>) -> (vector<16xi1>, vector<16xf32>, vector<16xi32>)
        %mul3A_453 = arith.constant 16 : i32
        %mul3A_454 = arith.muli %scan3A_423, %mul3A_453 : i32
        %add3A_455 = arith.addi %mul3A_377, %mul3A_454 : i32
        %swap3A_456 = arith.index_cast %add3A_455 : i32 to index
        %swap3A_457 = tpu.vector_load %arg6[%swap3A_456] {strides = array<i32>} : memref<1040xf32, #tpu.memory_space<vmem>>, vector<16xf32>,
        tpu.vector_store %arg6[%swap3A_456], %masked_sort3A_447 {strides = array<i32>} : memref<1040xf32, #tpu.memory_space<vmem>>, vector<16xf32>,
        %mul3A_458 = arith.constant 16 : i32
        %mul3A_459 = arith.muli %scan3A_423, %mul3A_458 : i32
        %add3A_460 = arith.addi %mul3A_377, %mul3A_459 : i32
        %swap3A_461 = arith.index_cast %add3A_460 : i32 to index
        %swap3A_462 = tpu.vector_load %arg7[%swap3A_461] {strides = array<i32>} : memref<1040xi32, #tpu.memory_space<vmem>>, vector<16xi32>,
        tpu.vector_store %arg7[%swap3A_461], %masked_sort3A_448 {strides = array<i32>} : memref<1040xi32, #tpu.memory_space<vmem>>, vector<16xi32>,
        %mul3A_463 = arith.constant 16 : i32
        %mul3A_464 = arith.muli %scan3A_428, %mul3A_463 : i32
        %add3A_465 = arith.addi %mul3A_377, %mul3A_464 : i32
        %get3A_466 = arith.index_cast %add3A_465 : i32 to index
        %get3A_467 = tpu.vector_load %arg8[%get3A_466] {strides = array<i32>} : memref<1040xf32, #tpu.memory_space<vmem>>, vector<16xf32>,
        %mul3A_468 = arith.constant 16 : i32
        %mul3A_469 = arith.muli %scan3A_428, %mul3A_468 : i32
        %add3A_470 = arith.addi %mul3A_377, %mul3A_469 : i32
        %get3A_471 = arith.index_cast %add3A_470 : i32 to index
        %get3A_472 = tpu.vector_load %arg9[%get3A_471] {strides = array<i32>} : memref<1040xi32, #tpu.memory_space<vmem>>, vector<16xi32>,
        %mul3A_473 = arith.constant 16 : i32
        %mul3A_474 = arith.muli %scan3A_429, %mul3A_473 : i32
        %add3A_475 = arith.addi %add3A_379, %mul3A_474 : i32
        %get3A_476 = arith.index_cast %add3A_475 : i32 to index
        %get3A_477 = tpu.vector_load %arg8[%get3A_476] {strides = array<i32>} : memref<1040xf32, #tpu.memory_space<vmem>>, vector<16xf32>,
        %mul3A_478 = arith.constant 16 : i32
        %mul3A_479 = arith.muli %scan3A_429, %mul3A_478 : i32
        %add3A_480 = arith.addi %add3A_379, %mul3A_479 : i32
        %get3A_481 = arith.index_cast %add3A_480 : i32 to index
        %get3A_482 = tpu.vector_load %arg9[%get3A_481] {strides = array<i32>} : memref<1040xi32, #tpu.memory_space<vmem>>, vector<16xi32>,
        %slice3A = vector.extract_strided_slice %get3A_467 {offsets = [0], sizes = [1], strides = [1]} : vector<16xf32> to vector<1xf32>
        %squeeze3A = vector.extract %slice3A[0] : f32 from vector<1xf32>
        %slice3A_483 = vector.extract_strided_slice %get3A_477 {offsets = [0], sizes = [1], strides = [1]} : vector<16xf32> to vector<1xf32>
        %squeeze3A_484 = vector.extract %slice3A_483[0] : f32 from vector<1xf32>
        %lt3A_485 = arith.constant 32 : i32
        %lt3A_486 = arith.cmpi slt, %scan3A_428, %lt3A_485 : i32
        %jit3A_487 = arith.constant 1 : i32
        %jit3A_488 = arith.constant 0 : i32
        %select_n3A_489 = arith.select %lt3A_486, %jit3A_487, %jit3A_488 : i32
        %lt3A_490 = arith.constant 32 : i32
        %lt3A_491 = arith.cmpi slt, %scan3A_429, %lt3A_490 : i32
        %jit3A_492 = arith.constant 1 : i32
        %jit3A_493 = arith.constant 0 : i32
        %select_n3A_494 = arith.select %lt3A_491, %jit3A_492, %jit3A_493 : i32
        %sub3A_495 = arith.constant 1 : i32
        %sub3A_496 = arith.subi %sub3A_495, %select_n3A_494 : i32
        %ge3A_497 = arith.cmpf oge, %squeeze3A, %squeeze3A_484 : f32
        %jit3A_498 = arith.constant 1 : i32
        %jit3A_499 = arith.constant 0 : i32
        %select_n3A_500 = arith.select %ge3A_497, %jit3A_498, %jit3A_499 : i32
        %max3A = arith.maxsi %sub3A_496, %select_n3A_500 : i32
        %mul3A_501 = arith.muli %select_n3A_489, %max3A : i32
        %sub3A_502 = arith.constant 1 : i32
        %sub3A_503 = arith.subi %sub3A_502, %select_n3A_489 : i32
        %sub3A_504 = arith.constant 1 : i32
        %sub3A_505 = arith.subi %sub3A_504, %select_n3A_494 : i32
        %mul3A_506 = arith.muli %sub3A_503, %sub3A_505 : i32
        %broadcast_in_dim3A_507 = vector.broadcast %mul3A_501 : i32 to vector<16xi32>
        %ne3A_508 = arith.constant 0 : i32
        %ne3A_509 = vector.broadcast %ne3A_508 : i32 to vector<16xi32>
        %ne3A_510 = arith.cmpi ne, %broadcast_in_dim3A_507, %ne3A_509 : vector<16xi32>
        %broadcast_in_dim3A_511 = vector.broadcast %mul3A_506 : i32 to vector<16xi32>
        %ne3A_512 = arith.constant 0 : i32
        %ne3A_513 = vector.broadcast %ne3A_512 : i32 to vector<16xi32>
        %ne3A_514 = arith.cmpi ne, %broadcast_in_dim3A_511, %ne3A_513 : vector<16xi32>
        %broadcast_in_dim3A_515 = arith.constant -3.40282347E+38 : f32
        %broadcast_in_dim3A_516 = vector.broadcast %broadcast_in_dim3A_515 : f32 to vector<16xf32>
        %select_n3A_517 = arith.select %ne3A_510, %get3A_467, %get3A_477 : vector<16xi1>, vector<16xf32>
        %select_n3A_518 = arith.select %ne3A_514, %broadcast_in_dim3A_516, %select_n3A_517 : vector<16xi1>, vector<16xf32>
        %select_n3A_519 = arith.select %ne3A_510, %get3A_472, %get3A_482 : vector<16xi1>, vector<16xi32>
        %add3A_520 = arith.addi %scan3A_428, %mul3A_501 : i32
        %sub3A_521 = arith.constant 1 : i32
        %sub3A_522 = arith.subi %sub3A_521, %mul3A_501 : i32
        %add3A_523 = arith.addi %scan3A_429, %sub3A_522 : i32
        scf.yield %masked_sort3A_451, %masked_sort3A_452, %select_n3A_518, %select_n3A_519, %add3A_520, %add3A_523 : vector<16xf32>, vector<16xi32>, vector<16xf32>, vector<16xi32>, i32, i32
      }
      %scan3A_394 = arith.constant 63 : i32
      %rev3A = arith.constant 15 : i32
      %rev3A_395 = vector.broadcast %rev3A : i32 to vector<16xi32>
      %rev3A_396 = tpu.iota {dimensions = array<i32: 0>} : vector<16xi32>
      %rev3A_397 = arith.subi %rev3A_395, %rev3A_396 : vector<16xi32>
      %rev3A_398 = tpu.dynamic_gather %scan3A_393#2[%rev3A_397] in [0] : vector<16xf32>, vector<16xi32> -> vector<16xf32>
      %rev3A_399 = arith.constant 15 : i32
      %rev3A_400 = vector.broadcast %rev3A_399 : i32 to vector<16xi32>
      %rev3A_401 = tpu.iota {dimensions = array<i32: 0>} : vector<16xi32>
      %rev3A_402 = arith.subi %rev3A_400, %rev3A_401 : vector<16xi32>
      %rev3A_403 = tpu.dynamic_gather %scan3A_393#3[%rev3A_402] in [0] : vector<16xi32>, vector<16xi32> -> vector<16xi32>
      %ge3A = arith.cmpf oge, %scan3A_393#0, %rev3A_398 : vector<16xf32>
      %select_n3A_404 = arith.select %ge3A, %scan3A_393#0, %rev3A_398 : vector<16xi1>, vector<16xf32>
      %select_n3A_405 = arith.select %ge3A, %scan3A_393#1, %rev3A_403 : vector<16xi1>, vector<16xi32>
      %select_n3A_406 = arith.select %ge3A, %rev3A_398, %scan3A_393#0 : vector<16xi1>, vector<16xf32>
      %select_n3A_407 = arith.select %ge3A, %rev3A_403, %scan3A_393#1 : vector<16xi1>, vector<16xi32>
      %masked_sort3A = arith.constant dense<true> : vector<16xi1>
      %masked_sort3A_408, %masked_sort3A_409, %masked_sort3A_410 = tpu.sort %select_n3A_404, %select_n3A_405 masked %masked_sort3A {descending = true} : (vector<16xf32>, vector<16xi32>, vector<16xi1>) -> (vector<16xi1>, vector<16xf32>, vector<16xi32>)
      %masked_sort3A_411 = arith.constant dense<true> : vector<16xi1>
      %masked_sort3A_412, %masked_sort3A_413, %masked_sort3A_414 = tpu.sort %select_n3A_406, %select_n3A_407 masked %masked_sort3A_411 {descending = true} : (vector<16xf32>, vector<16xi32>, vector<16xi1>) -> (vector<16xi1>, vector<16xf32>, vector<16xi32>)
      %add3A_415 = arith.constant 1008 : i32
      %add3A_416 = arith.addi %mul3A_377, %add3A_415 : i32
      %swap3A_417 = arith.index_cast %add3A_416 : i32 to index
      %swap3A_418 = tpu.vector_load %arg6[%swap3A_417] {strides = array<i32>} : memref<1040xf32, #tpu.memory_space<vmem>>, vector<16xf32>,
      tpu.vector_store %arg6[%swap3A_417], %masked_sort3A_409 {strides = array<i32>} : memref<1040xf32, #tpu.memory_space<vmem>>, vector<16xf32>,
      %add3A_419 = arith.constant 1008 : i32
      %add3A_420 = arith.addi %mul3A_377, %add3A_419 : i32
      %swap3A_421 = arith.index_cast %add3A_420 : i32 to index
      %swap3A_422 = tpu.vector_load %arg7[%swap3A_421] {strides = array<i32>} : memref<1040xi32, #tpu.memory_space<vmem>>, vector<16xi32>,
      tpu.vector_store %arg7[%swap3A_421], %masked_sort3A_410 {strides = array<i32>} : memref<1040xi32, #tpu.memory_space<vmem>>, vector<16xi32>,
    }
    %while3A_371 = arith.constant 1 : i32
    scf.for %while3A_375 = %while3A_369 to %while3A_365 step %while3A_371  : i32 {
      %mul3A_376 = arith.constant 1024 : i32
      %mul3A_377 = arith.muli %while3A_375, %mul3A_376 : i32
      %add3A_378 = arith.constant 512 : i32
      %add3A_379 = arith.addi %mul3A_377, %add3A_378 : i32
      %get3A = arith.index_cast %mul3A_377 : i32 to index
      %get3A_380 = tpu.vector_load %arg8[%get3A] {strides = array<i32>} : memref<1040xf32, #tpu.memory_space<vmem>>, vector<16xf32>,
      %get3A_381 = arith.index_cast %mul3A_377 : i32 to index
      %get3A_382 = tpu.vector_load %arg9[%get3A_381] {strides = array<i32>} : memref<1040xi32, #tpu.memory_space<vmem>>, vector<16xi32>,
      %get3A_383 = arith.index_cast %add3A_379 : i32 to index
      %get3A_384 = tpu.vector_load %arg8[%get3A_383] {strides = array<i32>} : memref<1040xf32, #tpu.memory_space<vmem>>, vector<16xf32>,
      %get3A_385 = arith.index_cast %add3A_379 : i32 to index
      %get3A_386 = tpu.vector_load %arg9[%get3A_385] {strides = array<i32>} : memref<1040xi32, #tpu.memory_space<vmem>>, vector<16xi32>,
      %scan3A_387 = arith.constant 1 : i32
      %scan3A_388 = arith.constant 1 : i32
      %scan3A_389 = arith.constant 0 : i32
      %scan3A_390 = arith.constant 63 : i32
      %scan3A_391 = arith.addi %scan3A_389, %scan3A_390 : i32
      %scan3A_392 = arith.constant 1 : i32
      %scan3A_393:6 = scf.for %scan3A_423 = %scan3A_389 to %scan3A_391 step %scan3A_392 iter_args(%scan3A_424 = %get3A_380, %scan3A_425 = %get3A_382, %scan3A_426 = %get3A_384, %scan3A_427 = %get3A_386, %scan3A_428 = %scan3A_387, %scan3A_429 = %scan3A_388) -> (vector<16xf32>, vector<16xi32>, vector<16xf32>, vector<16xi32>, i32, i32)  : i32 {
        %rev3A_430 = arith.constant 15 : i32
        %rev3A_431 = vector.broadcast %rev3A_430 : i32 to vector<16xi32>
        %rev3A_432 = tpu.iota {dimensions = array<i32: 0>} : vector<16xi32>
        %rev3A_433 = arith.subi %rev3A_431, %rev3A_432 : vector<16xi32>
        %rev3A_434 = tpu.dynamic_gather %scan3A_426[%rev3A_433] in [0] : vector<16xf32>, vector<16xi32> -> vector<16xf32>
        %rev3A_435 = arith.constant 15 : i32
        %rev3A_436 = vector.broadcast %rev3A_435 : i32 to vector<16xi32>
        %rev3A_437 = tpu.iota {dimensions = array<i32: 0>} : vector<16xi32>
        %rev3A_438 = arith.subi %rev3A_436, %rev3A_437 : vector<16xi32>
        %rev3A_439 = tpu.dynamic_gather %scan3A_427[%rev3A_438] in [0] : vector<16xi32>, vector<16xi32> -> vector<16xi32>
        %ge3A_440 = arith.cmpf oge, %scan3A_424, %rev3A_434 : vector<16xf32>
        %select_n3A_441 = arith.select %ge3A_440, %scan3A_424, %rev3A_434 : vector<16xi1>, vector<16xf32>
        %select_n3A_442 = arith.select %ge3A_440, %scan3A_425, %rev3A_439 : vector<16xi1>, vector<16xi32>
        %select_n3A_443 = arith.select %ge3A_440, %rev3A_434, %scan3A_424 : vector<16xi1>, vector<16xf32>
        %select_n3A_444 = arith.select %ge3A_440, %rev3A_439, %scan3A_425 : vector<16xi1>, vector<16xi32>
        %masked_sort3A_445 = arith.constant dense<true> : vector<16xi1>
        %masked_sort3A_446, %masked_sort3A_447, %masked_sort3A_448 = tpu.sort %select_n3A_441, %select_n3A_442 masked %masked_sort3A_445 {descending = true} : (vector<16xf32>, vector<16xi32>, vector<16xi1>) -> (vector<16xi1>, vector<16xf32>, vector<16xi32>)
        %masked_sort3A_449 = arith.constant dense<true> : vector<16xi1>
        %masked_sort3A_450, %masked_sort3A_451, %masked_sort3A_452 = tpu.sort %select_n3A_443, %select_n3A_444 masked %masked_sort3A_449 {descending = true} : (vector<16xf32>, vector<16xi32>, vector<16xi1>) -> (vector<16xi1>, vector<16xf32>, vector<16xi32>)
        %mul3A_453 = arith.constant 16 : i32
        %mul3A_454 = arith.muli %scan3A_423, %mul3A_453 : i32
        %add3A_455 = arith.addi %mul3A_377, %mul3A_454 : i32
        %swap3A_456 = arith.index_cast %add3A_455 : i32 to index
        %swap3A_457 = tpu.vector_load %arg6[%swap3A_456] {strides = array<i32>} : memref<1040xf32, #tpu.memory_space<vmem>>, vector<16xf32>,
        tpu.vector_store %arg6[%swap3A_456], %masked_sort3A_447 {strides = array<i32>} : memref<1040xf32, #tpu.memory_space<vmem>>, vector<16xf32>,
        %mul3A_458 = arith.constant 16 : i32
        %mul3A_459 = arith.muli %scan3A_423, %mul3A_458 : i32
        %add3A_460 = arith.addi %mul3A_377, %mul3A_459 : i32
        %swap3A_461 = arith.index_cast %add3A_460 : i32 to index
        %swap3A_462 = tpu.vector_load %arg7[%swap3A_461] {strides = array<i32>} : memref<1040xi32, #tpu.memory_space<vmem>>, vector<16xi32>,
        tpu.vector_store %arg7[%swap3A_461], %masked_sort3A_448 {strides = array<i32>} : memref<1040xi32, #tpu.memory_space<vmem>>, vector<16xi32>,
        %mul3A_463 = arith.constant 16 : i32
        %mul3A_464 = arith.muli %scan3A_428, %mul3A_463 : i32
        %add3A_465 = arith.addi %mul3A_377, %mul3A_464 : i32
        %get3A_466 = arith.index_cast %add3A_465 : i32 to index
        %get3A_467 = tpu.vector_load %arg8[%get3A_466] {strides = array<i32>} : memref<1040xf32, #tpu.memory_space<vmem>>, vector<16xf32>,
        %mul3A_468 = arith.constant 16 : i32
        %mul3A_469 = arith.muli %scan3A_428, %mul3A_468 : i32
        %add3A_470 = arith.addi %mul3A_377, %mul3A_469 : i32
        %get3A_471 = arith.index_cast %add3A_470 : i32 to index
        %get3A_472 = tpu.vector_load %arg9[%get3A_471] {strides = array<i32>} : memref<1040xi32, #tpu.memory_space<vmem>>, vector<16xi32>,
        %mul3A_473 = arith.constant 16 : i32
        %mul3A_474 = arith.muli %scan3A_429, %mul3A_473 : i32
        %add3A_475 = arith.addi %add3A_379, %mul3A_474 : i32
        %get3A_476 = arith.index_cast %add3A_475 : i32 to index
        %get3A_477 = tpu.vector_load %arg8[%get3A_476] {strides = array<i32>} : memref<1040xf32, #tpu.memory_space<vmem>>, vector<16xf32>,
        %mul3A_478 = arith.constant 16 : i32
        %mul3A_479 = arith.muli %scan3A_429, %mul3A_478 : i32
        %add3A_480 = arith.addi %add3A_379, %mul3A_479 : i32
        %get3A_481 = arith.index_cast %add3A_480 : i32 to index
        %get3A_482 = tpu.vector_load %arg9[%get3A_481] {strides = array<i32>} : memref<1040xi32, #tpu.memory_space<vmem>>, vector<16xi32>,
        %slice3A = vector.extract_strided_slice %get3A_467 {offsets = [0], sizes = [1], strides = [1]} : vector<16xf32> to vector<1xf32>
        %squeeze3A = vector.extract %slice3A[0] : f32 from vector<1xf32>
        %slice3A_483 = vector.extract_strided_slice %get3A_477 {offsets = [0], sizes = [1], strides = [1]} : vector<16xf32> to vector<1xf32>
        %squeeze3A_484 = vector.extract %slice3A_483[0] : f32 from vector<1xf32>
        %lt3A_485 = arith.constant 32 : i32
        %lt3A_486 = arith.cmpi slt, %scan3A_428, %lt3A_485 : i32
        %jit3A_487 = arith.constant 1 : i32
        %jit3A_488 = arith.constant 0 : i32
        %select_n3A_489 = arith.select %lt3A_486, %jit3A_487, %jit3A_488 : i32
        %lt3A_490 = arith.constant 32 : i32
        %lt3A_491 = arith.cmpi slt, %scan3A_429, %lt3A_490 : i32
        %jit3A_492 = arith.constant 1 : i32
        %jit3A_493 = arith.constant 0 : i32
        %select_n3A_494 = arith.select %lt3A_491, %jit3A_492, %jit3A_493 : i32
        %sub3A_495 = arith.constant 1 : i32
        %sub3A_496 = arith.subi %sub3A_495, %select_n3A_494 : i32
        %ge3A_497 = arith.cmpf oge, %squeeze3A, %squeeze3A_484 : f32
        %jit3A_498 = arith.constant 1 : i32
        %jit3A_499 = arith.constant 0 : i32
        %select_n3A_500 = arith.select %ge3A_497, %jit3A_498, %jit3A_499 : i32
        %max3A = arith.maxsi %sub3A_496, %select_n3A_500 : i32
        %mul3A_501 = arith.muli %select_n3A_489, %max3A : i32
        %sub3A_502 = arith.constant 1 : i32
        %sub3A_503 = arith.subi %sub3A_502, %select_n3A_489 : i32
        %sub3A_504 = arith.constant 1 : i32
        %sub3A_505 = arith.subi %sub3A_504, %select_n3A_494 : i32
        %mul3A_506 = arith.muli %sub3A_503, %sub3A_505 : i32
        %broadcast_in_dim3A_507 = vector.broadcast %mul3A_501 : i32 to vector<16xi32>
        %ne3A_508 = arith.constant 0 : i32
        %ne3A_509 = vector.broadcast %ne3A_508 : i32 to vector<16xi32>
        %ne3A_510 = arith.cmpi ne, %broadcast_in_dim3A_507, %ne3A_509 : vector<16xi32>
        %broadcast_in_dim3A_511 = vector.broadcast %mul3A_506 : i32 to vector<16xi32>
        %ne3A_512 = arith.constant 0 : i32
        %ne3A_513 = vector.broadcast %ne3A_512 : i32 to vector<16xi32>
        %ne3A_514 = arith.cmpi ne, %broadcast_in_dim3A_511, %ne3A_513 : vector<16xi32>
        %broadcast_in_dim3A_515 = arith.constant -3.40282347E+38 : f32
        %broadcast_in_dim3A_516 = vector.broadcast %broadcast_in_dim3A_515 : f32 to vector<16xf32>
        %select_n3A_517 = arith.select %ne3A_510, %get3A_467, %get3A_477 : vector<16xi1>, vector<16xf32>
        %select_n3A_518 = arith.select %ne3A_514, %broadcast_in_dim3A_516, %select_n3A_517 : vector<16xi1>, vector<16xf32>
        %select_n3A_519 = arith.select %ne3A_510, %get3A_472, %get3A_482 : vector<16xi1>, vector<16xi32>
        %add3A_520 = arith.addi %scan3A_428, %mul3A_501 : i32
        %sub3A_521 = arith.constant 1 : i32
        %sub3A_522 = arith.subi %sub3A_521, %mul3A_501 : i32
        %add3A_523 = arith.addi %scan3A_429, %sub3A_522 : i32
        scf.yield %masked_sort3A_451, %masked_sort3A_452, %select_n3A_518, %select_n3A_519, %add3A_520, %add3A_523 : vector<16xf32>, vector<16xi32>, vector<16xf32>, vector<16xi32>, i32, i32
      }
      %scan3A_394 = arith.constant 63 : i32
      %rev3A = arith.constant 15 : i32
      %rev3A_395 = vector.broadcast %rev3A : i32 to vector<16xi32>
      %rev3A_396 = tpu.iota {dimensions = array<i32: 0>} : vector<16xi32>
      %rev3A_397 = arith.subi %rev3A_395, %rev3A_396 : vector<16xi32>
      %rev3A_398 = tpu.dynamic_gather %scan3A_393#2[%rev3A_397] in [0] : vector<16xf32>, vector<16xi32> -> vector<16xf32>
      %rev3A_399 = arith.constant 15 : i32
      %rev3A_400 = vector.broadcast %rev3A_399 : i32 to vector<16xi32>
      %rev3A_401 = tpu.iota {dimensions = array<i32: 0>} : vector<16xi32>
      %rev3A_402 = arith.subi %rev3A_400, %rev3A_401 : vector<16xi32>
      %rev3A_403 = tpu.dynamic_gather %scan3A_393#3[%rev3A_402] in [0] : vector<16xi32>, vector<16xi32> -> vector<16xi32>
      %ge3A = arith.cmpf oge, %scan3A_393#0, %rev3A_398 : vector<16xf32>
      %select_n3A_404 = arith.select %ge3A, %scan3A_393#0, %rev3A_398 : vector<16xi1>, vector<16xf32>
      %select_n3A_405 = arith.select %ge3A, %scan3A_393#1, %rev3A_403 : vector<16xi1>, vector<16xi32>
      %select_n3A_406 = arith.select %ge3A, %rev3A_398, %scan3A_393#0 : vector<16xi1>, vector<16xf32>
      %select_n3A_407 = arith.select %ge3A, %rev3A_403, %scan3A_393#1 : vector<16xi1>, vector<16xi32>
      %masked_sort3A = arith.constant dense<true> : vector<16xi1>
      %masked_sort3A_408, %masked_sort3A_409, %masked_sort3A_410 = tpu.sort %select_n3A_404, %select_n3A_405 masked %masked_sort3A {descending = true} : (vector<16xf32>, vector<16xi32>, vector<16xi1>) -> (vector<16xi1>, vector<16xf32>, vector<16xi32>)
      %masked_sort3A_411 = arith.constant dense<true> : vector<16xi1>
      %masked_sort3A_412, %masked_sort3A_413, %masked_sort3A_414 = tpu.sort %select_n3A_406, %select_n3A_407 masked %masked_sort3A_411 {descending = true} : (vector<16xf32>, vector<16xi32>, vector<16xi1>) -> (vector<16xi1>, vector<16xf32>, vector<16xi32>)
      %add3A_415 = arith.constant 1008 : i32
      %add3A_416 = arith.addi %mul3A_377, %add3A_415 : i32
      %swap3A_417 = arith.index_cast %add3A_416 : i32 to index
      %swap3A_418 = tpu.vector_load %arg6[%swap3A_417] {strides = array<i32>} : memref<1040xf32, #tpu.memory_space<vmem>>, vector<16xf32>,
      tpu.vector_store %arg6[%swap3A_417], %masked_sort3A_409 {strides = array<i32>} : memref<1040xf32, #tpu.memory_space<vmem>>, vector<16xf32>,
      %add3A_419 = arith.constant 1008 : i32
      %add3A_420 = arith.addi %mul3A_377, %add3A_419 : i32
      %swap3A_421 = arith.index_cast %add3A_420 : i32 to index
      %swap3A_422 = tpu.vector_load %arg7[%swap3A_421] {strides = array<i32>} : memref<1040xi32, #tpu.memory_space<vmem>>, vector<16xi32>,
      tpu.vector_store %arg7[%swap3A_421], %masked_sort3A_410 {strides = array<i32>} : memref<1040xi32, #tpu.memory_space<vmem>>, vector<16xi32>,
    }
    "tpu.region"() ({
      %run_scoped3A = tpu.sem_alloc : memref<!tpu.dma_semaphore, #tpu.memory_space<semaphore_mem>>
      %dma_start3A = arith.constant 0 : i32
      %dma_start3A_375 = tpu.memref_slice %arg6[%dma_start3A] : memref<1040xf32, #tpu.memory_space<vmem>> -> memref<1024xf32, #tpu.memory_space<vmem>>
      %dma_start3A_376 = arith.constant 0 : i32
      %dma_start3A_377 = tpu.memref_slice %arg20[%arg1, %dma_start3A_376] : memref<16x1024xf32, #tpu.memory_space<vmem_shared>> -> memref<1x1024xf32, #tpu.memory_space<vmem_shared>>
      %dma_start3A_378 = tpu.memref_squeeze %dma_start3A_377 : memref<1x1024xf32, #tpu.memory_space<vmem_shared>> -> memref<1024xf32, #tpu.memory_space<vmem_shared>>
      %dma_start3A_379 = arith.constant 0 : i32
      %dma_start3A_380 = tpu.memref_slice %arg20[%arg1, %dma_start3A_379] : memref<16x1024xf32, #tpu.memory_space<vmem_shared>> -> memref<1x1024xf32, #tpu.memory_space<vmem_shared>>
      %dma_start3A_381 = tpu.memref_squeeze %dma_start3A_380 : memref<1x1024xf32, #tpu.memory_space<vmem_shared>> -> memref<1024xf32, #tpu.memory_space<vmem_shared>>
      %dma_start3A_382 = arith.constant 0 : i32
      %dma_start3A_383 = tpu.memref_slice %arg6[%dma_start3A_382] : memref<1040xf32, #tpu.memory_space<vmem>> -> memref<1024xf32, #tpu.memory_space<vmem>>
      tpu.enqueue_dma source(%dma_start3A_383 : memref<1024xf32, #tpu.memory_space<vmem>>) target(%dma_start3A_381 : memref<1024xf32, #tpu.memory_space<vmem_shared>>) target_semaphore(%run_scoped3A : memref<!tpu.dma_semaphore, #tpu.memory_space<semaphore_mem>>)
      %dma_wait3A = arith.constant 0 : i32
      %dma_wait3A_384 = tpu.memref_slice %arg6[%dma_wait3A] : memref<1040xf32, #tpu.memory_space<vmem>> -> memref<1024xf32, #tpu.memory_space<vmem>>
      %dma_wait3A_385 = arith.constant 0 : i32
      %dma_wait3A_386 = tpu.memref_slice %arg20[%arg1, %dma_wait3A_385] : memref<16x1024xf32, #tpu.memory_space<vmem_shared>> -> memref<1x1024xf32, #tpu.memory_space<vmem_shared>>
      %dma_wait3A_387 = tpu.memref_squeeze %dma_wait3A_386 : memref<1x1024xf32, #tpu.memory_space<vmem_shared>> -> memref<1024xf32, #tpu.memory_space<vmem_shared>>
      %dma_wait3A_388 = arith.constant 0 : i32
      %dma_wait3A_389 = tpu.memref_slice %arg20[%arg1, %dma_wait3A_388] : memref<16x1024xf32, #tpu.memory_space<vmem_shared>> -> memref<1x1024xf32, #tpu.memory_space<vmem_shared>>
      %dma_wait3A_390 = tpu.memref_squeeze %dma_wait3A_389 : memref<1x1024xf32, #tpu.memory_space<vmem_shared>> -> memref<1024xf32, #tpu.memory_space<vmem_shared>>
      %dma_wait3A_391 = arith.constant 0 : i32
      %dma_wait3A_392 = tpu.memref_slice %arg6[%dma_wait3A_391] : memref<1040xf32, #tpu.memory_space<vmem>> -> memref<1024xf32, #tpu.memory_space<vmem>>
      tpu.wait_dma2 semaphore(%run_scoped3A : memref<!tpu.dma_semaphore, #tpu.memory_space<semaphore_mem>>) src(%dma_wait3A_392 : memref<1024xf32, #tpu.memory_space<vmem>>) dst(%dma_wait3A_390 : memref<1024xf32, #tpu.memory_space<vmem_shared>>)
      tpu.yield
    }) : () -> ()
    "tpu.region"() ({
      %run_scoped3A = tpu.sem_alloc : memref<!tpu.dma_semaphore, #tpu.memory_space<semaphore_mem>>
      %dma_start3A = arith.constant 0 : i32
      %dma_start3A_375 = tpu.memref_slice %arg7[%dma_start3A] : memref<1040xi32, #tpu.memory_space<vmem>> -> memref<1024xi32, #tpu.memory_space<vmem>>
      %dma_start3A_376 = arith.constant 0 : i32
      %dma_start3A_377 = tpu.memref_slice %arg21[%arg1, %dma_start3A_376] : memref<16x1024xi32, #tpu.memory_space<vmem_shared>> -> memref<1x1024xi32, #tpu.memory_space<vmem_shared>>
      %dma_start3A_378 = tpu.memref_squeeze %dma_start3A_377 : memref<1x1024xi32, #tpu.memory_space<vmem_shared>> -> memref<1024xi32, #tpu.memory_space<vmem_shared>>
      %dma_start3A_379 = arith.constant 0 : i32
      %dma_start3A_380 = tpu.memref_slice %arg21[%arg1, %dma_start3A_379] : memref<16x1024xi32, #tpu.memory_space<vmem_shared>> -> memref<1x1024xi32, #tpu.memory_space<vmem_shared>>
      %dma_start3A_381 = tpu.memref_squeeze %dma_start3A_380 : memref<1x1024xi32, #tpu.memory_space<vmem_shared>> -> memref<1024xi32, #tpu.memory_space<vmem_shared>>
      %dma_start3A_382 = arith.constant 0 : i32
      %dma_start3A_383 = tpu.memref_slice %arg7[%dma_start3A_382] : memref<1040xi32, #tpu.memory_space<vmem>> -> memref<1024xi32, #tpu.memory_space<vmem>>
      tpu.enqueue_dma source(%dma_start3A_383 : memref<1024xi32, #tpu.memory_space<vmem>>) target(%dma_start3A_381 : memref<1024xi32, #tpu.memory_space<vmem_shared>>) target_semaphore(%run_scoped3A : memref<!tpu.dma_semaphore, #tpu.memory_space<semaphore_mem>>)
      %dma_wait3A = arith.constant 0 : i32
      %dma_wait3A_384 = tpu.memref_slice %arg7[%dma_wait3A] : memref<1040xi32, #tpu.memory_space<vmem>> -> memref<1024xi32, #tpu.memory_space<vmem>>
      %dma_wait3A_385 = arith.constant 0 : i32
      %dma_wait3A_386 = tpu.memref_slice %arg21[%arg1, %dma_wait3A_385] : memref<16x1024xi32, #tpu.memory_space<vmem_shared>> -> memref<1x1024xi32, #tpu.memory_space<vmem_shared>>
      %dma_wait3A_387 = tpu.memref_squeeze %dma_wait3A_386 : memref<1x1024xi32, #tpu.memory_space<vmem_shared>> -> memref<1024xi32, #tpu.memory_space<vmem_shared>>
      %dma_wait3A_388 = arith.constant 0 : i32
      %dma_wait3A_389 = tpu.memref_slice %arg21[%arg1, %dma_wait3A_388] : memref<16x1024xi32, #tpu.memory_space<vmem_shared>> -> memref<1x1024xi32, #tpu.memory_space<vmem_shared>>
      %dma_wait3A_390 = tpu.memref_squeeze %dma_wait3A_389 : memref<1x1024xi32, #tpu.memory_space<vmem_shared>> -> memref<1024xi32, #tpu.memory_space<vmem_shared>>
      %dma_wait3A_391 = arith.constant 0 : i32
      %dma_wait3A_392 = tpu.memref_slice %arg7[%dma_wait3A_391] : memref<1040xi32, #tpu.memory_space<vmem>> -> memref<1024xi32, #tpu.memory_space<vmem>>
      tpu.wait_dma2 semaphore(%run_scoped3A : memref<!tpu.dma_semaphore, #tpu.memory_space<semaphore_mem>>) src(%dma_wait3A_392 : memref<1024xi32, #tpu.memory_space<vmem>>) dst(%dma_wait3A_390 : memref<1024xi32, #tpu.memory_space<vmem_shared>>)
      tpu.yield
    }) : () -> ()
    %barrier3A = arith.constant 0 : index
    tpu.barrier barrier_id(%barrier3A)
    %eq3A_372 = arith.constant 0 : i32
    %eq3A_373 = arith.cmpi eq, %select_n3A_30, %eq3A_372 : i32
    %convert_element_type3A = arith.extui %eq3A_373 : i1 to i32
    %cond3A = arith.constant 0 : i32
    %cond3A_374 = arith.cmpi ne, %convert_element_type3A, %cond3A : i32
    scf.if %cond3A_374 {
      %add3A_375 = arith.constant 1 : i32
      %add3A_376 = arith.addi %arg1, %add3A_375 : i32
      "tpu.region"() ({
        %run_scoped3A = tpu.sem_alloc : memref<!tpu.dma_semaphore, #tpu.memory_space<semaphore_mem>>
        %dma_start3A = arith.constant 0 : i32
        %dma_start3A_536 = tpu.memref_slice %arg10[%dma_start3A] : memref<1040xf32, #tpu.memory_space<vmem>> -> memref<1024xf32, #tpu.memory_space<vmem>>
        %dma_start3A_537 = arith.constant 0 : i32
        %dma_start3A_538 = tpu.memref_slice %arg20[%add3A_376, %dma_start3A_537] : memref<16x1024xf32, #tpu.memory_space<vmem_shared>> -> memref<1x1024xf32, #tpu.memory_space<vmem_shared>>
        %dma_start3A_539 = tpu.memref_squeeze %dma_start3A_538 : memref<1x1024xf32, #tpu.memory_space<vmem_shared>> -> memref<1024xf32, #tpu.memory_space<vmem_shared>>
        %dma_start3A_540 = arith.constant 0 : i32
        %dma_start3A_541 = tpu.memref_slice %arg10[%dma_start3A_540] : memref<1040xf32, #tpu.memory_space<vmem>> -> memref<1024xf32, #tpu.memory_space<vmem>>
        %dma_start3A_542 = arith.constant 0 : i32
        %dma_start3A_543 = tpu.memref_slice %arg20[%add3A_376, %dma_start3A_542] : memref<16x1024xf32, #tpu.memory_space<vmem_shared>> -> memref<1x1024xf32, #tpu.memory_space<vmem_shared>>
        %dma_start3A_544 = tpu.memref_squeeze %dma_start3A_543 : memref<1x1024xf32, #tpu.memory_space<vmem_shared>> -> memref<1024xf32, #tpu.memory_space<vmem_shared>>
        tpu.enqueue_dma source(%dma_start3A_544 : memref<1024xf32, #tpu.memory_space<vmem_shared>>) target(%dma_start3A_541 : memref<1024xf32, #tpu.memory_space<vmem>>) target_semaphore(%run_scoped3A : memref<!tpu.dma_semaphore, #tpu.memory_space<semaphore_mem>>)
        %dma_wait3A = arith.constant 0 : i32
        %dma_wait3A_545 = tpu.memref_slice %arg10[%dma_wait3A] : memref<1040xf32, #tpu.memory_space<vmem>> -> memref<1024xf32, #tpu.memory_space<vmem>>
        %dma_wait3A_546 = arith.constant 0 : i32
        %dma_wait3A_547 = tpu.memref_slice %arg20[%add3A_376, %dma_wait3A_546] : memref<16x1024xf32, #tpu.memory_space<vmem_shared>> -> memref<1x1024xf32, #tpu.memory_space<vmem_shared>>
        %dma_wait3A_548 = tpu.memref_squeeze %dma_wait3A_547 : memref<1x1024xf32, #tpu.memory_space<vmem_shared>> -> memref<1024xf32, #tpu.memory_space<vmem_shared>>
        %dma_wait3A_549 = arith.constant 0 : i32
        %dma_wait3A_550 = tpu.memref_slice %arg10[%dma_wait3A_549] : memref<1040xf32, #tpu.memory_space<vmem>> -> memref<1024xf32, #tpu.memory_space<vmem>>
        %dma_wait3A_551 = arith.constant 0 : i32
        %dma_wait3A_552 = tpu.memref_slice %arg20[%add3A_376, %dma_wait3A_551] : memref<16x1024xf32, #tpu.memory_space<vmem_shared>> -> memref<1x1024xf32, #tpu.memory_space<vmem_shared>>
        %dma_wait3A_553 = tpu.memref_squeeze %dma_wait3A_552 : memref<1x1024xf32, #tpu.memory_space<vmem_shared>> -> memref<1024xf32, #tpu.memory_space<vmem_shared>>
        tpu.wait_dma2 semaphore(%run_scoped3A : memref<!tpu.dma_semaphore, #tpu.memory_space<semaphore_mem>>) src(%dma_wait3A_553 : memref<1024xf32, #tpu.memory_space<vmem_shared>>) dst(%dma_wait3A_550 : memref<1024xf32, #tpu.memory_space<vmem>>)
        tpu.yield
      }) : () -> ()
      %add3A_377 = arith.constant 1 : i32
      %add3A_378 = arith.addi %arg1, %add3A_377 : i32
      "tpu.region"() ({
        %run_scoped3A = tpu.sem_alloc : memref<!tpu.dma_semaphore, #tpu.memory_space<semaphore_mem>>
        %dma_start3A = arith.constant 0 : i32
        %dma_start3A_536 = tpu.memref_slice %arg11[%dma_start3A] : memref<1040xi32, #tpu.memory_space<vmem>> -> memref<1024xi32, #tpu.memory_space<vmem>>
        %dma_start3A_537 = arith.constant 0 : i32
        %dma_start3A_538 = tpu.memref_slice %arg21[%add3A_378, %dma_start3A_537] : memref<16x1024xi32, #tpu.memory_space<vmem_shared>> -> memref<1x1024xi32, #tpu.memory_space<vmem_shared>>
        %dma_start3A_539 = tpu.memref_squeeze %dma_start3A_538 : memref<1x1024xi32, #tpu.memory_space<vmem_shared>> -> memref<1024xi32, #tpu.memory_space<vmem_shared>>
        %dma_start3A_540 = arith.constant 0 : i32
        %dma_start3A_541 = tpu.memref_slice %arg11[%dma_start3A_540] : memref<1040xi32, #tpu.memory_space<vmem>> -> memref<1024xi32, #tpu.memory_space<vmem>>
        %dma_start3A_542 = arith.constant 0 : i32
        %dma_start3A_543 = tpu.memref_slice %arg21[%add3A_378, %dma_start3A_542] : memref<16x1024xi32, #tpu.memory_space<vmem_shared>> -> memref<1x1024xi32, #tpu.memory_space<vmem_shared>>
        %dma_start3A_544 = tpu.memref_squeeze %dma_start3A_543 : memref<1x1024xi32, #tpu.memory_space<vmem_shared>> -> memref<1024xi32, #tpu.memory_space<vmem_shared>>
        tpu.enqueue_dma source(%dma_start3A_544 : memref<1024xi32, #tpu.memory_space<vmem_shared>>) target(%dma_start3A_541 : memref<1024xi32, #tpu.memory_space<vmem>>) target_semaphore(%run_scoped3A : memref<!tpu.dma_semaphore, #tpu.memory_space<semaphore_mem>>)
        %dma_wait3A = arith.constant 0 : i32
        %dma_wait3A_545 = tpu.memref_slice %arg11[%dma_wait3A] : memref<1040xi32, #tpu.memory_space<vmem>> -> memref<1024xi32, #tpu.memory_space<vmem>>
        %dma_wait3A_546 = arith.constant 0 : i32
        %dma_wait3A_547 = tpu.memref_slice %arg21[%add3A_378, %dma_wait3A_546] : memref<16x1024xi32, #tpu.memory_space<vmem_shared>> -> memref<1x1024xi32, #tpu.memory_space<vmem_shared>>
        %dma_wait3A_548 = tpu.memref_squeeze %dma_wait3A_547 : memref<1x1024xi32, #tpu.memory_space<vmem_shared>> -> memref<1024xi32, #tpu.memory_space<vmem_shared>>
        %dma_wait3A_549 = arith.constant 0 : i32
        %dma_wait3A_550 = tpu.memref_slice %arg11[%dma_wait3A_549] : memref<1040xi32, #tpu.memory_space<vmem>> -> memref<1024xi32, #tpu.memory_space<vmem>>
        %dma_wait3A_551 = arith.constant 0 : i32
        %dma_wait3A_552 = tpu.memref_slice %arg21[%add3A_378, %dma_wait3A_551] : memref<16x1024xi32, #tpu.memory_space<vmem_shared>> -> memref<1x1024xi32, #tpu.memory_space<vmem_shared>>
        %dma_wait3A_553 = tpu.memref_squeeze %dma_wait3A_552 : memref<1x1024xi32, #tpu.memory_space<vmem_shared>> -> memref<1024xi32, #tpu.memory_space<vmem_shared>>
        tpu.wait_dma2 semaphore(%run_scoped3A : memref<!tpu.dma_semaphore, #tpu.memory_space<semaphore_mem>>) src(%dma_wait3A_553 : memref<1024xi32, #tpu.memory_space<vmem_shared>>) dst(%dma_wait3A_550 : memref<1024xi32, #tpu.memory_space<vmem>>)
        tpu.yield
      }) : () -> ()
      %add3A_379 = arith.constant 2 : i32
      %add3A_380 = arith.addi %arg1, %add3A_379 : i32
      "tpu.region"() ({
        %run_scoped3A = tpu.sem_alloc : memref<!tpu.dma_semaphore, #tpu.memory_space<semaphore_mem>>
        %dma_start3A = arith.constant 0 : i32
        %dma_start3A_536 = tpu.memref_slice %arg12[%dma_start3A] : memref<1040xf32, #tpu.memory_space<vmem>> -> memref<1024xf32, #tpu.memory_space<vmem>>
        %dma_start3A_537 = arith.constant 0 : i32
        %dma_start3A_538 = tpu.memref_slice %arg20[%add3A_380, %dma_start3A_537] : memref<16x1024xf32, #tpu.memory_space<vmem_shared>> -> memref<1x1024xf32, #tpu.memory_space<vmem_shared>>
        %dma_start3A_539 = tpu.memref_squeeze %dma_start3A_538 : memref<1x1024xf32, #tpu.memory_space<vmem_shared>> -> memref<1024xf32, #tpu.memory_space<vmem_shared>>
        %dma_start3A_540 = arith.constant 0 : i32
        %dma_start3A_541 = tpu.memref_slice %arg12[%dma_start3A_540] : memref<1040xf32, #tpu.memory_space<vmem>> -> memref<1024xf32, #tpu.memory_space<vmem>>
        %dma_start3A_542 = arith.constant 0 : i32
        %dma_start3A_543 = tpu.memref_slice %arg20[%add3A_380, %dma_start3A_542] : memref<16x1024xf32, #tpu.memory_space<vmem_shared>> -> memref<1x1024xf32, #tpu.memory_space<vmem_shared>>
        %dma_start3A_544 = tpu.memref_squeeze %dma_start3A_543 : memref<1x1024xf32, #tpu.memory_space<vmem_shared>> -> memref<1024xf32, #tpu.memory_space<vmem_shared>>
        tpu.enqueue_dma source(%dma_start3A_544 : memref<1024xf32, #tpu.memory_space<vmem_shared>>) target(%dma_start3A_541 : memref<1024xf32, #tpu.memory_space<vmem>>) target_semaphore(%run_scoped3A : memref<!tpu.dma_semaphore, #tpu.memory_space<semaphore_mem>>)
        %dma_wait3A = arith.constant 0 : i32
        %dma_wait3A_545 = tpu.memref_slice %arg12[%dma_wait3A] : memref<1040xf32, #tpu.memory_space<vmem>> -> memref<1024xf32, #tpu.memory_space<vmem>>
        %dma_wait3A_546 = arith.constant 0 : i32
        %dma_wait3A_547 = tpu.memref_slice %arg20[%add3A_380, %dma_wait3A_546] : memref<16x1024xf32, #tpu.memory_space<vmem_shared>> -> memref<1x1024xf32, #tpu.memory_space<vmem_shared>>
        %dma_wait3A_548 = tpu.memref_squeeze %dma_wait3A_547 : memref<1x1024xf32, #tpu.memory_space<vmem_shared>> -> memref<1024xf32, #tpu.memory_space<vmem_shared>>
        %dma_wait3A_549 = arith.constant 0 : i32
        %dma_wait3A_550 = tpu.memref_slice %arg12[%dma_wait3A_549] : memref<1040xf32, #tpu.memory_space<vmem>> -> memref<1024xf32, #tpu.memory_space<vmem>>
        %dma_wait3A_551 = arith.constant 0 : i32
        %dma_wait3A_552 = tpu.memref_slice %arg20[%add3A_380, %dma_wait3A_551] : memref<16x1024xf32, #tpu.memory_space<vmem_shared>> -> memref<1x1024xf32, #tpu.memory_space<vmem_shared>>
        %dma_wait3A_553 = tpu.memref_squeeze %dma_wait3A_552 : memref<1x1024xf32, #tpu.memory_space<vmem_shared>> -> memref<1024xf32, #tpu.memory_space<vmem_shared>>
        tpu.wait_dma2 semaphore(%run_scoped3A : memref<!tpu.dma_semaphore, #tpu.memory_space<semaphore_mem>>) src(%dma_wait3A_553 : memref<1024xf32, #tpu.memory_space<vmem_shared>>) dst(%dma_wait3A_550 : memref<1024xf32, #tpu.memory_space<vmem>>)
        tpu.yield
      }) : () -> ()
      %add3A_381 = arith.constant 2 : i32
      %add3A_382 = arith.addi %arg1, %add3A_381 : i32
      "tpu.region"() ({
        %run_scoped3A = tpu.sem_alloc : memref<!tpu.dma_semaphore, #tpu.memory_space<semaphore_mem>>
        %dma_start3A = arith.constant 0 : i32
        %dma_start3A_536 = tpu.memref_slice %arg13[%dma_start3A] : memref<1040xi32, #tpu.memory_space<vmem>> -> memref<1024xi32, #tpu.memory_space<vmem>>
        %dma_start3A_537 = arith.constant 0 : i32
        %dma_start3A_538 = tpu.memref_slice %arg21[%add3A_382, %dma_start3A_537] : memref<16x1024xi32, #tpu.memory_space<vmem_shared>> -> memref<1x1024xi32, #tpu.memory_space<vmem_shared>>
        %dma_start3A_539 = tpu.memref_squeeze %dma_start3A_538 : memref<1x1024xi32, #tpu.memory_space<vmem_shared>> -> memref<1024xi32, #tpu.memory_space<vmem_shared>>
        %dma_start3A_540 = arith.constant 0 : i32
        %dma_start3A_541 = tpu.memref_slice %arg13[%dma_start3A_540] : memref<1040xi32, #tpu.memory_space<vmem>> -> memref<1024xi32, #tpu.memory_space<vmem>>
        %dma_start3A_542 = arith.constant 0 : i32
        %dma_start3A_543 = tpu.memref_slice %arg21[%add3A_382, %dma_start3A_542] : memref<16x1024xi32, #tpu.memory_space<vmem_shared>> -> memref<1x1024xi32, #tpu.memory_space<vmem_shared>>
        %dma_start3A_544 = tpu.memref_squeeze %dma_start3A_543 : memref<1x1024xi32, #tpu.memory_space<vmem_shared>> -> memref<1024xi32, #tpu.memory_space<vmem_shared>>
        tpu.enqueue_dma source(%dma_start3A_544 : memref<1024xi32, #tpu.memory_space<vmem_shared>>) target(%dma_start3A_541 : memref<1024xi32, #tpu.memory_space<vmem>>) target_semaphore(%run_scoped3A : memref<!tpu.dma_semaphore, #tpu.memory_space<semaphore_mem>>)
        %dma_wait3A = arith.constant 0 : i32
        %dma_wait3A_545 = tpu.memref_slice %arg13[%dma_wait3A] : memref<1040xi32, #tpu.memory_space<vmem>> -> memref<1024xi32, #tpu.memory_space<vmem>>
        %dma_wait3A_546 = arith.constant 0 : i32
        %dma_wait3A_547 = tpu.memref_slice %arg21[%add3A_382, %dma_wait3A_546] : memref<16x1024xi32, #tpu.memory_space<vmem_shared>> -> memref<1x1024xi32, #tpu.memory_space<vmem_shared>>
        %dma_wait3A_548 = tpu.memref_squeeze %dma_wait3A_547 : memref<1x1024xi32, #tpu.memory_space<vmem_shared>> -> memref<1024xi32, #tpu.memory_space<vmem_shared>>
        %dma_wait3A_549 = arith.constant 0 : i32
        %dma_wait3A_550 = tpu.memref_slice %arg13[%dma_wait3A_549] : memref<1040xi32, #tpu.memory_space<vmem>> -> memref<1024xi32, #tpu.memory_space<vmem>>
        %dma_wait3A_551 = arith.constant 0 : i32
        %dma_wait3A_552 = tpu.memref_slice %arg21[%add3A_382, %dma_wait3A_551] : memref<16x1024xi32, #tpu.memory_space<vmem_shared>> -> memref<1x1024xi32, #tpu.memory_space<vmem_shared>>
        %dma_wait3A_553 = tpu.memref_squeeze %dma_wait3A_552 : memref<1x1024xi32, #tpu.memory_space<vmem_shared>> -> memref<1024xi32, #tpu.memory_space<vmem_shared>>
        tpu.wait_dma2 semaphore(%run_scoped3A : memref<!tpu.dma_semaphore, #tpu.memory_space<semaphore_mem>>) src(%dma_wait3A_553 : memref<1024xi32, #tpu.memory_space<vmem_shared>>) dst(%dma_wait3A_550 : memref<1024xi32, #tpu.memory_space<vmem>>)
        tpu.yield
      }) : () -> ()
      %add3A_383 = arith.constant 3 : i32
      %add3A_384 = arith.addi %arg1, %add3A_383 : i32
      "tpu.region"() ({
        %run_scoped3A = tpu.sem_alloc : memref<!tpu.dma_semaphore, #tpu.memory_space<semaphore_mem>>
        %dma_start3A = arith.constant 0 : i32
        %dma_start3A_536 = tpu.memref_slice %arg14[%dma_start3A] : memref<1040xf32, #tpu.memory_space<vmem>> -> memref<1024xf32, #tpu.memory_space<vmem>>
        %dma_start3A_537 = arith.constant 0 : i32
        %dma_start3A_538 = tpu.memref_slice %arg20[%add3A_384, %dma_start3A_537] : memref<16x1024xf32, #tpu.memory_space<vmem_shared>> -> memref<1x1024xf32, #tpu.memory_space<vmem_shared>>
        %dma_start3A_539 = tpu.memref_squeeze %dma_start3A_538 : memref<1x1024xf32, #tpu.memory_space<vmem_shared>> -> memref<1024xf32, #tpu.memory_space<vmem_shared>>
        %dma_start3A_540 = arith.constant 0 : i32
        %dma_start3A_541 = tpu.memref_slice %arg14[%dma_start3A_540] : memref<1040xf32, #tpu.memory_space<vmem>> -> memref<1024xf32, #tpu.memory_space<vmem>>
        %dma_start3A_542 = arith.constant 0 : i32
        %dma_start3A_543 = tpu.memref_slice %arg20[%add3A_384, %dma_start3A_542] : memref<16x1024xf32, #tpu.memory_space<vmem_shared>> -> memref<1x1024xf32, #tpu.memory_space<vmem_shared>>
        %dma_start3A_544 = tpu.memref_squeeze %dma_start3A_543 : memref<1x1024xf32, #tpu.memory_space<vmem_shared>> -> memref<1024xf32, #tpu.memory_space<vmem_shared>>
        tpu.enqueue_dma source(%dma_start3A_544 : memref<1024xf32, #tpu.memory_space<vmem_shared>>) target(%dma_start3A_541 : memref<1024xf32, #tpu.memory_space<vmem>>) target_semaphore(%run_scoped3A : memref<!tpu.dma_semaphore, #tpu.memory_space<semaphore_mem>>)
        %dma_wait3A = arith.constant 0 : i32
        %dma_wait3A_545 = tpu.memref_slice %arg14[%dma_wait3A] : memref<1040xf32, #tpu.memory_space<vmem>> -> memref<1024xf32, #tpu.memory_space<vmem>>
        %dma_wait3A_546 = arith.constant 0 : i32
        %dma_wait3A_547 = tpu.memref_slice %arg20[%add3A_384, %dma_wait3A_546] : memref<16x1024xf32, #tpu.memory_space<vmem_shared>> -> memref<1x1024xf32, #tpu.memory_space<vmem_shared>>
        %dma_wait3A_548 = tpu.memref_squeeze %dma_wait3A_547 : memref<1x1024xf32, #tpu.memory_space<vmem_shared>> -> memref<1024xf32, #tpu.memory_space<vmem_shared>>
        %dma_wait3A_549 = arith.constant 0 : i32
        %dma_wait3A_550 = tpu.memref_slice %arg14[%dma_wait3A_549] : memref<1040xf32, #tpu.memory_space<vmem>> -> memref<1024xf32, #tpu.memory_space<vmem>>
        %dma_wait3A_551 = arith.constant 0 : i32
        %dma_wait3A_552 = tpu.memref_slice %arg20[%add3A_384, %dma_wait3A_551] : memref<16x1024xf32, #tpu.memory_space<vmem_shared>> -> memref<1x1024xf32, #tpu.memory_space<vmem_shared>>
        %dma_wait3A_553 = tpu.memref_squeeze %dma_wait3A_552 : memref<1x1024xf32, #tpu.memory_space<vmem_shared>> -> memref<1024xf32, #tpu.memory_space<vmem_shared>>
        tpu.wait_dma2 semaphore(%run_scoped3A : memref<!tpu.dma_semaphore, #tpu.memory_space<semaphore_mem>>) src(%dma_wait3A_553 : memref<1024xf32, #tpu.memory_space<vmem_shared>>) dst(%dma_wait3A_550 : memref<1024xf32, #tpu.memory_space<vmem>>)
        tpu.yield
      }) : () -> ()
      %add3A_385 = arith.constant 3 : i32
      %add3A_386 = arith.addi %arg1, %add3A_385 : i32
      "tpu.region"() ({
        %run_scoped3A = tpu.sem_alloc : memref<!tpu.dma_semaphore, #tpu.memory_space<semaphore_mem>>
        %dma_start3A = arith.constant 0 : i32
        %dma_start3A_536 = tpu.memref_slice %arg15[%dma_start3A] : memref<1040xi32, #tpu.memory_space<vmem>> -> memref<1024xi32, #tpu.memory_space<vmem>>
        %dma_start3A_537 = arith.constant 0 : i32
        %dma_start3A_538 = tpu.memref_slice %arg21[%add3A_386, %dma_start3A_537] : memref<16x1024xi32, #tpu.memory_space<vmem_shared>> -> memref<1x1024xi32, #tpu.memory_space<vmem_shared>>
        %dma_start3A_539 = tpu.memref_squeeze %dma_start3A_538 : memref<1x1024xi32, #tpu.memory_space<vmem_shared>> -> memref<1024xi32, #tpu.memory_space<vmem_shared>>
        %dma_start3A_540 = arith.constant 0 : i32
        %dma_start3A_541 = tpu.memref_slice %arg15[%dma_start3A_540] : memref<1040xi32, #tpu.memory_space<vmem>> -> memref<1024xi32, #tpu.memory_space<vmem>>
        %dma_start3A_542 = arith.constant 0 : i32
        %dma_start3A_543 = tpu.memref_slice %arg21[%add3A_386, %dma_start3A_542] : memref<16x1024xi32, #tpu.memory_space<vmem_shared>> -> memref<1x1024xi32, #tpu.memory_space<vmem_shared>>
        %dma_start3A_544 = tpu.memref_squeeze %dma_start3A_543 : memref<1x1024xi32, #tpu.memory_space<vmem_shared>> -> memref<1024xi32, #tpu.memory_space<vmem_shared>>
        tpu.enqueue_dma source(%dma_start3A_544 : memref<1024xi32, #tpu.memory_space<vmem_shared>>) target(%dma_start3A_541 : memref<1024xi32, #tpu.memory_space<vmem>>) target_semaphore(%run_scoped3A : memref<!tpu.dma_semaphore, #tpu.memory_space<semaphore_mem>>)
        %dma_wait3A = arith.constant 0 : i32
        %dma_wait3A_545 = tpu.memref_slice %arg15[%dma_wait3A] : memref<1040xi32, #tpu.memory_space<vmem>> -> memref<1024xi32, #tpu.memory_space<vmem>>
        %dma_wait3A_546 = arith.constant 0 : i32
        %dma_wait3A_547 = tpu.memref_slice %arg21[%add3A_386, %dma_wait3A_546] : memref<16x1024xi32, #tpu.memory_space<vmem_shared>> -> memref<1x1024xi32, #tpu.memory_space<vmem_shared>>
        %dma_wait3A_548 = tpu.memref_squeeze %dma_wait3A_547 : memref<1x1024xi32, #tpu.memory_space<vmem_shared>> -> memref<1024xi32, #tpu.memory_space<vmem_shared>>
        %dma_wait3A_549 = arith.constant 0 : i32
        %dma_wait3A_550 = tpu.memref_slice %arg15[%dma_wait3A_549] : memref<1040xi32, #tpu.memory_space<vmem>> -> memref<1024xi32, #tpu.memory_space<vmem>>
        %dma_wait3A_551 = arith.constant 0 : i32
        %dma_wait3A_552 = tpu.memref_slice %arg21[%add3A_386, %dma_wait3A_551] : memref<16x1024xi32, #tpu.memory_space<vmem_shared>> -> memref<1x1024xi32, #tpu.memory_space<vmem_shared>>
        %dma_wait3A_553 = tpu.memref_squeeze %dma_wait3A_552 : memref<1x1024xi32, #tpu.memory_space<vmem_shared>> -> memref<1024xi32, #tpu.memory_space<vmem_shared>>
        tpu.wait_dma2 semaphore(%run_scoped3A : memref<!tpu.dma_semaphore, #tpu.memory_space<semaphore_mem>>) src(%dma_wait3A_553 : memref<1024xi32, #tpu.memory_space<vmem_shared>>) dst(%dma_wait3A_550 : memref<1024xi32, #tpu.memory_space<vmem>>)
        tpu.yield
      }) : () -> ()
      %get3A = arith.constant 0 : index
      %get3A_387 = tpu.vector_load %arg6[%get3A] {strides = array<i32>} : memref<1040xf32, #tpu.memory_space<vmem>>, vector<16xf32>,
      %get3A_388 = arith.constant 0 : index
      %get3A_389 = tpu.vector_load %arg7[%get3A_388] {strides = array<i32>} : memref<1040xi32, #tpu.memory_space<vmem>>, vector<16xi32>,
      %get3A_390 = arith.constant 0 : index
      %get3A_391 = tpu.vector_load %arg10[%get3A_390] {strides = array<i32>} : memref<1040xf32, #tpu.memory_space<vmem>>, vector<16xf32>,
      %get3A_392 = arith.constant 0 : index
      %get3A_393 = tpu.vector_load %arg11[%get3A_392] {strides = array<i32>} : memref<1040xi32, #tpu.memory_space<vmem>>, vector<16xi32>,
      %scan3A_394 = arith.constant 1 : i32
      %scan3A_395 = arith.constant 1 : i32
      %scan3A_396 = arith.constant 0 : i32
      %scan3A_397 = arith.constant 63 : i32
      %scan3A_398 = arith.addi %scan3A_396, %scan3A_397 : i32
      %scan3A_399 = arith.constant 1 : i32
      %scan3A_400:6 = scf.for %scan3A_536 = %scan3A_396 to %scan3A_398 step %scan3A_399 iter_args(%scan3A_537 = %get3A_387, %scan3A_538 = %get3A_389, %scan3A_539 = %get3A_391, %scan3A_540 = %get3A_393, %scan3A_541 = %scan3A_394, %scan3A_542 = %scan3A_395) -> (vector<16xf32>, vector<16xi32>, vector<16xf32>, vector<16xi32>, i32, i32)  : i32 {
        %rev3A_543 = arith.constant 15 : i32
        %rev3A_544 = vector.broadcast %rev3A_543 : i32 to vector<16xi32>
        %rev3A_545 = tpu.iota {dimensions = array<i32: 0>} : vector<16xi32>
        %rev3A_546 = arith.subi %rev3A_544, %rev3A_545 : vector<16xi32>
        %rev3A_547 = tpu.dynamic_gather %scan3A_539[%rev3A_546] in [0] : vector<16xf32>, vector<16xi32> -> vector<16xf32>
        %rev3A_548 = arith.constant 15 : i32
        %rev3A_549 = vector.broadcast %rev3A_548 : i32 to vector<16xi32>
        %rev3A_550 = tpu.iota {dimensions = array<i32: 0>} : vector<16xi32>
        %rev3A_551 = arith.subi %rev3A_549, %rev3A_550 : vector<16xi32>
        %rev3A_552 = tpu.dynamic_gather %scan3A_540[%rev3A_551] in [0] : vector<16xi32>, vector<16xi32> -> vector<16xi32>
        %ge3A_553 = arith.cmpf oge, %scan3A_537, %rev3A_547 : vector<16xf32>
        %select_n3A_554 = arith.select %ge3A_553, %scan3A_537, %rev3A_547 : vector<16xi1>, vector<16xf32>
        %select_n3A_555 = arith.select %ge3A_553, %scan3A_538, %rev3A_552 : vector<16xi1>, vector<16xi32>
        %select_n3A_556 = arith.select %ge3A_553, %rev3A_547, %scan3A_537 : vector<16xi1>, vector<16xf32>
        %select_n3A_557 = arith.select %ge3A_553, %rev3A_552, %scan3A_538 : vector<16xi1>, vector<16xi32>
        %masked_sort3A_558 = arith.constant dense<true> : vector<16xi1>
        %masked_sort3A_559, %masked_sort3A_560, %masked_sort3A_561 = tpu.sort %select_n3A_554, %select_n3A_555 masked %masked_sort3A_558 {descending = true} : (vector<16xf32>, vector<16xi32>, vector<16xi1>) -> (vector<16xi1>, vector<16xf32>, vector<16xi32>)
        %masked_sort3A_562 = arith.constant dense<true> : vector<16xi1>
        %masked_sort3A_563, %masked_sort3A_564, %masked_sort3A_565 = tpu.sort %select_n3A_556, %select_n3A_557 masked %masked_sort3A_562 {descending = true} : (vector<16xf32>, vector<16xi32>, vector<16xi1>) -> (vector<16xi1>, vector<16xf32>, vector<16xi32>)
        %mul3A_566 = arith.constant 16 : i32
        %mul3A_567 = arith.muli %scan3A_536, %mul3A_566 : i32
        %add3A_568 = arith.constant 0 : i32
        %add3A_569 = arith.addi %add3A_568, %mul3A_567 : i32
        %swap3A_570 = arith.index_cast %add3A_569 : i32 to index
        %swap3A_571 = tpu.vector_load %arg16[%swap3A_570] {strides = array<i32>} : memref<1040xf32, #tpu.memory_space<vmem>>, vector<16xf32>,
        tpu.vector_store %arg16[%swap3A_570], %masked_sort3A_560 {strides = array<i32>} : memref<1040xf32, #tpu.memory_space<vmem>>, vector<16xf32>,
        %mul3A_572 = arith.constant 16 : i32
        %mul3A_573 = arith.muli %scan3A_536, %mul3A_572 : i32
        %add3A_574 = arith.constant 0 : i32
        %add3A_575 = arith.addi %add3A_574, %mul3A_573 : i32
        %swap3A_576 = arith.index_cast %add3A_575 : i32 to index
        %swap3A_577 = tpu.vector_load %arg17[%swap3A_576] {strides = array<i32>} : memref<1040xi32, #tpu.memory_space<vmem>>, vector<16xi32>,
        tpu.vector_store %arg17[%swap3A_576], %masked_sort3A_561 {strides = array<i32>} : memref<1040xi32, #tpu.memory_space<vmem>>, vector<16xi32>,
        %mul3A_578 = arith.constant 16 : i32
        %mul3A_579 = arith.muli %scan3A_541, %mul3A_578 : i32
        %add3A_580 = arith.constant 0 : i32
        %add3A_581 = arith.addi %add3A_580, %mul3A_579 : i32
        %get3A_582 = arith.index_cast %add3A_581 : i32 to index
        %get3A_583 = tpu.vector_load %arg6[%get3A_582] {strides = array<i32>} : memref<1040xf32, #tpu.memory_space<vmem>>, vector<16xf32>,
        %mul3A_584 = arith.constant 16 : i32
        %mul3A_585 = arith.muli %scan3A_541, %mul3A_584 : i32
        %add3A_586 = arith.constant 0 : i32
        %add3A_587 = arith.addi %add3A_586, %mul3A_585 : i32
        %get3A_588 = arith.index_cast %add3A_587 : i32 to index
        %get3A_589 = tpu.vector_load %arg7[%get3A_588] {strides = array<i32>} : memref<1040xi32, #tpu.memory_space<vmem>>, vector<16xi32>,
        %mul3A_590 = arith.constant 16 : i32
        %mul3A_591 = arith.muli %scan3A_542, %mul3A_590 : i32
        %add3A_592 = arith.constant 0 : i32
        %add3A_593 = arith.addi %add3A_592, %mul3A_591 : i32
        %get3A_594 = arith.index_cast %add3A_593 : i32 to index
        %get3A_595 = tpu.vector_load %arg10[%get3A_594] {strides = array<i32>} : memref<1040xf32, #tpu.memory_space<vmem>>, vector<16xf32>,
        %mul3A_596 = arith.constant 16 : i32
        %mul3A_597 = arith.muli %scan3A_542, %mul3A_596 : i32
        %add3A_598 = arith.constant 0 : i32
        %add3A_599 = arith.addi %add3A_598, %mul3A_597 : i32
        %get3A_600 = arith.index_cast %add3A_599 : i32 to index
        %get3A_601 = tpu.vector_load %arg11[%get3A_600] {strides = array<i32>} : memref<1040xi32, #tpu.memory_space<vmem>>, vector<16xi32>,
        %slice3A = vector.extract_strided_slice %get3A_583 {offsets = [0], sizes = [1], strides = [1]} : vector<16xf32> to vector<1xf32>
        %squeeze3A = vector.extract %slice3A[0] : f32 from vector<1xf32>
        %slice3A_602 = vector.extract_strided_slice %get3A_595 {offsets = [0], sizes = [1], strides = [1]} : vector<16xf32> to vector<1xf32>
        %squeeze3A_603 = vector.extract %slice3A_602[0] : f32 from vector<1xf32>
        %lt3A_604 = arith.constant 64 : i32
        %lt3A_605 = arith.cmpi slt, %scan3A_541, %lt3A_604 : i32
        %jit3A_606 = arith.constant 1 : i32
        %jit3A_607 = arith.constant 0 : i32
        %select_n3A_608 = arith.select %lt3A_605, %jit3A_606, %jit3A_607 : i32
        %lt3A_609 = arith.constant 64 : i32
        %lt3A_610 = arith.cmpi slt, %scan3A_542, %lt3A_609 : i32
        %jit3A_611 = arith.constant 1 : i32
        %jit3A_612 = arith.constant 0 : i32
        %select_n3A_613 = arith.select %lt3A_610, %jit3A_611, %jit3A_612 : i32
        %sub3A_614 = arith.constant 1 : i32
        %sub3A_615 = arith.subi %sub3A_614, %select_n3A_613 : i32
        %ge3A_616 = arith.cmpf oge, %squeeze3A, %squeeze3A_603 : f32
        %jit3A_617 = arith.constant 1 : i32
        %jit3A_618 = arith.constant 0 : i32
        %select_n3A_619 = arith.select %ge3A_616, %jit3A_617, %jit3A_618 : i32
        %max3A = arith.maxsi %sub3A_615, %select_n3A_619 : i32
        %mul3A_620 = arith.muli %select_n3A_608, %max3A : i32
        %sub3A_621 = arith.constant 1 : i32
        %sub3A_622 = arith.subi %sub3A_621, %select_n3A_608 : i32
        %sub3A_623 = arith.constant 1 : i32
        %sub3A_624 = arith.subi %sub3A_623, %select_n3A_613 : i32
        %mul3A_625 = arith.muli %sub3A_622, %sub3A_624 : i32
        %broadcast_in_dim3A_626 = vector.broadcast %mul3A_620 : i32 to vector<16xi32>
        %ne3A_627 = arith.constant 0 : i32
        %ne3A_628 = vector.broadcast %ne3A_627 : i32 to vector<16xi32>
        %ne3A_629 = arith.cmpi ne, %broadcast_in_dim3A_626, %ne3A_628 : vector<16xi32>
        %broadcast_in_dim3A_630 = vector.broadcast %mul3A_625 : i32 to vector<16xi32>
        %ne3A_631 = arith.constant 0 : i32
        %ne3A_632 = vector.broadcast %ne3A_631 : i32 to vector<16xi32>
        %ne3A_633 = arith.cmpi ne, %broadcast_in_dim3A_630, %ne3A_632 : vector<16xi32>
        %broadcast_in_dim3A_634 = arith.constant -3.40282347E+38 : f32
        %broadcast_in_dim3A_635 = vector.broadcast %broadcast_in_dim3A_634 : f32 to vector<16xf32>
        %select_n3A_636 = arith.select %ne3A_629, %get3A_583, %get3A_595 : vector<16xi1>, vector<16xf32>
        %select_n3A_637 = arith.select %ne3A_633, %broadcast_in_dim3A_635, %select_n3A_636 : vector<16xi1>, vector<16xf32>
        %select_n3A_638 = arith.select %ne3A_629, %get3A_589, %get3A_601 : vector<16xi1>, vector<16xi32>
        %add3A_639 = arith.addi %scan3A_541, %mul3A_620 : i32
        %sub3A_640 = arith.constant 1 : i32
        %sub3A_641 = arith.subi %sub3A_640, %mul3A_620 : i32
        %add3A_642 = arith.addi %scan3A_542, %sub3A_641 : i32
        scf.yield %masked_sort3A_564, %masked_sort3A_565, %select_n3A_637, %select_n3A_638, %add3A_639, %add3A_642 : vector<16xf32>, vector<16xi32>, vector<16xf32>, vector<16xi32>, i32, i32
      }
      %scan3A_401 = arith.constant 63 : i32
      %rev3A = arith.constant 15 : i32
      %rev3A_402 = vector.broadcast %rev3A : i32 to vector<16xi32>
      %rev3A_403 = tpu.iota {dimensions = array<i32: 0>} : vector<16xi32>
      %rev3A_404 = arith.subi %rev3A_402, %rev3A_403 : vector<16xi32>
      %rev3A_405 = tpu.dynamic_gather %scan3A_400#2[%rev3A_404] in [0] : vector<16xf32>, vector<16xi32> -> vector<16xf32>
      %rev3A_406 = arith.constant 15 : i32
      %rev3A_407 = vector.broadcast %rev3A_406 : i32 to vector<16xi32>
      %rev3A_408 = tpu.iota {dimensions = array<i32: 0>} : vector<16xi32>
      %rev3A_409 = arith.subi %rev3A_407, %rev3A_408 : vector<16xi32>
      %rev3A_410 = tpu.dynamic_gather %scan3A_400#3[%rev3A_409] in [0] : vector<16xi32>, vector<16xi32> -> vector<16xi32>
      %ge3A = arith.cmpf oge, %scan3A_400#0, %rev3A_405 : vector<16xf32>
      %select_n3A_411 = arith.select %ge3A, %scan3A_400#0, %rev3A_405 : vector<16xi1>, vector<16xf32>
      %select_n3A_412 = arith.select %ge3A, %scan3A_400#1, %rev3A_410 : vector<16xi1>, vector<16xi32>
      %select_n3A_413 = arith.select %ge3A, %rev3A_405, %scan3A_400#0 : vector<16xi1>, vector<16xf32>
      %select_n3A_414 = arith.select %ge3A, %rev3A_410, %scan3A_400#1 : vector<16xi1>, vector<16xi32>
      %masked_sort3A = arith.constant dense<true> : vector<16xi1>
      %masked_sort3A_415, %masked_sort3A_416, %masked_sort3A_417 = tpu.sort %select_n3A_411, %select_n3A_412 masked %masked_sort3A {descending = true} : (vector<16xf32>, vector<16xi32>, vector<16xi1>) -> (vector<16xi1>, vector<16xf32>, vector<16xi32>)
      %masked_sort3A_418 = arith.constant dense<true> : vector<16xi1>
      %masked_sort3A_419, %masked_sort3A_420, %masked_sort3A_421 = tpu.sort %select_n3A_413, %select_n3A_414 masked %masked_sort3A_418 {descending = true} : (vector<16xf32>, vector<16xi32>, vector<16xi1>) -> (vector<16xi1>, vector<16xf32>, vector<16xi32>)
      %swap3A_422 = arith.constant 1008 : index
      %swap3A_423 = tpu.vector_load %arg16[%swap3A_422] {strides = array<i32>} : memref<1040xf32, #tpu.memory_space<vmem>>, vector<16xf32>,
      tpu.vector_store %arg16[%swap3A_422], %masked_sort3A_416 {strides = array<i32>} : memref<1040xf32, #tpu.memory_space<vmem>>, vector<16xf32>,
      %swap3A_424 = arith.constant 1008 : index
      %swap3A_425 = tpu.vector_load %arg17[%swap3A_424] {strides = array<i32>} : memref<1040xi32, #tpu.memory_space<vmem>>, vector<16xi32>,
      tpu.vector_store %arg17[%swap3A_424], %masked_sort3A_417 {strides = array<i32>} : memref<1040xi32, #tpu.memory_space<vmem>>, vector<16xi32>,
      %get3A_426 = arith.constant 0 : index
      %get3A_427 = tpu.vector_load %arg12[%get3A_426] {strides = array<i32>} : memref<1040xf32, #tpu.memory_space<vmem>>, vector<16xf32>,
      %get3A_428 = arith.constant 0 : index
      %get3A_429 = tpu.vector_load %arg13[%get3A_428] {strides = array<i32>} : memref<1040xi32, #tpu.memory_space<vmem>>, vector<16xi32>,
      %get3A_430 = arith.constant 0 : index
      %get3A_431 = tpu.vector_load %arg14[%get3A_430] {strides = array<i32>} : memref<1040xf32, #tpu.memory_space<vmem>>, vector<16xf32>,
      %get3A_432 = arith.constant 0 : index
      %get3A_433 = tpu.vector_load %arg15[%get3A_432] {strides = array<i32>} : memref<1040xi32, #tpu.memory_space<vmem>>, vector<16xi32>,
      %scan3A_434 = arith.constant 1 : i32
      %scan3A_435 = arith.constant 1 : i32
      %scan3A_436 = arith.constant 0 : i32
      %scan3A_437 = arith.constant 63 : i32
      %scan3A_438 = arith.addi %scan3A_436, %scan3A_437 : i32
      %scan3A_439 = arith.constant 1 : i32
      %scan3A_440:6 = scf.for %scan3A_536 = %scan3A_436 to %scan3A_438 step %scan3A_439 iter_args(%scan3A_537 = %get3A_427, %scan3A_538 = %get3A_429, %scan3A_539 = %get3A_431, %scan3A_540 = %get3A_433, %scan3A_541 = %scan3A_434, %scan3A_542 = %scan3A_435) -> (vector<16xf32>, vector<16xi32>, vector<16xf32>, vector<16xi32>, i32, i32)  : i32 {
        %rev3A_543 = arith.constant 15 : i32
        %rev3A_544 = vector.broadcast %rev3A_543 : i32 to vector<16xi32>
        %rev3A_545 = tpu.iota {dimensions = array<i32: 0>} : vector<16xi32>
        %rev3A_546 = arith.subi %rev3A_544, %rev3A_545 : vector<16xi32>
        %rev3A_547 = tpu.dynamic_gather %scan3A_539[%rev3A_546] in [0] : vector<16xf32>, vector<16xi32> -> vector<16xf32>
        %rev3A_548 = arith.constant 15 : i32
        %rev3A_549 = vector.broadcast %rev3A_548 : i32 to vector<16xi32>
        %rev3A_550 = tpu.iota {dimensions = array<i32: 0>} : vector<16xi32>
        %rev3A_551 = arith.subi %rev3A_549, %rev3A_550 : vector<16xi32>
        %rev3A_552 = tpu.dynamic_gather %scan3A_540[%rev3A_551] in [0] : vector<16xi32>, vector<16xi32> -> vector<16xi32>
        %ge3A_553 = arith.cmpf oge, %scan3A_537, %rev3A_547 : vector<16xf32>
        %select_n3A_554 = arith.select %ge3A_553, %scan3A_537, %rev3A_547 : vector<16xi1>, vector<16xf32>
        %select_n3A_555 = arith.select %ge3A_553, %scan3A_538, %rev3A_552 : vector<16xi1>, vector<16xi32>
        %select_n3A_556 = arith.select %ge3A_553, %rev3A_547, %scan3A_537 : vector<16xi1>, vector<16xf32>
        %select_n3A_557 = arith.select %ge3A_553, %rev3A_552, %scan3A_538 : vector<16xi1>, vector<16xi32>
        %masked_sort3A_558 = arith.constant dense<true> : vector<16xi1>
        %masked_sort3A_559, %masked_sort3A_560, %masked_sort3A_561 = tpu.sort %select_n3A_554, %select_n3A_555 masked %masked_sort3A_558 {descending = true} : (vector<16xf32>, vector<16xi32>, vector<16xi1>) -> (vector<16xi1>, vector<16xf32>, vector<16xi32>)
        %masked_sort3A_562 = arith.constant dense<true> : vector<16xi1>
        %masked_sort3A_563, %masked_sort3A_564, %masked_sort3A_565 = tpu.sort %select_n3A_556, %select_n3A_557 masked %masked_sort3A_562 {descending = true} : (vector<16xf32>, vector<16xi32>, vector<16xi1>) -> (vector<16xi1>, vector<16xf32>, vector<16xi32>)
        %mul3A_566 = arith.constant 16 : i32
        %mul3A_567 = arith.muli %scan3A_536, %mul3A_566 : i32
        %add3A_568 = arith.constant 0 : i32
        %add3A_569 = arith.addi %add3A_568, %mul3A_567 : i32
        %swap3A_570 = arith.index_cast %add3A_569 : i32 to index
        %swap3A_571 = tpu.vector_load %arg18[%swap3A_570] {strides = array<i32>} : memref<1040xf32, #tpu.memory_space<vmem>>, vector<16xf32>,
        tpu.vector_store %arg18[%swap3A_570], %masked_sort3A_560 {strides = array<i32>} : memref<1040xf32, #tpu.memory_space<vmem>>, vector<16xf32>,
        %mul3A_572 = arith.constant 16 : i32
        %mul3A_573 = arith.muli %scan3A_536, %mul3A_572 : i32
        %add3A_574 = arith.constant 0 : i32
        %add3A_575 = arith.addi %add3A_574, %mul3A_573 : i32
        %swap3A_576 = arith.index_cast %add3A_575 : i32 to index
        %swap3A_577 = tpu.vector_load %arg19[%swap3A_576] {strides = array<i32>} : memref<1040xi32, #tpu.memory_space<vmem>>, vector<16xi32>,
        tpu.vector_store %arg19[%swap3A_576], %masked_sort3A_561 {strides = array<i32>} : memref<1040xi32, #tpu.memory_space<vmem>>, vector<16xi32>,
        %mul3A_578 = arith.constant 16 : i32
        %mul3A_579 = arith.muli %scan3A_541, %mul3A_578 : i32
        %add3A_580 = arith.constant 0 : i32
        %add3A_581 = arith.addi %add3A_580, %mul3A_579 : i32
        %get3A_582 = arith.index_cast %add3A_581 : i32 to index
        %get3A_583 = tpu.vector_load %arg12[%get3A_582] {strides = array<i32>} : memref<1040xf32, #tpu.memory_space<vmem>>, vector<16xf32>,
        %mul3A_584 = arith.constant 16 : i32
        %mul3A_585 = arith.muli %scan3A_541, %mul3A_584 : i32
        %add3A_586 = arith.constant 0 : i32
        %add3A_587 = arith.addi %add3A_586, %mul3A_585 : i32
        %get3A_588 = arith.index_cast %add3A_587 : i32 to index
        %get3A_589 = tpu.vector_load %arg13[%get3A_588] {strides = array<i32>} : memref<1040xi32, #tpu.memory_space<vmem>>, vector<16xi32>,
        %mul3A_590 = arith.constant 16 : i32
        %mul3A_591 = arith.muli %scan3A_542, %mul3A_590 : i32
        %add3A_592 = arith.constant 0 : i32
        %add3A_593 = arith.addi %add3A_592, %mul3A_591 : i32
        %get3A_594 = arith.index_cast %add3A_593 : i32 to index
        %get3A_595 = tpu.vector_load %arg14[%get3A_594] {strides = array<i32>} : memref<1040xf32, #tpu.memory_space<vmem>>, vector<16xf32>,
        %mul3A_596 = arith.constant 16 : i32
        %mul3A_597 = arith.muli %scan3A_542, %mul3A_596 : i32
        %add3A_598 = arith.constant 0 : i32
        %add3A_599 = arith.addi %add3A_598, %mul3A_597 : i32
        %get3A_600 = arith.index_cast %add3A_599 : i32 to index
        %get3A_601 = tpu.vector_load %arg15[%get3A_600] {strides = array<i32>} : memref<1040xi32, #tpu.memory_space<vmem>>, vector<16xi32>,
        %slice3A = vector.extract_strided_slice %get3A_583 {offsets = [0], sizes = [1], strides = [1]} : vector<16xf32> to vector<1xf32>
        %squeeze3A = vector.extract %slice3A[0] : f32 from vector<1xf32>
        %slice3A_602 = vector.extract_strided_slice %get3A_595 {offsets = [0], sizes = [1], strides = [1]} : vector<16xf32> to vector<1xf32>
        %squeeze3A_603 = vector.extract %slice3A_602[0] : f32 from vector<1xf32>
        %lt3A_604 = arith.constant 64 : i32
        %lt3A_605 = arith.cmpi slt, %scan3A_541, %lt3A_604 : i32
        %jit3A_606 = arith.constant 1 : i32
        %jit3A_607 = arith.constant 0 : i32
        %select_n3A_608 = arith.select %lt3A_605, %jit3A_606, %jit3A_607 : i32
        %lt3A_609 = arith.constant 64 : i32
        %lt3A_610 = arith.cmpi slt, %scan3A_542, %lt3A_609 : i32
        %jit3A_611 = arith.constant 1 : i32
        %jit3A_612 = arith.constant 0 : i32
        %select_n3A_613 = arith.select %lt3A_610, %jit3A_611, %jit3A_612 : i32
        %sub3A_614 = arith.constant 1 : i32
        %sub3A_615 = arith.subi %sub3A_614, %select_n3A_613 : i32
        %ge3A_616 = arith.cmpf oge, %squeeze3A, %squeeze3A_603 : f32
        %jit3A_617 = arith.constant 1 : i32
        %jit3A_618 = arith.constant 0 : i32
        %select_n3A_619 = arith.select %ge3A_616, %jit3A_617, %jit3A_618 : i32
        %max3A = arith.maxsi %sub3A_615, %select_n3A_619 : i32
        %mul3A_620 = arith.muli %select_n3A_608, %max3A : i32
        %sub3A_621 = arith.constant 1 : i32
        %sub3A_622 = arith.subi %sub3A_621, %select_n3A_608 : i32
        %sub3A_623 = arith.constant 1 : i32
        %sub3A_624 = arith.subi %sub3A_623, %select_n3A_613 : i32
        %mul3A_625 = arith.muli %sub3A_622, %sub3A_624 : i32
        %broadcast_in_dim3A_626 = vector.broadcast %mul3A_620 : i32 to vector<16xi32>
        %ne3A_627 = arith.constant 0 : i32
        %ne3A_628 = vector.broadcast %ne3A_627 : i32 to vector<16xi32>
        %ne3A_629 = arith.cmpi ne, %broadcast_in_dim3A_626, %ne3A_628 : vector<16xi32>
        %broadcast_in_dim3A_630 = vector.broadcast %mul3A_625 : i32 to vector<16xi32>
        %ne3A_631 = arith.constant 0 : i32
        %ne3A_632 = vector.broadcast %ne3A_631 : i32 to vector<16xi32>
        %ne3A_633 = arith.cmpi ne, %broadcast_in_dim3A_630, %ne3A_632 : vector<16xi32>
        %broadcast_in_dim3A_634 = arith.constant -3.40282347E+38 : f32
        %broadcast_in_dim3A_635 = vector.broadcast %broadcast_in_dim3A_634 : f32 to vector<16xf32>
        %select_n3A_636 = arith.select %ne3A_629, %get3A_583, %get3A_595 : vector<16xi1>, vector<16xf32>
        %select_n3A_637 = arith.select %ne3A_633, %broadcast_in_dim3A_635, %select_n3A_636 : vector<16xi1>, vector<16xf32>
        %select_n3A_638 = arith.select %ne3A_629, %get3A_589, %get3A_601 : vector<16xi1>, vector<16xi32>
        %add3A_639 = arith.addi %scan3A_541, %mul3A_620 : i32
        %sub3A_640 = arith.constant 1 : i32
        %sub3A_641 = arith.subi %sub3A_640, %mul3A_620 : i32
        %add3A_642 = arith.addi %scan3A_542, %sub3A_641 : i32
        scf.yield %masked_sort3A_564, %masked_sort3A_565, %select_n3A_637, %select_n3A_638, %add3A_639, %add3A_642 : vector<16xf32>, vector<16xi32>, vector<16xf32>, vector<16xi32>, i32, i32
      }
      %scan3A_441 = arith.constant 63 : i32
      %rev3A_442 = arith.constant 15 : i32
      %rev3A_443 = vector.broadcast %rev3A_442 : i32 to vector<16xi32>
      %rev3A_444 = tpu.iota {dimensions = array<i32: 0>} : vector<16xi32>
      %rev3A_445 = arith.subi %rev3A_443, %rev3A_444 : vector<16xi32>
      %rev3A_446 = tpu.dynamic_gather %scan3A_440#2[%rev3A_445] in [0] : vector<16xf32>, vector<16xi32> -> vector<16xf32>
      %rev3A_447 = arith.constant 15 : i32
      %rev3A_448 = vector.broadcast %rev3A_447 : i32 to vector<16xi32>
      %rev3A_449 = tpu.iota {dimensions = array<i32: 0>} : vector<16xi32>
      %rev3A_450 = arith.subi %rev3A_448, %rev3A_449 : vector<16xi32>
      %rev3A_451 = tpu.dynamic_gather %scan3A_440#3[%rev3A_450] in [0] : vector<16xi32>, vector<16xi32> -> vector<16xi32>
      %ge3A_452 = arith.cmpf oge, %scan3A_440#0, %rev3A_446 : vector<16xf32>
      %select_n3A_453 = arith.select %ge3A_452, %scan3A_440#0, %rev3A_446 : vector<16xi1>, vector<16xf32>
      %select_n3A_454 = arith.select %ge3A_452, %scan3A_440#1, %rev3A_451 : vector<16xi1>, vector<16xi32>
      %select_n3A_455 = arith.select %ge3A_452, %rev3A_446, %scan3A_440#0 : vector<16xi1>, vector<16xf32>
      %select_n3A_456 = arith.select %ge3A_452, %rev3A_451, %scan3A_440#1 : vector<16xi1>, vector<16xi32>
      %masked_sort3A_457 = arith.constant dense<true> : vector<16xi1>
      %masked_sort3A_458, %masked_sort3A_459, %masked_sort3A_460 = tpu.sort %select_n3A_453, %select_n3A_454 masked %masked_sort3A_457 {descending = true} : (vector<16xf32>, vector<16xi32>, vector<16xi1>) -> (vector<16xi1>, vector<16xf32>, vector<16xi32>)
      %masked_sort3A_461 = arith.constant dense<true> : vector<16xi1>
      %masked_sort3A_462, %masked_sort3A_463, %masked_sort3A_464 = tpu.sort %select_n3A_455, %select_n3A_456 masked %masked_sort3A_461 {descending = true} : (vector<16xf32>, vector<16xi32>, vector<16xi1>) -> (vector<16xi1>, vector<16xf32>, vector<16xi32>)
      %swap3A_465 = arith.constant 1008 : index
      %swap3A_466 = tpu.vector_load %arg18[%swap3A_465] {strides = array<i32>} : memref<1040xf32, #tpu.memory_space<vmem>>, vector<16xf32>,
      tpu.vector_store %arg18[%swap3A_465], %masked_sort3A_459 {strides = array<i32>} : memref<1040xf32, #tpu.memory_space<vmem>>, vector<16xf32>,
      %swap3A_467 = arith.constant 1008 : index
      %swap3A_468 = tpu.vector_load %arg19[%swap3A_467] {strides = array<i32>} : memref<1040xi32, #tpu.memory_space<vmem>>, vector<16xi32>,
      tpu.vector_store %arg19[%swap3A_467], %masked_sort3A_460 {strides = array<i32>} : memref<1040xi32, #tpu.memory_space<vmem>>, vector<16xi32>,
      %get3A_469 = arith.constant 0 : index
      %get3A_470 = tpu.vector_load %arg16[%get3A_469] {strides = array<i32>} : memref<1040xf32, #tpu.memory_space<vmem>>, vector<16xf32>,
      %get3A_471 = arith.constant 0 : index
      %get3A_472 = tpu.vector_load %arg17[%get3A_471] {strides = array<i32>} : memref<1040xi32, #tpu.memory_space<vmem>>, vector<16xi32>,
      %get3A_473 = arith.constant 0 : index
      %get3A_474 = tpu.vector_load %arg18[%get3A_473] {strides = array<i32>} : memref<1040xf32, #tpu.memory_space<vmem>>, vector<16xf32>,
      %get3A_475 = arith.constant 0 : index
      %get3A_476 = tpu.vector_load %arg19[%get3A_475] {strides = array<i32>} : memref<1040xi32, #tpu.memory_space<vmem>>, vector<16xi32>,
      %scan3A_477 = arith.constant 1 : i32
      %scan3A_478 = arith.constant 1 : i32
      %scan3A_479 = arith.constant 0 : i32
      %scan3A_480 = arith.constant 63 : i32
      %scan3A_481 = arith.addi %scan3A_479, %scan3A_480 : i32
      %scan3A_482 = arith.constant 1 : i32
      %scan3A_483:6 = scf.for %scan3A_536 = %scan3A_479 to %scan3A_481 step %scan3A_482 iter_args(%scan3A_537 = %get3A_470, %scan3A_538 = %get3A_472, %scan3A_539 = %get3A_474, %scan3A_540 = %get3A_476, %scan3A_541 = %scan3A_477, %scan3A_542 = %scan3A_478) -> (vector<16xf32>, vector<16xi32>, vector<16xf32>, vector<16xi32>, i32, i32)  : i32 {
        %rev3A_543 = arith.constant 15 : i32
        %rev3A_544 = vector.broadcast %rev3A_543 : i32 to vector<16xi32>
        %rev3A_545 = tpu.iota {dimensions = array<i32: 0>} : vector<16xi32>
        %rev3A_546 = arith.subi %rev3A_544, %rev3A_545 : vector<16xi32>
        %rev3A_547 = tpu.dynamic_gather %scan3A_539[%rev3A_546] in [0] : vector<16xf32>, vector<16xi32> -> vector<16xf32>
        %rev3A_548 = arith.constant 15 : i32
        %rev3A_549 = vector.broadcast %rev3A_548 : i32 to vector<16xi32>
        %rev3A_550 = tpu.iota {dimensions = array<i32: 0>} : vector<16xi32>
        %rev3A_551 = arith.subi %rev3A_549, %rev3A_550 : vector<16xi32>
        %rev3A_552 = tpu.dynamic_gather %scan3A_540[%rev3A_551] in [0] : vector<16xi32>, vector<16xi32> -> vector<16xi32>
        %ge3A_553 = arith.cmpf oge, %scan3A_537, %rev3A_547 : vector<16xf32>
        %select_n3A_554 = arith.select %ge3A_553, %scan3A_537, %rev3A_547 : vector<16xi1>, vector<16xf32>
        %select_n3A_555 = arith.select %ge3A_553, %scan3A_538, %rev3A_552 : vector<16xi1>, vector<16xi32>
        %select_n3A_556 = arith.select %ge3A_553, %rev3A_547, %scan3A_537 : vector<16xi1>, vector<16xf32>
        %select_n3A_557 = arith.select %ge3A_553, %rev3A_552, %scan3A_538 : vector<16xi1>, vector<16xi32>
        %masked_sort3A_558 = arith.constant dense<true> : vector<16xi1>
        %masked_sort3A_559, %masked_sort3A_560, %masked_sort3A_561 = tpu.sort %select_n3A_554, %select_n3A_555 masked %masked_sort3A_558 {descending = true} : (vector<16xf32>, vector<16xi32>, vector<16xi1>) -> (vector<16xi1>, vector<16xf32>, vector<16xi32>)
        %masked_sort3A_562 = arith.constant dense<true> : vector<16xi1>
        %masked_sort3A_563, %masked_sort3A_564, %masked_sort3A_565 = tpu.sort %select_n3A_556, %select_n3A_557 masked %masked_sort3A_562 {descending = true} : (vector<16xf32>, vector<16xi32>, vector<16xi1>) -> (vector<16xi1>, vector<16xf32>, vector<16xi32>)
        %mul3A_566 = arith.constant 16 : i32
        %mul3A_567 = arith.muli %scan3A_536, %mul3A_566 : i32
        %add3A_568 = arith.constant 0 : i32
        %add3A_569 = arith.addi %add3A_568, %mul3A_567 : i32
        %swap3A_570 = arith.index_cast %add3A_569 : i32 to index
        %swap3A_571 = tpu.vector_load %arg8[%swap3A_570] {strides = array<i32>} : memref<1040xf32, #tpu.memory_space<vmem>>, vector<16xf32>,
        tpu.vector_store %arg8[%swap3A_570], %masked_sort3A_560 {strides = array<i32>} : memref<1040xf32, #tpu.memory_space<vmem>>, vector<16xf32>,
        %mul3A_572 = arith.constant 16 : i32
        %mul3A_573 = arith.muli %scan3A_536, %mul3A_572 : i32
        %add3A_574 = arith.constant 0 : i32
        %add3A_575 = arith.addi %add3A_574, %mul3A_573 : i32
        %swap3A_576 = arith.index_cast %add3A_575 : i32 to index
        %swap3A_577 = tpu.vector_load %arg9[%swap3A_576] {strides = array<i32>} : memref<1040xi32, #tpu.memory_space<vmem>>, vector<16xi32>,
        tpu.vector_store %arg9[%swap3A_576], %masked_sort3A_561 {strides = array<i32>} : memref<1040xi32, #tpu.memory_space<vmem>>, vector<16xi32>,
        %mul3A_578 = arith.constant 16 : i32
        %mul3A_579 = arith.muli %scan3A_541, %mul3A_578 : i32
        %add3A_580 = arith.constant 0 : i32
        %add3A_581 = arith.addi %add3A_580, %mul3A_579 : i32
        %get3A_582 = arith.index_cast %add3A_581 : i32 to index
        %get3A_583 = tpu.vector_load %arg16[%get3A_582] {strides = array<i32>} : memref<1040xf32, #tpu.memory_space<vmem>>, vector<16xf32>,
        %mul3A_584 = arith.constant 16 : i32
        %mul3A_585 = arith.muli %scan3A_541, %mul3A_584 : i32
        %add3A_586 = arith.constant 0 : i32
        %add3A_587 = arith.addi %add3A_586, %mul3A_585 : i32
        %get3A_588 = arith.index_cast %add3A_587 : i32 to index
        %get3A_589 = tpu.vector_load %arg17[%get3A_588] {strides = array<i32>} : memref<1040xi32, #tpu.memory_space<vmem>>, vector<16xi32>,
        %mul3A_590 = arith.constant 16 : i32
        %mul3A_591 = arith.muli %scan3A_542, %mul3A_590 : i32
        %add3A_592 = arith.constant 0 : i32
        %add3A_593 = arith.addi %add3A_592, %mul3A_591 : i32
        %get3A_594 = arith.index_cast %add3A_593 : i32 to index
        %get3A_595 = tpu.vector_load %arg18[%get3A_594] {strides = array<i32>} : memref<1040xf32, #tpu.memory_space<vmem>>, vector<16xf32>,
        %mul3A_596 = arith.constant 16 : i32
        %mul3A_597 = arith.muli %scan3A_542, %mul3A_596 : i32
        %add3A_598 = arith.constant 0 : i32
        %add3A_599 = arith.addi %add3A_598, %mul3A_597 : i32
        %get3A_600 = arith.index_cast %add3A_599 : i32 to index
        %get3A_601 = tpu.vector_load %arg19[%get3A_600] {strides = array<i32>} : memref<1040xi32, #tpu.memory_space<vmem>>, vector<16xi32>,
        %slice3A = vector.extract_strided_slice %get3A_583 {offsets = [0], sizes = [1], strides = [1]} : vector<16xf32> to vector<1xf32>
        %squeeze3A = vector.extract %slice3A[0] : f32 from vector<1xf32>
        %slice3A_602 = vector.extract_strided_slice %get3A_595 {offsets = [0], sizes = [1], strides = [1]} : vector<16xf32> to vector<1xf32>
        %squeeze3A_603 = vector.extract %slice3A_602[0] : f32 from vector<1xf32>
        %lt3A_604 = arith.constant 64 : i32
        %lt3A_605 = arith.cmpi slt, %scan3A_541, %lt3A_604 : i32
        %jit3A_606 = arith.constant 1 : i32
        %jit3A_607 = arith.constant 0 : i32
        %select_n3A_608 = arith.select %lt3A_605, %jit3A_606, %jit3A_607 : i32
        %lt3A_609 = arith.constant 64 : i32
        %lt3A_610 = arith.cmpi slt, %scan3A_542, %lt3A_609 : i32
        %jit3A_611 = arith.constant 1 : i32
        %jit3A_612 = arith.constant 0 : i32
        %select_n3A_613 = arith.select %lt3A_610, %jit3A_611, %jit3A_612 : i32
        %sub3A_614 = arith.constant 1 : i32
        %sub3A_615 = arith.subi %sub3A_614, %select_n3A_613 : i32
        %ge3A_616 = arith.cmpf oge, %squeeze3A, %squeeze3A_603 : f32
        %jit3A_617 = arith.constant 1 : i32
        %jit3A_618 = arith.constant 0 : i32
        %select_n3A_619 = arith.select %ge3A_616, %jit3A_617, %jit3A_618 : i32
        %max3A = arith.maxsi %sub3A_615, %select_n3A_619 : i32
        %mul3A_620 = arith.muli %select_n3A_608, %max3A : i32
        %sub3A_621 = arith.constant 1 : i32
        %sub3A_622 = arith.subi %sub3A_621, %select_n3A_608 : i32
        %sub3A_623 = arith.constant 1 : i32
        %sub3A_624 = arith.subi %sub3A_623, %select_n3A_613 : i32
        %mul3A_625 = arith.muli %sub3A_622, %sub3A_624 : i32
        %broadcast_in_dim3A_626 = vector.broadcast %mul3A_620 : i32 to vector<16xi32>
        %ne3A_627 = arith.constant 0 : i32
        %ne3A_628 = vector.broadcast %ne3A_627 : i32 to vector<16xi32>
        %ne3A_629 = arith.cmpi ne, %broadcast_in_dim3A_626, %ne3A_628 : vector<16xi32>
        %broadcast_in_dim3A_630 = vector.broadcast %mul3A_625 : i32 to vector<16xi32>
        %ne3A_631 = arith.constant 0 : i32
        %ne3A_632 = vector.broadcast %ne3A_631 : i32 to vector<16xi32>
        %ne3A_633 = arith.cmpi ne, %broadcast_in_dim3A_630, %ne3A_632 : vector<16xi32>
        %broadcast_in_dim3A_634 = arith.constant -3.40282347E+38 : f32
        %broadcast_in_dim3A_635 = vector.broadcast %broadcast_in_dim3A_634 : f32 to vector<16xf32>
        %select_n3A_636 = arith.select %ne3A_629, %get3A_583, %get3A_595 : vector<16xi1>, vector<16xf32>
        %select_n3A_637 = arith.select %ne3A_633, %broadcast_in_dim3A_635, %select_n3A_636 : vector<16xi1>, vector<16xf32>
        %select_n3A_638 = arith.select %ne3A_629, %get3A_589, %get3A_601 : vector<16xi1>, vector<16xi32>
        %add3A_639 = arith.addi %scan3A_541, %mul3A_620 : i32
        %sub3A_640 = arith.constant 1 : i32
        %sub3A_641 = arith.subi %sub3A_640, %mul3A_620 : i32
        %add3A_642 = arith.addi %scan3A_542, %sub3A_641 : i32
        scf.yield %masked_sort3A_564, %masked_sort3A_565, %select_n3A_637, %select_n3A_638, %add3A_639, %add3A_642 : vector<16xf32>, vector<16xi32>, vector<16xf32>, vector<16xi32>, i32, i32
      }
      %scan3A_484 = arith.constant 63 : i32
      %rev3A_485 = arith.constant 15 : i32
      %rev3A_486 = vector.broadcast %rev3A_485 : i32 to vector<16xi32>
      %rev3A_487 = tpu.iota {dimensions = array<i32: 0>} : vector<16xi32>
      %rev3A_488 = arith.subi %rev3A_486, %rev3A_487 : vector<16xi32>
      %rev3A_489 = tpu.dynamic_gather %scan3A_483#2[%rev3A_488] in [0] : vector<16xf32>, vector<16xi32> -> vector<16xf32>
      %rev3A_490 = arith.constant 15 : i32
      %rev3A_491 = vector.broadcast %rev3A_490 : i32 to vector<16xi32>
      %rev3A_492 = tpu.iota {dimensions = array<i32: 0>} : vector<16xi32>
      %rev3A_493 = arith.subi %rev3A_491, %rev3A_492 : vector<16xi32>
      %rev3A_494 = tpu.dynamic_gather %scan3A_483#3[%rev3A_493] in [0] : vector<16xi32>, vector<16xi32> -> vector<16xi32>
      %ge3A_495 = arith.cmpf oge, %scan3A_483#0, %rev3A_489 : vector<16xf32>
      %select_n3A_496 = arith.select %ge3A_495, %scan3A_483#0, %rev3A_489 : vector<16xi1>, vector<16xf32>
      %select_n3A_497 = arith.select %ge3A_495, %scan3A_483#1, %rev3A_494 : vector<16xi1>, vector<16xi32>
      %select_n3A_498 = arith.select %ge3A_495, %rev3A_489, %scan3A_483#0 : vector<16xi1>, vector<16xf32>
      %select_n3A_499 = arith.select %ge3A_495, %rev3A_494, %scan3A_483#1 : vector<16xi1>, vector<16xi32>
      %masked_sort3A_500 = arith.constant dense<true> : vector<16xi1>
      %masked_sort3A_501, %masked_sort3A_502, %masked_sort3A_503 = tpu.sort %select_n3A_496, %select_n3A_497 masked %masked_sort3A_500 {descending = true} : (vector<16xf32>, vector<16xi32>, vector<16xi1>) -> (vector<16xi1>, vector<16xf32>, vector<16xi32>)
      %masked_sort3A_504 = arith.constant dense<true> : vector<16xi1>
      %masked_sort3A_505, %masked_sort3A_506, %masked_sort3A_507 = tpu.sort %select_n3A_498, %select_n3A_499 masked %masked_sort3A_504 {descending = true} : (vector<16xf32>, vector<16xi32>, vector<16xi1>) -> (vector<16xi1>, vector<16xf32>, vector<16xi32>)
      %swap3A_508 = arith.constant 1008 : index
      %swap3A_509 = tpu.vector_load %arg8[%swap3A_508] {strides = array<i32>} : memref<1040xf32, #tpu.memory_space<vmem>>, vector<16xf32>,
      tpu.vector_store %arg8[%swap3A_508], %masked_sort3A_502 {strides = array<i32>} : memref<1040xf32, #tpu.memory_space<vmem>>, vector<16xf32>,
      %swap3A_510 = arith.constant 1008 : index
      %swap3A_511 = tpu.vector_load %arg9[%swap3A_510] {strides = array<i32>} : memref<1040xi32, #tpu.memory_space<vmem>>, vector<16xi32>,
      tpu.vector_store %arg9[%swap3A_510], %masked_sort3A_503 {strides = array<i32>} : memref<1040xi32, #tpu.memory_space<vmem>>, vector<16xi32>,
      %scan3A_512 = arith.constant 0 : i32
      %scan3A_513 = arith.constant 0 : i32
      %scan3A_514 = arith.constant 32 : i32
      %scan3A_515 = arith.addi %scan3A_513, %scan3A_514 : i32
      %scan3A_516 = arith.constant 1 : i32
      scf.for %scan3A_536 = %scan3A_513 to %scan3A_515 step %scan3A_516  : i32 {
        %iota3A = tpu.iota {dimensions = array<i32: 0>} : vector<16xi32>
        %mul3A_537 = arith.constant 16 : i32
        %mul3A_538 = arith.muli %scan3A_536, %mul3A_537 : i32
        %add3A_539 = vector.broadcast %mul3A_538 : i32 to vector<16xi32>
        %add3A_540 = arith.addi %iota3A, %add3A_539 : vector<16xi32>
        %mul3A_541 = arith.constant 2 : i32
        %mul3A_542 = vector.broadcast %mul3A_541 : i32 to vector<16xi32>
        %mul3A_543 = arith.muli %add3A_540, %mul3A_542 : vector<16xi32>
        %add3A_544 = arith.constant 0 : i32
        %add3A_545 = vector.broadcast %add3A_544 : i32 to vector<16xi32>
        %add3A_546 = arith.addi %mul3A_543, %add3A_545 : vector<16xi32>
        %gather3A = tpu.vector_load_idx %arg8[%add3A_546] : memref<1040xf32, #tpu.memory_space<vmem>>[vector<16xi32>], vector<16xf32>,
        %add3A_547 = arith.constant 1 : i32
        %add3A_548 = vector.broadcast %add3A_547 : i32 to vector<16xi32>
        %add3A_549 = arith.addi %add3A_546, %add3A_548 : vector<16xi32>
        %gather3A_550 = tpu.vector_load_idx %arg8[%add3A_549] : memref<1040xf32, #tpu.memory_space<vmem>>[vector<16xi32>], vector<16xf32>,
        %gather3A_551 = tpu.vector_load_idx %arg9[%add3A_546] : memref<1040xi32, #tpu.memory_space<vmem>>[vector<16xi32>], vector<16xi32>,
        %add3A_552 = arith.constant 1 : i32
        %add3A_553 = vector.broadcast %add3A_552 : i32 to vector<16xi32>
        %add3A_554 = arith.addi %add3A_546, %add3A_553 : vector<16xi32>
        %gather3A_555 = tpu.vector_load_idx %arg9[%add3A_554] : memref<1040xi32, #tpu.memory_space<vmem>>[vector<16xi32>], vector<16xi32>,
        %eq3A_556 = arith.cmpf oeq, %gather3A, %gather3A_550 : vector<16xf32>
        %gt3A = arith.cmpi sgt, %gather3A_551, %gather3A_555 : vector<16xi32>
        %and3A_557 = arith.andi %eq3A_556, %gt3A : vector<16xi1>
        %select_n3A_558 = arith.select %and3A_557, %gather3A_555, %gather3A_551 : vector<16xi1>, vector<16xi32>
        %select_n3A_559 = arith.select %and3A_557, %gather3A_551, %gather3A_555 : vector<16xi1>, vector<16xi32>
        tpu.vector_store_idx %arg9[%add3A_546], %select_n3A_558 : memref<1040xi32, #tpu.memory_space<vmem>>[vector<16xi32>], vector<16xi32>,
        %add3A_560 = arith.constant 1 : i32
        %add3A_561 = vector.broadcast %add3A_560 : i32 to vector<16xi32>
        %add3A_562 = arith.addi %add3A_546, %add3A_561 : vector<16xi32>
        tpu.vector_store_idx %arg9[%add3A_562], %select_n3A_559 : memref<1040xi32, #tpu.memory_space<vmem>>[vector<16xi32>], vector<16xi32>,
      }
      %scan3A_517 = arith.constant 32 : i32
      %scan3A_518 = arith.constant 0 : i32
      %scan3A_519 = arith.constant 0 : i32
      %scan3A_520 = arith.constant 32 : i32
      %scan3A_521 = arith.addi %scan3A_519, %scan3A_520 : i32
      %scan3A_522 = arith.constant 1 : i32
      scf.for %scan3A_536 = %scan3A_519 to %scan3A_521 step %scan3A_522  : i32 {
        %iota3A = tpu.iota {dimensions = array<i32: 0>} : vector<16xi32>
        %mul3A_537 = arith.constant 16 : i32
        %mul3A_538 = arith.muli %scan3A_536, %mul3A_537 : i32
        %add3A_539 = vector.broadcast %mul3A_538 : i32 to vector<16xi32>
        %add3A_540 = arith.addi %iota3A, %add3A_539 : vector<16xi32>
        %mul3A_541 = arith.constant 2 : i32
        %mul3A_542 = vector.broadcast %mul3A_541 : i32 to vector<16xi32>
        %mul3A_543 = arith.muli %add3A_540, %mul3A_542 : vector<16xi32>
        %add3A_544 = arith.constant 1 : i32
        %add3A_545 = vector.broadcast %add3A_544 : i32 to vector<16xi32>
        %add3A_546 = arith.addi %mul3A_543, %add3A_545 : vector<16xi32>
        %gather3A = tpu.vector_load_idx %arg8[%add3A_546] : memref<1040xf32, #tpu.memory_space<vmem>>[vector<16xi32>], vector<16xf32>,
        %add3A_547 = arith.constant 1 : i32
        %add3A_548 = vector.broadcast %add3A_547 : i32 to vector<16xi32>
        %add3A_549 = arith.addi %add3A_546, %add3A_548 : vector<16xi32>
        %gather3A_550 = tpu.vector_load_idx %arg8[%add3A_549] : memref<1040xf32, #tpu.memory_space<vmem>>[vector<16xi32>], vector<16xf32>,
        %gather3A_551 = tpu.vector_load_idx %arg9[%add3A_546] : memref<1040xi32, #tpu.memory_space<vmem>>[vector<16xi32>], vector<16xi32>,
        %add3A_552 = arith.constant 1 : i32
        %add3A_553 = vector.broadcast %add3A_552 : i32 to vector<16xi32>
        %add3A_554 = arith.addi %add3A_546, %add3A_553 : vector<16xi32>
        %gather3A_555 = tpu.vector_load_idx %arg9[%add3A_554] : memref<1040xi32, #tpu.memory_space<vmem>>[vector<16xi32>], vector<16xi32>,
        %eq3A_556 = arith.cmpf oeq, %gather3A, %gather3A_550 : vector<16xf32>
        %gt3A = arith.cmpi sgt, %gather3A_551, %gather3A_555 : vector<16xi32>
        %and3A_557 = arith.andi %eq3A_556, %gt3A : vector<16xi1>
        %select_n3A_558 = arith.select %and3A_557, %gather3A_555, %gather3A_551 : vector<16xi1>, vector<16xi32>
        %select_n3A_559 = arith.select %and3A_557, %gather3A_551, %gather3A_555 : vector<16xi1>, vector<16xi32>
        tpu.vector_store_idx %arg9[%add3A_546], %select_n3A_558 : memref<1040xi32, #tpu.memory_space<vmem>>[vector<16xi32>], vector<16xi32>,
        %add3A_560 = arith.constant 1 : i32
        %add3A_561 = vector.broadcast %add3A_560 : i32 to vector<16xi32>
        %add3A_562 = arith.addi %add3A_546, %add3A_561 : vector<16xi32>
        tpu.vector_store_idx %arg9[%add3A_562], %select_n3A_559 : memref<1040xi32, #tpu.memory_space<vmem>>[vector<16xi32>], vector<16xi32>,
      }
      %scan3A_523 = arith.constant 32 : i32
      %scan3A_524 = arith.constant 0 : i32
      %scan3A_525 = arith.constant 0 : i32
      %scan3A_526 = arith.constant 32 : i32
      %scan3A_527 = arith.addi %scan3A_525, %scan3A_526 : i32
      %scan3A_528 = arith.constant 1 : i32
      scf.for %scan3A_536 = %scan3A_525 to %scan3A_527 step %scan3A_528  : i32 {
        %iota3A = tpu.iota {dimensions = array<i32: 0>} : vector<16xi32>
        %mul3A_537 = arith.constant 16 : i32
        %mul3A_538 = arith.muli %scan3A_536, %mul3A_537 : i32
        %add3A_539 = vector.broadcast %mul3A_538 : i32 to vector<16xi32>
        %add3A_540 = arith.addi %iota3A, %add3A_539 : vector<16xi32>
        %mul3A_541 = arith.constant 2 : i32
        %mul3A_542 = vector.broadcast %mul3A_541 : i32 to vector<16xi32>
        %mul3A_543 = arith.muli %add3A_540, %mul3A_542 : vector<16xi32>
        %add3A_544 = arith.constant 0 : i32
        %add3A_545 = vector.broadcast %add3A_544 : i32 to vector<16xi32>
        %add3A_546 = arith.addi %mul3A_543, %add3A_545 : vector<16xi32>
        %gather3A = tpu.vector_load_idx %arg8[%add3A_546] : memref<1040xf32, #tpu.memory_space<vmem>>[vector<16xi32>], vector<16xf32>,
        %add3A_547 = arith.constant 1 : i32
        %add3A_548 = vector.broadcast %add3A_547 : i32 to vector<16xi32>
        %add3A_549 = arith.addi %add3A_546, %add3A_548 : vector<16xi32>
        %gather3A_550 = tpu.vector_load_idx %arg8[%add3A_549] : memref<1040xf32, #tpu.memory_space<vmem>>[vector<16xi32>], vector<16xf32>,
        %gather3A_551 = tpu.vector_load_idx %arg9[%add3A_546] : memref<1040xi32, #tpu.memory_space<vmem>>[vector<16xi32>], vector<16xi32>,
        %add3A_552 = arith.constant 1 : i32
        %add3A_553 = vector.broadcast %add3A_552 : i32 to vector<16xi32>
        %add3A_554 = arith.addi %add3A_546, %add3A_553 : vector<16xi32>
        %gather3A_555 = tpu.vector_load_idx %arg9[%add3A_554] : memref<1040xi32, #tpu.memory_space<vmem>>[vector<16xi32>], vector<16xi32>,
        %eq3A_556 = arith.cmpf oeq, %gather3A, %gather3A_550 : vector<16xf32>
        %gt3A = arith.cmpi sgt, %gather3A_551, %gather3A_555 : vector<16xi32>
        %and3A_557 = arith.andi %eq3A_556, %gt3A : vector<16xi1>
        %select_n3A_558 = arith.select %and3A_557, %gather3A_555, %gather3A_551 : vector<16xi1>, vector<16xi32>
        %select_n3A_559 = arith.select %and3A_557, %gather3A_551, %gather3A_555 : vector<16xi1>, vector<16xi32>
        tpu.vector_store_idx %arg9[%add3A_546], %select_n3A_558 : memref<1040xi32, #tpu.memory_space<vmem>>[vector<16xi32>], vector<16xi32>,
        %add3A_560 = arith.constant 1 : i32
        %add3A_561 = vector.broadcast %add3A_560 : i32 to vector<16xi32>
        %add3A_562 = arith.addi %add3A_546, %add3A_561 : vector<16xi32>
        tpu.vector_store_idx %arg9[%add3A_562], %select_n3A_559 : memref<1040xi32, #tpu.memory_space<vmem>>[vector<16xi32>], vector<16xi32>,
      }
      %scan3A_529 = arith.constant 32 : i32
      %scan3A_530 = arith.constant 0 : i32
      %scan3A_531 = arith.constant 0 : i32
      %scan3A_532 = arith.constant 32 : i32
      %scan3A_533 = arith.addi %scan3A_531, %scan3A_532 : i32
      %scan3A_534 = arith.constant 1 : i32
      scf.for %scan3A_536 = %scan3A_531 to %scan3A_533 step %scan3A_534  : i32 {
        %iota3A = tpu.iota {dimensions = array<i32: 0>} : vector<16xi32>
        %mul3A_537 = arith.constant 16 : i32
        %mul3A_538 = arith.muli %scan3A_536, %mul3A_537 : i32
        %add3A_539 = vector.broadcast %mul3A_538 : i32 to vector<16xi32>
        %add3A_540 = arith.addi %iota3A, %add3A_539 : vector<16xi32>
        %mul3A_541 = arith.constant 2 : i32
        %mul3A_542 = vector.broadcast %mul3A_541 : i32 to vector<16xi32>
        %mul3A_543 = arith.muli %add3A_540, %mul3A_542 : vector<16xi32>
        %add3A_544 = arith.constant 1 : i32
        %add3A_545 = vector.broadcast %add3A_544 : i32 to vector<16xi32>
        %add3A_546 = arith.addi %mul3A_543, %add3A_545 : vector<16xi32>
        %gather3A = tpu.vector_load_idx %arg8[%add3A_546] : memref<1040xf32, #tpu.memory_space<vmem>>[vector<16xi32>], vector<16xf32>,
        %add3A_547 = arith.constant 1 : i32
        %add3A_548 = vector.broadcast %add3A_547 : i32 to vector<16xi32>
        %add3A_549 = arith.addi %add3A_546, %add3A_548 : vector<16xi32>
        %gather3A_550 = tpu.vector_load_idx %arg8[%add3A_549] : memref<1040xf32, #tpu.memory_space<vmem>>[vector<16xi32>], vector<16xf32>,
        %gather3A_551 = tpu.vector_load_idx %arg9[%add3A_546] : memref<1040xi32, #tpu.memory_space<vmem>>[vector<16xi32>], vector<16xi32>,
        %add3A_552 = arith.constant 1 : i32
        %add3A_553 = vector.broadcast %add3A_552 : i32 to vector<16xi32>
        %add3A_554 = arith.addi %add3A_546, %add3A_553 : vector<16xi32>
        %gather3A_555 = tpu.vector_load_idx %arg9[%add3A_554] : memref<1040xi32, #tpu.memory_space<vmem>>[vector<16xi32>], vector<16xi32>,
        %eq3A_556 = arith.cmpf oeq, %gather3A, %gather3A_550 : vector<16xf32>
        %gt3A = arith.cmpi sgt, %gather3A_551, %gather3A_555 : vector<16xi32>
        %and3A_557 = arith.andi %eq3A_556, %gt3A : vector<16xi1>
        %select_n3A_558 = arith.select %and3A_557, %gather3A_555, %gather3A_551 : vector<16xi1>, vector<16xi32>
        %select_n3A_559 = arith.select %and3A_557, %gather3A_551, %gather3A_555 : vector<16xi1>, vector<16xi32>
        tpu.vector_store_idx %arg9[%add3A_546], %select_n3A_558 : memref<1040xi32, #tpu.memory_space<vmem>>[vector<16xi32>], vector<16xi32>,
        %add3A_560 = arith.constant 1 : i32
        %add3A_561 = vector.broadcast %add3A_560 : i32 to vector<16xi32>
        %add3A_562 = arith.addi %add3A_546, %add3A_561 : vector<16xi32>
        tpu.vector_store_idx %arg9[%add3A_562], %select_n3A_559 : memref<1040xi32, #tpu.memory_space<vmem>>[vector<16xi32>], vector<16xi32>,
      }
      %scan3A_535 = arith.constant 32 : i32
      "tpu.region"() ({
        %run_scoped3A = tpu.sem_alloc : memref<!tpu.dma_semaphore, #tpu.memory_space<semaphore_mem>>
        %dma_start3A = arith.constant 0 : i32
        %dma_start3A_536 = tpu.memref_slice %arg8[%dma_start3A] : memref<1040xf32, #tpu.memory_space<vmem>> -> memref<1024xf32, #tpu.memory_space<vmem>>
        %dma_start3A_537 = arith.constant 0 : i32
        %dma_start3A_538 = tpu.memref_slice %arg3[%add3A, %dma_start3A_537] : memref<8x1024xf32, #tpu.memory_space<hbm>> -> memref<1x1024xf32, #tpu.memory_space<hbm>>
        %dma_start3A_539 = tpu.memref_squeeze %dma_start3A_538 : memref<1x1024xf32, #tpu.memory_space<hbm>> -> memref<1024xf32, #tpu.memory_space<hbm>>
        %dma_start3A_540 = arith.constant 0 : i32
        %dma_start3A_541 = tpu.memref_slice %arg3[%add3A, %dma_start3A_540] : memref<8x1024xf32, #tpu.memory_space<hbm>> -> memref<1x1024xf32, #tpu.memory_space<hbm>>
        %dma_start3A_542 = tpu.memref_squeeze %dma_start3A_541 : memref<1x1024xf32, #tpu.memory_space<hbm>> -> memref<1024xf32, #tpu.memory_space<hbm>>
        %dma_start3A_543 = arith.constant 0 : i32
        %dma_start3A_544 = tpu.memref_slice %arg8[%dma_start3A_543] : memref<1040xf32, #tpu.memory_space<vmem>> -> memref<1024xf32, #tpu.memory_space<vmem>>
        tpu.enqueue_dma source(%dma_start3A_544 : memref<1024xf32, #tpu.memory_space<vmem>>) target(%dma_start3A_542 : memref<1024xf32, #tpu.memory_space<hbm>>) target_semaphore(%run_scoped3A : memref<!tpu.dma_semaphore, #tpu.memory_space<semaphore_mem>>)
        %dma_wait3A = arith.constant 0 : i32
        %dma_wait3A_545 = tpu.memref_slice %arg8[%dma_wait3A] : memref<1040xf32, #tpu.memory_space<vmem>> -> memref<1024xf32, #tpu.memory_space<vmem>>
        %dma_wait3A_546 = arith.constant 0 : i32
        %dma_wait3A_547 = tpu.memref_slice %arg3[%add3A, %dma_wait3A_546] : memref<8x1024xf32, #tpu.memory_space<hbm>> -> memref<1x1024xf32, #tpu.memory_space<hbm>>
        %dma_wait3A_548 = tpu.memref_squeeze %dma_wait3A_547 : memref<1x1024xf32, #tpu.memory_space<hbm>> -> memref<1024xf32, #tpu.memory_space<hbm>>
        %dma_wait3A_549 = arith.constant 0 : i32
        %dma_wait3A_550 = tpu.memref_slice %arg3[%add3A, %dma_wait3A_549] : memref<8x1024xf32, #tpu.memory_space<hbm>> -> memref<1x1024xf32, #tpu.memory_space<hbm>>
        %dma_wait3A_551 = tpu.memref_squeeze %dma_wait3A_550 : memref<1x1024xf32, #tpu.memory_space<hbm>> -> memref<1024xf32, #tpu.memory_space<hbm>>
        %dma_wait3A_552 = arith.constant 0 : i32
        %dma_wait3A_553 = tpu.memref_slice %arg8[%dma_wait3A_552] : memref<1040xf32, #tpu.memory_space<vmem>> -> memref<1024xf32, #tpu.memory_space<vmem>>
        tpu.wait_dma2 semaphore(%run_scoped3A : memref<!tpu.dma_semaphore, #tpu.memory_space<semaphore_mem>>) src(%dma_wait3A_553 : memref<1024xf32, #tpu.memory_space<vmem>>) dst(%dma_wait3A_551 : memref<1024xf32, #tpu.memory_space<hbm>>)
        tpu.yield
      }) : () -> ()
      "tpu.region"() ({
        %run_scoped3A = tpu.sem_alloc : memref<!tpu.dma_semaphore, #tpu.memory_space<semaphore_mem>>
        %dma_start3A = arith.constant 0 : i32
        %dma_start3A_536 = tpu.memref_slice %arg9[%dma_start3A] : memref<1040xi32, #tpu.memory_space<vmem>> -> memref<1024xi32, #tpu.memory_space<vmem>>
        %dma_start3A_537 = arith.constant 0 : i32
        %dma_start3A_538 = tpu.memref_slice %arg4[%add3A, %dma_start3A_537] : memref<8x1024xi32, #tpu.memory_space<hbm>> -> memref<1x1024xi32, #tpu.memory_space<hbm>>
        %dma_start3A_539 = tpu.memref_squeeze %dma_start3A_538 : memref<1x1024xi32, #tpu.memory_space<hbm>> -> memref<1024xi32, #tpu.memory_space<hbm>>
        %dma_start3A_540 = arith.constant 0 : i32
        %dma_start3A_541 = tpu.memref_slice %arg4[%add3A, %dma_start3A_540] : memref<8x1024xi32, #tpu.memory_space<hbm>> -> memref<1x1024xi32, #tpu.memory_space<hbm>>
        %dma_start3A_542 = tpu.memref_squeeze %dma_start3A_541 : memref<1x1024xi32, #tpu.memory_space<hbm>> -> memref<1024xi32, #tpu.memory_space<hbm>>
        %dma_start3A_543 = arith.constant 0 : i32
        %dma_start3A_544 = tpu.memref_slice %arg9[%dma_start3A_543] : memref<1040xi32, #tpu.memory_space<vmem>> -> memref<1024xi32, #tpu.memory_space<vmem>>
        tpu.enqueue_dma source(%dma_start3A_544 : memref<1024xi32, #tpu.memory_space<vmem>>) target(%dma_start3A_542 : memref<1024xi32, #tpu.memory_space<hbm>>) target_semaphore(%run_scoped3A : memref<!tpu.dma_semaphore, #tpu.memory_space<semaphore_mem>>)
        %dma_wait3A = arith.constant 0 : i32
        %dma_wait3A_545 = tpu.memref_slice %arg9[%dma_wait3A] : memref<1040xi32, #tpu.memory_space<vmem>> -> memref<1024xi32, #tpu.memory_space<vmem>>
        %dma_wait3A_546 = arith.constant 0 : i32
        %dma_wait3A_547 = tpu.memref_slice %arg4[%add3A, %dma_wait3A_546] : memref<8x1024xi32, #tpu.memory_space<hbm>> -> memref<1x1024xi32, #tpu.memory_space<hbm>>
        %dma_wait3A_548 = tpu.memref_squeeze %dma_wait3A_547 : memref<1x1024xi32, #tpu.memory_space<hbm>> -> memref<1024xi32, #tpu.memory_space<hbm>>
        %dma_wait3A_549 = arith.constant 0 : i32
        %dma_wait3A_550 = tpu.memref_slice %arg4[%add3A, %dma_wait3A_549] : memref<8x1024xi32, #tpu.memory_space<hbm>> -> memref<1x1024xi32, #tpu.memory_space<hbm>>
        %dma_wait3A_551 = tpu.memref_squeeze %dma_wait3A_550 : memref<1x1024xi32, #tpu.memory_space<hbm>> -> memref<1024xi32, #tpu.memory_space<hbm>>
        %dma_wait3A_552 = arith.constant 0 : i32
        %dma_wait3A_553 = tpu.memref_slice %arg9[%dma_wait3A_552] : memref<1040xi32, #tpu.memory_space<vmem>> -> memref<1024xi32, #tpu.memory_space<vmem>>
        tpu.wait_dma2 semaphore(%run_scoped3A : memref<!tpu.dma_semaphore, #tpu.memory_space<semaphore_mem>>) src(%dma_wait3A_553 : memref<1024xi32, #tpu.memory_space<vmem>>) dst(%dma_wait3A_551 : memref<1024xi32, #tpu.memory_space<hbm>>)
        tpu.yield
      }) : () -> ()
    } else {
    }
    return
  }
}

module attributes {stable_mosaic.version = 14 : i64} {
  func.func @_obj_pool_body(%arg0: i32, %arg1: i32, %arg2: memref<1xf32, #tpu.memory_space<smem>>, %arg3: memref<1x256xf32, #tpu.memory_space<vmem>>, %arg4: memref<1x256x8192xf32, #tpu.memory_space<vmem>>, %arg5: memref<1x128x128xf32, #tpu.memory_space<vmem>>, %arg6: memref<1x16384xf32, #tpu.memory_space<vmem>>) attributes {dimension_semantics = [#tpu.dimension_semantics<parallel>, #tpu.dimension_semantics<arbitrary>], iteration_bounds = array<i64: 8, 2>, scalar_prefetch = 0 : i64, scratch_operands = 1 : i64, tpu.core_type = #tpu.core_type<tc>, window_params = [{transform_indices = @transform_0, window_bounds = array<i64: 1>}, {pipeline_mode = #tpu.pipeline_mode<synchronous>, transform_indices = @transform_1, window_bounds = array<i64: 1, 256>}, {transform_indices = @transform_2, window_bounds = array<i64: 1, 256, 8192>}, {transform_indices = @transform_3, window_bounds = array<i64: 1, 128, 128>}]} {
    %get3A = arith.constant 0 : index
    %get3A_0 = arith.constant 0 : index
    %get3A_1 = arith.constant 0 : index
    %get3A_2 = vector.load %arg4[%get3A, %get3A_0, %get3A_1] : memref<1x256x8192xf32, #tpu.memory_space<vmem>>, vector<1x256x8192xf32>
    %get3A_3 = vector.shape_cast %get3A_2 : vector<1x256x8192xf32> to vector<256x8192xf32>
    %get3A_4 = arith.constant 0 : index
    %get3A_5 = arith.constant 0 : index
    %get3A_6 = vector.load %arg3[%get3A_4, %get3A_5] : memref<1x256xf32, #tpu.memory_space<vmem>>, vector<1x256xf32>
    %dot_general3A = arith.constant dense<0.000000e+00> : vector<1x8192xf32>
    %dot_general3A_7 = tpu.matmul %get3A_6, %get3A_3, %dot_general3A {dimension_numbers = #tpu.dot_dimension_numbers<[1], [0], [0], [1], [0, 0, 1, 1], [], []>, transpose_lhs_hint = false} : vector<1x256xf32>, vector<256x8192xf32>, vector<1x8192xf32> -> vector<1x8192xf32>
    %get3A_8 = arith.constant 0 : index
    %get3A_9 = memref.load %arg2[%get3A_8] : memref<1xf32, #tpu.memory_space<smem>>
    %add3A = vector.broadcast %get3A_9 : f32 to vector<1x8192xf32>
    %add3A_10 = arith.addf %dot_general3A_7, %add3A : vector<1x8192xf32>
    %squeeze3A = vector.shape_cast %add3A_10 : vector<1x8192xf32> to vector<8192xf32>
    %mul3A = arith.constant 8192 : i32
    %mul3A_11 = arith.muli %arg1, %mul3A : i32
    %swap3A = arith.constant 0 : index
    %swap3A_12 = arith.index_cast %mul3A_11 : i32 to index
    %swap3A_13 = vector.load %arg6[%swap3A, %swap3A_12] : memref<1x16384xf32, #tpu.memory_space<vmem>>, vector<1x8192xf32>
    %swap3A_14 = vector.shape_cast %swap3A_13 : vector<1x8192xf32> to vector<8192xf32>
    %swap3A_15 = vector.shape_cast %squeeze3A : vector<8192xf32> to vector<1x8192xf32>
    tpu.vector_store %arg6[%swap3A, %swap3A_12], %swap3A_15 {strides = array<i32>} : memref<1x16384xf32, #tpu.memory_space<vmem>>, vector<1x8192xf32>,
    %eq3A = arith.constant 1 : i32
    %eq3A_16 = arith.cmpi eq, %arg1, %eq3A : i32
    %convert_element_type3A = arith.extui %eq3A_16 : i1 to i32
    %cond3A = arith.constant 0 : i32
    %cond3A_17 = arith.cmpi ne, %convert_element_type3A, %cond3A : i32
    scf.if %cond3A_17 {
      %get3A_18 = arith.constant 0 : index
      %get3A_19 = arith.constant 0 : index
      %get3A_20 = vector.load %arg6[%get3A_18, %get3A_19] : memref<1x16384xf32, #tpu.memory_space<vmem>>, vector<1x16384xf32>
      %reshape3A = vector.shape_cast %get3A_20 : vector<1x16384xf32> to vector<128x128xf32>
      %broadcast_in_dim3A = arith.constant -3.40282347E+38 : f32
      %broadcast_in_dim3A_21 = vector.broadcast %broadcast_in_dim3A : f32 to vector<1x128xf32>
      %slice3A = vector.extract_strided_slice %reshape3A {offsets = [1, 0], sizes = [127, 128], strides = [1, 1]} : vector<128x128xf32> to vector<127x128xf32>
      %concatenate3A = tpu.concatenate %slice3A, %broadcast_in_dim3A_21 in 0 : vector<127x128xf32>, vector<1x128xf32> -> vector<128x128xf32>
      %slice3A_22 = vector.extract_strided_slice %reshape3A {offsets = [0, 0], sizes = [127, 128], strides = [1, 1]} : vector<128x128xf32> to vector<127x128xf32>
      %concatenate3A_23 = tpu.concatenate %broadcast_in_dim3A_21, %slice3A_22 in 0 : vector<1x128xf32>, vector<127x128xf32> -> vector<128x128xf32>
      %max3A = arith.maximumf %reshape3A, %concatenate3A : vector<128x128xf32>
      %max3A_24 = arith.maximumf %max3A, %concatenate3A_23 : vector<128x128xf32>
      %broadcast_in_dim3A_25 = arith.constant -3.40282347E+38 : f32
      %broadcast_in_dim3A_26 = vector.broadcast %broadcast_in_dim3A_25 : f32 to vector<128x1xf32>
      %slice3A_27 = vector.extract_strided_slice %max3A_24 {offsets = [0, 1], sizes = [128, 127], strides = [1, 1]} : vector<128x128xf32> to vector<128x127xf32>
      %concatenate3A_28 = tpu.concatenate %slice3A_27, %broadcast_in_dim3A_26 in 1 : vector<128x127xf32>, vector<128x1xf32> -> vector<128x128xf32>
      %slice3A_29 = vector.extract_strided_slice %max3A_24 {offsets = [0, 0], sizes = [128, 127], strides = [1, 1]} : vector<128x128xf32> to vector<128x127xf32>
      %concatenate3A_30 = tpu.concatenate %broadcast_in_dim3A_26, %slice3A_29 in 1 : vector<128x1xf32>, vector<128x127xf32> -> vector<128x128xf32>
      %max3A_31 = arith.maximumf %max3A_24, %concatenate3A_28 : vector<128x128xf32>
      %max3A_32 = arith.maximumf %max3A_31, %concatenate3A_30 : vector<128x128xf32>
      %eq3A_33 = arith.cmpf oeq, %max3A_32, %reshape3A : vector<128x128xf32>
      %jit3A = arith.constant -3.40282347E+38 : f32
      %broadcast_in_dim3A_34 = vector.broadcast %jit3A : f32 to vector<128x128xf32>
      %select_n3A = arith.select %eq3A_33, %reshape3A, %broadcast_in_dim3A_34 : vector<128x128xi1>, vector<128x128xf32>
      %swap3A_35 = arith.constant 0 : index
      %swap3A_36 = arith.constant 0 : index
      %swap3A_37 = arith.constant 0 : index
      %swap3A_38 = vector.load %arg5[%swap3A_35, %swap3A_36, %swap3A_37] : memref<1x128x128xf32, #tpu.memory_space<vmem>>, vector<1x128x128xf32>
      %swap3A_39 = vector.shape_cast %swap3A_38 : vector<1x128x128xf32> to vector<128x128xf32>
      %swap3A_40 = vector.shape_cast %select_n3A : vector<128x128xf32> to vector<1x128x128xf32>
      tpu.vector_store %arg5[%swap3A_35, %swap3A_36, %swap3A_37], %swap3A_40 {strides = array<i32>} : memref<1x128x128xf32, #tpu.memory_space<vmem>>, vector<1x128x128xf32>,
    } else {
    }
    return
  }
  func.func @transform_0(%arg0: i32, %arg1: i32) -> i32 {
    %c0_i32 = arith.constant 0 : i32
    %c0_i32_0 = arith.constant 0 : i32
    return %c0_i32 : i32
  }
  func.func @transform_1(%arg0: i32, %arg1: i32) -> (i32, i32) {
    %c0_i32 = arith.constant 0 : i32
    %c0_i32_0 = arith.constant 0 : i32
    %c0_i32_1 = arith.constant 0 : i32
    return %c0_i32, %c0_i32_0 : i32, i32
  }
  func.func @transform_2(%arg0: i32, %arg1: i32) -> (i32, i32, i32) {
    %c0_i32 = arith.constant 0 : i32
    %c0_i32_0 = arith.constant 0 : i32
    return %arg0, %c0_i32, %arg1 : i32, i32, i32
  }
  func.func @transform_3(%arg0: i32, %arg1: i32) -> (i32, i32, i32) {
    %c0_i32 = arith.constant 0 : i32
    %c0_i32_0 = arith.constant 0 : i32
    %c0_i32_1 = arith.constant 0 : i32
    return %arg0, %c0_i32, %c0_i32_0 : i32, i32, i32
  }
}

</mosaic_0001>

<sc_bundles>
// kernel: kernel.4.cloned.1.call-start
scs
__scs_entry_jumppad:
0x0: {  	(pc) =	sbr.rel $0x88, $3  }
0x1: {  	(tag) =	ssettag $0x0;
	lr =	simm.s32 $0x1  }
0x2: {  	[smem:$0x3F9E] =	sst lr;
	_ =	strace $0xD0000000  }
0x3: {  	_ = 	snop  }
0x4: {  	_ = 	snop  }
0x5: {  	_ = 	snop  }
0x6: {  	_ = 	snop  }
0x7: {  	_ = 	snop  }
__scs_overlays_trampoline_lowered:
0x8: {  	[smem:$0x3FAD] =	sst s0  }
0x9: {  	[smem:$0x3FAE] =	sst s1  }
0xa: {  	[smem:$0x3FAF] =	sst s2  }
0xb: {  	[smem:$0x3FB0] =	sst s3  }
0xc: {  	[smem:$0x3FB1] =	sst s4  }
0xd: {  	[smem:$0x3FB2] =	sst s5  }
0xe: {  	[smem:$0x3FB3] =	sst s6  }
0xf: {  	[smem:$0x3FB4] =	sst s7  }
0x10: {  	[smem:$0x3FB5] =	sst s8  }
0x11: {  	[smem:$0x3FB6] =	sst s9;
	s0 =	simm.s32 @!p0 $0x0  }
0x12: {  	s1 =	sld [smem:$0x3F9C];
	s0 =	simm.s32 @p0 $0x1  }
0x13: {  	[smem:$0x3FB7] =	sst s0;
	s0 =	simm.s32 @!p1 $0x0  }
0x14: {  	s2 =	sld [smem:$0x3F9B];
	s0 =	simm.s32 @p1 $0x1  }
0x15: {  	[smem:$0x3FB8] =	sst s0;
	s0 =	simm.s32 @!p2 $0x0  }
0x16: {  	s3 =	sld [smem:$0x3FDB];
	s0 =	simm.s32 @p2 $0x1  }
0x17: {  	s4 =	simm.s32 $0x1BF5;
	[smem:$0x3FBA] =	sst s0  }
0x18: {  	s0 =	sld [smem:$0x3F9D];
	_ =	swait.ge [sflag:s4], $0x0  }
0x19: {  	s7 =	sld [smem:$0x3F9E]  }
0x1a: {  	s8 =	sadd.s32 $0xFFFFE003, lr  }
0x1b: {  	s9 =	sadd.s32 $0xFFFFFEF7, lr;
	s5 =	simm.s32 $0xFFFFFFFF;
	p2 =	slt.u32 s8, $0xFFFFF086  }
0x1c: {  	p1 =	slt.u32 s9, $0xF7A;
	s5 =	simm.s32 @!p2 $0x0  }
0x1d: {  	s5 =	simm.s32 @p1 $0x1;
	p0 =	seq.s32 s7, s2  }
0x1e: {  	s7 =	smul.u32 @!p0 $0xF7A, s2;
	p2 =	seq.s32 @!p0 s5, $0x0  }
0x1f: {  	s9 =	smul.u32 $0xF7A, s1;
	s8 =	simm.s32 @!p0 $0x1BF5;
	p2 =	por !p2, p0  }
0x20: {  	[sflag:s8] =	ssyncset.s32 @!p0 $0xFFFFF086;
	s6 =	sadd.s32 @!p0 s3, s7;
	s7 =	simm.s32 @!p0 $0x108  }
0x21: {  	s3 =	sadd.s32 s3, s9;
	s6 =	sadd.s32 @!p0 $0x88, s6;
	s7 =	simm.s32 @p2 $0x1082  }
0x22: {  	[simem:s7], [sflag:s8] =	dma.local @!p0 [hbm:s6], $0xF7A  }
0x23: {  	s9 =	sor.u32 $0xD0000000, s2;
	s6 =	simm.s32 $0x108;
	_ =	swait.ge @!p0 [sflag:s8], $0x0  }
0x24: {  	s3 =	sadd.s32 $0x88, s3;
	s6 =	simm.s32 @!p1 $0x1082;
	[sflag:s4] =	ssyncset.s32 $0xFFFFF086  }
0x25: {  	[simem:s6], [sflag:s4] =	dma.local [hbm:s3], $0xF7A  }
0x26: {  	[smem:$0x3F9E] =	sst s1;
	(tag) =	ssettag s2;
	_ =	strace s9  }
0x27: {  	s1 =	sld [smem:$0x3FAE]  }
0x28: {  	s2 =	sld [smem:$0x3FAF]  }
0x29: {  	s4 =	sld [smem:$0x3FB1]  }
0x2a: {  	p0 =	seq.s32 s5, $0x0;
	s5 =	sld [smem:$0x3FB2]  }
0x2b: {  	s6 =	sld [smem:$0x3FB3]  }
0x2c: {  	s7 =	sld [smem:$0x3FB4]  }
0x2d: {  	s3 =	simm.s32 $0x108;
	s8 =	sld [smem:$0x3FB5]  }
0x2e: {  	s3 =	simm.s32 @!p0 $0x1082;
	s9 =	sld [smem:$0x3FB6]  }
0x2f: {  	lr =	sadd.s32 s0, s3;
	s0 =	sld [smem:$0x3FAD]  }
0x30: {  	s3 =	sld [smem:$0x3FB0]  }
0x31: {  	[smem:$0x3FB9] =	sst s10  }
0x32: {  	s10 =	sld [smem:$0x3FB7];
	_ =	sdelay $0x3  }
0x33: {  	p0 =	seq.s32 s10, $0x1;
	s10 =	sld [smem:$0x3FB9];
	_ =	sdelay $0x3  }
0x34: {  	[smem:$0x3FB9] =	sst s10  }
0x35: {  	s10 =	sld [smem:$0x3FB8];
	_ =	sdelay $0x3  }
0x36: {  	p1 =	seq.s32 s10, $0x1;
	s10 =	sld [smem:$0x3FB9];
	_ =	sdelay $0x3  }
0x37: {  	[smem:$0x3FB9] =	sst s10  }
0x38: {  	s10 =	sld [smem:$0x3FBA]  }
0x39: {  	_ = 	snop;
	(pc) =	sbr.ind lr, $3  }
0x3a: {  	_ = 	snop  }
0x3b: {  	_ = 	snop  }
0x3c: {  	p2 =	seq.s32 s10, $0x1;
	s10 =	sld [smem:$0x3FB9]  }
0x3d: {  	_ =	shalt  }
0x3e: {  	_ =	shalt  }
0x3f: {  	_ =	shalt  }
0x40: {  	_ =	shalt  }
0x41: {  	_ =	shalt  }
0x42: {  	_ =	shalt  }
0x43: {  	_ =	shalt  }
0x44: {  	_ =	shalt  }
0x45: {  	_ =	shalt  }
0x46: {  	_ =	shalt  }
0x47: {  	_ =	shalt  }
0x48: {  	_ =	shalt  }
0x49: {  	_ =	shalt  }
0x4a: {  	_ =	shalt  }
0x4b: {  	_ =	shalt  }
0x4c: {  	_ =	shalt  }
0x4d: {  	_ =	shalt  }
0x4e: {  	_ =	shalt  }
0x4f: {  	_ =	shalt  }
0x50: {  	_ =	shalt  }
0x51: {  	_ =	shalt  }
0x52: {  	_ =	shalt  }
0x53: {  	_ =	shalt  }
0x54: {  	_ =	shalt  }
0x55: {  	_ =	shalt  }
0x56: {  	_ =	shalt  }
0x57: {  	_ =	shalt  }
0x58: {  	_ =	shalt  }
0x59: {  	_ =	shalt  }
0x5a: {  	_ =	shalt  }
0x5b: {  	_ =	shalt  }
0x5c: {  	_ =	shalt  }
0x5d: {  	_ =	shalt  }
0x5e: {  	_ =	shalt  }
0x5f: {  	_ =	shalt  }
0x60: {  	_ =	shalt  }
0x61: {  	_ =	shalt  }
0x62: {  	_ =	shalt  }
0x63: {  	_ =	shalt  }
0x64: {  	_ =	shalt  }
0x65: {  	_ =	shalt  }
0x66: {  	_ =	shalt  }
0x67: {  	_ =	shalt  }
0x68: {  	_ =	shalt  }
0x69: {  	_ =	shalt  }
0x6a: {  	_ =	shalt  }
0x6b: {  	_ =	shalt  }
0x6c: {  	_ =	shalt  }
0x6d: {  	_ =	shalt  }
0x6e: {  	_ =	shalt  }
0x6f: {  	_ =	shalt  }
0x70: {  	_ =	shalt  }
0x71: {  	_ =	shalt  }
0x72: {  	_ =	shalt  }
0x73: {  	_ =	shalt  }
0x74: {  	_ =	shalt  }
0x75: {  	_ =	shalt  }
0x76: {  	_ =	shalt  }
0x77: {  	_ =	shalt  }
0x78: {  	_ =	shalt  }
0x79: {  	_ =	shalt  }
0x7a: {  	_ =	shalt  }
0x7b: {  	_ =	shalt  }
0x7c: {  	_ =	shalt  }
0x7d: {  	_ =	shalt  }
0x7e: {  	_ =	shalt  }
0x7f: {  	_ =	shalt  }
0x80: {  	_ =	shalt  }
0x81: {  	_ =	shalt  }
0x82: {  	_ =	shalt  }
0x83: {  	_ =	shalt  }
0x84: {  	_ =	shalt  }
0x85: {  	_ =	shalt  }
0x86: {  	_ =	shalt  }
0x87: {  	_ =	shalt  }
.Lfunc_end0:
.L_simem_size_0:
called_computation_lowered:
.L_overlay_start_0:
0x88: {  	s2 =	sld [smem:$0x3FD9]  }
0x89: {  	s3 =	sld [smem:$0x3FFE];
	_ =	sdelay $0x1  }
0x8a: {  	s1 =	srdreg.scid  }
0x8b: {  	s0 =	sand.u32 $0x1, s1  }
0x8c: {  	s14 =	sshll.u32 s0, $0xA;
	s2 =	sadd.s32 s3, s2  }
0x8d: {  	s2 =	sadd.s32 s2, s14  }
0x8e: {  	[smem:$0x3FC5] =	sst s2  }
0x8f: {  	_ = 	snop  }
0x90: {  	s2 =	sld [smem:$0x3FD0];
	_ =	sdelay $0x2  }
0x91: {  	s15 =	simm.s32 $0xA;
	s4 =	simm.s32 $0x10  }
0x92: {  	[smem:s4], [sflag:s15] =	dma.local [hbm:s2], $0x1  }
0x93: {  	_ =	swait.eq [sflag:s15], $0x1  }
0x94: {  	[sflag:s15] =	ssyncset.done $0x0  }
0x95: {  	s16 =	sld [smem:$0x10];
	[sflag:s15] =	ssyncadd.s32 $0xFFFFFFFF  }
0x96: {  	s17 =	sld [smem:$0x11];
	(tm) =	ssettm $0x1  }
0x97: {  	s18 =	sld [smem:$0x3FFB];
	_ =	sdelay $0x3  }
0x98: {  	_ =	strace s18  }
0x99: {  	s4 =	sld [smem:$0x3FFC];
	_ =	sdelay $0x3  }
0x9a: {  	_ =	strace s4  }
0x9b: {  	s4 =	sld [smem:$0x3FFD];
	_ =	sdelay $0x3  }
0x9c: {  	_ =	strace s4  }
0x9d: {  	_ =	strace $0x8FFFFFFF  }
0x9e: {  	s19 =	sld [smem:$0x3FDB];
	_ =	sdelay $0x1  }
0x9f: {  	s5 =	simm.s32 $_scs_section_size  }
0xa0: {  	s6 =	simm.s32 $_size__tile_overlayer_lowered;
	s7 =	simm.s32 $_tile_overlayer_lowered  }
0xa1: {  	s22 =	simm.s32 $0x1BFF;
	s21 =	sshll.u32 s7, $0x1;
	s4 =	sadd.s32 s5, s19  }
0xa2: {  	s8 =	simm.s32 $0x0;
	s20 =	sshll.u32 s6, $0x1;
	s6 =	sadd.s32 s21, s4  }
0xa3: {  	[timem:s8], [sflag:s22] =	dma.local [hbm:s6], s20  }
0xa4: {  	_ =	swait.ge [sflag:s22], s20  }
0xa5: {  	s5 =	ssub.s32 $0x0, s20;
	[sflag:s22] =	ssyncset.done $0x0  }
0xa6: {  	[sflag:s22] =	ssyncadd.s32 s5;
	_ =	sdelay $0x1  }
0xa7: {  	s23 =	simm.s32 $0x1B8B  }
0xa8: {  	_ =	swait.ge [sflag:s23], $0x1  }
0xa9: {  	[sflag:s23] =	ssyncset.done $0x0  }
0xaa: {  	s25 =	simm.s32 $0x1B8E;
	s24 =	sld [smem:$0x3FFE];
	[sflag:s23] =	ssyncadd.s32 $0xFFFFFFFF  }
0xab: {  	s26 =	simm.s32 $execute0_lowered;
	[smem:$0x3FD2] =	sst s25  }
0xac: {  	s6 =	sshll.u32 s26, $0x1;
	_ =	strace $0x80000046;
	[dreg:$0x1] =	wrdreg $0xFFFFFFFF  }
0xad: {  	s28 =	simm.s32 $_size_execute0_lowered;
	s4 =	sadd.s32 s4, s6;
	[dreg:$0x0] =	wrdreg $0x0  }
0xae: {  	s6 =	sshll.u32 s28, $0x1;
	[dreg:$0x2] =	wrdreg s4  }
0xaf: {  	[dreg:$0x3] =	wrdreg s6  }
0xb0: {  	[dreg:$0x4] =	wrdreg $0xC0  }
0xb1: {  	_ =	task [dreg:s8], $0x5FFFF  }
0xb2: {  	[dreg:$0x1] =	wrdreg $0xFFFFFFFF  }
0xb3: {  	[dreg:$0x0] =	wrdreg $0x60  }
0xb4: {  	[dreg:$0x2] =	wrdreg s24  }
0xb5: {  	[dreg:$0x3] =	wrdreg s16  }
0xb6: {  	[dreg:$0x4] =	wrdreg s17  }
0xb7: {  	[dreg:$0x5] =	wrdreg $0x4F000  }
0xb8: {  	[dreg:$0x6] =	wrdreg $0x53000  }
0xb9: {  	[dreg:$0x7] =	wrdreg $0x9  }
0xba: {  	_ =	task.clear_ibuf [dreg:s8], $0x8FFFF;
	_ =	strace $0x90000046  }
0xbb: {  	s29 =	simm.s32 $0x9;
	_ =	strace $0x80000048  }
0xbc: {  	_ =	swait.ge [sflag:s29], $0x1  }
0xbd: {  	[sflag:s29] =	ssyncadd.s32 $0xFFFFFFFF  }
0xbe: {  	_ =	strace $0x90000048  }
0xbf: {  	_ =	sfence  }
0xc0: {  	s30 =	sld [smem:$0x0];
	_ =	sdelay $0x2  }
0xc1: {  	s31 =	sshll.u32 s1, $0xD;
	s1 =	sshrl.u32 s1, $0x2  }
0xc2: {  	s3 =	sand.u32 $0x4000, s31;
	s1 =	sadd.s32 s1, s30  }
0xc3: {  	s0 =	sor.u32 s3, s0;
	s1 =	sshll.u32 s1, $0x11  }
0xc4: {  	s0 =	sor.u32 s1, s0  }
0xc5: {  	s0 =	sadd.s32 $0x8F2B, s0  }
0xc6: {  	[sflag:s0] =	ssyncadd.remote.s32 $0x1  }
0xc7: {  	_ =	sfence.sel $0xFFFF  }
0xc8: {  	[dreg:$0x0] =	wrdreg $0xFFFFFFFF;
	(pc) =	sbr.abs _section_cstart, $3  }
0xc9: {  	[dreg:$0x1] =	wrdreg $0xFFFFFFFF  }
0xca: {  	_ =	task.clear_ibuf [dreg:s8], $0x2FFFF;
	_ =	strace $0x9FFFFFFF  }
0xcb: {  	(tm) =	ssettm $0x7FFFFFFF  }
tec
execute0_lowered:
.L_overlay_start_1:
0x0: {  	(tag) =	ssettag $0x1  }
0x1: {  	s0 =	rddreg [dreg:$0x0]  }
0x2: {  	s1 =	rddreg [dreg:$0x1]  }
0x3: {  	s6 =	rddreg [dreg:$0x2]  }
0x4: {  	s2 =	srdreg.scid;
	s7 =	rddreg [dreg:$0x3]  }
0x5: {  	s9 =	stileid.u32;
	s11 =	rddreg [dreg:$0x4]  }
0x6: {  	s16 =	simm.s32 $0x80;
	s17 =	simm.s32 $0x400;
	s28 =	simm.s32 $0x1900  }
0x7: {  	s29 =	simm.s32 $0x1D80;
	s3 =	sand.u32 $0x1, s2;
	s18 =	sshll.u32 s9, $0x5  }
0x8: {  	s8 =	sand.u32 $0x3, s9;
	s5 =	sshll.u32 s9, $0xA;
	s9 =	sshll.u32 s9, $0x7  }
0x9: {  	s4 =	sshll.u32 s3, $0x9;
	s2 =	sand.u32 $0x180, s18;
	s19 =	sshll.u32 s8, $0xF  }
0xa: {  	s3 =	ssub.s32 $0x2, s3;
	s15 =	sshll.u32 s8, $0xC;
	s21 =	sor.u32 s5, s9  }
0xb: {  	s18 =	simm.s32 $0x1;
	p0 =	sne.s32 s8, $0x0;
	s12 =	sor.u32 s4, s2  }
0xc: {  	s2 =	simm.s32 $0x0;
	s20 =	sshrl.u32 s3, $0x1;
	s22 =	sand.u32 $0x2380, s21  }
0xd: {  	s10 =	sand.u32 $0x2200, s21;
	s15 =	sor.u32 $0x30, s15;
	s4 =	sor.u32 s19, s12  }
0xe: {  	[smem:$0x7FF] =	sst s2;
	s14 =	ssub.s32 s3, s20;
	s5 =	sadd.s32 s22, s11  }
0xf: {  	s23 =	sor.u32 $0x80, s10;
	s25 =	sor.u32 $0x100, s10;
	s30 =	sor.u32 $0x180, s10  }
0x10: {  	s31 =	sshrl.u32 s12, $0x3;
	s19 =	simm.s32 $0x1000;
	s4 =	sshrl.u32 s4, $0x3  }
0x11: {  	_ =	strace $0x80000047;
	s24 =	sadd.s32 s23, s7;
	s26 =	sadd.s32 s25, s7  }
0x12: {  	s0 =	sadd.s32 s4, s0;
	s4 =	sadd.s32 s22, s7;
	[dreg:$0x6] =	wrdreg s24  }
.Ltmp0:
0x13: {  	v0 =	vlaneseq.u32;
	[dreg:$0x8] =	wrdreg s26;
	s7 =	sadd.s32 s30, s7;
	(pc) =	sbr.rel .LBB2_1-.Ltmp0, $4  }
0x14: {  	v2 =	vmul.u32 $0xFFFFFFFF, v0;
	s3 =	sadd.s32 $0xA00, s0;
	s0 =	sadd.s32 s23, s11;
	[dreg:$0xa] =	wrdreg s7  }
0x15: {  	s20 =	simm.s32 $0x1480;
	[dreg:$0x7] =	wrdreg s0;
	s0 =	sadd.s32 s25, s11  }
0x16: {  	v1 =	vimm.f32 $-3.402823470e+38;
	v2 =	vadd.s32 $0xF, v2;
	s12 =	sadd.s32 s1, s31;
	[dreg:$0x9] =	wrdreg s0;
	s0 =	sadd.s32 s30, s11  }
0x17: {  	v3 =	vperm.xlane v1, v2;
	s13 =	sadd.s32 s6, s31;
	s14 =	smax.u32 s14, $0x1;
	[dreg:$0xb] =	wrdreg s0  }
.LBB2_55:
0x18: {  	s2 =	sadd.s32 $0x1, s2  }
0x19: {  	p1 =	sne.s32 s2, s14  }
.Ltmp1:
0x1a: {  	_ = 	snop;
	(pc) =	sbr.rel @!p1 .LBB2_56-.Ltmp1, $1  }
0x1b: {  	_ =	sdelay $0x3  }
.LBB2_1:
0x1c: {  	s0 =	simm.s32 $0x0  }
.LBB2_2:
0x1d: {  	p1 =	sne.s32 s0, $0x1000  }
.Ltmp2:
0x1e: {  	_ = 	snop;
	(pc) =	sbr.rel @p1 .LBB2_2-.Ltmp2, $3  }
0x1f: {  	_ =	sdelay $0x1  }
0x20: {  	s1 =	sshra.s32 s0, $0x2  }
0x21: {  	s0 =	sadd.s32 $0x40, s0;
	[tilespmem:s1+$0x1000] =	vst v1  }
0x22: {  	s0 =	simm.s32 $0x40;
	s1 =	simm.s32 $0x0  }
.LBB2_4:
0x23: {  	p1 =	sne.s32 s0, $0x1000;
	[tilespmem:s1+$0x1900] =	vst v1;
	s1 =	smov.u32 s0;
	s0 =	sadd.s32 $0x40, s0  }
.Ltmp3:
0x24: {  	(pc) =	sbr.rel @p1 .LBB2_4-.Ltmp3, $2  }
0x25: {  	_ =	sdelay $0x2  }
0x26: {  	s1 =	sshra.s32 s1, $0x2  }
0x27: {  	[tilespmem:s1+$0x1900] =	vst v1  }
0x28: {  	[tilespmem:$0x2600] =	vst v1  }
0x29: {  	[tilespmem:$0x2F00] =	vst v1  }
0x2a: {  	[tilespmem:$0x3800] =	vst v1  }
0x2b: {  	[tilespmem:$0x4100] =	vst v1  }
0x2c: {  	s0 =	simm.s32 $0x0;
	[tilespmem:$0x4A00] =	vst v1  }
0x2d: {  	[tilespmem:s0], [sflag:$0x1] =	stream.strided.gather [hbm4b:s3+s16], $0x1000, s17, s16, $0x38;
	[tilespmem:$0x5700] =	vst v63  }
0x2e: {  	_ =	swait.ge [sflag:s18], $0x1000  }
0x2f: {  	[sflag:s18] =	ssyncset.done $0x0  }
0x30: {  	s24 =	simm.s32 $0x20;
	[sflag:s18] =	ssyncadd.s32 $0xFFFFF000  }
0x31: {  	v4 =	vld [tilespmem:s24+$0xFFFFFFE0];
	_ =	sdelay $0x3  }
0x32: {  	p1 =	por $0x1, $0x1  }
0x33: {  	s6 =	sadd.s32 $0xFFFFFFD0, s15;
	s0 =	simm.s32 @!p1 $0x3F0;
	vm0 =	vgt.f32 v4, $-9.999999680e+37  }
0x34: {  	v5 =	vor.u32 s6, v0;
	[tilespmem:s0+$0x1000] =	vst.msk vm0, v4;
	v4 =	vmpcnt.ones.xlane vm0  }
0x35: {  	[tilespmem:s0+$0x1480] =	vst.msk vm0, v5  }
0x36: {  	v5 =	vld [tilespmem:s24+$0xFFFFFFF0];
	(v2sf) =	vpush v4, $0x0;
	_ =	sdelay $0x4  }
0x37: {  	vm13 =	vgt.f32 v5, $-9.999999680e+37  }
0x38: {  	v4 =	vmpcnt.ones.xlane vm13;
	_ =	sdelay $0x1  }
0x39: {  	(v2sf) =	vpush v4, $0x0;
	_ =	sdelay $0x6  }
0x3a: {  	s25 =	spop (v2sf)  }
0x3b: {  	s0 =	sadd.s32 $0x0, s25  }
0x3c: {  	p1 =	slt.s32 s0, $0x3F0;
	s6 =	smov.u32 s0  }
0x3d: {  	s7 =	sadd.s32 $0xFFFFFFE0, s15;
	s6 =	simm.s32 @!p1 $0x3F0  }
0x3e: {  	v4 =	vor.u32 s7, v0;
	[tilespmem:s6+$0x1000] =	vst.msk vm13, v5  }
0x3f: {  	[tilespmem:s6+$0x1480] =	vst.msk vm13, v4  }
0x40: {  	v4 =	vld [tilespmem:s24+$0x0];
	_ =	sdelay $0x1  }
0x41: {  	s26 =	spop (v2sf)  }
0x42: {  	s0 =	sadd.s32 s0, s26  }
0x43: {  	p1 =	slt.s32 s0, $0x3F0;
	s6 =	smov.u32 s0  }
0x44: {  	s30 =	sadd.s32 $0xFFFFFFF0, s15;
	vm14 =	vgt.f32 v4, $-9.999999680e+37;
	s6 =	simm.s32 @!p1 $0x3F0  }
0x45: {  	v5 =	vor.u32 s30, v0;
	[tilespmem:s6+$0x1000] =	vst.msk vm14, v4;
	v4 =	vmpcnt.ones.xlane vm14  }
0x46: {  	[tilespmem:s6+$0x1480] =	vst.msk vm14, v5  }
0x47: {  	v5 =	vld [tilespmem:s24+$0x10];
	(v2sf) =	vpush v4, $0x0;
	_ =	sdelay $0x4  }
0x48: {  	vm15 =	vgt.f32 v5, $-9.999999680e+37  }
0x49: {  	v4 =	vmpcnt.ones.xlane vm15;
	_ =	sdelay $0x1  }
0x4a: {  	(v2sf) =	vpush v4, $0x0;
	_ =	sdelay $0x6  }
0x4b: {  	s31 =	spop (v2sf)  }
0x4c: {  	s6 =	sadd.s32 s0, s31  }
0x4d: {  	p1 =	slt.s32 s6, $0x3F0;
	s0 =	smov.u32 s6  }
0x4e: {  	s0 =	simm.s32 @!p1 $0x3F0  }
0x4f: {  	v4 =	vor.u32 s15, v0;
	[tilespmem:s0+$0x1000] =	vst.msk vm15, v5  }
0x50: {  	[tilespmem:s0+$0x1480] =	vst.msk vm15, v4;
	s0 =	simm.s32 $0x60  }
0x51: {  	v4 =	vld [tilespmem:s0+$0xFFFFFFE0];
	_ =	sdelay $0x1  }
0x52: {  	s1 =	simm.s32 $0x4;
	s21 =	smov.u32 s15;
	s7 =	spop (v2sf)  }
.LBB2_6:
0x53: {  	s1 =	sadd.s32 $0x4, s1;
	s6 =	sadd.s32 s6, s7;
	s21 =	sadd.s32 $0x40, s21  }
0x54: {  	p1 =	slt.u32 s1, $0xFC;
	p2 =	slt.s32 s6, $0x3F0;
	s8 =	smov.u32 s6  }
0x55: {  	s7 =	sadd.s32 $0xFFFFFFD0, s21;
	vm0 =	vgt.f32 v4, $-9.999999680e+37;
	s8 =	simm.s32 @!p2 $0x3F0  }
0x56: {  	v5 =	vor.u32 s7, v0;
	[tilespmem:s8+$0x1000] =	vst.msk vm0, v4;
	v4 =	vmpcnt.ones.xlane vm0  }
0x57: {  	[tilespmem:s8+$0x1480] =	vst.msk vm0, v5  }
0x58: {  	v5 =	vld [tilespmem:s0+$0xFFFFFFF0];
	(v2sf) =	vpush v4, $0x0;
	_ =	sdelay $0x4  }
0x59: {  	vm0 =	vgt.f32 v5, $-9.999999680e+37  }
0x5a: {  	v4 =	vmpcnt.ones.xlane vm0;
	_ =	sdelay $0x1  }
0x5b: {  	(v2sf) =	vpush v4, $0x0;
	_ =	sdelay $0x6  }
0x5c: {  	s7 =	spop (v2sf)  }
0x5d: {  	s6 =	sadd.s32 s6, s7  }
0x5e: {  	p2 =	slt.s32 s6, $0x3F0;
	s8 =	smov.u32 s6  }
0x5f: {  	s7 =	sadd.s32 $0xFFFFFFE0, s21;
	s8 =	simm.s32 @!p2 $0x3F0  }
0x60: {  	v4 =	vor.u32 s7, v0;
	[tilespmem:s8+$0x1000] =	vst.msk vm0, v5  }
0x61: {  	[tilespmem:s8+$0x1480] =	vst.msk vm0, v4  }
0x62: {  	v4 =	vld [tilespmem:s0+$0x0];
	_ =	sdelay $0x1  }
0x63: {  	s7 =	spop (v2sf)  }
0x64: {  	s6 =	sadd.s32 s6, s7  }
0x65: {  	p2 =	slt.s32 s6, $0x3F0;
	s8 =	smov.u32 s6  }
0x66: {  	s7 =	sadd.s32 $0xFFFFFFF0, s21;
	vm0 =	vgt.f32 v4, $-9.999999680e+37;
	s8 =	simm.s32 @!p2 $0x3F0  }
0x67: {  	v5 =	vor.u32 s7, v0;
	[tilespmem:s8+$0x1000] =	vst.msk vm0, v4;
	v4 =	vmpcnt.ones.xlane vm0  }
0x68: {  	[tilespmem:s8+$0x1480] =	vst.msk vm0, v5  }
0x69: {  	v5 =	vld [tilespmem:s0+$0x10];
	(v2sf) =	vpush v4, $0x0;
	_ =	sdelay $0x4  }
0x6a: {  	vm0 =	vgt.f32 v5, $-9.999999680e+37  }
0x6b: {  	v4 =	vmpcnt.ones.xlane vm0;
	_ =	sdelay $0x1  }
0x6c: {  	(v2sf) =	vpush v4, $0x0;
	_ =	sdelay $0x6  }
0x6d: {  	s7 =	spop (v2sf)  }
0x6e: {  	s6 =	sadd.s32 s6, s7  }
0x6f: {  	p2 =	slt.s32 s6, $0x3F0;
	s7 =	smov.u32 s6  }
0x70: {  	s7 =	simm.s32 @!p2 $0x3F0  }
.Ltmp4:
0x71: {  	v4 =	vor.u32 s21, v0;
	[tilespmem:s7+$0x1000] =	vst.msk vm0, v5;
	(pc) =	sbr.rel @p1 .LBB2_6-.Ltmp4, $3  }
0x72: {  	s0 =	sadd.s32 $0x40, s0;
	[tilespmem:s7+$0x1480] =	vst.msk vm0, v4  }
0x73: {  	v4 =	vld [tilespmem:s0+$0xFFFFFFE0];
	_ =	sdelay $0x1  }
0x74: {  	s7 =	spop (v2sf)  }
0x75: {  	s6 =	sadd.s32 s6, s7  }
0x76: {  	s1 =	sadd.s32 $0x40, s21;
	p1 =	slt.s32 s6, $0x3F0;
	s7 =	smov.u32 s6  }
0x77: {  	s8 =	sadd.s32 $0xFFFFFFD0, s1;
	vm0 =	vgt.f32 v4, $-9.999999680e+37;
	s7 =	simm.s32 @!p1 $0x3F0  }
0x78: {  	v5 =	vor.u32 s8, v0;
	[tilespmem:s7+$0x1000] =	vst.msk vm0, v4;
	v4 =	vmpcnt.ones.xlane vm0  }
0x79: {  	[tilespmem:s7+$0x1480] =	vst.msk vm0, v5  }
0x7a: {  	v5 =	vld [tilespmem:s0+$0xFFFFFFF0];
	(v2sf) =	vpush v4, $0x0;
	_ =	sdelay $0x4  }
0x7b: {  	vm13 =	vgt.f32 v5, $-9.999999680e+37  }
0x7c: {  	v4 =	vmpcnt.ones.xlane vm13;
	_ =	sdelay $0x1  }
0x7d: {  	(v2sf) =	vpush v4, $0x0;
	_ =	sdelay $0x6  }
0x7e: {  	s9 =	spop (v2sf)  }
0x7f: {  	s6 =	sadd.s32 s6, s9  }
0x80: {  	p1 =	slt.s32 s6, $0x3F0;
	s7 =	smov.u32 s6  }
0x81: {  	s10 =	sadd.s32 $0xFFFFFFE0, s1;
	s7 =	simm.s32 @!p1 $0x3F0  }
0x82: {  	v4 =	vor.u32 s10, v0;
	[tilespmem:s7+$0x1000] =	vst.msk vm13, v5  }
0x83: {  	[tilespmem:s7+$0x1480] =	vst.msk vm13, v4  }
0x84: {  	v4 =	vld [tilespmem:s0+$0x0];
	_ =	sdelay $0x1  }
0x85: {  	s11 =	spop (v2sf)  }
0x86: {  	s6 =	sadd.s32 s6, s11  }
0x87: {  	p1 =	slt.s32 s6, $0x3F0;
	s7 =	smov.u32 s6  }
0x88: {  	s21 =	sadd.s32 $0xFFFFFFF0, s1;
	vm14 =	vgt.f32 v4, $-9.999999680e+37;
	s7 =	simm.s32 @!p1 $0x3F0  }
0x89: {  	v5 =	vor.u32 s21, v0;
	[tilespmem:s7+$0x1000] =	vst.msk vm14, v4  }
0x8a: {  	[tilespmem:s7+$0x1480] =	vst.msk vm14, v5  }
0x8b: {  	v4 =	vld [tilespmem:s0+$0x10];
	_ =	sdelay $0x4  }
0x8c: {  	v5 =	vmpcnt.ones.xlane vm14;
	vm15 =	vgt.f32 v4, $-9.999999680e+37  }
0x8d: {  	v6 =	vmpcnt.ones.xlane vm15  }
0x8e: {  	(v2sf) =	vpush v5, $0x0  }
0x8f: {  	(v2sf) =	vpush v6, $0x0;
	_ =	sdelay $0xd  }
0x90: {  	s22 =	spop (v2sf)  }
0x91: {  	s0 =	sadd.s32 s6, s22;
	s23 =	spop (v2sf)  }
0x92: {  	s30 =	sadd.s32 s0, s23  }
0x93: {  	p1 =	slt.s32 s30, $0x400;
	s31 =	smov.u32 s30  }
0x94: {  	s31 =	simm.s32 @!p1 $0x400  }
0x95: {  	s24 =	sadd.s32 $0xF, s31  }
0x96: {  	s25 =	sand.u32 $0xF, s24  }
0x97: {  	p2 =	slt.s32 s30, $0xFFFFFFF2;
	s26 =	sshra.s32 s24, $0x1F;
	p6 =	sne.s32 s25, $0x0  }
0x98: {  	s7 =	sshrl.u32 s26, $0x1C;
	p1 =	por !p2, !p6  }
0x99: {  	s6 =	sadd.s32 s7, s24;
	s7 =	simm.s32 $0x1;
	p1 =	por !p1, !p1  }
0x9a: {  	s6 =	sshra.s32 s6, $0x4;
	s7 =	simm.s32 @!p1 $0x0  }
0x9b: {  	s6 =	ssub.s32 s6, s7  }
0x9c: {  	p1 =	slt.s32 s6, $0x1  }
.Ltmp5:
0x9d: {  	_ = 	snop;
	(pc) =	sbr.rel @p1 .LBB2_11-.Ltmp5, $4  }
0x9e: {  	p2 =	slt.s32 s0, $0x3F0  }
0x9f: {  	s0 =	simm.s32 @!p2 $0x3F0  }
0xa0: {  	v5 =	vor.u32 s1, v0;
	[tilespmem:s0+$0x1000] =	vst.msk vm15, v4  }
0xa1: {  	[tilespmem:s0+$0x1480] =	vst.msk vm15, v5  }
0xa2: {  	p1 =	sne.s32 s6, $0x1  }
.Ltmp6:
0xa3: {  	_ = 	snop;
	(pc) =	sbr.rel @!p1 .LBB2_10-.Ltmp6, $4  }
0xa4: {  	s0 =	simm.s32 $0x1480  }
0xa5: {  	s1 =	simm.s32 $0x1000;
	v4 =	vld [tilespmem:s0+$0x0]  }
0xa6: {  	v5 =	vld [tilespmem:s1+$0x0]  }
0xa7: {  	s6 =	sadd.s32 $0xFFFFFFFF, s6  }
.LBB2_9:
0xa8: {  	p1 =	sne.s32 s6, $0x1;
	_ =	sdelay $0x2  }
0xa9: {  	(xrf1) =	vsort.dscd.msk.f32 $0xffff, v5, v4;
	_ =	sdelay $0xd  }
0xaa: {  	v4, v5, _ =	vpop (xrf1)  }
.Ltmp7:
0xab: {  	[tilespmem:s1+$0x0] =	vst v4;
	(pc) =	sbr.rel @p1 .LBB2_9-.Ltmp7, $4  }
0xac: {  	[tilespmem:s0+$0x0] =	vst v5;
	s0 =	sadd.s32 $0x10, s0  }
0xad: {  	s1 =	sadd.s32 $0x10, s1;
	v4 =	vld [tilespmem:s0+$0x0]  }
0xae: {  	v5 =	vld [tilespmem:s1+$0x0]  }
0xaf: {  	s6 =	sadd.s32 $0xFFFFFFFF, s6  }
.LBB2_10:
0xb0: {  	_ =	sdelay $0x2  }
0xb1: {  	(xrf1) =	vsort.dscd.msk.f32 $0xffff, v5, v4;
	_ =	sdelay $0xd  }
0xb2: {  	v4, v5, _ =	vpop (xrf1)  }
0xb3: {  	[tilespmem:s1+$0x0] =	vst v4  }
0xb4: {  	[tilespmem:s0+$0x0] =	vst v5  }
.LBB2_11:
0xb5: {  	s0 =	sadd.s32 $0x1F, s31  }
0xb6: {  	s1 =	sand.u32 $0x1F, s0  }
0xb7: {  	p1 =	slt.s32 s30, $0xFFFFFFE2;
	s6 =	sshra.s32 s0, $0x1F;
	p2 =	sne.s32 s1, $0x0  }
0xb8: {  	s26 =	sshrl.u32 s6, $0x1B;
	p1 =	por !p1, !p2  }
0xb9: {  	s1 =	simm.s32 $0x1;
	s0 =	sadd.s32 s26, s0;
	p1 =	por !p1, !p1  }
0xba: {  	s0 =	sshra.s32 s0, $0x5;
	s1 =	simm.s32 @!p1 $0x0  }
0xbb: {  	s21 =	ssub.s32 s0, s1  }
0xbc: {  	p1 =	slt.s32 s21, $0x1  }
.Ltmp8:
0xbd: {  	_ = 	snop;
	(pc) =	sbr.rel @p1 .LBB2_15-.Ltmp8, $1  }
0xbe: {  	_ =	sdelay $0x3  }
0xbf: {  	s1 =	simm.s32 $0x1010  }
0xc0: {  	s0 =	simm.s32 $0x14A0;
	v4 =	vld [tilespmem:s1+$0x0]  }
0xc1: {  	v5 =	vld [tilespmem:s0+$0xFFFFFFF0]  }
0xc2: {  	v6 =	vld [tilespmem:s1+$0xFFFFFFF0]  }
0xc3: {  	v7 =	vld [tilespmem:s0+$0xFFFFFFE0];
	_ =	sdelay $0x1  }
0xc4: {  	v4 =	vperm.xlane v4, v2  }
0xc5: {  	v5 =	vperm.xlane v5, v2  }
0xc6: {  	vm0 =	vge.f32 v6, v4  }
0xc7: {  	v8 =	vsel vm0, v6, v4;
	v9 =	vsel vm0, v7, v5  }
0xc8: {  	(xrf1) =	vsort.dscd.msk.f32 $0xffff, v8, v9;
	_ =	sdelay $0x6  }
0xc9: {  	v4 =	vsel vm0, v4, v6;
	v5 =	vsel vm0, v5, v7  }
0xca: {  	(xrf1) =	vsort.dscd.msk.f32 $0xffff, v4, v5;
	_ =	sdelay $0x5  }
0xcb: {  	s1 =	simm.s32 $0x1910;
	v4, v5, _ =	vpop (xrf1)  }
0xcc: {  	s6 =	simm.s32 $0x1D90;
	[tilespmem:s1+$0xFFFFFFF0] =	vst v4  }
0xcd: {  	[tilespmem:s6+$0xFFFFFFF0] =	vst v5  }
0xce: {  	v4 =	vld [tilespmem:s0+$0x0];
	_ =	sdelay $0x4  }
0xcf: {  	v5, v6, _ =	vpop (xrf1);
	v4 =	vperm.xlane v4, v2  }
0xd0: {  	vm15 =	vge.f32 v5, v3  }
0xd1: {  	v5 =	vsel vm15, v5, v3;
	v4 =	vsel vm15, v6, v4  }
0xd2: {  	(xrf1) =	vsort.dscd.msk.f32 $0xffff, v5, v4;
	_ =	sdelay $0x9  }
0xd3: {  	p1 =	sne.s32 s21, $0x1  }
.Ltmp9:
0xd4: {  	_ = 	snop;
	(pc) =	sbr.rel @!p1 .LBB2_14-.Ltmp9, $3  }
0xd5: {  	_ =	sdelay $0x1  }
0xd6: {  	v5, v4, _ =	vpop (xrf1)  }
0xd7: {  	s21 =	sadd.s32 $0xFFFFFFFF, s21;
	s22 =	simm.s32 $0x1030;
	[tilespmem:s1+$0x0] =	vst v5  }
.LBB2_13:
0xd8: {  	[tilespmem:s6+$0x0] =	vst v4;
	s6 =	sadd.s32 $0x20, s6;
	s1 =	sadd.s32 $0x20, s1;
	s0 =	sadd.s32 $0x20, s0  }
0xd9: {  	p1 =	sne.s32 s21, $0x1;
	s21 =	sadd.s32 $0xFFFFFFFF, s21;
	v4 =	vld [tilespmem:s22+$0x0]  }
0xda: {  	v5 =	vld [tilespmem:s0+$0xFFFFFFF0]  }
0xdb: {  	v6 =	vld [tilespmem:s22+$0xFFFFFFF0]  }
0xdc: {  	v7 =	vld [tilespmem:s0+$0xFFFFFFE0];
	_ =	sdelay $0x1  }
0xdd: {  	v4 =	vperm.xlane v4, v2  }
0xde: {  	v5 =	vperm.xlane v5, v2  }
0xdf: {  	vm0 =	vge.f32 v6, v4  }
0xe0: {  	v8 =	vsel vm0, v6, v4;
	v9 =	vsel vm0, v7, v5;
	v4 =	vsel vm0, v4, v6  }
0xe1: {  	v5 =	vsel vm0, v5, v7;
	(xrf1) =	vsort.dscd.msk.f32 $0xffff, v8, v9  }
0xe2: {  	(xrf1) =	vsort.dscd.msk.f32 $0xffff, v4, v5;
	_ =	sdelay $0xc  }
0xe3: {  	v4, v5, _ =	vpop (xrf1)  }
0xe4: {  	[tilespmem:s1+$0xFFFFFFF0] =	vst v4;
	v4, v6, _ =	vpop (xrf1)  }
0xe5: {  	[tilespmem:s6+$0xFFFFFFF0] =	vst v5  }
0xe6: {  	v5 =	vld [tilespmem:s0+$0x0];
	_ =	sdelay $0x4  }
0xe7: {  	v5 =	vperm.xlane v5, v2  }
0xe8: {  	vm0 =	vge.f32 v4, v3  }
0xe9: {  	v4 =	vsel vm0, v4, v3;
	v5 =	vsel vm0, v6, v5  }
0xea: {  	(xrf1) =	vsort.dscd.msk.f32 $0xffff, v4, v5;
	_ =	sdelay $0xa  }
.Ltmp10:
0xeb: {  	(pc) =	sbr.rel @p1 .LBB2_13-.Ltmp10, $3  }
0xec: {  	_ =	sdelay $0x1  }
0xed: {  	v5, v4, _ =	vpop (xrf1)  }
0xee: {  	s22 =	sadd.s32 $0x20, s22;
	[tilespmem:s1+$0x0] =	vst v5  }
.LBB2_14:
0xef: {  	[tilespmem:s6+$0x0] =	vst v4  }
.LBB2_15:
0xf0: {  	s0 =	sadd.s32 $0x3F, s31  }
0xf1: {  	s1 =	sand.u32 $0x3F, s0  }
0xf2: {  	p1 =	slt.s32 s30, $0xFFFFFFC2;
	s6 =	sshra.s32 s0, $0x1F;
	p2 =	sne.s32 s1, $0x0  }
0xf3: {  	s26 =	sshrl.u32 s6, $0x1A;
	p1 =	por !p1, !p2  }
0xf4: {  	s1 =	simm.s32 $0x1;
	s0 =	sadd.s32 s26, s0;
	p1 =	por !p1, !p1  }
0xf5: {  	s0 =	sshra.s32 s0, $0x6;
	s1 =	simm.s32 @!p1 $0x0  }
0xf6: {  	s0 =	ssub.s32 s0, s1  }
0xf7: {  	p1 =	slt.s32 s0, $0x1  }
.Ltmp11:
0xf8: {  	_ = 	snop;
	(pc) =	sbr.rel @p1 .LBB2_20-.Ltmp11, $1  }
0xf9: {  	_ =	sdelay $0x3  }
0xfa: {  	s1 =	simm.s32 $0x0;
	s21 =	simm.s32 $0x1000;
	s22 =	simm.s32 $0x1480  }
.LBB2_17:
0xfb: {  	s23 =	sshll.u32 s1, $0x6  }
0xfc: {  	v4 =	vld [tilespmem:s23+$0x1920]  }
0xfd: {  	v5 =	vld [tilespmem:s23+$0x1DA0]  }
0xfe: {  	v8 =	vld [tilespmem:s23+$0x1900]  }
0xff: {  	v9 =	vld [tilespmem:s23+$0x1D80];
	_ =	sdelay $0x1  }
0x100: {  	v10 =	vperm.xlane v4, v2  }
0x101: {  	v11 =	vperm.xlane v5, v2  }
0x102: {  	vm0 =	vge.f32 v8, v10  }
0x103: {  	v4 =	vsel vm0, v8, v10;
	v5 =	vsel vm0, v9, v11  }
0x104: {  	(xrf1) =	vsort.dscd.msk.f32 $0xffff, v4, v5;
	_ =	sdelay $0x9  }
0x105: {  	v4 =	vmov s21  }
0x106: {  	v5 =	vmov s22  }
0x107: {  	s24 =	sor.u32 $0x20, s23;
	v6 =	vmov s23  }
0x108: {  	v7 =	vmov s24  }
0x109: {  	s6 =	simm.s32 $0x0;
	v12, v13, _ =	vpop (xrf1)  }
0x10a: {  	[tilespmem:v4+s6+$0x0 ss:$0x1] =	vst.idx.msk $0xffff, v12  }
0x10b: {  	s8 =	simm.s32 $0x10;
	[tilespmem:v5+s6+$0x0 ss:$0x1] =	vst.idx.msk $0xffff, v13  }
0x10c: {  	v12 =	vld.idx.msk [tilespmem:v6+s8+$0x1900 ss:$0x1], $0xffff  }
0x10d: {  	v13 =	vld.idx.msk [tilespmem:v7+s8+$0x1900 ss:$0x1], $0xffff;
	_ =	sdelay $0x3  }
0x10e: {  	(v2sf) =	vpush v12, $0x0  }
0x10f: {  	(v2sf) =	vpush v13, $0x0;
	_ =	sdelay $0x5  }
0x110: {  	v8 =	vsel vm0, v10, v8;
	v9 =	vsel vm0, v11, v9  }
0x111: {  	(xrf1) =	vsort.dscd.msk.f32 $0xffff, v8, v9;
	_ =	sdelay $0x6  }
0x112: {  	s9 =	spop (v2sf)  }
0x113: {  	s7 =	spop (v2sf)  }
0x114: {  	p2 =	por $0x0, $0x0;
	p1 =	sge.f32 s9, s7  }
0x115: {  	s25 =	simm.s32 $0x1;
	p3 =	por $0x1, $0x1;
	s26 =	simm.s32 $0x40  }
0x116: {  	s10 =	sadd.s32 $0x10, s23;
	s11 =	sadd.s32 $0x10, s24;
	p1 =	por p2, p1  }
0x117: {  	s6 =	sadd.s32 $0x1D80, s10;
	s8 =	simm.s32 $0x1;
	p1 =	por !p3, !p1  }
0x118: {  	s7 =	sadd.s32 $0x1D80, s11;
	p3 =	por $0x0, $0x0;
	p1 =	por !p1, !p1  }
0x119: {  	v9, v8, _ =	vpop (xrf1);
	s8 =	simm.s32 @!p1 $0x0;
	v10 =	vpsel p1, v12, v13;
	s7 =	smov.u32 @p1 s6;
	s6 =	simm.s32 $0x1  }
.LBB2_18:
0x11a: {  	p1 =	sne.s32 s26, $0x80;
	v11 =	vpsel p2, $0xFF7FFFFF, v10;
	v12 =	vld [tilespmem:s7+$0x0];
	s25 =	sadd.s32 s8, s25;
	s7 =	sxor.u32 $0x1, s8  }
0x11b: {  	v10 =	vpsel p3, v11, v10;
	s6 =	sadd.s32 s6, s7;
	s7 =	smov.u32 s26;
	s26 =	sadd.s32 $0x40, s26  }
0x11c: {  	_ =	sdelay $0x1  }
0x11d: {  	v10 =	vperm.xlane v10, v2  }
0x11e: {  	v11 =	vperm.xlane v12, v2  }
0x11f: {  	vm0 =	vge.f32 v9, v10  }
0x120: {  	v12 =	vsel vm0, v9, v10;
	v9 =	vsel vm0, v10, v9;
	v13 =	vsel vm0, v8, v11  }
0x121: {  	v8 =	vsel vm0, v11, v8;
	(xrf1) =	vsort.dscd.msk.f32 $0xffff, v12, v13  }
0x122: {  	(xrf1) =	vsort.dscd.msk.f32 $0xffff, v9, v8;
	_ =	sdelay $0xc  }
0x123: {  	s7 =	sshra.s32 s7, $0x2;
	v11, v10, _ =	vpop (xrf1)  }
0x124: {  	[tilespmem:v4+s7+$0x0 ss:$0x1] =	vst.idx.msk $0xffff, v11;
	v9, v8, _ =	vpop (xrf1)  }
0x125: {  	s8 =	sshll.u32 s6, $0x4;
	[tilespmem:v5+s7+$0x0 ss:$0x1] =	vst.idx.msk $0xffff, v10;
	s7 =	sshll.u32 s25, $0x4  }
0x126: {  	s9 =	sadd.s32 s23, s7;
	v10 =	vld.idx.msk [tilespmem:v6+s7+$0x1900 ss:$0x1], $0xffff;
	s7 =	sadd.s32 s24, s8  }
0x127: {  	v11 =	vld.idx.msk [tilespmem:v7+s8+$0x1900 ss:$0x1], $0xffff;
	_ =	sdelay $0x4  }
0x128: {  	(v2sf) =	vpush v10, $0x0  }
0x129: {  	(v2sf) =	vpush v11, $0x0;
	_ =	sdelay $0xd  }
0x12a: {  	s8 =	spop (v2sf)  }
0x12b: {  	s10 =	spop (v2sf)  }
0x12c: {  	p2 =	sgt.s32 s6, $0x1;
	p3 =	sge.f32 s8, s10  }
.Ltmp12:
0x12d: {  	p4 =	slt.s32 s25, $0x2;
	(pc) =	sbr.rel @p1 .LBB2_18-.Ltmp12, $4  }
0x12e: {  	p3 =	por p2, p3  }
0x12f: {  	s9 =	sadd.s32 $0x1D80, s9;
	p3 =	por !p4, !p3  }
0x130: {  	s7 =	sadd.s32 $0x1D80, s7;
	s8 =	simm.s32 $0x1;
	p4 =	por !p3, !p3  }
0x131: {  	p3 =	sgt.s32 s25, $0x1;
	s8 =	simm.s32 @!p4 $0x0;
	v10 =	vpsel p4, v10, v11;
	s7 =	smov.u32 @p4 s9  }
0x132: {  	v4 =	vld [tilespmem:s7+$0x0];
	_ =	sdelay $0x1  }
0x133: {  	v5 =	vpsel p2, $0xFF7FFFFF, v10  }
0x134: {  	v5 =	vpsel p3, v5, v10  }
0x135: {  	v5 =	vperm.xlane v5, v2  }
0x136: {  	v4 =	vperm.xlane v4, v2  }
0x137: {  	vm0 =	vge.f32 v9, v5  }
0x138: {  	v5 =	vsel vm0, v9, v5;
	v4 =	vsel vm0, v8, v4  }
0x139: {  	(xrf1) =	vsort.dscd.msk.f32 $0xffff, v5, v4;
	_ =	sdelay $0x9  }
0x13a: {  	s1 =	sadd.s32 $0x1, s1  }
0x13b: {  	p1 =	sne.s32 s1, s0  }
.Ltmp13:
0x13c: {  	_ = 	snop;
	(pc) =	sbr.rel @p1 .LBB2_17-.Ltmp13, $4  }
0x13d: {  	_ = 	snop  }
0x13e: {  	v4, v5, _ =	vpop (xrf1)  }
0x13f: {  	[tilespmem:s23+$0x1030] =	vst v4  }
0x140: {  	s21 =	sadd.s32 $0x40, s21;
	s22 =	sadd.s32 $0x40, s22;
	[tilespmem:s23+$0x14B0] =	vst v5  }
.LBB2_20:
0x141: {  	s0 =	sadd.s32 $0x7F, s31  }
0x142: {  	s1 =	sand.u32 $0x7F, s0  }
0x143: {  	p1 =	slt.s32 s30, $0xFFFFFF82;
	s6 =	sshra.s32 s0, $0x1F;
	p2 =	sne.s32 s1, $0x0  }
0x144: {  	s26 =	sshrl.u32 s6, $0x19;
	p1 =	por !p1, !p2  }
0x145: {  	s1 =	simm.s32 $0x1;
	s0 =	sadd.s32 s26, s0;
	p1 =	por !p1, !p1  }
0x146: {  	s0 =	sshra.s32 s0, $0x7;
	s1 =	simm.s32 @!p1 $0x0  }
0x147: {  	s0 =	ssub.s32 s0, s1  }
0x148: {  	p1 =	slt.s32 s0, $0x1  }
.Ltmp14:
0x149: {  	_ = 	snop;
	(pc) =	sbr.rel @p1 .LBB2_25-.Ltmp14, $1  }
0x14a: {  	_ =	sdelay $0x3  }
0x14b: {  	s0 =	smin.u32 s0, $0x8  }
0x14c: {  	s1 =	simm.s32 $0x0;
	s21 =	simm.s32 $0x1D80;
	s22 =	simm.s32 $0x1900  }
.LBB2_22:
0x14d: {  	s23 =	sshll.u32 s1, $0x7  }
0x14e: {  	v4 =	vld [tilespmem:s23+$0x1040]  }
0x14f: {  	v5 =	vld [tilespmem:s23+$0x14C0]  }
0x150: {  	v7 =	vld [tilespmem:s23+$0x1000]  }
0x151: {  	v8 =	vld [tilespmem:s23+$0x1480];
	_ =	sdelay $0x1  }
0x152: {  	v9 =	vperm.xlane v4, v2  }
0x153: {  	v10 =	vperm.xlane v5, v2  }
0x154: {  	vm0 =	vge.f32 v7, v9  }
0x155: {  	v4 =	vsel vm0, v7, v9;
	v5 =	vsel vm0, v8, v10  }
0x156: {  	(xrf1) =	vsort.dscd.msk.f32 $0xffff, v4, v5;
	_ =	sdelay $0x9  }
0x157: {  	v4 =	vmov s22  }
0x158: {  	s24 =	sor.u32 $0x40, s23;
	v5 =	vmov s21  }
0x159: {  	v6 =	vmov s24;
	_ =	sdelay $0x1  }
0x15a: {  	s6 =	simm.s32 $0x0;
	v11, v12, _ =	vpop (xrf1)  }
0x15b: {  	s7 =	simm.s32 $0x10;
	s8 =	sadd.s32 $0x10, s23;
	[tilespmem:v4+s6+$0x0 ss:$0x1] =	vst.idx.msk $0xffff, v11  }
0x15c: {  	s26 =	sand.u32 $0x70, s7;
	s8 =	sand.u32 $0xFFFFFF80, s8;
	[tilespmem:v5+s6+$0x0 ss:$0x1] =	vst.idx.msk $0xffff, v12  }
0x15d: {  	s6 =	sor.u32 s26, s8;
	v11 =	vld.idx.msk [tilespmem:v6+s7+$0x1000 ss:$0x1], $0xffff  }
0x15e: {  	v12 =	vld [tilespmem:s6+$0x1000];
	_ =	sdelay $0x3  }
0x15f: {  	(v2sf) =	vpush v11, $0x0  }
0x160: {  	(v2sf) =	vpush v12, $0x0;
	_ =	sdelay $0x5  }
0x161: {  	v7 =	vsel vm0, v9, v7;
	v8 =	vsel vm0, v10, v8  }
0x162: {  	(xrf1) =	vsort.dscd.msk.f32 $0xffff, v7, v8;
	_ =	sdelay $0x6  }
0x163: {  	s9 =	spop (v2sf)  }
0x164: {  	s10 =	spop (v2sf)  }
0x165: {  	p1 =	sge.f32 s10, s9  }
0x166: {  	p2 =	por $0x0, $0x0;
	p3 =	por $0x1, $0x1;
	s25 =	simm.s32 $0x1  }
0x167: {  	s11 =	sadd.s32 $0x10, s24;
	s26 =	simm.s32 $0x40;
	p1 =	por p2, p1  }
0x168: {  	s8 =	simm.s32 $0x1;
	s6 =	sadd.s32 $0x1480, s6;
	p1 =	por !p3, !p1  }
0x169: {  	s7 =	sadd.s32 $0x1480, s11;
	p3 =	por $0x0, $0x0;
	p1 =	por !p1, !p1  }
0x16a: {  	v8, v7, _ =	vpop (xrf1);
	s8 =	simm.s32 @!p1 $0x0;
	v9 =	vpsel p1, v12, v11;
	s7 =	smov.u32 @p1 s6;
	s6 =	simm.s32 $0x1  }
.LBB2_23:
0x16b: {  	p1 =	sne.s32 s26, $0x180  }
0x16c: {  	v10 =	vpsel p2, $0xFF7FFFFF, v9;
	v11 =	vld [tilespmem:s7+$0x0];
	s25 =	sadd.s32 s8, s25;
	s7 =	sxor.u32 $0x1, s8;
	s8 =	smov.u32 s26  }
0x16d: {  	s26 =	sadd.s32 $0x40, s26;
	s9 =	sshll.u32 s25, $0x4;
	v9 =	vpsel p3, v10, v9;
	s6 =	sadd.s32 s6, s7  }
0x16e: {  	s7 =	sadd.s32 s23, s9  }
0x16f: {  	s7 =	sand.u32 $0xFFFFFF80, s7  }
0x170: {  	v9 =	vperm.xlane v9, v2  }
0x171: {  	v10 =	vperm.xlane v11, v2  }
0x172: {  	vm0 =	vge.f32 v8, v9  }
0x173: {  	v11 =	vsel vm0, v8, v9;
	v8 =	vsel vm0, v9, v8;
	v12 =	vsel vm0, v7, v10  }
0x174: {  	v7 =	vsel vm0, v10, v7;
	(xrf1) =	vsort.dscd.msk.f32 $0xffff, v11, v12  }
0x175: {  	(xrf1) =	vsort.dscd.msk.f32 $0xffff, v8, v7;
	_ =	sdelay $0xc  }
0x176: {  	s8 =	sshra.s32 s8, $0x2;
	v10, v9, _ =	vpop (xrf1)  }
0x177: {  	[tilespmem:v4+s8+$0x0 ss:$0x1] =	vst.idx.msk $0xffff, v10;
	v8, v7, _ =	vpop (xrf1)  }
0x178: {  	[tilespmem:v5+s8+$0x0 ss:$0x1] =	vst.idx.msk $0xffff, v9;
	s8 =	sand.u32 $0x70, s9;
	s9 =	sshll.u32 s6, $0x4  }
0x179: {  	s7 =	sor.u32 s8, s7;
	s8 =	sadd.s32 s24, s9;
	v9 =	vld.idx.msk [tilespmem:v6+s9+$0x1000 ss:$0x1], $0xffff  }
0x17a: {  	v10 =	vld [tilespmem:s7+$0x1000];
	_ =	sdelay $0x4  }
0x17b: {  	(v2sf) =	vpush v9, $0x0  }
0x17c: {  	(v2sf) =	vpush v10, $0x0;
	_ =	sdelay $0xd  }
0x17d: {  	s9 =	spop (v2sf)  }
0x17e: {  	s10 =	spop (v2sf)  }
0x17f: {  	p2 =	sgt.s32 s6, $0x3;
	p3 =	sge.f32 s10, s9  }
.Ltmp15:
0x180: {  	p4 =	slt.s32 s25, $0x4;
	(pc) =	sbr.rel @p1 .LBB2_23-.Ltmp15, $4  }
0x181: {  	p3 =	por p2, p3  }
0x182: {  	s9 =	sadd.s32 $0x1480, s7;
	p3 =	por !p4, !p3  }
0x183: {  	s7 =	sadd.s32 $0x1480, s8;
	s8 =	simm.s32 $0x1;
	p4 =	por !p3, !p3  }
0x184: {  	p3 =	sgt.s32 s25, $0x3;
	s8 =	simm.s32 @!p4 $0x0;
	v9 =	vpsel p4, v10, v9;
	s7 =	smov.u32 @p4 s9  }
0x185: {  	v4 =	vld [tilespmem:s7+$0x0];
	_ =	sdelay $0x1  }
0x186: {  	v5 =	vpsel p2, $0xFF7FFFFF, v9  }
0x187: {  	v5 =	vpsel p3, v5, v9  }
0x188: {  	v5 =	vperm.xlane v5, v2  }
0x189: {  	v4 =	vperm.xlane v4, v2  }
0x18a: {  	vm0 =	vge.f32 v8, v5  }
0x18b: {  	v5 =	vsel vm0, v8, v5;
	v4 =	vsel vm0, v7, v4  }
0x18c: {  	(xrf1) =	vsort.dscd.msk.f32 $0xffff, v5, v4;
	_ =	sdelay $0x9  }
0x18d: {  	s1 =	sadd.s32 $0x1, s1  }
0x18e: {  	p1 =	sne.s32 s1, s0  }
.Ltmp16:
0x18f: {  	_ = 	snop;
	(pc) =	sbr.rel @p1 .LBB2_22-.Ltmp16, $4  }
0x190: {  	_ = 	snop  }
0x191: {  	v4, v5, _ =	vpop (xrf1)  }
0x192: {  	[tilespmem:s23+$0x1970] =	vst v4  }
0x193: {  	s21 =	sadd.s32 $0x80, s21;
	s22 =	sadd.s32 $0x80, s22;
	[tilespmem:s23+$0x1DF0] =	vst v5  }
.LBB2_25:
0x194: {  	s0 =	sadd.s32 $0xFF, s31  }
0x195: {  	s1 =	sand.u32 $0xFF, s0  }
0x196: {  	p1 =	slt.s32 s30, $0xFFFFFF02;
	s6 =	sshra.s32 s0, $0x1F;
	p2 =	sne.s32 s1, $0x0  }
0x197: {  	s26 =	sshrl.u32 s6, $0x18;
	p1 =	por !p1, !p2  }
0x198: {  	s1 =	simm.s32 $0x1;
	s0 =	sadd.s32 s26, s0;
	p1 =	por !p1, !p1  }
0x199: {  	s0 =	sshra.s32 s0, $0x8;
	s1 =	simm.s32 @!p1 $0x0  }
0x19a: {  	s0 =	ssub.s32 s0, s1  }
0x19b: {  	p1 =	slt.s32 s0, $0x1  }
.Ltmp17:
0x19c: {  	_ = 	snop;
	(pc) =	sbr.rel @p1 .LBB2_30-.Ltmp17, $1  }
0x19d: {  	_ =	sdelay $0x3  }
0x19e: {  	s1 =	smin.u32 s0, $0x4  }
0x19f: {  	s0 =	simm.s32 $0x0;
	s21 =	simm.s32 $0x1000;
	s22 =	simm.s32 $0x1480  }
.LBB2_27:
0x1a0: {  	s23 =	sshll.u32 s0, $0x8  }
0x1a1: {  	v4 =	vld [tilespmem:s23+$0x1980]  }
0x1a2: {  	v5 =	vld [tilespmem:s23+$0x1E00]  }
0x1a3: {  	v6 =	vld [tilespmem:s23+$0x1900]  }
0x1a4: {  	v7 =	vld [tilespmem:s23+$0x1D80];
	_ =	sdelay $0x1  }
0x1a5: {  	v8 =	vperm.xlane v4, v2  }
0x1a6: {  	v9 =	vperm.xlane v5, v2  }
0x1a7: {  	vm0 =	vge.f32 v6, v8  }
0x1a8: {  	v4 =	vsel vm0, v6, v8;
	v5 =	vsel vm0, v7, v9  }
0x1a9: {  	(xrf1) =	vsort.dscd.msk.f32 $0xffff, v4, v5;
	_ =	sdelay $0x9  }
0x1aa: {  	v4 =	vmov s21  }
0x1ab: {  	v5 =	vmov s22;
	_ =	sdelay $0x1  }
0x1ac: {  	s6 =	simm.s32 $0x10  }
0x1ad: {  	s8 =	simm.s32 $0x0;
	s24 =	sor.u32 $0x80, s23;
	s7 =	sadd.s32 $0x10, s23;
	v10, v11, _ =	vpop (xrf1)  }
0x1ae: {  	s6 =	sand.u32 $0x70, s6;
	s7 =	sand.u32 $0xFFFFFF80, s7;
	s9 =	sadd.s32 $0x10, s24;
	[tilespmem:v4+s8+$0x0 ss:$0x1] =	vst.idx.msk $0xffff, v10  }
0x1af: {  	s9 =	sand.u32 $0xFFFFFF80, s9;
	s7 =	sor.u32 s6, s7;
	[tilespmem:v5+s8+$0x0 ss:$0x1] =	vst.idx.msk $0xffff, v11  }
0x1b0: {  	s6 =	sor.u32 s6, s9;
	v10 =	vld [tilespmem:s7+$0x1900]  }
0x1b1: {  	v11 =	vld [tilespmem:s6+$0x1900];
	_ =	sdelay $0x3  }
0x1b2: {  	(v2sf) =	vpush v10, $0x0  }
0x1b3: {  	(v2sf) =	vpush v11, $0x0;
	_ =	sdelay $0x5  }
0x1b4: {  	v6 =	vsel vm0, v8, v6;
	v7 =	vsel vm0, v9, v7  }
0x1b5: {  	(xrf1) =	vsort.dscd.msk.f32 $0xffff, v6, v7;
	_ =	sdelay $0x6  }
0x1b6: {  	s25 =	spop (v2sf)  }
0x1b7: {  	s26 =	spop (v2sf)  }
0x1b8: {  	p1 =	sge.f32 s25, s26  }
0x1b9: {  	p2 =	por $0x0, $0x0;
	p3 =	por $0x1, $0x1  }
0x1ba: {  	s9 =	sadd.s32 $0x1D80, s7;
	s8 =	simm.s32 $0x1;
	p1 =	por p2, p1  }
0x1bb: {  	s7 =	sadd.s32 $0x1D80, s6;
	s6 =	simm.s32 $0x1;
	p1 =	por !p3, !p1  }
0x1bc: {  	s25 =	simm.s32 $0x1;
	s26 =	simm.s32 $0x40;
	p1 =	por !p1, !p1  }
0x1bd: {  	v7, v6, _ =	vpop (xrf1);
	p3 =	por $0x0, $0x0;
	s8 =	simm.s32 @!p1 $0x0;
	v8 =	vpsel p1, v10, v11;
	s7 =	smov.u32 @p1 s9  }
.LBB2_28:
0x1be: {  	p1 =	sne.s32 s26, $0x380  }
0x1bf: {  	v9 =	vpsel p2, $0xFF7FFFFF, v8;
	v10 =	vld [tilespmem:s7+$0x0];
	s25 =	sadd.s32 s8, s25;
	s7 =	sxor.u32 $0x1, s8;
	s8 =	smov.u32 s26  }
0x1c0: {  	s26 =	sadd.s32 $0x40, s26;
	s9 =	sshll.u32 s25, $0x4;
	v8 =	vpsel p3, v9, v8;
	s6 =	sadd.s32 s6, s7  }
0x1c1: {  	s7 =	sadd.s32 s23, s9;
	s10 =	sshll.u32 s6, $0x4  }
0x1c2: {  	s7 =	sand.u32 $0xFFFFFF80, s7;
	s11 =	sadd.s32 s24, s10  }
0x1c3: {  	v8 =	vperm.xlane v8, v2;
	s11 =	sand.u32 $0xFFFFFF80, s11  }
0x1c4: {  	v9 =	vperm.xlane v10, v2  }
0x1c5: {  	vm0 =	vge.f32 v7, v8  }
0x1c6: {  	v10 =	vsel vm0, v7, v8;
	v7 =	vsel vm0, v8, v7;
	v11 =	vsel vm0, v6, v9  }
0x1c7: {  	v6 =	vsel vm0, v9, v6;
	(xrf1) =	vsort.dscd.msk.f32 $0xffff, v10, v11  }
0x1c8: {  	(xrf1) =	vsort.dscd.msk.f32 $0xffff, v7, v6;
	_ =	sdelay $0xc  }
0x1c9: {  	s8 =	sshra.s32 s8, $0x2;
	v9, v8, _ =	vpop (xrf1)  }
0x1ca: {  	s9 =	sand.u32 $0x70, s9;
	s10 =	sand.u32 $0x70, s10;
	[tilespmem:v4+s8+$0x0 ss:$0x1] =	vst.idx.msk $0xffff, v9;
	v7, v6, _ =	vpop (xrf1)  }
0x1cb: {  	s7 =	sor.u32 s9, s7;
	[tilespmem:v5+s8+$0x0 ss:$0x1] =	vst.idx.msk $0xffff, v8;
	s8 =	sor.u32 s10, s11  }
0x1cc: {  	v8 =	vld [tilespmem:s7+$0x1900]  }
0x1cd: {  	v9 =	vld [tilespmem:s8+$0x1900];
	_ =	sdelay $0x3  }
0x1ce: {  	(v2sf) =	vpush v8, $0x0  }
0x1cf: {  	(v2sf) =	vpush v9, $0x0;
	_ =	sdelay $0xd  }
0x1d0: {  	s9 =	spop (v2sf)  }
0x1d1: {  	s10 =	spop (v2sf)  }
0x1d2: {  	p2 =	sgt.s32 s6, $0x7;
	p3 =	sge.f32 s9, s10  }
.Ltmp18:
0x1d3: {  	p4 =	slt.s32 s25, $0x8;
	(pc) =	sbr.rel @p1 .LBB2_28-.Ltmp18, $4  }
0x1d4: {  	p3 =	por p2, p3  }
0x1d5: {  	s9 =	sadd.s32 $0x1D80, s7;
	p3 =	por !p4, !p3  }
0x1d6: {  	s7 =	sadd.s32 $0x1D80, s8;
	s8 =	simm.s32 $0x1;
	p4 =	por !p3, !p3  }
0x1d7: {  	p3 =	sgt.s32 s25, $0x7;
	s8 =	simm.s32 @!p4 $0x0;
	v8 =	vpsel p4, v8, v9;
	s7 =	smov.u32 @p4 s9  }
0x1d8: {  	v4 =	vld [tilespmem:s7+$0x0];
	_ =	sdelay $0x1  }
0x1d9: {  	v5 =	vpsel p2, $0xFF7FFFFF, v8  }
0x1da: {  	v5 =	vpsel p3, v5, v8  }
0x1db: {  	v5 =	vperm.xlane v5, v2  }
0x1dc: {  	v4 =	vperm.xlane v4, v2  }
0x1dd: {  	vm0 =	vge.f32 v7, v5  }
0x1de: {  	v5 =	vsel vm0, v7, v5;
	v4 =	vsel vm0, v6, v4  }
0x1df: {  	(xrf1) =	vsort.dscd.msk.f32 $0xffff, v5, v4;
	_ =	sdelay $0x9  }
0x1e0: {  	s0 =	sadd.s32 $0x1, s0  }
0x1e1: {  	p1 =	sne.s32 s0, s1  }
.Ltmp19:
0x1e2: {  	_ = 	snop;
	(pc) =	sbr.rel @p1 .LBB2_27-.Ltmp19, $4  }
0x1e3: {  	_ = 	snop  }
0x1e4: {  	v4, v5, _ =	vpop (xrf1)  }
0x1e5: {  	[tilespmem:s23+$0x10F0] =	vst v4  }
0x1e6: {  	s21 =	sadd.s32 $0x100, s21;
	s22 =	sadd.s32 $0x100, s22;
	[tilespmem:s23+$0x1570] =	vst v5  }
.LBB2_30:
0x1e7: {  	s0 =	sadd.s32 $0x1FF, s31  }
0x1e8: {  	s1 =	sand.u32 $0x1FF, s0  }
0x1e9: {  	p1 =	slt.s32 s30, $0xFFFFFE02;
	s6 =	sshra.s32 s0, $0x1F;
	p2 =	sne.s32 s1, $0x0  }
0x1ea: {  	s26 =	sshrl.u32 s6, $0x17;
	p1 =	por !p1, !p2  }
0x1eb: {  	s1 =	simm.s32 $0x1;
	s0 =	sadd.s32 s26, s0;
	p1 =	por !p1, !p1  }
0x1ec: {  	s0 =	sshra.s32 s0, $0x9;
	s1 =	simm.s32 @!p1 $0x0  }
0x1ed: {  	s0 =	ssub.s32 s0, s1  }
0x1ee: {  	p1 =	slt.s32 s0, $0x1  }
.Ltmp20:
0x1ef: {  	_ = 	snop;
	(pc) =	sbr.rel @p1 .LBB2_35-.Ltmp20, $1  }
0x1f0: {  	_ =	sdelay $0x3  }
0x1f1: {  	s1 =	smin.u32 s0, $0x2  }
0x1f2: {  	s0 =	simm.s32 $0x0;
	s21 =	simm.s32 $0x1900;
	s22 =	simm.s32 $0x1D80  }
.LBB2_32:
0x1f3: {  	s23 =	sshll.u32 s0, $0x9  }
0x1f4: {  	v4 =	vld [tilespmem:s23+$0x1100]  }
0x1f5: {  	v5 =	vld [tilespmem:s23+$0x1580]  }
0x1f6: {  	v6 =	vld [tilespmem:s23+$0x1000]  }
0x1f7: {  	v7 =	vld [tilespmem:s23+$0x1480];
	_ =	sdelay $0x1  }
0x1f8: {  	v8 =	vperm.xlane v4, v2  }
0x1f9: {  	v9 =	vperm.xlane v5, v2  }
0x1fa: {  	vm0 =	vge.f32 v6, v8  }
0x1fb: {  	v4 =	vsel vm0, v6, v8;
	v5 =	vsel vm0, v7, v9  }
0x1fc: {  	(xrf1) =	vsort.dscd.msk.f32 $0xffff, v4, v5;
	_ =	sdelay $0x9  }
0x1fd: {  	v4 =	vmov s21  }
0x1fe: {  	v5 =	vmov s22;
	_ =	sdelay $0x1  }
0x1ff: {  	s6 =	simm.s32 $0x10  }
0x200: {  	s8 =	simm.s32 $0x0;
	s24 =	sor.u32 $0x100, s23;
	s7 =	sadd.s32 $0x10, s23;
	v10, v11, _ =	vpop (xrf1)  }
0x201: {  	s6 =	sand.u32 $0x70, s6;
	s7 =	sand.u32 $0xFFFFFF80, s7;
	s9 =	sadd.s32 $0x10, s24;
	[tilespmem:v4+s8+$0x0 ss:$0x1] =	vst.idx.msk $0xffff, v10  }
0x202: {  	s9 =	sand.u32 $0xFFFFFF80, s9;
	s7 =	sor.u32 s6, s7;
	[tilespmem:v5+s8+$0x0 ss:$0x1] =	vst.idx.msk $0xffff, v11  }
0x203: {  	s6 =	sor.u32 s6, s9;
	v10 =	vld [tilespmem:s7+$0x1000]  }
0x204: {  	v11 =	vld [tilespmem:s6+$0x1000];
	_ =	sdelay $0x3  }
0x205: {  	(v2sf) =	vpush v10, $0x0  }
0x206: {  	(v2sf) =	vpush v11, $0x0;
	_ =	sdelay $0x5  }
0x207: {  	v6 =	vsel vm0, v8, v6;
	v7 =	vsel vm0, v9, v7  }
0x208: {  	(xrf1) =	vsort.dscd.msk.f32 $0xffff, v6, v7;
	_ =	sdelay $0x6  }
0x209: {  	s25 =	spop (v2sf)  }
0x20a: {  	s26 =	spop (v2sf)  }
0x20b: {  	p1 =	sge.f32 s25, s26  }
0x20c: {  	p2 =	por $0x0, $0x0;
	p3 =	por $0x1, $0x1  }
0x20d: {  	s9 =	sadd.s32 $0x1480, s7;
	s8 =	simm.s32 $0x1;
	p1 =	por p2, p1  }
0x20e: {  	s7 =	sadd.s32 $0x1480, s6;
	s6 =	simm.s32 $0x1;
	p1 =	por !p3, !p1  }
0x20f: {  	s25 =	simm.s32 $0x1;
	s26 =	simm.s32 $0x40;
	p1 =	por !p1, !p1  }
0x210: {  	v7, v6, _ =	vpop (xrf1);
	p3 =	por $0x0, $0x0;
	s8 =	simm.s32 @!p1 $0x0;
	v8 =	vpsel p1, v10, v11;
	s7 =	smov.u32 @p1 s9  }
.LBB2_33:
0x211: {  	p1 =	sne.s32 s26, $0x780  }
0x212: {  	v9 =	vpsel p2, $0xFF7FFFFF, v8;
	v10 =	vld [tilespmem:s7+$0x0];
	s25 =	sadd.s32 s8, s25;
	s7 =	sxor.u32 $0x1, s8;
	s8 =	smov.u32 s26  }
0x213: {  	s26 =	sadd.s32 $0x40, s26;
	s9 =	sshll.u32 s25, $0x4;
	v8 =	vpsel p3, v9, v8;
	s6 =	sadd.s32 s6, s7  }
0x214: {  	s7 =	sadd.s32 s23, s9;
	s10 =	sshll.u32 s6, $0x4  }
0x215: {  	s7 =	sand.u32 $0xFFFFFF80, s7;
	s11 =	sadd.s32 s24, s10  }
0x216: {  	v8 =	vperm.xlane v8, v2;
	s11 =	sand.u32 $0xFFFFFF80, s11  }
0x217: {  	v9 =	vperm.xlane v10, v2  }
0x218: {  	vm0 =	vge.f32 v7, v8  }
0x219: {  	v10 =	vsel vm0, v7, v8;
	v7 =	vsel vm0, v8, v7;
	v11 =	vsel vm0, v6, v9  }
0x21a: {  	v6 =	vsel vm0, v9, v6;
	(xrf1) =	vsort.dscd.msk.f32 $0xffff, v10, v11  }
0x21b: {  	(xrf1) =	vsort.dscd.msk.f32 $0xffff, v7, v6;
	_ =	sdelay $0xc  }
0x21c: {  	s8 =	sshra.s32 s8, $0x2;
	v9, v8, _ =	vpop (xrf1)  }
0x21d: {  	s9 =	sand.u32 $0x70, s9;
	s10 =	sand.u32 $0x70, s10;
	[tilespmem:v4+s8+$0x0 ss:$0x1] =	vst.idx.msk $0xffff, v9;
	v7, v6, _ =	vpop (xrf1)  }
0x21e: {  	s7 =	sor.u32 s9, s7;
	[tilespmem:v5+s8+$0x0 ss:$0x1] =	vst.idx.msk $0xffff, v8;
	s8 =	sor.u32 s10, s11  }
0x21f: {  	v8 =	vld [tilespmem:s7+$0x1000]  }
0x220: {  	v9 =	vld [tilespmem:s8+$0x1000];
	_ =	sdelay $0x3  }
0x221: {  	(v2sf) =	vpush v8, $0x0  }
0x222: {  	(v2sf) =	vpush v9, $0x0;
	_ =	sdelay $0xd  }
0x223: {  	s9 =	spop (v2sf)  }
0x224: {  	s10 =	spop (v2sf)  }
0x225: {  	p2 =	sgt.s32 s6, $0xF;
	p3 =	sge.f32 s9, s10  }
.Ltmp21:
0x226: {  	p4 =	slt.s32 s25, $0x10;
	(pc) =	sbr.rel @p1 .LBB2_33-.Ltmp21, $4  }
0x227: {  	p3 =	por p2, p3  }
0x228: {  	s9 =	sadd.s32 $0x1480, s7;
	p3 =	por !p4, !p3  }
0x229: {  	s7 =	sadd.s32 $0x1480, s8;
	s8 =	simm.s32 $0x1;
	p4 =	por !p3, !p3  }
0x22a: {  	p3 =	sgt.s32 s25, $0xF;
	s8 =	simm.s32 @!p4 $0x0;
	v8 =	vpsel p4, v8, v9;
	s7 =	smov.u32 @p4 s9  }
0x22b: {  	v4 =	vld [tilespmem:s7+$0x0];
	_ =	sdelay $0x1  }
0x22c: {  	v5 =	vpsel p2, $0xFF7FFFFF, v8  }
0x22d: {  	v5 =	vpsel p3, v5, v8  }
0x22e: {  	v5 =	vperm.xlane v5, v2  }
0x22f: {  	v4 =	vperm.xlane v4, v2  }
0x230: {  	vm0 =	vge.f32 v7, v5  }
0x231: {  	v5 =	vsel vm0, v7, v5;
	v4 =	vsel vm0, v6, v4  }
0x232: {  	(xrf1) =	vsort.dscd.msk.f32 $0xffff, v5, v4;
	_ =	sdelay $0x9  }
0x233: {  	s0 =	sadd.s32 $0x1, s0  }
0x234: {  	p1 =	sne.s32 s0, s1  }
.Ltmp22:
0x235: {  	_ = 	snop;
	(pc) =	sbr.rel @p1 .LBB2_32-.Ltmp22, $4  }
0x236: {  	_ = 	snop  }
0x237: {  	v4, v5, _ =	vpop (xrf1)  }
0x238: {  	[tilespmem:s23+$0x1AF0] =	vst v4  }
0x239: {  	s21 =	sadd.s32 $0x200, s21;
	s22 =	sadd.s32 $0x200, s22;
	[tilespmem:s23+$0x1F70] =	vst v5  }
.LBB2_35:
0x23a: {  	s0 =	sadd.s32 $0x3FF, s31  }
0x23b: {  	s1 =	sand.u32 $0x3FF, s0  }
0x23c: {  	p1 =	slt.s32 s30, $0xFFFFFC02;
	s6 =	sshra.s32 s0, $0x1F;
	p2 =	sne.s32 s1, $0x0  }
0x23d: {  	s31 =	sshrl.u32 s6, $0x16;
	p1 =	por !p1, !p2  }
0x23e: {  	s1 =	simm.s32 $0x1;
	s0 =	sadd.s32 s31, s0;
	p1 =	por !p1, !p1  }
0x23f: {  	s0 =	sshra.s32 s0, $0xA;
	s1 =	simm.s32 @!p1 $0x0  }
0x240: {  	s0 =	ssub.s32 s0, s1  }
0x241: {  	p1 =	slt.s32 s0, $0x1  }
.Ltmp23:
0x242: {  	_ = 	snop;
	(pc) =	sbr.rel @p1 .LBB2_39-.Ltmp23, $1  }
0x243: {  	_ =	sdelay $0x3  }
0x244: {  	v4 =	vld [tilespmem:$0x1B00]  }
0x245: {  	v5 =	vld [tilespmem:$0x1F80]  }
0x246: {  	v8 =	vld [tilespmem:$0x1900]  }
0x247: {  	v9 =	vld [tilespmem:$0x1D80];
	_ =	sdelay $0x1  }
0x248: {  	v4 =	vperm.xlane v4, v2  }
0x249: {  	v5 =	vperm.xlane v5, v2  }
0x24a: {  	vm0 =	vge.f32 v8, v4  }
0x24b: {  	v6 =	vsel vm0, v8, v4;
	v7 =	vsel vm0, v9, v5  }
0x24c: {  	(xrf1) =	vsort.dscd.msk.f32 $0xffff, v6, v7;
	_ =	sdelay $0xd  }
0x24d: {  	s0 =	simm.s32 $0x0;
	v6, v7, _ =	vpop (xrf1)  }
0x24e: {  	[tilespmem:s0+$0x1000] =	vst v6  }
0x24f: {  	s30 =	simm.s32 $0x10;
	[tilespmem:s0+$0x1480] =	vst v7  }
0x250: {  	v6 =	vld [tilespmem:s30+$0x1900]  }
0x251: {  	v7 =	vld [tilespmem:s30+$0x1B00];
	_ =	sdelay $0x3  }
0x252: {  	(v2sf) =	vpush v6, $0x0  }
0x253: {  	(v2sf) =	vpush v7, $0x0;
	_ =	sdelay $0x4  }
0x254: {  	v4 =	vsel vm0, v4, v8;
	v5 =	vsel vm0, v5, v9  }
0x255: {  	(xrf1) =	vsort.dscd.msk.f32 $0xffff, v4, v5;
	_ =	sdelay $0x7  }
0x256: {  	s31 =	spop (v2sf)  }
0x257: {  	s1 =	spop (v2sf)  }
0x258: {  	p1 =	sge.f32 s31, s1  }
0x259: {  	p2 =	por $0x0, $0x0;
	p3 =	por $0x1, $0x1  }
0x25a: {  	s7 =	simm.s32 $0x1D90;
	s21 =	simm.s32 $0x1F90;
	p1 =	por p2, p1  }
0x25b: {  	s6 =	simm.s32 $0x1;
	s0 =	simm.s32 $0x1;
	p1 =	por !p3, !p1  }
0x25c: {  	v5, v4, _ =	vpop (xrf1);
	s1 =	simm.s32 $0x40;
	p3 =	por $0x0, $0x0;
	p4 =	por !p1, !p1  }
.LBB2_37:
0x25d: {  	p1 =	sne.s32 s1, $0xF80;
	s8 =	simm.s32 $0x1  }
0x25e: {  	v6 =	vpsel p4, v6, v7;
	s21 =	smov.u32 @p4 s7;
	s7 =	smov.u32 s1;
	s8 =	simm.s32 @!p4 $0x0  }
0x25f: {  	s1 =	sadd.s32 $0x40, s1;
	v7 =	vpsel p2, $0xFF7FFFFF, v6;
	v8 =	vld [tilespmem:s21+$0x0];
	s0 =	sadd.s32 s8, s0;
	s8 =	sxor.u32 $0x1, s8  }
0x260: {  	v6 =	vpsel p3, v7, v6;
	s6 =	sadd.s32 s6, s8;
	_ =	sdelay $0x2  }
0x261: {  	v6 =	vperm.xlane v6, v2  }
0x262: {  	v7 =	vperm.xlane v8, v2  }
0x263: {  	vm0 =	vge.f32 v5, v6  }
0x264: {  	v8 =	vsel vm0, v5, v6;
	v5 =	vsel vm0, v6, v5;
	v9 =	vsel vm0, v4, v7  }
0x265: {  	v4 =	vsel vm0, v7, v4;
	(xrf1) =	vsort.dscd.msk.f32 $0xffff, v8, v9  }
0x266: {  	(xrf1) =	vsort.dscd.msk.f32 $0xffff, v5, v4;
	_ =	sdelay $0xc  }
0x267: {  	s7 =	sshra.s32 s7, $0x2;
	v7, v6, _ =	vpop (xrf1)  }
0x268: {  	[tilespmem:s7+$0x1000] =	vst v7;
	v5, v4, _ =	vpop (xrf1)  }
0x269: {  	s8 =	sshll.u32 s6, $0x4;
	[tilespmem:s7+$0x1480] =	vst v6;
	s7 =	sshll.u32 s0, $0x4  }
0x26a: {  	v6 =	vld [tilespmem:s7+$0x1900]  }
0x26b: {  	v7 =	vld [tilespmem:s8+$0x1B00];
	_ =	sdelay $0x3  }
0x26c: {  	(v2sf) =	vpush v6, $0x0  }
0x26d: {  	(v2sf) =	vpush v7, $0x0;
	_ =	sdelay $0xd  }
0x26e: {  	s9 =	spop (v2sf)  }
0x26f: {  	p2 =	sgt.s32 s6, $0x1F;
	s10 =	spop (v2sf)  }
.Ltmp24:
0x270: {  	p3 =	slt.s32 s0, $0x20;
	p4 =	sge.f32 s9, s10;
	(pc) =	sbr.rel @p1 .LBB2_37-.Ltmp24, $4  }
0x271: {  	_ = 	snop  }
0x272: {  	p4 =	por p2, p4  }
0x273: {  	s21 =	sadd.s32 $0x1F80, s8;
	s7 =	sadd.s32 $0x1D80, s7;
	p4 =	por !p3, !p4  }
0x274: {  	p3 =	sgt.s32 s0, $0x1F;
	p4 =	por !p4, !p4  }
0x275: {  	s21 =	smov.u32 @p4 s7  }
0x276: {  	v8 =	vld [tilespmem:s21+$0x0]  }
0x277: {  	v6 =	vpsel p4, v6, v7  }
0x278: {  	v7 =	vpsel p2, $0xFF7FFFFF, v6  }
0x279: {  	v6 =	vpsel p3, v7, v6  }
0x27a: {  	v6 =	vperm.xlane v6, v2  }
0x27b: {  	v63 =	vperm.xlane v8, v2  }
0x27c: {  	vm0 =	vge.f32 v5, v6  }
0x27d: {  	v5 =	vsel vm0, v5, v6;
	v4 =	vsel vm0, v4, v63  }
0x27e: {  	(xrf1) =	vsort.dscd.msk.f32 $0xffff, v5, v4;
	_ =	sdelay $0xd  }
0x27f: {  	v4, v5, _ =	vpop (xrf1)  }
0x280: {  	[tilespmem:$0x13F0] =	vst v4  }
0x281: {  	[tilespmem:$0x1870] =	vst v5  }
.LBB2_39:
0x282: {  	[spmem:s4] =	stream.strided.scatter [tilespmem:s19], [sflag:$0x1], $0x400, s17, s16, $0x38;
	[tilespmem:$0x5700] =	vst v63  }
0x283: {  	_ =	swait.ge [sflag:s18], $0x400  }
0x284: {  	[sflag:s18] =	ssyncset.done $0x0  }
0x285: {  	[sflag:s18] =	ssyncadd.s32 $0xFFFFFC00  }
0x286: {  	[spmem:s5] =	stream.strided.scatter [tilespmem:s20], [sflag:$0x1], $0x400, s17, s16, $0x38;
	[tilespmem:$0x5700] =	vst v63  }
.Ltmp25:
0x287: {  	_ =	swait.ge [sflag:s18], $0x400;
	(pc) =	sbr.rel @p0 .LBB2_55-.Ltmp25, $3  }
0x288: {  	[sflag:s18] =	ssyncset.done $0x0  }
0x289: {  	[sflag:s18] =	ssyncadd.s32 $0xFFFFFC00  }
0x28a: {  	[bflag:$0x0] =	sbarrier.arrive $0xFFFF;
	_ =	sdelay $0x1  }
0x28b: {  	s0 =	rddreg [dreg:$0x6];
	s1 =	simm.s32 $0x2200  }
0x28c: {  	[tilespmem:s1], [sflag:$0x1] =	stream.strided.gather [spmem:s0], $0x400, s17, s16, $0x38;
	[tilespmem:$0x5700] =	vst v63  }
0x28d: {  	s0 =	simm.s32 $0x1  }
0x28e: {  	_ =	swait.ge [sflag:s0], $0x400  }
0x28f: {  	[sflag:s0] =	ssyncset.done $0x0  }
0x290: {  	s6 =	simm.s32 $0x2680;
	s7 =	rddreg [dreg:$0x7];
	[sflag:s0] =	ssyncadd.s32 $0xFFFFFC00  }
0x291: {  	[tilespmem:s6], [sflag:$0x1] =	stream.strided.gather [spmem:s7], $0x400, s17, s16, $0x38;
	[tilespmem:$0x5700] =	vst v63  }
0x292: {  	_ =	swait.ge [sflag:s0], $0x400  }
0x293: {  	[sflag:s0] =	ssyncset.done $0x0  }
0x294: {  	s9 =	simm.s32 $0x2B00;
	s8 =	rddreg [dreg:$0x8];
	[sflag:s0] =	ssyncadd.s32 $0xFFFFFC00  }
0x295: {  	[tilespmem:s9], [sflag:$0x1] =	stream.strided.gather [spmem:s8], $0x400, s17, s16, $0x38;
	[tilespmem:$0x5700] =	vst v63  }
0x296: {  	_ =	swait.ge [sflag:s0], $0x400  }
0x297: {  	[sflag:s0] =	ssyncset.done $0x0  }
0x298: {  	s11 =	simm.s32 $0x2F80;
	s10 =	rddreg [dreg:$0x9];
	[sflag:s0] =	ssyncadd.s32 $0xFFFFFC00  }
0x299: {  	[tilespmem:s11], [sflag:$0x1] =	stream.strided.gather [spmem:s10], $0x400, s17, s16, $0x38;
	[tilespmem:$0x5700] =	vst v63  }
0x29a: {  	_ =	swait.ge [sflag:s0], $0x400  }
0x29b: {  	[sflag:s0] =	ssyncset.done $0x0  }
0x29c: {  	s22 =	simm.s32 $0x3400;
	s21 =	rddreg [dreg:$0xa];
	[sflag:s0] =	ssyncadd.s32 $0xFFFFFC00  }
0x29d: {  	[tilespmem:s22], [sflag:$0x1] =	stream.strided.gather [spmem:s21], $0x400, s17, s16, $0x38;
	[tilespmem:$0x5700] =	vst v63  }
0x29e: {  	_ =	swait.ge [sflag:s0], $0x400  }
0x29f: {  	[sflag:s0] =	ssyncset.done $0x0  }
0x2a0: {  	s24 =	simm.s32 $0x3880;
	s23 =	rddreg [dreg:$0xb];
	[sflag:s0] =	ssyncadd.s32 $0xFFFFFC00  }
0x2a1: {  	[tilespmem:s24], [sflag:$0x1] =	stream.strided.gather [spmem:s23], $0x400, s17, s16, $0x38;
	[tilespmem:$0x5700] =	vst v63  }
0x2a2: {  	_ =	swait.ge [sflag:s0], $0x400  }
0x2a3: {  	[sflag:s0] =	ssyncset.done $0x0  }
0x2a4: {  	[sflag:s0] =	ssyncadd.s32 $0xFFFFFC00  }
0x2a5: {  	v4 =	vld [tilespmem:$0x2200]  }
0x2a6: {  	v5 =	vld [tilespmem:$0x2680]  }
0x2a7: {  	v8 =	vld [tilespmem:$0x1000]  }
0x2a8: {  	v9 =	vld [tilespmem:$0x1480];
	_ =	sdelay $0x1  }
0x2a9: {  	v4 =	vperm.xlane v4, v2  }
0x2aa: {  	v5 =	vperm.xlane v5, v2  }
0x2ab: {  	vm0 =	vge.f32 v8, v4  }
0x2ac: {  	v6 =	vsel vm0, v8, v4;
	v7 =	vsel vm0, v9, v5  }
0x2ad: {  	(xrf1) =	vsort.dscd.msk.f32 $0xffff, v6, v7;
	_ =	sdelay $0xd  }
0x2ae: {  	s25 =	simm.s32 $0x0;
	v6, v7, _ =	vpop (xrf1)  }
0x2af: {  	[tilespmem:s25+$0x3D00] =	vst v6  }
0x2b0: {  	s26 =	simm.s32 $0x10;
	[tilespmem:s25+$0x4180] =	vst v7  }
0x2b1: {  	v6 =	vld [tilespmem:s26+$0x1000]  }
0x2b2: {  	v7 =	vld [tilespmem:s26+$0x2200];
	_ =	sdelay $0x3  }
0x2b3: {  	(v2sf) =	vpush v6, $0x0  }
0x2b4: {  	(v2sf) =	vpush v7, $0x0;
	_ =	sdelay $0x4  }
0x2b5: {  	v4 =	vsel vm0, v4, v8;
	v5 =	vsel vm0, v5, v9  }
0x2b6: {  	(xrf1) =	vsort.dscd.msk.f32 $0xffff, v4, v5;
	_ =	sdelay $0x7  }
0x2b7: {  	s30 =	spop (v2sf)  }
0x2b8: {  	s31 =	spop (v2sf)  }
0x2b9: {  	p1 =	sge.f32 s30, s31  }
0x2ba: {  	p2 =	por $0x0, $0x0  }
0x2bb: {  	p3 =	por $0x1, $0x1;
	s1 =	simm.s32 $0x40;
	p1 =	por p2, p1  }
0x2bc: {  	s7 =	simm.s32 $0x1490;
	s6 =	simm.s32 $0x1;
	p1 =	por !p3, !p1  }
0x2bd: {  	s21 =	simm.s32 $0x2690;
	v5, v4, _ =	vpop (xrf1);
	p3 =	por $0x0, $0x0;
	p4 =	por !p1, !p1  }
.LBB2_41:
0x2be: {  	p1 =	sne.s32 s1, $0xF80;
	s8 =	simm.s32 $0x1  }
0x2bf: {  	v6 =	vpsel p4, v6, v7;
	s21 =	smov.u32 @p4 s7;
	s7 =	smov.u32 s1;
	s8 =	simm.s32 @!p4 $0x0  }
0x2c0: {  	s1 =	sadd.s32 $0x40, s1;
	v7 =	vpsel p2, $0xFF7FFFFF, v6;
	v8 =	vld [tilespmem:s21+$0x0];
	s0 =	sadd.s32 s8, s0;
	s8 =	sxor.u32 $0x1, s8  }
0x2c1: {  	v6 =	vpsel p3, v7, v6;
	s6 =	sadd.s32 s6, s8;
	_ =	sdelay $0x2  }
0x2c2: {  	v6 =	vperm.xlane v6, v2  }
0x2c3: {  	v7 =	vperm.xlane v8, v2  }
0x2c4: {  	vm0 =	vge.f32 v5, v6  }
0x2c5: {  	v8 =	vsel vm0, v5, v6;
	v5 =	vsel vm0, v6, v5;
	v9 =	vsel vm0, v4, v7  }
0x2c6: {  	v4 =	vsel vm0, v7, v4;
	(xrf1) =	vsort.dscd.msk.f32 $0xffff, v8, v9  }
0x2c7: {  	(xrf1) =	vsort.dscd.msk.f32 $0xffff, v5, v4;
	_ =	sdelay $0xc  }
0x2c8: {  	s7 =	sshra.s32 s7, $0x2;
	v7, v6, _ =	vpop (xrf1)  }
0x2c9: {  	[tilespmem:s7+$0x3D00] =	vst v7;
	v5, v4, _ =	vpop (xrf1)  }
0x2ca: {  	s8 =	sshll.u32 s6, $0x4;
	[tilespmem:s7+$0x4180] =	vst v6;
	s7 =	sshll.u32 s0, $0x4  }
0x2cb: {  	v6 =	vld [tilespmem:s7+$0x1000]  }
0x2cc: {  	v7 =	vld [tilespmem:s8+$0x2200];
	_ =	sdelay $0x3  }
0x2cd: {  	(v2sf) =	vpush v6, $0x0  }
0x2ce: {  	(v2sf) =	vpush v7, $0x0;
	_ =	sdelay $0xd  }
0x2cf: {  	s9 =	spop (v2sf)  }
0x2d0: {  	p2 =	sgt.s32 s6, $0x3F;
	s10 =	spop (v2sf)  }
.Ltmp26:
0x2d1: {  	p3 =	slt.s32 s0, $0x40;
	p4 =	sge.f32 s9, s10;
	(pc) =	sbr.rel @p1 .LBB2_41-.Ltmp26, $4  }
0x2d2: {  	_ = 	snop  }
0x2d3: {  	p4 =	por p2, p4  }
0x2d4: {  	s21 =	sadd.s32 $0x2680, s8;
	s7 =	sadd.s32 $0x1480, s7;
	p4 =	por !p3, !p4  }
0x2d5: {  	p3 =	sgt.s32 s0, $0x3F;
	p4 =	por !p4, !p4  }
0x2d6: {  	s21 =	smov.u32 @p4 s7  }
0x2d7: {  	v8 =	vld [tilespmem:s21+$0x0]  }
0x2d8: {  	v6 =	vpsel p4, v6, v7;
	v7 =	vld [tilespmem:$0x3400]  }
0x2d9: {  	v10 =	vld [tilespmem:$0x3880];
	v9 =	vpsel p2, $0xFF7FFFFF, v6  }
0x2da: {  	v63 =	vld [tilespmem:$0x2B00];
	v6 =	vpsel p3, v9, v6  }
0x2db: {  	v11 =	vld [tilespmem:$0x2F80];
	v6 =	vperm.xlane v6, v2  }
0x2dc: {  	v8 =	vperm.xlane v8, v2  }
0x2dd: {  	vm0 =	vge.f32 v5, v6;
	v12 =	vperm.xlane v7, v2  }
0x2de: {  	v5 =	vsel vm0, v5, v6;
	v4 =	vsel vm0, v4, v8;
	v8 =	vperm.xlane v10, v2  }
0x2df: {  	vm15 =	vge.f32 v63, v12;
	(xrf1) =	vsort.dscd.msk.f32 $0xffff, v5, v4  }
0x2e0: {  	v4 =	vsel vm15, v63, v12;
	v5 =	vsel vm15, v11, v8  }
0x2e1: {  	(xrf1) =	vsort.dscd.msk.f32 $0xffff, v4, v5;
	_ =	sdelay $0xb  }
0x2e2: {  	v4, v5, _ =	vpop (xrf1)  }
0x2e3: {  	[tilespmem:$0x40F0] =	vst v4  }
0x2e4: {  	s0 =	simm.s32 $0x0;
	[tilespmem:$0x4570] =	vst v5;
	v4, v5, _ =	vpop (xrf1)  }
0x2e5: {  	[tilespmem:s0+$0x4600] =	vst v4  }
0x2e6: {  	s30 =	simm.s32 $0x10;
	[tilespmem:s0+$0x4A80] =	vst v5  }
0x2e7: {  	v6 =	vld [tilespmem:s30+$0x2B00]  }
0x2e8: {  	v7 =	vld [tilespmem:s30+$0x3400];
	_ =	sdelay $0x3  }
0x2e9: {  	(v2sf) =	vpush v6, $0x0  }
0x2ea: {  	(v2sf) =	vpush v7, $0x0;
	_ =	sdelay $0x4  }
0x2eb: {  	v4 =	vsel vm15, v12, v63;
	v5 =	vsel vm15, v8, v11  }
0x2ec: {  	(xrf1) =	vsort.dscd.msk.f32 $0xffff, v4, v5;
	_ =	sdelay $0x7  }
0x2ed: {  	s31 =	spop (v2sf)  }
0x2ee: {  	s1 =	spop (v2sf)  }
0x2ef: {  	p1 =	sge.f32 s31, s1  }
0x2f0: {  	p6 =	por $0x1, $0x1;
	p2 =	por $0x0, $0x0  }
0x2f1: {  	s7 =	simm.s32 $0x2F90;
	s6 =	simm.s32 $0x1;
	p1 =	por p2, p1  }
0x2f2: {  	s21 =	simm.s32 $0x3890;
	p3 =	por $0x0, $0x0;
	p1 =	por !p6, !p1  }
0x2f3: {  	s0 =	simm.s32 $0x1;
	v5, v4, _ =	vpop (xrf1);
	s1 =	simm.s32 $0x40;
	p4 =	por !p1, !p1  }
.LBB2_43:
0x2f4: {  	p1 =	sne.s32 s1, $0xF80;
	s8 =	simm.s32 $0x1  }
0x2f5: {  	v6 =	vpsel p4, v6, v7;
	s21 =	smov.u32 @p4 s7;
	s7 =	smov.u32 s1;
	s8 =	simm.s32 @!p4 $0x0  }
0x2f6: {  	s1 =	sadd.s32 $0x40, s1;
	v7 =	vpsel p2, $0xFF7FFFFF, v6;
	v8 =	vld [tilespmem:s21+$0x0];
	s0 =	sadd.s32 s8, s0;
	s8 =	sxor.u32 $0x1, s8  }
0x2f7: {  	v6 =	vpsel p3, v7, v6;
	s6 =	sadd.s32 s6, s8;
	_ =	sdelay $0x2  }
0x2f8: {  	v6 =	vperm.xlane v6, v2  }
0x2f9: {  	v7 =	vperm.xlane v8, v2  }
0x2fa: {  	vm0 =	vge.f32 v5, v6  }
0x2fb: {  	v8 =	vsel vm0, v5, v6;
	v5 =	vsel vm0, v6, v5;
	v9 =	vsel vm0, v4, v7  }
0x2fc: {  	v4 =	vsel vm0, v7, v4;
	(xrf1) =	vsort.dscd.msk.f32 $0xffff, v8, v9  }
0x2fd: {  	(xrf1) =	vsort.dscd.msk.f32 $0xffff, v5, v4;
	_ =	sdelay $0xc  }
0x2fe: {  	s7 =	sshra.s32 s7, $0x2;
	v7, v6, _ =	vpop (xrf1)  }
0x2ff: {  	[tilespmem:s7+$0x4600] =	vst v7;
	v5, v4, _ =	vpop (xrf1)  }
0x300: {  	s8 =	sshll.u32 s6, $0x4;
	[tilespmem:s7+$0x4A80] =	vst v6;
	s7 =	sshll.u32 s0, $0x4  }
0x301: {  	v6 =	vld [tilespmem:s7+$0x2B00]  }
0x302: {  	v7 =	vld [tilespmem:s8+$0x3400];
	_ =	sdelay $0x3  }
0x303: {  	(v2sf) =	vpush v6, $0x0  }
0x304: {  	(v2sf) =	vpush v7, $0x0;
	_ =	sdelay $0xd  }
0x305: {  	s9 =	spop (v2sf)  }
0x306: {  	p2 =	sgt.s32 s6, $0x3F;
	s10 =	spop (v2sf)  }
.Ltmp27:
0x307: {  	p3 =	slt.s32 s0, $0x40;
	p4 =	sge.f32 s9, s10;
	(pc) =	sbr.rel @p1 .LBB2_43-.Ltmp27, $4  }
0x308: {  	_ = 	snop  }
0x309: {  	p4 =	por p2, p4  }
0x30a: {  	s21 =	sadd.s32 $0x3880, s8;
	s7 =	sadd.s32 $0x2F80, s7;
	p4 =	por !p3, !p4  }
0x30b: {  	p3 =	sgt.s32 s0, $0x3F;
	p4 =	por !p4, !p4  }
0x30c: {  	s21 =	smov.u32 @p4 s7  }
0x30d: {  	v8 =	vld [tilespmem:s21+$0x0]  }
0x30e: {  	v6 =	vpsel p4, v6, v7;
	v7 =	vld [tilespmem:$0x4600]  }
0x30f: {  	v10 =	vld [tilespmem:$0x4A80];
	v9 =	vpsel p2, $0xFF7FFFFF, v6  }
0x310: {  	v63 =	vld [tilespmem:$0x3D00];
	v6 =	vpsel p3, v9, v6  }
0x311: {  	v11 =	vld [tilespmem:$0x4180];
	v6 =	vperm.xlane v6, v2  }
0x312: {  	v8 =	vperm.xlane v8, v2  }
0x313: {  	vm0 =	vge.f32 v5, v6;
	v12 =	vperm.xlane v7, v2  }
0x314: {  	v5 =	vsel vm0, v5, v6;
	v4 =	vsel vm0, v4, v8;
	v8 =	vperm.xlane v10, v2  }
0x315: {  	vm15 =	vge.f32 v63, v12;
	(xrf1) =	vsort.dscd.msk.f32 $0xffff, v5, v4  }
0x316: {  	v4 =	vsel vm15, v63, v12;
	v5 =	vsel vm15, v11, v8  }
0x317: {  	(xrf1) =	vsort.dscd.msk.f32 $0xffff, v4, v5;
	_ =	sdelay $0xb  }
0x318: {  	v4, v5, _ =	vpop (xrf1)  }
0x319: {  	[tilespmem:$0x49F0] =	vst v4  }
0x31a: {  	s0 =	simm.s32 $0x0;
	[tilespmem:$0x4E70] =	vst v5;
	v4, v5, _ =	vpop (xrf1)  }
0x31b: {  	[tilespmem:s0+$0x1900] =	vst v4  }
0x31c: {  	s30 =	simm.s32 $0x10;
	[tilespmem:s0+$0x1D80] =	vst v5  }
0x31d: {  	v6 =	vld [tilespmem:s30+$0x3D00]  }
0x31e: {  	v7 =	vld [tilespmem:s30+$0x4600];
	_ =	sdelay $0x3  }
0x31f: {  	(v2sf) =	vpush v6, $0x0  }
0x320: {  	(v2sf) =	vpush v7, $0x0;
	_ =	sdelay $0x4  }
0x321: {  	v4 =	vsel vm15, v12, v63;
	v5 =	vsel vm15, v8, v11  }
0x322: {  	(xrf1) =	vsort.dscd.msk.f32 $0xffff, v4, v5;
	_ =	sdelay $0x7  }
0x323: {  	s31 =	spop (v2sf)  }
0x324: {  	s1 =	spop (v2sf)  }
0x325: {  	p1 =	sge.f32 s31, s1  }
0x326: {  	p6 =	por $0x1, $0x1;
	p2 =	por $0x0, $0x0  }
0x327: {  	s7 =	simm.s32 $0x4190;
	s6 =	simm.s32 $0x1;
	p1 =	por p2, p1  }
0x328: {  	s21 =	simm.s32 $0x4A90;
	p3 =	por $0x0, $0x0;
	p1 =	por !p6, !p1  }
0x329: {  	s0 =	simm.s32 $0x1;
	v5, v4, _ =	vpop (xrf1);
	s1 =	simm.s32 $0x40;
	p4 =	por !p1, !p1  }
.LBB2_45:
0x32a: {  	p1 =	sne.s32 s1, $0xF80;
	s8 =	simm.s32 $0x1  }
0x32b: {  	v6 =	vpsel p4, v6, v7;
	s21 =	smov.u32 @p4 s7;
	s7 =	smov.u32 s1;
	s8 =	simm.s32 @!p4 $0x0  }
0x32c: {  	s1 =	sadd.s32 $0x40, s1;
	v7 =	vpsel p2, $0xFF7FFFFF, v6;
	v8 =	vld [tilespmem:s21+$0x0];
	s0 =	sadd.s32 s8, s0;
	s8 =	sxor.u32 $0x1, s8  }
0x32d: {  	v6 =	vpsel p3, v7, v6;
	s6 =	sadd.s32 s6, s8;
	_ =	sdelay $0x2  }
0x32e: {  	v6 =	vperm.xlane v6, v2  }
0x32f: {  	v7 =	vperm.xlane v8, v2  }
0x330: {  	vm0 =	vge.f32 v5, v6  }
0x331: {  	v8 =	vsel vm0, v5, v6;
	v5 =	vsel vm0, v6, v5;
	v9 =	vsel vm0, v4, v7  }
0x332: {  	v4 =	vsel vm0, v7, v4;
	(xrf1) =	vsort.dscd.msk.f32 $0xffff, v8, v9  }
0x333: {  	(xrf1) =	vsort.dscd.msk.f32 $0xffff, v5, v4;
	_ =	sdelay $0xc  }
0x334: {  	s7 =	sshra.s32 s7, $0x2;
	v7, v6, _ =	vpop (xrf1)  }
0x335: {  	[tilespmem:s7+$0x1900] =	vst v7;
	v5, v4, _ =	vpop (xrf1)  }
0x336: {  	s8 =	sshll.u32 s6, $0x4;
	[tilespmem:s7+$0x1D80] =	vst v6;
	s7 =	sshll.u32 s0, $0x4  }
0x337: {  	v6 =	vld [tilespmem:s7+$0x3D00]  }
0x338: {  	v7 =	vld [tilespmem:s8+$0x4600];
	_ =	sdelay $0x3  }
0x339: {  	(v2sf) =	vpush v6, $0x0  }
0x33a: {  	(v2sf) =	vpush v7, $0x0;
	_ =	sdelay $0xd  }
0x33b: {  	s9 =	spop (v2sf)  }
0x33c: {  	p2 =	sgt.s32 s6, $0x3F;
	s10 =	spop (v2sf)  }
.Ltmp28:
0x33d: {  	p3 =	slt.s32 s0, $0x40;
	p4 =	sge.f32 s9, s10;
	(pc) =	sbr.rel @p1 .LBB2_45-.Ltmp28, $4  }
0x33e: {  	_ = 	snop  }
0x33f: {  	p4 =	por p2, p4  }
0x340: {  	s21 =	sadd.s32 $0x4A80, s8;
	s7 =	sadd.s32 $0x4180, s7;
	p4 =	por !p3, !p4  }
0x341: {  	p3 =	sgt.s32 s0, $0x3F;
	p4 =	por !p4, !p4  }
0x342: {  	s21 =	smov.u32 @p4 s7  }
0x343: {  	v8 =	vld [tilespmem:s21+$0x0]  }
0x344: {  	v6 =	vpsel p4, v6, v7  }
0x345: {  	v7 =	vpsel p2, $0xFF7FFFFF, v6  }
0x346: {  	v6 =	vpsel p3, v7, v6  }
0x347: {  	v6 =	vperm.xlane v6, v2  }
0x348: {  	v7 =	vperm.xlane v8, v2  }
0x349: {  	vm0 =	vge.f32 v5, v6  }
0x34a: {  	v5 =	vsel vm0, v5, v6;
	v4 =	vsel vm0, v4, v7  }
0x34b: {  	(xrf1) =	vsort.dscd.msk.f32 $0xffff, v5, v4;
	_ =	sdelay $0x7  }
0x34c: {  	s0 =	simm.s32 $0x0  }
0x34d: {  	v5 =	vmov s0;
	v4 =	vmul.u32 $0x2, v0  }
0x34e: {  	v5 =	vshll.u32 v5, $0x1  }
0x34f: {  	v6 =	vor.u32 v4, v5  }
0x350: {  	v5 =	vor.u32 $0x1, v6;
	_ =	sdelay $0x1  }
0x351: {  	v7, v8, _ =	vpop (xrf1)  }
0x352: {  	[tilespmem:$0x1CF0] =	vst v7  }
0x353: {  	[tilespmem:$0x2170] =	vst v8  }
0x354: {  	v9 =	vld.idx.msk [tilespmem:v5+s28+$0x0], $0xffff  }
0x355: {  	v10 =	vld.idx.msk [tilespmem:v6+s28+$0x0], $0xffff  }
0x356: {  	v12 =	vld.idx.msk [tilespmem:v6+s29+$0x0], $0xffff  }
0x357: {  	v13 =	vld.idx.msk [tilespmem:v5+s29+$0x0], $0xffff;
	_ =	sdelay $0x1  }
0x358: {  	s31 =	simm.s32 $0x10  }
0x359: {  	v7 =	vmov s31;
	vm0 =	veq.f32 v10, v9;
	v10 =	vmov v6  }
0x35a: {  	v11 =	vmov v5;
	v7 =	vshll.u32 v7, $0x1  }
0x35b: {  	v8 =	vor.u32 v4, v7;
	vm1 =	vgt.s32 v12, v13  }
0x35c: {  	s0 =	simm.s32 $0x20;
	v9 =	vor.u32 $0x1, v8;
	vm0 =	vmand vm0, vm1  }
.LBB2_47:
0x35d: {  	p1 =	sne.s32 s0, $0x1F0;
	v14 =	vsel vm0, v13, v12;
	v12 =	vsel vm0, v12, v13  }
0x35e: {  	[tilespmem:v10+s29+$0x0] =	vst.idx.msk $0xffff, v14;
	v10 =	vmov v8  }
0x35f: {  	[tilespmem:v11+s29+$0x0] =	vst.idx.msk $0xffff, v12;
	v11 =	vmov v9  }
0x360: {  	v14 =	vld.idx.msk [tilespmem:v9+s28+$0x0], $0xffff  }
0x361: {  	v15 =	vld.idx.msk [tilespmem:v8+s28+$0x0], $0xffff  }
0x362: {  	v12 =	vld.idx.msk [tilespmem:v8+s29+$0x0], $0xffff  }
0x363: {  	v13 =	vld.idx.msk [tilespmem:v9+s29+$0x0], $0xffff;
	_ =	sdelay $0x2  }
.Ltmp29:
0x364: {  	v8 =	vmov s0;
	(pc) =	sbr.rel @p1 .LBB2_47-.Ltmp29, $4  }
0x365: {  	v8 =	vshll.u32 v8, $0x1  }
0x366: {  	v8 =	vor.u32 v4, v8  }
0x367: {  	v9 =	vor.u32 $0x1, v8;
	vm0 =	veq.f32 v15, v14;
	vm1 =	vgt.s32 v12, v13  }
0x368: {  	s0 =	sadd.s32 $0x10, s0;
	vm0 =	vmand vm0, vm1  }
0x369: {  	_ =	sdelay $0x2  }
0x36a: {  	v14 =	vsel vm0, v13, v12  }
0x36b: {  	v61 =	vsel vm0, v12, v13;
	[tilespmem:v10+s29+$0x0] =	vst.idx.msk $0xffff, v14  }
0x36c: {  	[tilespmem:v11+s29+$0x0] =	vst.idx.msk $0xffff, v61  }
0x36d: {  	v10 =	vld.idx.msk [tilespmem:v9+s28+$0x0], $0xffff  }
0x36e: {  	v11 =	vld.idx.msk [tilespmem:v8+s28+$0x0], $0xffff  }
0x36f: {  	v12 =	vld.idx.msk [tilespmem:v8+s29+$0x0], $0xffff  }
0x370: {  	v62 =	vld.idx.msk [tilespmem:v9+s29+$0x0], $0xffff;
	_ =	sdelay $0x4  }
0x371: {  	v6 =	vadd.s32 $0x2, v6;
	vm0 =	veq.f32 v11, v10;
	vm1 =	vgt.s32 v12, v62  }
0x372: {  	vm0 =	vmand vm0, vm1  }
0x373: {  	v10 =	vsel vm0, v62, v12  }
0x374: {  	v11 =	vsel vm0, v12, v62;
	[tilespmem:v8+s29+$0x0] =	vst.idx.msk $0xffff, v10  }
0x375: {  	[tilespmem:v9+s29+$0x0] =	vst.idx.msk $0xffff, v11  }
0x376: {  	v8 =	vld.idx.msk [tilespmem:v6+s28+$0x0], $0xffff  }
0x377: {  	v11 =	vld.idx.msk [tilespmem:v5+s28+$0x0], $0xffff  }
0x378: {  	v9 =	vld.idx.msk [tilespmem:v5+s29+$0x0], $0xffff  }
0x379: {  	v10 =	vld.idx.msk [tilespmem:v6+s29+$0x0], $0xffff;
	_ =	sdelay $0x4  }
0x37a: {  	v63 =	vor.u32 v4, v7;
	vm0 =	veq.f32 v11, v8;
	vm1 =	vgt.s32 v9, v10  }
0x37b: {  	s0 =	simm.s32 $0x20;
	v7 =	vadd.s32 $0x2, v63;
	v8 =	vor.u32 $0x1, v63;
	vm0 =	vmand vm0, vm1  }
.LBB2_49:
0x37c: {  	p1 =	sne.s32 s0, $0x1F0;
	v11 =	vsel vm0, v10, v9;
	v9 =	vsel vm0, v9, v10  }
0x37d: {  	[tilespmem:v5+s29+$0x0] =	vst.idx.msk $0xffff, v11;
	v5 =	vmov v8  }
0x37e: {  	[tilespmem:v6+s29+$0x0] =	vst.idx.msk $0xffff, v9;
	v6 =	vmov v7  }
0x37f: {  	v11 =	vld.idx.msk [tilespmem:v7+s28+$0x0], $0xffff  }
0x380: {  	v12 =	vld.idx.msk [tilespmem:v8+s28+$0x0], $0xffff  }
0x381: {  	v9 =	vld.idx.msk [tilespmem:v8+s29+$0x0], $0xffff  }
0x382: {  	v10 =	vld.idx.msk [tilespmem:v7+s29+$0x0], $0xffff;
	_ =	sdelay $0x2  }
.Ltmp30:
0x383: {  	v7 =	vmov s0;
	(pc) =	sbr.rel @p1 .LBB2_49-.Ltmp30, $4  }
0x384: {  	v7 =	vshll.u32 v7, $0x1  }
0x385: {  	v8 =	vor.u32 v4, v7  }
0x386: {  	v7 =	vadd.s32 $0x2, v8;
	vm0 =	veq.f32 v12, v11;
	vm1 =	vgt.s32 v9, v10  }
0x387: {  	s0 =	sadd.s32 $0x10, s0;
	v8 =	vor.u32 $0x1, v8;
	vm0 =	vmand vm0, vm1  }
0x388: {  	_ =	sdelay $0x2  }
0x389: {  	v11 =	vsel vm0, v10, v9  }
0x38a: {  	v9 =	vsel vm0, v9, v10;
	[tilespmem:v5+s29+$0x0] =	vst.idx.msk $0xffff, v11  }
0x38b: {  	[tilespmem:v6+s29+$0x0] =	vst.idx.msk $0xffff, v9  }
0x38c: {  	v5 =	vld.idx.msk [tilespmem:v7+s28+$0x0], $0xffff  }
0x38d: {  	v9 =	vld.idx.msk [tilespmem:v8+s28+$0x0], $0xffff  }
0x38e: {  	v10 =	vld.idx.msk [tilespmem:v8+s29+$0x0], $0xffff  }
0x38f: {  	v11 =	vld.idx.msk [tilespmem:v7+s29+$0x0], $0xffff  }
0x390: {  	s0 =	simm.s32 $0x0  }
0x391: {  	v6 =	vmov s0  }
0x392: {  	v6 =	vshll.u32 v6, $0x1  }
0x393: {  	v6 =	vor.u32 v4, v6  }
0x394: {  	vm0 =	veq.f32 v9, v5;
	vm1 =	vgt.s32 v10, v11;
	v5 =	vor.u32 $0x1, v6  }
0x395: {  	vm0 =	vmand vm0, vm1  }
0x396: {  	v9 =	vsel vm0, v11, v10  }
0x397: {  	v10 =	vsel vm0, v10, v11;
	[tilespmem:v8+s29+$0x0] =	vst.idx.msk $0xffff, v9  }
0x398: {  	[tilespmem:v7+s29+$0x0] =	vst.idx.msk $0xffff, v10  }
0x399: {  	v9 =	vld.idx.msk [tilespmem:v5+s28+$0x0], $0xffff  }
0x39a: {  	v10 =	vld.idx.msk [tilespmem:v6+s28+$0x0], $0xffff  }
0x39b: {  	v12 =	vld.idx.msk [tilespmem:v6+s29+$0x0], $0xffff  }
0x39c: {  	v13 =	vld.idx.msk [tilespmem:v5+s29+$0x0], $0xffff;
	_ =	sdelay $0x1  }
0x39d: {  	s31 =	simm.s32 $0x10  }
0x39e: {  	v7 =	vmov s31;
	vm0 =	veq.f32 v10, v9;
	v10 =	vmov v6  }
0x39f: {  	v11 =	vmov v5;
	v7 =	vshll.u32 v7, $0x1  }
0x3a0: {  	v8 =	vor.u32 v4, v7;
	vm1 =	vgt.s32 v12, v13  }
0x3a1: {  	s0 =	simm.s32 $0x20;
	v9 =	vor.u32 $0x1, v8;
	vm0 =	vmand vm0, vm1  }
.LBB2_51:
0x3a2: {  	p1 =	sne.s32 s0, $0x1F0;
	v14 =	vsel vm0, v13, v12;
	v12 =	vsel vm0, v12, v13  }
0x3a3: {  	[tilespmem:v10+s29+$0x0] =	vst.idx.msk $0xffff, v14;
	v10 =	vmov v8  }
0x3a4: {  	[tilespmem:v11+s29+$0x0] =	vst.idx.msk $0xffff, v12;
	v11 =	vmov v9  }
0x3a5: {  	v14 =	vld.idx.msk [tilespmem:v9+s28+$0x0], $0xffff  }
0x3a6: {  	v15 =	vld.idx.msk [tilespmem:v8+s28+$0x0], $0xffff  }
0x3a7: {  	v12 =	vld.idx.msk [tilespmem:v8+s29+$0x0], $0xffff  }
0x3a8: {  	v13 =	vld.idx.msk [tilespmem:v9+s29+$0x0], $0xffff;
	_ =	sdelay $0x2  }
.Ltmp31:
0x3a9: {  	v8 =	vmov s0;
	(pc) =	sbr.rel @p1 .LBB2_51-.Ltmp31, $4  }
0x3aa: {  	v8 =	vshll.u32 v8, $0x1  }
0x3ab: {  	v8 =	vor.u32 v4, v8  }
0x3ac: {  	v9 =	vor.u32 $0x1, v8;
	vm0 =	veq.f32 v15, v14;
	vm1 =	vgt.s32 v12, v13  }
0x3ad: {  	s0 =	sadd.s32 $0x10, s0;
	vm0 =	vmand vm0, vm1  }
0x3ae: {  	_ =	sdelay $0x2  }
0x3af: {  	v14 =	vsel vm0, v13, v12  }
0x3b0: {  	v61 =	vsel vm0, v12, v13;
	[tilespmem:v10+s29+$0x0] =	vst.idx.msk $0xffff, v14  }
0x3b1: {  	[tilespmem:v11+s29+$0x0] =	vst.idx.msk $0xffff, v61  }
0x3b2: {  	v10 =	vld.idx.msk [tilespmem:v9+s28+$0x0], $0xffff  }
0x3b3: {  	v11 =	vld.idx.msk [tilespmem:v8+s28+$0x0], $0xffff  }
0x3b4: {  	v12 =	vld.idx.msk [tilespmem:v8+s29+$0x0], $0xffff  }
0x3b5: {  	v62 =	vld.idx.msk [tilespmem:v9+s29+$0x0], $0xffff;
	_ =	sdelay $0x4  }
0x3b6: {  	v6 =	vadd.s32 $0x2, v6;
	vm0 =	veq.f32 v11, v10;
	vm1 =	vgt.s32 v12, v62  }
0x3b7: {  	vm0 =	vmand vm0, vm1  }
0x3b8: {  	v10 =	vsel vm0, v62, v12  }
0x3b9: {  	v11 =	vsel vm0, v12, v62;
	[tilespmem:v8+s29+$0x0] =	vst.idx.msk $0xffff, v10  }
0x3ba: {  	[tilespmem:v9+s29+$0x0] =	vst.idx.msk $0xffff, v11  }
0x3bb: {  	v8 =	vld.idx.msk [tilespmem:v6+s28+$0x0], $0xffff  }
0x3bc: {  	v11 =	vld.idx.msk [tilespmem:v5+s28+$0x0], $0xffff  }
0x3bd: {  	v9 =	vld.idx.msk [tilespmem:v5+s29+$0x0], $0xffff  }
0x3be: {  	v10 =	vld.idx.msk [tilespmem:v6+s29+$0x0], $0xffff;
	_ =	sdelay $0x4  }
0x3bf: {  	v63 =	vor.u32 v4, v7;
	vm0 =	veq.f32 v11, v8;
	vm1 =	vgt.s32 v9, v10  }
0x3c0: {  	s0 =	simm.s32 $0x20;
	v7 =	vadd.s32 $0x2, v63;
	v8 =	vor.u32 $0x1, v63;
	vm0 =	vmand vm0, vm1  }
.LBB2_53:
0x3c1: {  	p1 =	sne.s32 s0, $0x1F0;
	v11 =	vsel vm0, v10, v9;
	v9 =	vsel vm0, v9, v10  }
0x3c2: {  	[tilespmem:v5+s29+$0x0] =	vst.idx.msk $0xffff, v11;
	v5 =	vmov v8  }
0x3c3: {  	[tilespmem:v6+s29+$0x0] =	vst.idx.msk $0xffff, v9;
	v6 =	vmov v7  }
0x3c4: {  	v11 =	vld.idx.msk [tilespmem:v7+s28+$0x0], $0xffff  }
0x3c5: {  	v12 =	vld.idx.msk [tilespmem:v8+s28+$0x0], $0xffff  }
0x3c6: {  	v9 =	vld.idx.msk [tilespmem:v8+s29+$0x0], $0xffff  }
0x3c7: {  	v10 =	vld.idx.msk [tilespmem:v7+s29+$0x0], $0xffff;
	_ =	sdelay $0x2  }
.Ltmp32:
0x3c8: {  	v7 =	vmov s0;
	(pc) =	sbr.rel @p1 .LBB2_53-.Ltmp32, $4  }
0x3c9: {  	v7 =	vshll.u32 v7, $0x1  }
0x3ca: {  	v8 =	vor.u32 v4, v7  }
0x3cb: {  	v7 =	vadd.s32 $0x2, v8;
	vm0 =	veq.f32 v12, v11;
	vm1 =	vgt.s32 v9, v10  }
0x3cc: {  	s0 =	sadd.s32 $0x10, s0;
	v8 =	vor.u32 $0x1, v8;
	vm0 =	vmand vm0, vm1  }
0x3cd: {  	_ =	sdelay $0x2  }
0x3ce: {  	v4 =	vsel vm0, v10, v9  }
0x3cf: {  	v63 =	vsel vm0, v9, v10;
	[tilespmem:v5+s29+$0x0] =	vst.idx.msk $0xffff, v4  }
0x3d0: {  	[tilespmem:v6+s29+$0x0] =	vst.idx.msk $0xffff, v63  }
0x3d1: {  	v4 =	vld.idx.msk [tilespmem:v7+s28+$0x0], $0xffff  }
0x3d2: {  	v5 =	vld.idx.msk [tilespmem:v8+s28+$0x0], $0xffff  }
0x3d3: {  	v6 =	vld.idx.msk [tilespmem:v8+s29+$0x0], $0xffff  }
0x3d4: {  	v9 =	vld.idx.msk [tilespmem:v7+s29+$0x0], $0xffff;
	_ =	sdelay $0x4  }
0x3d5: {  	vm15 =	veq.f32 v5, v4;
	vm1 =	vgt.s32 v6, v9  }
0x3d6: {  	vm0 =	vmand vm15, vm1  }
0x3d7: {  	v4 =	vsel vm0, v9, v6  }
0x3d8: {  	v5 =	vsel vm0, v6, v9;
	[tilespmem:v8+s29+$0x0] =	vst.idx.msk $0xffff, v4  }
0x3d9: {  	[tilespmem:v7+s29+$0x0] =	vst.idx.msk $0xffff, v5  }
0x3da: {  	[hbm4b:s12+s16] =	stream.strided.scatter [tilespmem:s28], [sflag:$0x1], $0x400, s17, s16, $0x38;
	[tilespmem:$0x5700] =	vst v63  }
0x3db: {  	_ =	swait.ge [sflag:s18], $0x400  }
0x3dc: {  	[sflag:s18] =	ssyncset.done $0x0  }
.Ltmp33:
0x3dd: {  	[sflag:s18] =	ssyncadd.s32 $0xFFFFFC00;
	(pc) =	sbr.rel .LBB2_55-.Ltmp33, $4  }
0x3de: {  	[hbm4b:s13+s16] =	stream.strided.scatter [tilespmem:s29], [sflag:$0x1], $0x400, s17, s16, $0x38;
	[tilespmem:$0x5700] =	vst v63  }
0x3df: {  	_ =	swait.ge [sflag:s18], $0x400  }
0x3e0: {  	[sflag:s18] =	ssyncset.done $0x0  }
0x3e1: {  	[sflag:s18] =	ssyncadd.s32 $0xFFFFFC00  }
.LBB2_56:
0x3e2: {  	_ =	sfence.sel $0x180000  }
0x3e3: {  	[bflag:$0x0] =	sbarrier.arrive $0xFFFF  }
0x3e4: {  	_ =	strace $0x90000047  }
0x3e5: {  	s0 =	stileid.u32;
	[bflag:$0x2] =	sbarrier.arrive $0xFFFF  }
0x3e6: {  	p0 =	sne.s32 s0, $0x0;
	s0 =	rddreg [dreg:$0x5]  }
0x3e7: {  	s0 =	sadd.s32 @!p0 $0x100000, s0  }
0x3e8: {  	[sflag:s0] =	ssyncadd.tile.s32 @!p0 $0x1;
	_ =	shalt  }
.Lfunc_end2:
_tile_overlayer_lowered:
.L_overlay_start_2:
0x3e9: {  	(tag) =	ssettag $0x2  }
0x3ea: {  	s0 =	rddreg [dreg:$0x0];
	s2 =	stileid.u32  }
0x3eb: {  	s1 =	rddreg [dreg:$0x1];
	p0 =	sne.s32 s2, $0x0  }
0x3ec: {  	s3 =	rddreg [dreg:$0x2];
	[bflag:$0x3] =	sbarrier.arrive $0xFFFF;
	s2 =	simm.s32 @!p0 $0x1C01  }
0x3ed: {  	[timem:s3], [sflag:s2] =	dma.local @!p0 [hbm:s0], s1  }
0x3ee: {  	s0 =	simm.s32 @!p0 $0x1  }
0x3ef: {  	_ =	swait.ge @!p0 [sflag:s0], s1  }
0x3f0: {  	s1 =	ssub.s32 @!p0 $0x0, s1;
	[sflag:s0] =	ssyncset.done @!p0 $0x0  }
0x3f1: {  	[sflag:s0] =	ssyncadd.s32 @!p0 s1  }
0x3f2: {  	[bflag:$0x3] =	sbarrier.arrive $0xFFFF  }
0x3f3: {  	_ =	shalt  }

</sc_bundles>
